<compile_context>
chip_gen: v7x
topology: tpu7x:2x2x1
jax: 0.10.2.dev20260603
libtpu: 0.0.44.dev20260713+nightly
codegen_flags: <defaults>
</compile_context>

<pallas_src>
import functools
import jax
import jax.numpy as jnp
from jax import lax
from jax.experimental import pallas as pl
from jax.experimental.pallas import tpu as pltpu
from jax.experimental.pallas import tpu_sc as plsc

N = 10000
E = 320000
HID = 128
NG = 64
CH = 128
NCH = E // CH
NP = 10112
NTB = NP // CH
NSC = 2
NSUB = 16
R = 2000
GRID_E = E // R


def _worker_range(wid, total, nworkers):
  base = total // nworkers
  rem = total % nworkers
  count = base + jnp.where(wid < rem, 1, 0)
  start = wid * base + jnp.minimum(wid, rem)
  return start, count



def _sc_scatter_body(z_hbm, col_hbm, zeros_hbm, part_hbm, tbl, zbuf, idx_v):
  c = lax.axis_index("c")
  s = lax.axis_index("s")
  pltpu.sync_copy(zeros_hbm, zbuf)
  for k in range(5):
    ci = s + NSUB * k
    @pl.when(ci < NTB)
    def _():
      pltpu.sync_copy(zbuf, tbl.at[pl.ds(ci * CH, CH)])
  plsc.subcore_barrier()
  start, count = _worker_range(s, NCH // NSC, NSUB)
  start = start + c * (NCH // NSC)

  def chunk(k, _):
    ci = start + k
    pltpu.sync_copy(col_hbm.at[ci], idx_v)
    pltpu.sync_copy(z_hbm.at[pl.ds(ci * CH, CH)], zbuf)
    pltpu.sync_copy(zbuf, tbl.at[idx_v], add=True)
    return 0

  lax.fori_loop(0, count, chunk, 0)
  plsc.subcore_barrier()
  for k in range(5):
    ci = s + NSUB * k
    @pl.when(ci < NTB)
    def _():
      pltpu.sync_copy(tbl.at[pl.ds(ci * CH, CH)], part_hbm.at[c, pl.ds(ci * CH, CH)])


_sc_scatter = pl.kernel(
    _sc_scatter_body,
    out_type=jax.ShapeDtypeStruct((NSC, NP, HID), jnp.float32),
    mesh=plsc.VectorSubcoreMesh(core_axis_name="c", subcore_axis_name="s", num_cores=NSC, num_subcores=NSUB),
    scratch_types=[
        pltpu.VMEM_SHARED((NP, HID), jnp.float32),
        pltpu.VMEM((CH, HID), jnp.float32),
        pltpu.VMEM((CH,), jnp.int32),
    ],
)


def _sc_gather_body(tbl_hbm, idx_hbm, out_hbm, idx_v, rows_v, sem):
  c = lax.axis_index("c")
  s = lax.axis_index("s")
  wid = s * NSC + c
  start, count = _worker_range(wid, NCH, NSC * NSUB)

  def chunk(k, _):
    ci = start + k
    pltpu.sync_copy(idx_hbm.at[ci], idx_v)
    pltpu.async_copy(tbl_hbm.at[idx_v], rows_v, sem).wait()
    pltpu.sync_copy(rows_v, out_hbm.at[pl.ds(ci * CH, CH)])
    return 0

  lax.fori_loop(0, count, chunk, 0)


_sc_gather = pl.kernel(
    _sc_gather_body,
    out_type=jax.ShapeDtypeStruct((E, HID), jnp.float32),
    mesh=plsc.VectorSubcoreMesh(core_axis_name="c", subcore_axis_name="s", num_cores=NSC, num_subcores=NSUB),
    scratch_types=[
        pltpu.VMEM((CH,), jnp.int32),
        pltpu.VMEM((CH, HID), jnp.float32),
        pltpu.SemaphoreType.DMA,
    ],
)



def _pairswap(z):
  even = lax.broadcasted_iota(jnp.int32, (z.shape[0], 1), 0) % 2 == 0
  n = z.shape[0]
  return jnp.where(even, pltpu.roll(z, n - 1, 0), pltpu.roll(z, 1, 0))


def _xw_body(x_ref, w_ref, o_ref):
  o_ref[...] = jnp.dot(x_ref[...], w_ref[...],
                       preferred_element_type=jnp.float32)


def _k_xw(x, wx):
  return pl.pallas_call(
      _xw_body,
      grid=(N // R,),
      in_specs=[pl.BlockSpec((R, HID), lambda i: (i, 0)),
                pl.BlockSpec((HID, HID), lambda i: (0, 0))],
      out_specs=pl.BlockSpec((R, HID), lambda i: (i, 0)),
      out_shape=jax.ShapeDtypeStruct((N, HID), jnp.float32),
  )(x, wx)


def _k1_body(g0_ref, ea_ref, we_ref, bei_ref, w0_ref, z_ref, h0_ref):
  m = jnp.dot(ea_ref[...], we_ref[...], preferred_element_type=jnp.float32)
  h0 = jnp.maximum(g0_ref[...] + m + bei_ref[...], 0.0)
  h0_ref[...] = h0
  z_ref[...] = jnp.dot(h0, w0_ref[...], preferred_element_type=jnp.float32)


def _k1(g0, ea, we, bei, w0):
  return pl.pallas_call(
      _k1_body,
      grid=(GRID_E,),
      in_specs=[pl.BlockSpec((R, HID), lambda i: (i, 0)),
                pl.BlockSpec((R, 16), lambda i: (i, 0)),
                pl.BlockSpec((16, HID), lambda i: (0, 0)),
                pl.BlockSpec((1, HID), lambda i: (0, 0)),
                pl.BlockSpec((HID, HID), lambda i: (0, 0))],
      out_specs=[pl.BlockSpec((R, HID), lambda i: (i, 0)),
                 pl.BlockSpec((R, HID), lambda i: (i, 0))],
      out_shape=[jax.ShapeDtypeStruct((E, HID), jnp.float32),
                 jax.ShapeDtypeStruct((E, HID), jnp.float32)],
  )(g0, ea, we, bei, w0)


def _layer_body(g_ref, z_ref, h0_ref, b_ref, w_ref, zo_ref):
  h = jnp.maximum(g_ref[...] - _pairswap(z_ref[...]) + h0_ref[...]
                  + b_ref[...], 0.0)
  zo_ref[...] = jnp.dot(h, w_ref[...], preferred_element_type=jnp.float32)


def _k_layer(g, z, h0, b, w):
  return pl.pallas_call(
      _layer_body,
      grid=(GRID_E,),
      in_specs=[pl.BlockSpec((R, HID), lambda i: (i, 0)),
                pl.BlockSpec((R, HID), lambda i: (i, 0)),
                pl.BlockSpec((R, HID), lambda i: (i, 0)),
                pl.BlockSpec((1, HID), lambda i: (0, 0)),
                pl.BlockSpec((HID, HID), lambda i: (0, 0))],
      out_specs=pl.BlockSpec((R, HID), lambda i: (i, 0)),
      out_shape=jax.ShapeDtypeStruct((E, HID), jnp.float32),
  )(g, z, h0, b, w)


def _hlast_body(g_ref, z_ref, h0_ref, b_ref, h_ref):
  h_ref[...] = jnp.maximum(g_ref[...] - _pairswap(z_ref[...]) + h0_ref[...]
                           + b_ref[...], 0.0)


def _k_hlast(g, z, h0, b):
  return pl.pallas_call(
      _hlast_body,
      grid=(GRID_E,),
      in_specs=[pl.BlockSpec((R, HID), lambda i: (i, 0)),
                pl.BlockSpec((R, HID), lambda i: (i, 0)),
                pl.BlockSpec((R, HID), lambda i: (i, 0)),
                pl.BlockSpec((1, HID), lambda i: (0, 0))],
      out_specs=pl.BlockSpec((R, HID), lambda i: (i, 0)),
      out_shape=jax.ShapeDtypeStruct((E, HID), jnp.float32),
  )(g, z, h0, b)


def _add_body(a_ref, b_ref, o_ref):
  o_ref[...] = a_ref[0] + b_ref[0]


def _k_addparts(parts):
  return pl.pallas_call(
      _add_body,
      grid=(NTB,),
      in_specs=[pl.BlockSpec((1, CH, HID), lambda i: (0, i, 0)),
                pl.BlockSpec((1, CH, HID), lambda i: (1, i, 0))],
      out_specs=pl.BlockSpec((CH, HID), lambda i: (i, 0)),
      out_shape=jax.ShapeDtypeStruct((NP, HID), jnp.float32),
  )(parts, parts)


def _tail_body(x_ref, s_ref, batch_ref, wnx_ref, wns_ref, ben_ref,
               wf1_ref, bf1_ref, wf2_ref, bf2_ref, o_ref, acc):
  i = pl.program_id(0)

  @pl.when(i == 0)
  def _():
    acc[...] = jnp.zeros_like(acc)

  hn = jnp.maximum(
      jnp.dot(x_ref[...], wnx_ref[...], preferred_element_type=jnp.float32)
      + jnp.dot(s_ref[...], wns_ref[...], preferred_element_type=jnp.float32)
      + ben_ref[...], 0.0)
  bm = batch_ref[0]
  oh = (bm == lax.broadcasted_iota(jnp.int32, (NG, 1), 0)).astype(jnp.float32)
  acc[...] += jnp.dot(oh, hn, preferred_element_type=jnp.float32)

  @pl.when(i == pl.num_programs(0) - 1)
  def _():
    v = jnp.maximum(
        jnp.dot(acc[...], wf1_ref[...], preferred_element_type=jnp.float32)
        + bf1_ref[...], 0.0)
    o_ref[...] = (jnp.sum(v * wf2_ref[...], axis=1, keepdims=True)
                  + bf2_ref[...])


def _k_tail(x, s, batch3, wnx, wns, ben, wf1, bf1, wf2t, bf2):
  return pl.pallas_call(
      _tail_body,
      grid=(N // R,),
      in_specs=[pl.BlockSpec((R, HID), lambda i: (i, 0)),
                pl.BlockSpec((R, HID), lambda i: (i, 0)),
                pl.BlockSpec((1, 1, R), lambda i: (i, 0, 0)),
                pl.BlockSpec((HID, HID), lambda i: (0, 0)),
                pl.BlockSpec((HID, HID), lambda i: (0, 0)),
                pl.BlockSpec((1, HID), lambda i: (0, 0)),
                pl.BlockSpec((HID, HID), lambda i: (0, 0)),
                pl.BlockSpec((1, HID), lambda i: (0, 0)),
                pl.BlockSpec((1, HID), lambda i: (0, 0)),
                pl.BlockSpec((1, 1), lambda i: (0, 0))],
      out_specs=pl.BlockSpec((NG, 1), lambda i: (0, 0)),
      out_shape=jax.ShapeDtypeStruct((NG, 1), jnp.float32),
      scratch_shapes=[pltpu.VMEM((NG, HID), jnp.float32)],
  )(x, s, batch3, wnx, wns, ben, wf1, bf1, wf2t, bf2)



@jax.jit
def kernel(x, edge_index, edge_attr, batch, atom_origin_type,
           W_ei, b_ei, W_conv, b_conv, W_en, b_en, W_f1, b_f1, W_f2, b_f2):
  del atom_origin_type
  row2d = edge_index[0].reshape(NCH, CH)
  col2d = edge_index[1].reshape(NCH, CH)
  zeros = jnp.zeros((CH, HID), jnp.float32)
  wx = W_ei[:HID]
  we = W_ei[HID:]
  bei = b_ei.reshape(1, HID)
  batch3 = batch.reshape(N // R, 1, R)

  xw = _k_xw(x, wx)
  g0 = _sc_gather(xw, row2d)
  z, h0 = _k1(g0, edge_attr, we, bei, W_conv[0])
  for l in range(3):
    parts = _sc_scatter(z, col2d, zeros)
    t = _k_addparts(parts)
    g = _sc_gather(t, row2d)
    b_l = b_conv[l].reshape(1, HID)
    if l < 2:
      z = _k_layer(g, z, h0, b_l, W_conv[l + 1])
    else:
      h3 = _k_hlast(g, z, h0, b_l)
  parts = _sc_scatter(h3, col2d, zeros)
  s = _k_addparts(parts)
  out = _k_tail(x, s[:N], batch3, W_en[:HID], W_en[HID:], b_en.reshape(1, HID),
                W_f1, b_f1.reshape(1, HID), W_f2.reshape(1, HID),
                b_f2.reshape(1, 1))
  return out.reshape(NG)

# --- scband reference (transcript-rebuilt; emitter-appended) ---
"""Pipeline reference for scband-gnn-80642305950254 (READ-ONLY COPY).

The authoritative reference and input builder live on the scoring server;
editing this copy changes nothing except your own understanding.
"""

import jax, jax.numpy as jnp
import numpy as np

N = 10000
E = 320000
D_NODE = 128
D_EDGE = 16
HID = 128
DEPTH = 3
NUM_GRAPHS = 64


def setup_inputs(seed: int = 0) -> dict:
    key = jax.random.key(seed)
    ks = jax.random.split(key, 16)
    x = jax.random.normal(ks[0], (N, D_NODE), dtype=jnp.float32)
    edge_index = jax.random.randint(ks[1], (2, E), 0, N, dtype=jnp.int32)
    edge_attr = jax.random.normal(ks[2], (E, D_EDGE), dtype=jnp.float32)
    batch = jnp.sort(jax.random.randint(ks[3], (N,), 0, NUM_GRAPHS, dtype=jnp.int32))
    atom_origin_type = jax.random.randint(ks[4], (N,), 0, 3, dtype=jnp.int32)
    s = 0.05
    W_ei = jax.random.normal(ks[5], (D_NODE + D_EDGE, HID), dtype=jnp.float32) * s
    b_ei = jnp.zeros((HID,), dtype=jnp.float32)
    W_conv = jax.random.normal(ks[6], (DEPTH, HID, HID), dtype=jnp.float32) * s
    b_conv = jnp.zeros((DEPTH, HID), dtype=jnp.float32)
    W_en = jax.random.normal(ks[7], (D_NODE + HID, HID), dtype=jnp.float32) * s
    b_en = jnp.zeros((HID,), dtype=jnp.float32)
    W_f1 = jax.random.normal(ks[8], (HID, HID), dtype=jnp.float32) * s
    b_f1 = jnp.zeros((HID,), dtype=jnp.float32)
    W_f2 = jax.random.normal(ks[9], (HID, 1), dtype=jnp.float32) * s
    b_f2 = jnp.zeros((1,), dtype=jnp.float32)
    return {"x": x, "edge_index": edge_index, "edge_attr": edge_attr, "batch": batch,
            "atom_origin_type": atom_origin_type, "W_ei": W_ei, "b_ei": b_ei,
            "W_conv": W_conv, "b_conv": b_conv, "W_en": W_en, "b_en": b_en,
            "W_f1": W_f1, "b_f1": b_f1, "W_f2": W_f2, "b_f2": b_f2}


def _dmpnn_conv(edge_index, h, W, b):
    # DMPNN conv: aggregate incoming edge messages to nodes, then update each
    # directed edge with (node aggregate at source) minus (reverse edge message).
    # Edges are stored in reverse-pairs: edge 2i and 2i+1 are reverses of each other.
    row, col = edge_index[0], edge_index[1]
    a = jax.ops.segment_sum(h, col, num_segments=N)
    rev = h.reshape(-1, 2, HID)[:, ::-1, :].reshape(-1, HID)
    h_new = (a[row] - rev) @ W + b
    return a, h_new


def reference(x, edge_index, edge_attr, batch, atom_origin_type,
              W_ei, b_ei, W_conv, b_conv, W_en, b_en, W_f1, b_f1, W_f2, b_f2):
    row = edge_index[0]
    # edge_init: Linear on [x[row] || edge_attr]
    h0 = jax.nn.relu(jnp.concatenate([x[row], edge_attr], axis=1) @ W_ei + b_ei)
    h = h0
    for l in range(DEPTH):
        _, h = _dmpnn_conv(edge_index, h, W_conv[l], b_conv[l])
        h = h + h0
        h = jax.nn.relu(h)  # dropout p=0.0 -> identity
    s, _ = _dmpnn_conv(edge_index, h, W_conv[DEPTH - 1], b_conv[DEPTH - 1])
    q = jnp.concatenate([x, s], axis=1)
    hn = jax.nn.relu(q @ W_en + b_en)
    # global_add_pool over batch vector
    pooled = jax.ops.segment_sum(hn, batch, num_segments=NUM_GRAPHS)
    out = jax.nn.relu(pooled @ W_f1 + b_f1) @ W_f2 + b_f2
    return out.squeeze(-1)

if __name__ == "__main__":
    import jax
    _d = setup_inputs()
    print(jax.jit(kernel)(*tuple(_d.values())))

</pallas_src>

<mosaic_0001>
#map = affine_map<(d0, d1) -> (0, 0)>
module attributes {stable_mosaic.version = 14 : i64} {
  func.func @_sc_gather_body(%arg0: i32, %arg1: i32, %arg2: memref<10000x128xf32, #tpu.memory_space<hbm>>, %arg3: memref<2500x128xi32, #tpu.memory_space<hbm>>, %arg4: memref<320000x128xf32, #tpu.memory_space<hbm>>, %arg5: memref<128xi32, #tpu.memory_space<vmem>>, %arg6: memref<128x128xf32, #tpu.memory_space<vmem>>, %arg7: memref<!tpu.dma_semaphore, #tpu.memory_space<semaphore_mem>>) attributes {dimension_semantics = [#tpu.dimension_semantics<core_parallel>, #tpu.dimension_semantics<subcore_parallel>], iteration_bounds = array<i64: 2, 16>, scalar_prefetch = 0 : i64, scratch_operands = 3 : i64, tpu.core_type = #tpu.core_type<sc_vector_subcore>, window_params = [{transform_indices = #map}, {transform_indices = #map}, {transform_indices = #map}]} {
    %mul3A = arith.constant 2 : i32
    %mul3A_0 = arith.muli %arg1, %mul3A : i32
    %add3A = arith.addi %mul3A_0, %arg0 : i32
    %lt3A = arith.constant 4 : i32
    %lt3A_1 = arith.cmpi slt, %add3A, %lt3A : i32
    %jit3A = arith.constant 1 : i32
    %jit3A_2 = arith.constant 0 : i32
    %select_n3A = arith.select %lt3A_1, %jit3A, %jit3A_2 : i32
    %add3A_3 = arith.constant 78 : i32
    %add3A_4 = arith.addi %add3A_3, %select_n3A : i32
    %mul3A_5 = arith.constant 78 : i32
    %mul3A_6 = arith.muli %add3A, %mul3A_5 : i32
    %min3A = arith.constant 4 : i32
    %min3A_7 = arith.minsi %add3A, %min3A : i32
    %add3A_8 = arith.addi %mul3A_6, %min3A_7 : i32
    %while3A = arith.constant 0 : i32
    %while3A_9 = arith.constant 0 : i32
    %while3A_10 = arith.subi %add3A_4, %while3A : i32
    %while3A_11 = arith.addi %while3A, %while3A_10 : i32
    %while3A_12 = arith.constant 1 : i32
    %while3A_13 = arith.divsi %while3A_10, %while3A_12 : i32
    %while3A_14 = arith.muli %while3A_13, %while3A_12 : i32
    %while3A_15 = arith.addi %while3A, %while3A_14 : i32
    %while3A_16 = arith.constant 1 : i32
    %while3A_17 = scf.for %while3A_20 = %while3A to %while3A_15 step %while3A_16 iter_args(%while3A_21 = %while3A_9) -> (i32)  : i32 {
      %add3A_22 = arith.addi %add3A_8, %while3A_20 : i32
      "tpu.region"() ({
        %run_scoped3A = tpu.sem_alloc : memref<!tpu.dma_semaphore, #tpu.memory_space<semaphore_mem>>
        %dma_start3A_30 = arith.constant 0 : i32
        %dma_start3A_31 = tpu.memref_slice %arg3[%add3A_22, %dma_start3A_30] : memref<2500x128xi32, #tpu.memory_space<hbm>> -> memref<1x128xi32, #tpu.memory_space<hbm>>
        %dma_start3A_32 = tpu.memref_squeeze %dma_start3A_31 : memref<1x128xi32, #tpu.memory_space<hbm>> -> memref<128xi32, #tpu.memory_space<hbm>>
        %dma_start3A_33 = arith.constant 0 : i32
        %dma_start3A_34 = tpu.memref_slice %arg3[%add3A_22, %dma_start3A_33] : memref<2500x128xi32, #tpu.memory_space<hbm>> -> memref<1x128xi32, #tpu.memory_space<hbm>>
        %dma_start3A_35 = tpu.memref_squeeze %dma_start3A_34 : memref<1x128xi32, #tpu.memory_space<hbm>> -> memref<128xi32, #tpu.memory_space<hbm>>
        tpu.enqueue_dma source(%dma_start3A_35 : memref<128xi32, #tpu.memory_space<hbm>>) target(%arg5 : memref<128xi32, #tpu.memory_space<vmem>>) target_semaphore(%run_scoped3A : memref<!tpu.dma_semaphore, #tpu.memory_space<semaphore_mem>>)
        %dma_wait3A_36 = arith.constant 0 : i32
        %dma_wait3A_37 = tpu.memref_slice %arg3[%add3A_22, %dma_wait3A_36] : memref<2500x128xi32, #tpu.memory_space<hbm>> -> memref<1x128xi32, #tpu.memory_space<hbm>>
        %dma_wait3A_38 = tpu.memref_squeeze %dma_wait3A_37 : memref<1x128xi32, #tpu.memory_space<hbm>> -> memref<128xi32, #tpu.memory_space<hbm>>
        %dma_wait3A_39 = arith.constant 0 : i32
        %dma_wait3A_40 = tpu.memref_slice %arg3[%add3A_22, %dma_wait3A_39] : memref<2500x128xi32, #tpu.memory_space<hbm>> -> memref<1x128xi32, #tpu.memory_space<hbm>>
        %dma_wait3A_41 = tpu.memref_squeeze %dma_wait3A_40 : memref<1x128xi32, #tpu.memory_space<hbm>> -> memref<128xi32, #tpu.memory_space<hbm>>
        tpu.wait_dma2 semaphore(%run_scoped3A : memref<!tpu.dma_semaphore, #tpu.memory_space<semaphore_mem>>) src(%dma_wait3A_41 : memref<128xi32, #tpu.memory_space<hbm>>) dst(%arg5 : memref<128xi32, #tpu.memory_space<vmem>>)
        tpu.yield
      }) : () -> ()
      %dma_start3A = arith.constant 0 : i32
      %dma_start3A_23 = arith.constant 0 : i32
      %dma_start3A_24 = tpu.memref_slice %arg2[%dma_start3A, %dma_start3A_23] : memref<10000x128xf32, #tpu.memory_space<hbm>> -> memref<10000x128xf32, #tpu.memory_space<hbm>>
      tpu.enqueue_indirect_dma source(%dma_start3A_24 : memref<10000x128xf32, #tpu.memory_space<hbm>>) target(%arg6 : memref<128x128xf32, #tpu.memory_space<vmem>>) offsets(%arg5 : memref<128xi32, #tpu.memory_space<vmem>>) semaphore(%arg7 : memref<!tpu.dma_semaphore, #tpu.memory_space<semaphore_mem>>)
      %dma_wait3A = arith.constant 0 : i32
      %dma_wait3A_25 = arith.constant 0 : i32
      %dma_wait3A_26 = tpu.memref_slice %arg2[%dma_wait3A, %dma_wait3A_25] : memref<10000x128xf32, #tpu.memory_space<hbm>> -> memref<10000x128xf32, #tpu.memory_space<hbm>>
      tpu.wait_indirect_dma semaphore(%arg7 : memref<!tpu.dma_semaphore, #tpu.memory_space<semaphore_mem>>) src(%dma_wait3A_26 : memref<10000x128xf32, #tpu.memory_space<hbm>>) dst(%arg6 : memref<128x128xf32, #tpu.memory_space<vmem>>)
      %mul3A_27 = arith.constant 128 : i32
      %mul3A_28 = arith.muli %add3A_22, %mul3A_27 : i32
      "tpu.region"() ({
        %run_scoped3A = tpu.sem_alloc : memref<!tpu.dma_semaphore, #tpu.memory_space<semaphore_mem>>
        %dma_start3A_30 = arith.constant 0 : i32
        %dma_start3A_31 = tpu.memref_slice %arg4[%mul3A_28, %dma_start3A_30] : memref<320000x128xf32, #tpu.memory_space<hbm>> -> memref<128x128xf32, #tpu.memory_space<hbm>>
        %dma_start3A_32 = arith.constant 0 : i32
        %dma_start3A_33 = tpu.memref_slice %arg4[%mul3A_28, %dma_start3A_32] : memref<320000x128xf32, #tpu.memory_space<hbm>> -> memref<128x128xf32, #tpu.memory_space<hbm>>
        tpu.enqueue_dma source(%arg6 : memref<128x128xf32, #tpu.memory_space<vmem>>) target(%dma_start3A_33 : memref<128x128xf32, #tpu.memory_space<hbm>>) target_semaphore(%run_scoped3A : memref<!tpu.dma_semaphore, #tpu.memory_space<semaphore_mem>>)
        %dma_wait3A_34 = arith.constant 0 : i32
        %dma_wait3A_35 = tpu.memref_slice %arg4[%mul3A_28, %dma_wait3A_34] : memref<320000x128xf32, #tpu.memory_space<hbm>> -> memref<128x128xf32, #tpu.memory_space<hbm>>
        %dma_wait3A_36 = arith.constant 0 : i32
        %dma_wait3A_37 = tpu.memref_slice %arg4[%mul3A_28, %dma_wait3A_36] : memref<320000x128xf32, #tpu.memory_space<hbm>> -> memref<128x128xf32, #tpu.memory_space<hbm>>
        tpu.wait_dma2 semaphore(%run_scoped3A : memref<!tpu.dma_semaphore, #tpu.memory_space<semaphore_mem>>) src(%arg6 : memref<128x128xf32, #tpu.memory_space<vmem>>) dst(%dma_wait3A_37 : memref<128x128xf32, #tpu.memory_space<hbm>>)
        tpu.yield
      }) : () -> ()
      %while3A_29 = arith.constant 0 : i32
      scf.yield %while3A_29 : i32
    }
    %while3A_18 = arith.constant 1 : i32
    %while3A_19 = scf.for %while3A_20 = %while3A_15 to %while3A_11 step %while3A_18 iter_args(%while3A_21 = %while3A_17) -> (i32)  : i32 {
      %add3A_22 = arith.addi %add3A_8, %while3A_20 : i32
      "tpu.region"() ({
        %run_scoped3A = tpu.sem_alloc : memref<!tpu.dma_semaphore, #tpu.memory_space<semaphore_mem>>
        %dma_start3A_30 = arith.constant 0 : i32
        %dma_start3A_31 = tpu.memref_slice %arg3[%add3A_22, %dma_start3A_30] : memref<2500x128xi32, #tpu.memory_space<hbm>> -> memref<1x128xi32, #tpu.memory_space<hbm>>
        %dma_start3A_32 = tpu.memref_squeeze %dma_start3A_31 : memref<1x128xi32, #tpu.memory_space<hbm>> -> memref<128xi32, #tpu.memory_space<hbm>>
        %dma_start3A_33 = arith.constant 0 : i32
        %dma_start3A_34 = tpu.memref_slice %arg3[%add3A_22, %dma_start3A_33] : memref<2500x128xi32, #tpu.memory_space<hbm>> -> memref<1x128xi32, #tpu.memory_space<hbm>>
        %dma_start3A_35 = tpu.memref_squeeze %dma_start3A_34 : memref<1x128xi32, #tpu.memory_space<hbm>> -> memref<128xi32, #tpu.memory_space<hbm>>
        tpu.enqueue_dma source(%dma_start3A_35 : memref<128xi32, #tpu.memory_space<hbm>>) target(%arg5 : memref<128xi32, #tpu.memory_space<vmem>>) target_semaphore(%run_scoped3A : memref<!tpu.dma_semaphore, #tpu.memory_space<semaphore_mem>>)
        %dma_wait3A_36 = arith.constant 0 : i32
        %dma_wait3A_37 = tpu.memref_slice %arg3[%add3A_22, %dma_wait3A_36] : memref<2500x128xi32, #tpu.memory_space<hbm>> -> memref<1x128xi32, #tpu.memory_space<hbm>>
        %dma_wait3A_38 = tpu.memref_squeeze %dma_wait3A_37 : memref<1x128xi32, #tpu.memory_space<hbm>> -> memref<128xi32, #tpu.memory_space<hbm>>
        %dma_wait3A_39 = arith.constant 0 : i32
        %dma_wait3A_40 = tpu.memref_slice %arg3[%add3A_22, %dma_wait3A_39] : memref<2500x128xi32, #tpu.memory_space<hbm>> -> memref<1x128xi32, #tpu.memory_space<hbm>>
        %dma_wait3A_41 = tpu.memref_squeeze %dma_wait3A_40 : memref<1x128xi32, #tpu.memory_space<hbm>> -> memref<128xi32, #tpu.memory_space<hbm>>
        tpu.wait_dma2 semaphore(%run_scoped3A : memref<!tpu.dma_semaphore, #tpu.memory_space<semaphore_mem>>) src(%dma_wait3A_41 : memref<128xi32, #tpu.memory_space<hbm>>) dst(%arg5 : memref<128xi32, #tpu.memory_space<vmem>>)
        tpu.yield
      }) : () -> ()
      %dma_start3A = arith.constant 0 : i32
      %dma_start3A_23 = arith.constant 0 : i32
      %dma_start3A_24 = tpu.memref_slice %arg2[%dma_start3A, %dma_start3A_23] : memref<10000x128xf32, #tpu.memory_space<hbm>> -> memref<10000x128xf32, #tpu.memory_space<hbm>>
      tpu.enqueue_indirect_dma source(%dma_start3A_24 : memref<10000x128xf32, #tpu.memory_space<hbm>>) target(%arg6 : memref<128x128xf32, #tpu.memory_space<vmem>>) offsets(%arg5 : memref<128xi32, #tpu.memory_space<vmem>>) semaphore(%arg7 : memref<!tpu.dma_semaphore, #tpu.memory_space<semaphore_mem>>)
      %dma_wait3A = arith.constant 0 : i32
      %dma_wait3A_25 = arith.constant 0 : i32
      %dma_wait3A_26 = tpu.memref_slice %arg2[%dma_wait3A, %dma_wait3A_25] : memref<10000x128xf32, #tpu.memory_space<hbm>> -> memref<10000x128xf32, #tpu.memory_space<hbm>>
      tpu.wait_indirect_dma semaphore(%arg7 : memref<!tpu.dma_semaphore, #tpu.memory_space<semaphore_mem>>) src(%dma_wait3A_26 : memref<10000x128xf32, #tpu.memory_space<hbm>>) dst(%arg6 : memref<128x128xf32, #tpu.memory_space<vmem>>)
      %mul3A_27 = arith.constant 128 : i32
      %mul3A_28 = arith.muli %add3A_22, %mul3A_27 : i32
      "tpu.region"() ({
        %run_scoped3A = tpu.sem_alloc : memref<!tpu.dma_semaphore, #tpu.memory_space<semaphore_mem>>
        %dma_start3A_30 = arith.constant 0 : i32
        %dma_start3A_31 = tpu.memref_slice %arg4[%mul3A_28, %dma_start3A_30] : memref<320000x128xf32, #tpu.memory_space<hbm>> -> memref<128x128xf32, #tpu.memory_space<hbm>>
        %dma_start3A_32 = arith.constant 0 : i32
        %dma_start3A_33 = tpu.memref_slice %arg4[%mul3A_28, %dma_start3A_32] : memref<320000x128xf32, #tpu.memory_space<hbm>> -> memref<128x128xf32, #tpu.memory_space<hbm>>
        tpu.enqueue_dma source(%arg6 : memref<128x128xf32, #tpu.memory_space<vmem>>) target(%dma_start3A_33 : memref<128x128xf32, #tpu.memory_space<hbm>>) target_semaphore(%run_scoped3A : memref<!tpu.dma_semaphore, #tpu.memory_space<semaphore_mem>>)
        %dma_wait3A_34 = arith.constant 0 : i32
        %dma_wait3A_35 = tpu.memref_slice %arg4[%mul3A_28, %dma_wait3A_34] : memref<320000x128xf32, #tpu.memory_space<hbm>> -> memref<128x128xf32, #tpu.memory_space<hbm>>
        %dma_wait3A_36 = arith.constant 0 : i32
        %dma_wait3A_37 = tpu.memref_slice %arg4[%mul3A_28, %dma_wait3A_36] : memref<320000x128xf32, #tpu.memory_space<hbm>> -> memref<128x128xf32, #tpu.memory_space<hbm>>
        tpu.wait_dma2 semaphore(%run_scoped3A : memref<!tpu.dma_semaphore, #tpu.memory_space<semaphore_mem>>) src(%arg6 : memref<128x128xf32, #tpu.memory_space<vmem>>) dst(%dma_wait3A_37 : memref<128x128xf32, #tpu.memory_space<hbm>>)
        tpu.yield
      }) : () -> ()
      %while3A_29 = arith.constant 0 : i32
      scf.yield %while3A_29 : i32
    }
    return
  }
}

#map = affine_map<(d0, d1) -> (0, 0)>
#map1 = affine_map<(d0, d1) -> (0, 0, 0)>
module attributes {stable_mosaic.version = 14 : i64} {
  func.func @_sc_scatter_body(%arg0: i32, %arg1: i32, %arg2: memref<320000x128xf32, #tpu.memory_space<hbm>>, %arg3: memref<2500x128xi32, #tpu.memory_space<hbm>>, %arg4: memref<128x128xf32, #tpu.memory_space<hbm>>, %arg5: memref<2x10112x128xf32, #tpu.memory_space<hbm>>, %arg6: memref<10112x128xf32, #tpu.memory_space<vmem_shared>>, %arg7: memref<128x128xf32, #tpu.memory_space<vmem>>, %arg8: memref<128xi32, #tpu.memory_space<vmem>>) attributes {dimension_semantics = [#tpu.dimension_semantics<core_parallel>, #tpu.dimension_semantics<subcore_parallel>], iteration_bounds = array<i64: 2, 16>, scalar_prefetch = 0 : i64, scratch_operands = 3 : i64, tpu.core_type = #tpu.core_type<sc_vector_subcore>, window_params = [{transform_indices = #map}, {transform_indices = #map}, {transform_indices = #map}, {transform_indices = #map1}]} {
    "tpu.region"() ({
      %run_scoped3A = tpu.sem_alloc : memref<!tpu.dma_semaphore, #tpu.memory_space<semaphore_mem>>
      tpu.enqueue_dma source(%arg4 : memref<128x128xf32, #tpu.memory_space<hbm>>) target(%arg7 : memref<128x128xf32, #tpu.memory_space<vmem>>) target_semaphore(%run_scoped3A : memref<!tpu.dma_semaphore, #tpu.memory_space<semaphore_mem>>)
      tpu.wait_dma2 semaphore(%run_scoped3A : memref<!tpu.dma_semaphore, #tpu.memory_space<semaphore_mem>>) src(%arg4 : memref<128x128xf32, #tpu.memory_space<hbm>>) dst(%arg7 : memref<128x128xf32, #tpu.memory_space<vmem>>)
      tpu.yield
    }) : () -> ()
    %add3A = arith.constant 0 : i32
    %add3A_0 = arith.addi %arg1, %add3A : i32
    %lt3A = arith.constant 79 : i32
    %lt3A_1 = arith.cmpi slt, %add3A_0, %lt3A : i32
    %convert_element_type3A = arith.extui %lt3A_1 : i1 to i32
    %cond3A = arith.constant 0 : i32
    %cond3A_2 = arith.cmpi ne, %convert_element_type3A, %cond3A : i32
    scf.if %cond3A_2 {
      %mul3A_89 = arith.constant 128 : i32
      %mul3A_90 = arith.muli %add3A_0, %mul3A_89 : i32
      "tpu.region"() ({
        %run_scoped3A = tpu.sem_alloc : memref<!tpu.dma_semaphore, #tpu.memory_space<semaphore_mem>>
        %dma_start3A = arith.constant 0 : i32
        %dma_start3A_91 = tpu.memref_slice %arg6[%mul3A_90, %dma_start3A] : memref<10112x128xf32, #tpu.memory_space<vmem_shared>> -> memref<128x128xf32, #tpu.memory_space<vmem_shared>>
        %dma_start3A_92 = arith.constant 0 : i32
        %dma_start3A_93 = tpu.memref_slice %arg6[%mul3A_90, %dma_start3A_92] : memref<10112x128xf32, #tpu.memory_space<vmem_shared>> -> memref<128x128xf32, #tpu.memory_space<vmem_shared>>
        tpu.enqueue_dma source(%arg7 : memref<128x128xf32, #tpu.memory_space<vmem>>) target(%dma_start3A_93 : memref<128x128xf32, #tpu.memory_space<vmem_shared>>) target_semaphore(%run_scoped3A : memref<!tpu.dma_semaphore, #tpu.memory_space<semaphore_mem>>)
        %dma_wait3A = arith.constant 0 : i32
        %dma_wait3A_94 = tpu.memref_slice %arg6[%mul3A_90, %dma_wait3A] : memref<10112x128xf32, #tpu.memory_space<vmem_shared>> -> memref<128x128xf32, #tpu.memory_space<vmem_shared>>
        %dma_wait3A_95 = arith.constant 0 : i32
        %dma_wait3A_96 = tpu.memref_slice %arg6[%mul3A_90, %dma_wait3A_95] : memref<10112x128xf32, #tpu.memory_space<vmem_shared>> -> memref<128x128xf32, #tpu.memory_space<vmem_shared>>
        tpu.wait_dma2 semaphore(%run_scoped3A : memref<!tpu.dma_semaphore, #tpu.memory_space<semaphore_mem>>) src(%arg7 : memref<128x128xf32, #tpu.memory_space<vmem>>) dst(%dma_wait3A_96 : memref<128x128xf32, #tpu.memory_space<vmem_shared>>)
        tpu.yield
      }) : () -> ()
    } else {
    }
    %add3A_3 = arith.constant 16 : i32
    %add3A_4 = arith.addi %arg1, %add3A_3 : i32
    %lt3A_5 = arith.constant 79 : i32
    %lt3A_6 = arith.cmpi slt, %add3A_4, %lt3A_5 : i32
    %convert_element_type3A_7 = arith.extui %lt3A_6 : i1 to i32
    %cond3A_8 = arith.constant 0 : i32
    %cond3A_9 = arith.cmpi ne, %convert_element_type3A_7, %cond3A_8 : i32
    scf.if %cond3A_9 {
      %mul3A_89 = arith.constant 128 : i32
      %mul3A_90 = arith.muli %add3A_4, %mul3A_89 : i32
      "tpu.region"() ({
        %run_scoped3A = tpu.sem_alloc : memref<!tpu.dma_semaphore, #tpu.memory_space<semaphore_mem>>
        %dma_start3A = arith.constant 0 : i32
        %dma_start3A_91 = tpu.memref_slice %arg6[%mul3A_90, %dma_start3A] : memref<10112x128xf32, #tpu.memory_space<vmem_shared>> -> memref<128x128xf32, #tpu.memory_space<vmem_shared>>
        %dma_start3A_92 = arith.constant 0 : i32
        %dma_start3A_93 = tpu.memref_slice %arg6[%mul3A_90, %dma_start3A_92] : memref<10112x128xf32, #tpu.memory_space<vmem_shared>> -> memref<128x128xf32, #tpu.memory_space<vmem_shared>>
        tpu.enqueue_dma source(%arg7 : memref<128x128xf32, #tpu.memory_space<vmem>>) target(%dma_start3A_93 : memref<128x128xf32, #tpu.memory_space<vmem_shared>>) target_semaphore(%run_scoped3A : memref<!tpu.dma_semaphore, #tpu.memory_space<semaphore_mem>>)
        %dma_wait3A = arith.constant 0 : i32
        %dma_wait3A_94 = tpu.memref_slice %arg6[%mul3A_90, %dma_wait3A] : memref<10112x128xf32, #tpu.memory_space<vmem_shared>> -> memref<128x128xf32, #tpu.memory_space<vmem_shared>>
        %dma_wait3A_95 = arith.constant 0 : i32
        %dma_wait3A_96 = tpu.memref_slice %arg6[%mul3A_90, %dma_wait3A_95] : memref<10112x128xf32, #tpu.memory_space<vmem_shared>> -> memref<128x128xf32, #tpu.memory_space<vmem_shared>>
        tpu.wait_dma2 semaphore(%run_scoped3A : memref<!tpu.dma_semaphore, #tpu.memory_space<semaphore_mem>>) src(%arg7 : memref<128x128xf32, #tpu.memory_space<vmem>>) dst(%dma_wait3A_96 : memref<128x128xf32, #tpu.memory_space<vmem_shared>>)
        tpu.yield
      }) : () -> ()
    } else {
    }
    %add3A_10 = arith.constant 32 : i32
    %add3A_11 = arith.addi %arg1, %add3A_10 : i32
    %lt3A_12 = arith.constant 79 : i32
    %lt3A_13 = arith.cmpi slt, %add3A_11, %lt3A_12 : i32
    %convert_element_type3A_14 = arith.extui %lt3A_13 : i1 to i32
    %cond3A_15 = arith.constant 0 : i32
    %cond3A_16 = arith.cmpi ne, %convert_element_type3A_14, %cond3A_15 : i32
    scf.if %cond3A_16 {
      %mul3A_89 = arith.constant 128 : i32
      %mul3A_90 = arith.muli %add3A_11, %mul3A_89 : i32
      "tpu.region"() ({
        %run_scoped3A = tpu.sem_alloc : memref<!tpu.dma_semaphore, #tpu.memory_space<semaphore_mem>>
        %dma_start3A = arith.constant 0 : i32
        %dma_start3A_91 = tpu.memref_slice %arg6[%mul3A_90, %dma_start3A] : memref<10112x128xf32, #tpu.memory_space<vmem_shared>> -> memref<128x128xf32, #tpu.memory_space<vmem_shared>>
        %dma_start3A_92 = arith.constant 0 : i32
        %dma_start3A_93 = tpu.memref_slice %arg6[%mul3A_90, %dma_start3A_92] : memref<10112x128xf32, #tpu.memory_space<vmem_shared>> -> memref<128x128xf32, #tpu.memory_space<vmem_shared>>
        tpu.enqueue_dma source(%arg7 : memref<128x128xf32, #tpu.memory_space<vmem>>) target(%dma_start3A_93 : memref<128x128xf32, #tpu.memory_space<vmem_shared>>) target_semaphore(%run_scoped3A : memref<!tpu.dma_semaphore, #tpu.memory_space<semaphore_mem>>)
        %dma_wait3A = arith.constant 0 : i32
        %dma_wait3A_94 = tpu.memref_slice %arg6[%mul3A_90, %dma_wait3A] : memref<10112x128xf32, #tpu.memory_space<vmem_shared>> -> memref<128x128xf32, #tpu.memory_space<vmem_shared>>
        %dma_wait3A_95 = arith.constant 0 : i32
        %dma_wait3A_96 = tpu.memref_slice %arg6[%mul3A_90, %dma_wait3A_95] : memref<10112x128xf32, #tpu.memory_space<vmem_shared>> -> memref<128x128xf32, #tpu.memory_space<vmem_shared>>
        tpu.wait_dma2 semaphore(%run_scoped3A : memref<!tpu.dma_semaphore, #tpu.memory_space<semaphore_mem>>) src(%arg7 : memref<128x128xf32, #tpu.memory_space<vmem>>) dst(%dma_wait3A_96 : memref<128x128xf32, #tpu.memory_space<vmem_shared>>)
        tpu.yield
      }) : () -> ()
    } else {
    }
    %add3A_17 = arith.constant 48 : i32
    %add3A_18 = arith.addi %arg1, %add3A_17 : i32
    %lt3A_19 = arith.constant 79 : i32
    %lt3A_20 = arith.cmpi slt, %add3A_18, %lt3A_19 : i32
    %convert_element_type3A_21 = arith.extui %lt3A_20 : i1 to i32
    %cond3A_22 = arith.constant 0 : i32
    %cond3A_23 = arith.cmpi ne, %convert_element_type3A_21, %cond3A_22 : i32
    scf.if %cond3A_23 {
      %mul3A_89 = arith.constant 128 : i32
      %mul3A_90 = arith.muli %add3A_18, %mul3A_89 : i32
      "tpu.region"() ({
        %run_scoped3A = tpu.sem_alloc : memref<!tpu.dma_semaphore, #tpu.memory_space<semaphore_mem>>
        %dma_start3A = arith.constant 0 : i32
        %dma_start3A_91 = tpu.memref_slice %arg6[%mul3A_90, %dma_start3A] : memref<10112x128xf32, #tpu.memory_space<vmem_shared>> -> memref<128x128xf32, #tpu.memory_space<vmem_shared>>
        %dma_start3A_92 = arith.constant 0 : i32
        %dma_start3A_93 = tpu.memref_slice %arg6[%mul3A_90, %dma_start3A_92] : memref<10112x128xf32, #tpu.memory_space<vmem_shared>> -> memref<128x128xf32, #tpu.memory_space<vmem_shared>>
        tpu.enqueue_dma source(%arg7 : memref<128x128xf32, #tpu.memory_space<vmem>>) target(%dma_start3A_93 : memref<128x128xf32, #tpu.memory_space<vmem_shared>>) target_semaphore(%run_scoped3A : memref<!tpu.dma_semaphore, #tpu.memory_space<semaphore_mem>>)
        %dma_wait3A = arith.constant 0 : i32
        %dma_wait3A_94 = tpu.memref_slice %arg6[%mul3A_90, %dma_wait3A] : memref<10112x128xf32, #tpu.memory_space<vmem_shared>> -> memref<128x128xf32, #tpu.memory_space<vmem_shared>>
        %dma_wait3A_95 = arith.constant 0 : i32
        %dma_wait3A_96 = tpu.memref_slice %arg6[%mul3A_90, %dma_wait3A_95] : memref<10112x128xf32, #tpu.memory_space<vmem_shared>> -> memref<128x128xf32, #tpu.memory_space<vmem_shared>>
        tpu.wait_dma2 semaphore(%run_scoped3A : memref<!tpu.dma_semaphore, #tpu.memory_space<semaphore_mem>>) src(%arg7 : memref<128x128xf32, #tpu.memory_space<vmem>>) dst(%dma_wait3A_96 : memref<128x128xf32, #tpu.memory_space<vmem_shared>>)
        tpu.yield
      }) : () -> ()
    } else {
    }
    %add3A_24 = arith.constant 64 : i32
    %add3A_25 = arith.addi %arg1, %add3A_24 : i32
    %lt3A_26 = arith.constant 79 : i32
    %lt3A_27 = arith.cmpi slt, %add3A_25, %lt3A_26 : i32
    %convert_element_type3A_28 = arith.extui %lt3A_27 : i1 to i32
    %cond3A_29 = arith.constant 0 : i32
    %cond3A_30 = arith.cmpi ne, %convert_element_type3A_28, %cond3A_29 : i32
    scf.if %cond3A_30 {
      %mul3A_89 = arith.constant 128 : i32
      %mul3A_90 = arith.muli %add3A_25, %mul3A_89 : i32
      "tpu.region"() ({
        %run_scoped3A = tpu.sem_alloc : memref<!tpu.dma_semaphore, #tpu.memory_space<semaphore_mem>>
        %dma_start3A = arith.constant 0 : i32
        %dma_start3A_91 = tpu.memref_slice %arg6[%mul3A_90, %dma_start3A] : memref<10112x128xf32, #tpu.memory_space<vmem_shared>> -> memref<128x128xf32, #tpu.memory_space<vmem_shared>>
        %dma_start3A_92 = arith.constant 0 : i32
        %dma_start3A_93 = tpu.memref_slice %arg6[%mul3A_90, %dma_start3A_92] : memref<10112x128xf32, #tpu.memory_space<vmem_shared>> -> memref<128x128xf32, #tpu.memory_space<vmem_shared>>
        tpu.enqueue_dma source(%arg7 : memref<128x128xf32, #tpu.memory_space<vmem>>) target(%dma_start3A_93 : memref<128x128xf32, #tpu.memory_space<vmem_shared>>) target_semaphore(%run_scoped3A : memref<!tpu.dma_semaphore, #tpu.memory_space<semaphore_mem>>)
        %dma_wait3A = arith.constant 0 : i32
        %dma_wait3A_94 = tpu.memref_slice %arg6[%mul3A_90, %dma_wait3A] : memref<10112x128xf32, #tpu.memory_space<vmem_shared>> -> memref<128x128xf32, #tpu.memory_space<vmem_shared>>
        %dma_wait3A_95 = arith.constant 0 : i32
        %dma_wait3A_96 = tpu.memref_slice %arg6[%mul3A_90, %dma_wait3A_95] : memref<10112x128xf32, #tpu.memory_space<vmem_shared>> -> memref<128x128xf32, #tpu.memory_space<vmem_shared>>
        tpu.wait_dma2 semaphore(%run_scoped3A : memref<!tpu.dma_semaphore, #tpu.memory_space<semaphore_mem>>) src(%arg7 : memref<128x128xf32, #tpu.memory_space<vmem>>) dst(%dma_wait3A_96 : memref<128x128xf32, #tpu.memory_space<vmem_shared>>)
        tpu.yield
      }) : () -> ()
    } else {
    }
    %barrier3A = arith.constant 0 : index
    tpu.barrier barrier_id(%barrier3A)
    %lt3A_31 = arith.constant 2 : i32
    %lt3A_32 = arith.cmpi slt, %arg1, %lt3A_31 : i32
    %jit3A = arith.constant 1 : i32
    %jit3A_33 = arith.constant 0 : i32
    %select_n3A = arith.select %lt3A_32, %jit3A, %jit3A_33 : i32
    %add3A_34 = arith.constant 78 : i32
    %add3A_35 = arith.addi %add3A_34, %select_n3A : i32
    %mul3A = arith.constant 78 : i32
    %mul3A_36 = arith.muli %arg1, %mul3A : i32
    %min3A = arith.constant 2 : i32
    %min3A_37 = arith.minsi %arg1, %min3A : i32
    %add3A_38 = arith.addi %mul3A_36, %min3A_37 : i32
    %mul3A_39 = arith.constant 1250 : i32
    %mul3A_40 = arith.muli %arg0, %mul3A_39 : i32
    %add3A_41 = arith.addi %add3A_38, %mul3A_40 : i32
    %while3A = arith.constant 0 : i32
    %while3A_42 = arith.constant 0 : i32
    %while3A_43 = arith.subi %add3A_35, %while3A : i32
    %while3A_44 = arith.addi %while3A, %while3A_43 : i32
    %while3A_45 = arith.constant 1 : i32
    %while3A_46 = arith.divsi %while3A_43, %while3A_45 : i32
    %while3A_47 = arith.muli %while3A_46, %while3A_45 : i32
    %while3A_48 = arith.addi %while3A, %while3A_47 : i32
    %while3A_49 = arith.constant 1 : i32
    %while3A_50 = scf.for %while3A_89 = %while3A to %while3A_48 step %while3A_49 iter_args(%while3A_90 = %while3A_42) -> (i32)  : i32 {
      %add3A_91 = arith.addi %add3A_41, %while3A_89 : i32
      "tpu.region"() ({
        %run_scoped3A = tpu.sem_alloc : memref<!tpu.dma_semaphore, #tpu.memory_space<semaphore_mem>>
        %dma_start3A = arith.constant 0 : i32
        %dma_start3A_95 = tpu.memref_slice %arg3[%add3A_91, %dma_start3A] : memref<2500x128xi32, #tpu.memory_space<hbm>> -> memref<1x128xi32, #tpu.memory_space<hbm>>
        %dma_start3A_96 = tpu.memref_squeeze %dma_start3A_95 : memref<1x128xi32, #tpu.memory_space<hbm>> -> memref<128xi32, #tpu.memory_space<hbm>>
        %dma_start3A_97 = arith.constant 0 : i32
        %dma_start3A_98 = tpu.memref_slice %arg3[%add3A_91, %dma_start3A_97] : memref<2500x128xi32, #tpu.memory_space<hbm>> -> memref<1x128xi32, #tpu.memory_space<hbm>>
        %dma_start3A_99 = tpu.memref_squeeze %dma_start3A_98 : memref<1x128xi32, #tpu.memory_space<hbm>> -> memref<128xi32, #tpu.memory_space<hbm>>
        tpu.enqueue_dma source(%dma_start3A_99 : memref<128xi32, #tpu.memory_space<hbm>>) target(%arg8 : memref<128xi32, #tpu.memory_space<vmem>>) target_semaphore(%run_scoped3A : memref<!tpu.dma_semaphore, #tpu.memory_space<semaphore_mem>>)
        %dma_wait3A = arith.constant 0 : i32
        %dma_wait3A_100 = tpu.memref_slice %arg3[%add3A_91, %dma_wait3A] : memref<2500x128xi32, #tpu.memory_space<hbm>> -> memref<1x128xi32, #tpu.memory_space<hbm>>
        %dma_wait3A_101 = tpu.memref_squeeze %dma_wait3A_100 : memref<1x128xi32, #tpu.memory_space<hbm>> -> memref<128xi32, #tpu.memory_space<hbm>>
        %dma_wait3A_102 = arith.constant 0 : i32
        %dma_wait3A_103 = tpu.memref_slice %arg3[%add3A_91, %dma_wait3A_102] : memref<2500x128xi32, #tpu.memory_space<hbm>> -> memref<1x128xi32, #tpu.memory_space<hbm>>
        %dma_wait3A_104 = tpu.memref_squeeze %dma_wait3A_103 : memref<1x128xi32, #tpu.memory_space<hbm>> -> memref<128xi32, #tpu.memory_space<hbm>>
        tpu.wait_dma2 semaphore(%run_scoped3A : memref<!tpu.dma_semaphore, #tpu.memory_space<semaphore_mem>>) src(%dma_wait3A_104 : memref<128xi32, #tpu.memory_space<hbm>>) dst(%arg8 : memref<128xi32, #tpu.memory_space<vmem>>)
        tpu.yield
      }) : () -> ()
      %mul3A_92 = arith.constant 128 : i32
      %mul3A_93 = arith.muli %add3A_91, %mul3A_92 : i32
      "tpu.region"() ({
        %run_scoped3A = tpu.sem_alloc : memref<!tpu.dma_semaphore, #tpu.memory_space<semaphore_mem>>
        %dma_start3A = arith.constant 0 : i32
        %dma_start3A_95 = tpu.memref_slice %arg2[%mul3A_93, %dma_start3A] : memref<320000x128xf32, #tpu.memory_space<hbm>> -> memref<128x128xf32, #tpu.memory_space<hbm>>
        %dma_start3A_96 = arith.constant 0 : i32
        %dma_start3A_97 = tpu.memref_slice %arg2[%mul3A_93, %dma_start3A_96] : memref<320000x128xf32, #tpu.memory_space<hbm>> -> memref<128x128xf32, #tpu.memory_space<hbm>>
        tpu.enqueue_dma source(%dma_start3A_97 : memref<128x128xf32, #tpu.memory_space<hbm>>) target(%arg7 : memref<128x128xf32, #tpu.memory_space<vmem>>) target_semaphore(%run_scoped3A : memref<!tpu.dma_semaphore, #tpu.memory_space<semaphore_mem>>)
        %dma_wait3A = arith.constant 0 : i32
        %dma_wait3A_98 = tpu.memref_slice %arg2[%mul3A_93, %dma_wait3A] : memref<320000x128xf32, #tpu.memory_space<hbm>> -> memref<128x128xf32, #tpu.memory_space<hbm>>
        %dma_wait3A_99 = arith.constant 0 : i32
        %dma_wait3A_100 = tpu.memref_slice %arg2[%mul3A_93, %dma_wait3A_99] : memref<320000x128xf32, #tpu.memory_space<hbm>> -> memref<128x128xf32, #tpu.memory_space<hbm>>
        tpu.wait_dma2 semaphore(%run_scoped3A : memref<!tpu.dma_semaphore, #tpu.memory_space<semaphore_mem>>) src(%dma_wait3A_100 : memref<128x128xf32, #tpu.memory_space<hbm>>) dst(%arg7 : memref<128x128xf32, #tpu.memory_space<vmem>>)
        tpu.yield
      }) : () -> ()
      "tpu.region"() ({
        %run_scoped3A = tpu.sem_alloc : memref<!tpu.dma_semaphore, #tpu.memory_space<semaphore_mem>>
        %dma_start3A = arith.constant 0 : i32
        %dma_start3A_95 = arith.constant 0 : i32
        %dma_start3A_96 = tpu.memref_slice %arg6[%dma_start3A, %dma_start3A_95] : memref<10112x128xf32, #tpu.memory_space<vmem_shared>> -> memref<10112x128xf32, #tpu.memory_space<vmem_shared>>
        tpu.enqueue_indirect_dma source(%arg7 : memref<128x128xf32, #tpu.memory_space<vmem>>) target(%dma_start3A_96 : memref<10112x128xf32, #tpu.memory_space<vmem_shared>>) offsets(%arg8 : memref<128xi32, #tpu.memory_space<vmem>>) semaphore(%run_scoped3A : memref<!tpu.dma_semaphore, #tpu.memory_space<semaphore_mem>>) {add = true}
        %dma_wait3A = arith.constant 0 : i32
        %dma_wait3A_97 = arith.constant 0 : i32
        %dma_wait3A_98 = tpu.memref_slice %arg6[%dma_wait3A, %dma_wait3A_97] : memref<10112x128xf32, #tpu.memory_space<vmem_shared>> -> memref<10112x128xf32, #tpu.memory_space<vmem_shared>>
        tpu.wait_indirect_dma semaphore(%run_scoped3A : memref<!tpu.dma_semaphore, #tpu.memory_space<semaphore_mem>>) src(%arg7 : memref<128x128xf32, #tpu.memory_space<vmem>>) dst(%dma_wait3A_98 : memref<10112x128xf32, #tpu.memory_space<vmem_shared>>)
        tpu.yield
      }) : () -> ()
      %while3A_94 = arith.constant 0 : i32
      scf.yield %while3A_94 : i32
    }
    %while3A_51 = arith.constant 1 : i32
    %while3A_52 = scf.for %while3A_89 = %while3A_48 to %while3A_44 step %while3A_51 iter_args(%while3A_90 = %while3A_50) -> (i32)  : i32 {
      %add3A_91 = arith.addi %add3A_41, %while3A_89 : i32
      "tpu.region"() ({
        %run_scoped3A = tpu.sem_alloc : memref<!tpu.dma_semaphore, #tpu.memory_space<semaphore_mem>>
        %dma_start3A = arith.constant 0 : i32
        %dma_start3A_95 = tpu.memref_slice %arg3[%add3A_91, %dma_start3A] : memref<2500x128xi32, #tpu.memory_space<hbm>> -> memref<1x128xi32, #tpu.memory_space<hbm>>
        %dma_start3A_96 = tpu.memref_squeeze %dma_start3A_95 : memref<1x128xi32, #tpu.memory_space<hbm>> -> memref<128xi32, #tpu.memory_space<hbm>>
        %dma_start3A_97 = arith.constant 0 : i32
        %dma_start3A_98 = tpu.memref_slice %arg3[%add3A_91, %dma_start3A_97] : memref<2500x128xi32, #tpu.memory_space<hbm>> -> memref<1x128xi32, #tpu.memory_space<hbm>>
        %dma_start3A_99 = tpu.memref_squeeze %dma_start3A_98 : memref<1x128xi32, #tpu.memory_space<hbm>> -> memref<128xi32, #tpu.memory_space<hbm>>
        tpu.enqueue_dma source(%dma_start3A_99 : memref<128xi32, #tpu.memory_space<hbm>>) target(%arg8 : memref<128xi32, #tpu.memory_space<vmem>>) target_semaphore(%run_scoped3A : memref<!tpu.dma_semaphore, #tpu.memory_space<semaphore_mem>>)
        %dma_wait3A = arith.constant 0 : i32
        %dma_wait3A_100 = tpu.memref_slice %arg3[%add3A_91, %dma_wait3A] : memref<2500x128xi32, #tpu.memory_space<hbm>> -> memref<1x128xi32, #tpu.memory_space<hbm>>
        %dma_wait3A_101 = tpu.memref_squeeze %dma_wait3A_100 : memref<1x128xi32, #tpu.memory_space<hbm>> -> memref<128xi32, #tpu.memory_space<hbm>>
        %dma_wait3A_102 = arith.constant 0 : i32
        %dma_wait3A_103 = tpu.memref_slice %arg3[%add3A_91, %dma_wait3A_102] : memref<2500x128xi32, #tpu.memory_space<hbm>> -> memref<1x128xi32, #tpu.memory_space<hbm>>
        %dma_wait3A_104 = tpu.memref_squeeze %dma_wait3A_103 : memref<1x128xi32, #tpu.memory_space<hbm>> -> memref<128xi32, #tpu.memory_space<hbm>>
        tpu.wait_dma2 semaphore(%run_scoped3A : memref<!tpu.dma_semaphore, #tpu.memory_space<semaphore_mem>>) src(%dma_wait3A_104 : memref<128xi32, #tpu.memory_space<hbm>>) dst(%arg8 : memref<128xi32, #tpu.memory_space<vmem>>)
        tpu.yield
      }) : () -> ()
      %mul3A_92 = arith.constant 128 : i32
      %mul3A_93 = arith.muli %add3A_91, %mul3A_92 : i32
      "tpu.region"() ({
        %run_scoped3A = tpu.sem_alloc : memref<!tpu.dma_semaphore, #tpu.memory_space<semaphore_mem>>
        %dma_start3A = arith.constant 0 : i32
        %dma_start3A_95 = tpu.memref_slice %arg2[%mul3A_93, %dma_start3A] : memref<320000x128xf32, #tpu.memory_space<hbm>> -> memref<128x128xf32, #tpu.memory_space<hbm>>
        %dma_start3A_96 = arith.constant 0 : i32
        %dma_start3A_97 = tpu.memref_slice %arg2[%mul3A_93, %dma_start3A_96] : memref<320000x128xf32, #tpu.memory_space<hbm>> -> memref<128x128xf32, #tpu.memory_space<hbm>>
        tpu.enqueue_dma source(%dma_start3A_97 : memref<128x128xf32, #tpu.memory_space<hbm>>) target(%arg7 : memref<128x128xf32, #tpu.memory_space<vmem>>) target_semaphore(%run_scoped3A : memref<!tpu.dma_semaphore, #tpu.memory_space<semaphore_mem>>)
        %dma_wait3A = arith.constant 0 : i32
        %dma_wait3A_98 = tpu.memref_slice %arg2[%mul3A_93, %dma_wait3A] : memref<320000x128xf32, #tpu.memory_space<hbm>> -> memref<128x128xf32, #tpu.memory_space<hbm>>
        %dma_wait3A_99 = arith.constant 0 : i32
        %dma_wait3A_100 = tpu.memref_slice %arg2[%mul3A_93, %dma_wait3A_99] : memref<320000x128xf32, #tpu.memory_space<hbm>> -> memref<128x128xf32, #tpu.memory_space<hbm>>
        tpu.wait_dma2 semaphore(%run_scoped3A : memref<!tpu.dma_semaphore, #tpu.memory_space<semaphore_mem>>) src(%dma_wait3A_100 : memref<128x128xf32, #tpu.memory_space<hbm>>) dst(%arg7 : memref<128x128xf32, #tpu.memory_space<vmem>>)
        tpu.yield
      }) : () -> ()
      "tpu.region"() ({
        %run_scoped3A = tpu.sem_alloc : memref<!tpu.dma_semaphore, #tpu.memory_space<semaphore_mem>>
        %dma_start3A = arith.constant 0 : i32
        %dma_start3A_95 = arith.constant 0 : i32
        %dma_start3A_96 = tpu.memref_slice %arg6[%dma_start3A, %dma_start3A_95] : memref<10112x128xf32, #tpu.memory_space<vmem_shared>> -> memref<10112x128xf32, #tpu.memory_space<vmem_shared>>
        tpu.enqueue_indirect_dma source(%arg7 : memref<128x128xf32, #tpu.memory_space<vmem>>) target(%dma_start3A_96 : memref<10112x128xf32, #tpu.memory_space<vmem_shared>>) offsets(%arg8 : memref<128xi32, #tpu.memory_space<vmem>>) semaphore(%run_scoped3A : memref<!tpu.dma_semaphore, #tpu.memory_space<semaphore_mem>>) {add = true}
        %dma_wait3A = arith.constant 0 : i32
        %dma_wait3A_97 = arith.constant 0 : i32
        %dma_wait3A_98 = tpu.memref_slice %arg6[%dma_wait3A, %dma_wait3A_97] : memref<10112x128xf32, #tpu.memory_space<vmem_shared>> -> memref<10112x128xf32, #tpu.memory_space<vmem_shared>>
        tpu.wait_indirect_dma semaphore(%run_scoped3A : memref<!tpu.dma_semaphore, #tpu.memory_space<semaphore_mem>>) src(%arg7 : memref<128x128xf32, #tpu.memory_space<vmem>>) dst(%dma_wait3A_98 : memref<10112x128xf32, #tpu.memory_space<vmem_shared>>)
        tpu.yield
      }) : () -> ()
      %while3A_94 = arith.constant 0 : i32
      scf.yield %while3A_94 : i32
    }
    %barrier3A_53 = arith.constant 0 : index
    tpu.barrier barrier_id(%barrier3A_53)
    %add3A_54 = arith.constant 0 : i32
    %add3A_55 = arith.addi %arg1, %add3A_54 : i32
    %lt3A_56 = arith.constant 79 : i32
    %lt3A_57 = arith.cmpi slt, %add3A_55, %lt3A_56 : i32
    %convert_element_type3A_58 = arith.extui %lt3A_57 : i1 to i32
    %cond3A_59 = arith.constant 0 : i32
    %cond3A_60 = arith.cmpi ne, %convert_element_type3A_58, %cond3A_59 : i32
    scf.if %cond3A_60 {
      %mul3A_89 = arith.constant 128 : i32
      %mul3A_90 = arith.muli %add3A_55, %mul3A_89 : i32
      %mul3A_91 = arith.constant 128 : i32
      %mul3A_92 = arith.muli %add3A_55, %mul3A_91 : i32
      "tpu.region"() ({
        %run_scoped3A = tpu.sem_alloc : memref<!tpu.dma_semaphore, #tpu.memory_space<semaphore_mem>>
        %dma_start3A = arith.constant 0 : i32
        %dma_start3A_93 = tpu.memref_slice %arg5[%arg0, %mul3A_92, %dma_start3A] : memref<2x10112x128xf32, #tpu.memory_space<hbm>> -> memref<1x128x128xf32, #tpu.memory_space<hbm>>
        %dma_start3A_94 = tpu.memref_squeeze %dma_start3A_93 : memref<1x128x128xf32, #tpu.memory_space<hbm>> -> memref<128x128xf32, #tpu.memory_space<hbm>>
        %dma_start3A_95 = arith.constant 0 : i32
        %dma_start3A_96 = tpu.memref_slice %arg6[%mul3A_90, %dma_start3A_95] : memref<10112x128xf32, #tpu.memory_space<vmem_shared>> -> memref<128x128xf32, #tpu.memory_space<vmem_shared>>
        tpu.enqueue_dma source(%dma_start3A_96 : memref<128x128xf32, #tpu.memory_space<vmem_shared>>) target(%dma_start3A_94 : memref<128x128xf32, #tpu.memory_space<hbm>>) target_semaphore(%run_scoped3A : memref<!tpu.dma_semaphore, #tpu.memory_space<semaphore_mem>>)
        %dma_wait3A = arith.constant 0 : i32
        %dma_wait3A_97 = tpu.memref_slice %arg5[%arg0, %mul3A_92, %dma_wait3A] : memref<2x10112x128xf32, #tpu.memory_space<hbm>> -> memref<1x128x128xf32, #tpu.memory_space<hbm>>
        %dma_wait3A_98 = tpu.memref_squeeze %dma_wait3A_97 : memref<1x128x128xf32, #tpu.memory_space<hbm>> -> memref<128x128xf32, #tpu.memory_space<hbm>>
        %dma_wait3A_99 = arith.constant 0 : i32
        %dma_wait3A_100 = tpu.memref_slice %arg6[%mul3A_90, %dma_wait3A_99] : memref<10112x128xf32, #tpu.memory_space<vmem_shared>> -> memref<128x128xf32, #tpu.memory_space<vmem_shared>>
        tpu.wait_dma2 semaphore(%run_scoped3A : memref<!tpu.dma_semaphore, #tpu.memory_space<semaphore_mem>>) src(%dma_wait3A_100 : memref<128x128xf32, #tpu.memory_space<vmem_shared>>) dst(%dma_wait3A_98 : memref<128x128xf32, #tpu.memory_space<hbm>>)
        tpu.yield
      }) : () -> ()
    } else {
    }
    %add3A_61 = arith.constant 16 : i32
    %add3A_62 = arith.addi %arg1, %add3A_61 : i32
    %lt3A_63 = arith.constant 79 : i32
    %lt3A_64 = arith.cmpi slt, %add3A_62, %lt3A_63 : i32
    %convert_element_type3A_65 = arith.extui %lt3A_64 : i1 to i32
    %cond3A_66 = arith.constant 0 : i32
    %cond3A_67 = arith.cmpi ne, %convert_element_type3A_65, %cond3A_66 : i32
    scf.if %cond3A_67 {
      %mul3A_89 = arith.constant 128 : i32
      %mul3A_90 = arith.muli %add3A_62, %mul3A_89 : i32
      %mul3A_91 = arith.constant 128 : i32
      %mul3A_92 = arith.muli %add3A_62, %mul3A_91 : i32
      "tpu.region"() ({
        %run_scoped3A = tpu.sem_alloc : memref<!tpu.dma_semaphore, #tpu.memory_space<semaphore_mem>>
        %dma_start3A = arith.constant 0 : i32
        %dma_start3A_93 = tpu.memref_slice %arg5[%arg0, %mul3A_92, %dma_start3A] : memref<2x10112x128xf32, #tpu.memory_space<hbm>> -> memref<1x128x128xf32, #tpu.memory_space<hbm>>
        %dma_start3A_94 = tpu.memref_squeeze %dma_start3A_93 : memref<1x128x128xf32, #tpu.memory_space<hbm>> -> memref<128x128xf32, #tpu.memory_space<hbm>>
        %dma_start3A_95 = arith.constant 0 : i32
        %dma_start3A_96 = tpu.memref_slice %arg6[%mul3A_90, %dma_start3A_95] : memref<10112x128xf32, #tpu.memory_space<vmem_shared>> -> memref<128x128xf32, #tpu.memory_space<vmem_shared>>
        tpu.enqueue_dma source(%dma_start3A_96 : memref<128x128xf32, #tpu.memory_space<vmem_shared>>) target(%dma_start3A_94 : memref<128x128xf32, #tpu.memory_space<hbm>>) target_semaphore(%run_scoped3A : memref<!tpu.dma_semaphore, #tpu.memory_space<semaphore_mem>>)
        %dma_wait3A = arith.constant 0 : i32
        %dma_wait3A_97 = tpu.memref_slice %arg5[%arg0, %mul3A_92, %dma_wait3A] : memref<2x10112x128xf32, #tpu.memory_space<hbm>> -> memref<1x128x128xf32, #tpu.memory_space<hbm>>
        %dma_wait3A_98 = tpu.memref_squeeze %dma_wait3A_97 : memref<1x128x128xf32, #tpu.memory_space<hbm>> -> memref<128x128xf32, #tpu.memory_space<hbm>>
        %dma_wait3A_99 = arith.constant 0 : i32
        %dma_wait3A_100 = tpu.memref_slice %arg6[%mul3A_90, %dma_wait3A_99] : memref<10112x128xf32, #tpu.memory_space<vmem_shared>> -> memref<128x128xf32, #tpu.memory_space<vmem_shared>>
        tpu.wait_dma2 semaphore(%run_scoped3A : memref<!tpu.dma_semaphore, #tpu.memory_space<semaphore_mem>>) src(%dma_wait3A_100 : memref<128x128xf32, #tpu.memory_space<vmem_shared>>) dst(%dma_wait3A_98 : memref<128x128xf32, #tpu.memory_space<hbm>>)
        tpu.yield
      }) : () -> ()
    } else {
    }
    %add3A_68 = arith.constant 32 : i32
    %add3A_69 = arith.addi %arg1, %add3A_68 : i32
    %lt3A_70 = arith.constant 79 : i32
    %lt3A_71 = arith.cmpi slt, %add3A_69, %lt3A_70 : i32
    %convert_element_type3A_72 = arith.extui %lt3A_71 : i1 to i32
    %cond3A_73 = arith.constant 0 : i32
    %cond3A_74 = arith.cmpi ne, %convert_element_type3A_72, %cond3A_73 : i32
    scf.if %cond3A_74 {
      %mul3A_89 = arith.constant 128 : i32
      %mul3A_90 = arith.muli %add3A_69, %mul3A_89 : i32
      %mul3A_91 = arith.constant 128 : i32
      %mul3A_92 = arith.muli %add3A_69, %mul3A_91 : i32
      "tpu.region"() ({
        %run_scoped3A = tpu.sem_alloc : memref<!tpu.dma_semaphore, #tpu.memory_space<semaphore_mem>>
        %dma_start3A = arith.constant 0 : i32
        %dma_start3A_93 = tpu.memref_slice %arg5[%arg0, %mul3A_92, %dma_start3A] : memref<2x10112x128xf32, #tpu.memory_space<hbm>> -> memref<1x128x128xf32, #tpu.memory_space<hbm>>
        %dma_start3A_94 = tpu.memref_squeeze %dma_start3A_93 : memref<1x128x128xf32, #tpu.memory_space<hbm>> -> memref<128x128xf32, #tpu.memory_space<hbm>>
        %dma_start3A_95 = arith.constant 0 : i32
        %dma_start3A_96 = tpu.memref_slice %arg6[%mul3A_90, %dma_start3A_95] : memref<10112x128xf32, #tpu.memory_space<vmem_shared>> -> memref<128x128xf32, #tpu.memory_space<vmem_shared>>
        tpu.enqueue_dma source(%dma_start3A_96 : memref<128x128xf32, #tpu.memory_space<vmem_shared>>) target(%dma_start3A_94 : memref<128x128xf32, #tpu.memory_space<hbm>>) target_semaphore(%run_scoped3A : memref<!tpu.dma_semaphore, #tpu.memory_space<semaphore_mem>>)
        %dma_wait3A = arith.constant 0 : i32
        %dma_wait3A_97 = tpu.memref_slice %arg5[%arg0, %mul3A_92, %dma_wait3A] : memref<2x10112x128xf32, #tpu.memory_space<hbm>> -> memref<1x128x128xf32, #tpu.memory_space<hbm>>
        %dma_wait3A_98 = tpu.memref_squeeze %dma_wait3A_97 : memref<1x128x128xf32, #tpu.memory_space<hbm>> -> memref<128x128xf32, #tpu.memory_space<hbm>>
        %dma_wait3A_99 = arith.constant 0 : i32
        %dma_wait3A_100 = tpu.memref_slice %arg6[%mul3A_90, %dma_wait3A_99] : memref<10112x128xf32, #tpu.memory_space<vmem_shared>> -> memref<128x128xf32, #tpu.memory_space<vmem_shared>>
        tpu.wait_dma2 semaphore(%run_scoped3A : memref<!tpu.dma_semaphore, #tpu.memory_space<semaphore_mem>>) src(%dma_wait3A_100 : memref<128x128xf32, #tpu.memory_space<vmem_shared>>) dst(%dma_wait3A_98 : memref<128x128xf32, #tpu.memory_space<hbm>>)
        tpu.yield
      }) : () -> ()
    } else {
    }
    %add3A_75 = arith.constant 48 : i32
    %add3A_76 = arith.addi %arg1, %add3A_75 : i32
    %lt3A_77 = arith.constant 79 : i32
    %lt3A_78 = arith.cmpi slt, %add3A_76, %lt3A_77 : i32
    %convert_element_type3A_79 = arith.extui %lt3A_78 : i1 to i32
    %cond3A_80 = arith.constant 0 : i32
    %cond3A_81 = arith.cmpi ne, %convert_element_type3A_79, %cond3A_80 : i32
    scf.if %cond3A_81 {
      %mul3A_89 = arith.constant 128 : i32
      %mul3A_90 = arith.muli %add3A_76, %mul3A_89 : i32
      %mul3A_91 = arith.constant 128 : i32
      %mul3A_92 = arith.muli %add3A_76, %mul3A_91 : i32
      "tpu.region"() ({
        %run_scoped3A = tpu.sem_alloc : memref<!tpu.dma_semaphore, #tpu.memory_space<semaphore_mem>>
        %dma_start3A = arith.constant 0 : i32
        %dma_start3A_93 = tpu.memref_slice %arg5[%arg0, %mul3A_92, %dma_start3A] : memref<2x10112x128xf32, #tpu.memory_space<hbm>> -> memref<1x128x128xf32, #tpu.memory_space<hbm>>
        %dma_start3A_94 = tpu.memref_squeeze %dma_start3A_93 : memref<1x128x128xf32, #tpu.memory_space<hbm>> -> memref<128x128xf32, #tpu.memory_space<hbm>>
        %dma_start3A_95 = arith.constant 0 : i32
        %dma_start3A_96 = tpu.memref_slice %arg6[%mul3A_90, %dma_start3A_95] : memref<10112x128xf32, #tpu.memory_space<vmem_shared>> -> memref<128x128xf32, #tpu.memory_space<vmem_shared>>
        tpu.enqueue_dma source(%dma_start3A_96 : memref<128x128xf32, #tpu.memory_space<vmem_shared>>) target(%dma_start3A_94 : memref<128x128xf32, #tpu.memory_space<hbm>>) target_semaphore(%run_scoped3A : memref<!tpu.dma_semaphore, #tpu.memory_space<semaphore_mem>>)
        %dma_wait3A = arith.constant 0 : i32
        %dma_wait3A_97 = tpu.memref_slice %arg5[%arg0, %mul3A_92, %dma_wait3A] : memref<2x10112x128xf32, #tpu.memory_space<hbm>> -> memref<1x128x128xf32, #tpu.memory_space<hbm>>
        %dma_wait3A_98 = tpu.memref_squeeze %dma_wait3A_97 : memref<1x128x128xf32, #tpu.memory_space<hbm>> -> memref<128x128xf32, #tpu.memory_space<hbm>>
        %dma_wait3A_99 = arith.constant 0 : i32
        %dma_wait3A_100 = tpu.memref_slice %arg6[%mul3A_90, %dma_wait3A_99] : memref<10112x128xf32, #tpu.memory_space<vmem_shared>> -> memref<128x128xf32, #tpu.memory_space<vmem_shared>>
        tpu.wait_dma2 semaphore(%run_scoped3A : memref<!tpu.dma_semaphore, #tpu.memory_space<semaphore_mem>>) src(%dma_wait3A_100 : memref<128x128xf32, #tpu.memory_space<vmem_shared>>) dst(%dma_wait3A_98 : memref<128x128xf32, #tpu.memory_space<hbm>>)
        tpu.yield
      }) : () -> ()
    } else {
    }
    %add3A_82 = arith.constant 64 : i32
    %add3A_83 = arith.addi %arg1, %add3A_82 : i32
    %lt3A_84 = arith.constant 79 : i32
    %lt3A_85 = arith.cmpi slt, %add3A_83, %lt3A_84 : i32
    %convert_element_type3A_86 = arith.extui %lt3A_85 : i1 to i32
    %cond3A_87 = arith.constant 0 : i32
    %cond3A_88 = arith.cmpi ne, %convert_element_type3A_86, %cond3A_87 : i32
    scf.if %cond3A_88 {
      %mul3A_89 = arith.constant 128 : i32
      %mul3A_90 = arith.muli %add3A_83, %mul3A_89 : i32
      %mul3A_91 = arith.constant 128 : i32
      %mul3A_92 = arith.muli %add3A_83, %mul3A_91 : i32
      "tpu.region"() ({
        %run_scoped3A = tpu.sem_alloc : memref<!tpu.dma_semaphore, #tpu.memory_space<semaphore_mem>>
        %dma_start3A = arith.constant 0 : i32
        %dma_start3A_93 = tpu.memref_slice %arg5[%arg0, %mul3A_92, %dma_start3A] : memref<2x10112x128xf32, #tpu.memory_space<hbm>> -> memref<1x128x128xf32, #tpu.memory_space<hbm>>
        %dma_start3A_94 = tpu.memref_squeeze %dma_start3A_93 : memref<1x128x128xf32, #tpu.memory_space<hbm>> -> memref<128x128xf32, #tpu.memory_space<hbm>>
        %dma_start3A_95 = arith.constant 0 : i32
        %dma_start3A_96 = tpu.memref_slice %arg6[%mul3A_90, %dma_start3A_95] : memref<10112x128xf32, #tpu.memory_space<vmem_shared>> -> memref<128x128xf32, #tpu.memory_space<vmem_shared>>
        tpu.enqueue_dma source(%dma_start3A_96 : memref<128x128xf32, #tpu.memory_space<vmem_shared>>) target(%dma_start3A_94 : memref<128x128xf32, #tpu.memory_space<hbm>>) target_semaphore(%run_scoped3A : memref<!tpu.dma_semaphore, #tpu.memory_space<semaphore_mem>>)
        %dma_wait3A = arith.constant 0 : i32
        %dma_wait3A_97 = tpu.memref_slice %arg5[%arg0, %mul3A_92, %dma_wait3A] : memref<2x10112x128xf32, #tpu.memory_space<hbm>> -> memref<1x128x128xf32, #tpu.memory_space<hbm>>
        %dma_wait3A_98 = tpu.memref_squeeze %dma_wait3A_97 : memref<1x128x128xf32, #tpu.memory_space<hbm>> -> memref<128x128xf32, #tpu.memory_space<hbm>>
        %dma_wait3A_99 = arith.constant 0 : i32
        %dma_wait3A_100 = tpu.memref_slice %arg6[%mul3A_90, %dma_wait3A_99] : memref<10112x128xf32, #tpu.memory_space<vmem_shared>> -> memref<128x128xf32, #tpu.memory_space<vmem_shared>>
        tpu.wait_dma2 semaphore(%run_scoped3A : memref<!tpu.dma_semaphore, #tpu.memory_space<semaphore_mem>>) src(%dma_wait3A_100 : memref<128x128xf32, #tpu.memory_space<vmem_shared>>) dst(%dma_wait3A_98 : memref<128x128xf32, #tpu.memory_space<hbm>>)
        tpu.yield
      }) : () -> ()
    } else {
    }
    return
  }
}

#map = affine_map<(d0, d1) -> (0, 0)>
module attributes {stable_mosaic.version = 14 : i64} {
  func.func @_sc_gather_body(%arg0: i32, %arg1: i32, %arg2: memref<10112x128xf32, #tpu.memory_space<hbm>>, %arg3: memref<2500x128xi32, #tpu.memory_space<hbm>>, %arg4: memref<320000x128xf32, #tpu.memory_space<hbm>>, %arg5: memref<128xi32, #tpu.memory_space<vmem>>, %arg6: memref<128x128xf32, #tpu.memory_space<vmem>>, %arg7: memref<!tpu.dma_semaphore, #tpu.memory_space<semaphore_mem>>) attributes {dimension_semantics = [#tpu.dimension_semantics<core_parallel>, #tpu.dimension_semantics<subcore_parallel>], iteration_bounds = array<i64: 2, 16>, scalar_prefetch = 0 : i64, scratch_operands = 3 : i64, tpu.core_type = #tpu.core_type<sc_vector_subcore>, window_params = [{transform_indices = #map}, {transform_indices = #map}, {transform_indices = #map}]} {
    %mul3A = arith.constant 2 : i32
    %mul3A_0 = arith.muli %arg1, %mul3A : i32
    %add3A = arith.addi %mul3A_0, %arg0 : i32
    %lt3A = arith.constant 4 : i32
    %lt3A_1 = arith.cmpi slt, %add3A, %lt3A : i32
    %jit3A = arith.constant 1 : i32
    %jit3A_2 = arith.constant 0 : i32
    %select_n3A = arith.select %lt3A_1, %jit3A, %jit3A_2 : i32
    %add3A_3 = arith.constant 78 : i32
    %add3A_4 = arith.addi %add3A_3, %select_n3A : i32
    %mul3A_5 = arith.constant 78 : i32
    %mul3A_6 = arith.muli %add3A, %mul3A_5 : i32
    %min3A = arith.constant 4 : i32
    %min3A_7 = arith.minsi %add3A, %min3A : i32
    %add3A_8 = arith.addi %mul3A_6, %min3A_7 : i32
    %while3A = arith.constant 0 : i32
    %while3A_9 = arith.constant 0 : i32
    %while3A_10 = arith.subi %add3A_4, %while3A : i32
    %while3A_11 = arith.addi %while3A, %while3A_10 : i32
    %while3A_12 = arith.constant 1 : i32
    %while3A_13 = arith.divsi %while3A_10, %while3A_12 : i32
    %while3A_14 = arith.muli %while3A_13, %while3A_12 : i32
    %while3A_15 = arith.addi %while3A, %while3A_14 : i32
    %while3A_16 = arith.constant 1 : i32
    %while3A_17 = scf.for %while3A_20 = %while3A to %while3A_15 step %while3A_16 iter_args(%while3A_21 = %while3A_9) -> (i32)  : i32 {
      %add3A_22 = arith.addi %add3A_8, %while3A_20 : i32
      "tpu.region"() ({
        %run_scoped3A = tpu.sem_alloc : memref<!tpu.dma_semaphore, #tpu.memory_space<semaphore_mem>>
        %dma_start3A_30 = arith.constant 0 : i32
        %dma_start3A_31 = tpu.memref_slice %arg3[%add3A_22, %dma_start3A_30] : memref<2500x128xi32, #tpu.memory_space<hbm>> -> memref<1x128xi32, #tpu.memory_space<hbm>>
        %dma_start3A_32 = tpu.memref_squeeze %dma_start3A_31 : memref<1x128xi32, #tpu.memory_space<hbm>> -> memref<128xi32, #tpu.memory_space<hbm>>
        %dma_start3A_33 = arith.constant 0 : i32
        %dma_start3A_34 = tpu.memref_slice %arg3[%add3A_22, %dma_start3A_33] : memref<2500x128xi32, #tpu.memory_space<hbm>> -> memref<1x128xi32, #tpu.memory_space<hbm>>
        %dma_start3A_35 = tpu.memref_squeeze %dma_start3A_34 : memref<1x128xi32, #tpu.memory_space<hbm>> -> memref<128xi32, #tpu.memory_space<hbm>>
        tpu.enqueue_dma source(%dma_start3A_35 : memref<128xi32, #tpu.memory_space<hbm>>) target(%arg5 : memref<128xi32, #tpu.memory_space<vmem>>) target_semaphore(%run_scoped3A : memref<!tpu.dma_semaphore, #tpu.memory_space<semaphore_mem>>)
        %dma_wait3A_36 = arith.constant 0 : i32
        %dma_wait3A_37 = tpu.memref_slice %arg3[%add3A_22, %dma_wait3A_36] : memref<2500x128xi32, #tpu.memory_space<hbm>> -> memref<1x128xi32, #tpu.memory_space<hbm>>
        %dma_wait3A_38 = tpu.memref_squeeze %dma_wait3A_37 : memref<1x128xi32, #tpu.memory_space<hbm>> -> memref<128xi32, #tpu.memory_space<hbm>>
        %dma_wait3A_39 = arith.constant 0 : i32
        %dma_wait3A_40 = tpu.memref_slice %arg3[%add3A_22, %dma_wait3A_39] : memref<2500x128xi32, #tpu.memory_space<hbm>> -> memref<1x128xi32, #tpu.memory_space<hbm>>
        %dma_wait3A_41 = tpu.memref_squeeze %dma_wait3A_40 : memref<1x128xi32, #tpu.memory_space<hbm>> -> memref<128xi32, #tpu.memory_space<hbm>>
        tpu.wait_dma2 semaphore(%run_scoped3A : memref<!tpu.dma_semaphore, #tpu.memory_space<semaphore_mem>>) src(%dma_wait3A_41 : memref<128xi32, #tpu.memory_space<hbm>>) dst(%arg5 : memref<128xi32, #tpu.memory_space<vmem>>)
        tpu.yield
      }) : () -> ()
      %dma_start3A = arith.constant 0 : i32
      %dma_start3A_23 = arith.constant 0 : i32
      %dma_start3A_24 = tpu.memref_slice %arg2[%dma_start3A, %dma_start3A_23] : memref<10112x128xf32, #tpu.memory_space<hbm>> -> memref<10112x128xf32, #tpu.memory_space<hbm>>
      tpu.enqueue_indirect_dma source(%dma_start3A_24 : memref<10112x128xf32, #tpu.memory_space<hbm>>) target(%arg6 : memref<128x128xf32, #tpu.memory_space<vmem>>) offsets(%arg5 : memref<128xi32, #tpu.memory_space<vmem>>) semaphore(%arg7 : memref<!tpu.dma_semaphore, #tpu.memory_space<semaphore_mem>>)
      %dma_wait3A = arith.constant 0 : i32
      %dma_wait3A_25 = arith.constant 0 : i32
      %dma_wait3A_26 = tpu.memref_slice %arg2[%dma_wait3A, %dma_wait3A_25] : memref<10112x128xf32, #tpu.memory_space<hbm>> -> memref<10112x128xf32, #tpu.memory_space<hbm>>
      tpu.wait_indirect_dma semaphore(%arg7 : memref<!tpu.dma_semaphore, #tpu.memory_space<semaphore_mem>>) src(%dma_wait3A_26 : memref<10112x128xf32, #tpu.memory_space<hbm>>) dst(%arg6 : memref<128x128xf32, #tpu.memory_space<vmem>>)
      %mul3A_27 = arith.constant 128 : i32
      %mul3A_28 = arith.muli %add3A_22, %mul3A_27 : i32
      "tpu.region"() ({
        %run_scoped3A = tpu.sem_alloc : memref<!tpu.dma_semaphore, #tpu.memory_space<semaphore_mem>>
        %dma_start3A_30 = arith.constant 0 : i32
        %dma_start3A_31 = tpu.memref_slice %arg4[%mul3A_28, %dma_start3A_30] : memref<320000x128xf32, #tpu.memory_space<hbm>> -> memref<128x128xf32, #tpu.memory_space<hbm>>
        %dma_start3A_32 = arith.constant 0 : i32
        %dma_start3A_33 = tpu.memref_slice %arg4[%mul3A_28, %dma_start3A_32] : memref<320000x128xf32, #tpu.memory_space<hbm>> -> memref<128x128xf32, #tpu.memory_space<hbm>>
        tpu.enqueue_dma source(%arg6 : memref<128x128xf32, #tpu.memory_space<vmem>>) target(%dma_start3A_33 : memref<128x128xf32, #tpu.memory_space<hbm>>) target_semaphore(%run_scoped3A : memref<!tpu.dma_semaphore, #tpu.memory_space<semaphore_mem>>)
        %dma_wait3A_34 = arith.constant 0 : i32
        %dma_wait3A_35 = tpu.memref_slice %arg4[%mul3A_28, %dma_wait3A_34] : memref<320000x128xf32, #tpu.memory_space<hbm>> -> memref<128x128xf32, #tpu.memory_space<hbm>>
        %dma_wait3A_36 = arith.constant 0 : i32
        %dma_wait3A_37 = tpu.memref_slice %arg4[%mul3A_28, %dma_wait3A_36] : memref<320000x128xf32, #tpu.memory_space<hbm>> -> memref<128x128xf32, #tpu.memory_space<hbm>>
        tpu.wait_dma2 semaphore(%run_scoped3A : memref<!tpu.dma_semaphore, #tpu.memory_space<semaphore_mem>>) src(%arg6 : memref<128x128xf32, #tpu.memory_space<vmem>>) dst(%dma_wait3A_37 : memref<128x128xf32, #tpu.memory_space<hbm>>)
        tpu.yield
      }) : () -> ()
      %while3A_29 = arith.constant 0 : i32
      scf.yield %while3A_29 : i32
    }
    %while3A_18 = arith.constant 1 : i32
    %while3A_19 = scf.for %while3A_20 = %while3A_15 to %while3A_11 step %while3A_18 iter_args(%while3A_21 = %while3A_17) -> (i32)  : i32 {
      %add3A_22 = arith.addi %add3A_8, %while3A_20 : i32
      "tpu.region"() ({
        %run_scoped3A = tpu.sem_alloc : memref<!tpu.dma_semaphore, #tpu.memory_space<semaphore_mem>>
        %dma_start3A_30 = arith.constant 0 : i32
        %dma_start3A_31 = tpu.memref_slice %arg3[%add3A_22, %dma_start3A_30] : memref<2500x128xi32, #tpu.memory_space<hbm>> -> memref<1x128xi32, #tpu.memory_space<hbm>>
        %dma_start3A_32 = tpu.memref_squeeze %dma_start3A_31 : memref<1x128xi32, #tpu.memory_space<hbm>> -> memref<128xi32, #tpu.memory_space<hbm>>
        %dma_start3A_33 = arith.constant 0 : i32
        %dma_start3A_34 = tpu.memref_slice %arg3[%add3A_22, %dma_start3A_33] : memref<2500x128xi32, #tpu.memory_space<hbm>> -> memref<1x128xi32, #tpu.memory_space<hbm>>
        %dma_start3A_35 = tpu.memref_squeeze %dma_start3A_34 : memref<1x128xi32, #tpu.memory_space<hbm>> -> memref<128xi32, #tpu.memory_space<hbm>>
        tpu.enqueue_dma source(%dma_start3A_35 : memref<128xi32, #tpu.memory_space<hbm>>) target(%arg5 : memref<128xi32, #tpu.memory_space<vmem>>) target_semaphore(%run_scoped3A : memref<!tpu.dma_semaphore, #tpu.memory_space<semaphore_mem>>)
        %dma_wait3A_36 = arith.constant 0 : i32
        %dma_wait3A_37 = tpu.memref_slice %arg3[%add3A_22, %dma_wait3A_36] : memref<2500x128xi32, #tpu.memory_space<hbm>> -> memref<1x128xi32, #tpu.memory_space<hbm>>
        %dma_wait3A_38 = tpu.memref_squeeze %dma_wait3A_37 : memref<1x128xi32, #tpu.memory_space<hbm>> -> memref<128xi32, #tpu.memory_space<hbm>>
        %dma_wait3A_39 = arith.constant 0 : i32
        %dma_wait3A_40 = tpu.memref_slice %arg3[%add3A_22, %dma_wait3A_39] : memref<2500x128xi32, #tpu.memory_space<hbm>> -> memref<1x128xi32, #tpu.memory_space<hbm>>
        %dma_wait3A_41 = tpu.memref_squeeze %dma_wait3A_40 : memref<1x128xi32, #tpu.memory_space<hbm>> -> memref<128xi32, #tpu.memory_space<hbm>>
        tpu.wait_dma2 semaphore(%run_scoped3A : memref<!tpu.dma_semaphore, #tpu.memory_space<semaphore_mem>>) src(%dma_wait3A_41 : memref<128xi32, #tpu.memory_space<hbm>>) dst(%arg5 : memref<128xi32, #tpu.memory_space<vmem>>)
        tpu.yield
      }) : () -> ()
      %dma_start3A = arith.constant 0 : i32
      %dma_start3A_23 = arith.constant 0 : i32
      %dma_start3A_24 = tpu.memref_slice %arg2[%dma_start3A, %dma_start3A_23] : memref<10112x128xf32, #tpu.memory_space<hbm>> -> memref<10112x128xf32, #tpu.memory_space<hbm>>
      tpu.enqueue_indirect_dma source(%dma_start3A_24 : memref<10112x128xf32, #tpu.memory_space<hbm>>) target(%arg6 : memref<128x128xf32, #tpu.memory_space<vmem>>) offsets(%arg5 : memref<128xi32, #tpu.memory_space<vmem>>) semaphore(%arg7 : memref<!tpu.dma_semaphore, #tpu.memory_space<semaphore_mem>>)
      %dma_wait3A = arith.constant 0 : i32
      %dma_wait3A_25 = arith.constant 0 : i32
      %dma_wait3A_26 = tpu.memref_slice %arg2[%dma_wait3A, %dma_wait3A_25] : memref<10112x128xf32, #tpu.memory_space<hbm>> -> memref<10112x128xf32, #tpu.memory_space<hbm>>
      tpu.wait_indirect_dma semaphore(%arg7 : memref<!tpu.dma_semaphore, #tpu.memory_space<semaphore_mem>>) src(%dma_wait3A_26 : memref<10112x128xf32, #tpu.memory_space<hbm>>) dst(%arg6 : memref<128x128xf32, #tpu.memory_space<vmem>>)
      %mul3A_27 = arith.constant 128 : i32
      %mul3A_28 = arith.muli %add3A_22, %mul3A_27 : i32
      "tpu.region"() ({
        %run_scoped3A = tpu.sem_alloc : memref<!tpu.dma_semaphore, #tpu.memory_space<semaphore_mem>>
        %dma_start3A_30 = arith.constant 0 : i32
        %dma_start3A_31 = tpu.memref_slice %arg4[%mul3A_28, %dma_start3A_30] : memref<320000x128xf32, #tpu.memory_space<hbm>> -> memref<128x128xf32, #tpu.memory_space<hbm>>
        %dma_start3A_32 = arith.constant 0 : i32
        %dma_start3A_33 = tpu.memref_slice %arg4[%mul3A_28, %dma_start3A_32] : memref<320000x128xf32, #tpu.memory_space<hbm>> -> memref<128x128xf32, #tpu.memory_space<hbm>>
        tpu.enqueue_dma source(%arg6 : memref<128x128xf32, #tpu.memory_space<vmem>>) target(%dma_start3A_33 : memref<128x128xf32, #tpu.memory_space<hbm>>) target_semaphore(%run_scoped3A : memref<!tpu.dma_semaphore, #tpu.memory_space<semaphore_mem>>)
        %dma_wait3A_34 = arith.constant 0 : i32
        %dma_wait3A_35 = tpu.memref_slice %arg4[%mul3A_28, %dma_wait3A_34] : memref<320000x128xf32, #tpu.memory_space<hbm>> -> memref<128x128xf32, #tpu.memory_space<hbm>>
        %dma_wait3A_36 = arith.constant 0 : i32
        %dma_wait3A_37 = tpu.memref_slice %arg4[%mul3A_28, %dma_wait3A_36] : memref<320000x128xf32, #tpu.memory_space<hbm>> -> memref<128x128xf32, #tpu.memory_space<hbm>>
        tpu.wait_dma2 semaphore(%run_scoped3A : memref<!tpu.dma_semaphore, #tpu.memory_space<semaphore_mem>>) src(%arg6 : memref<128x128xf32, #tpu.memory_space<vmem>>) dst(%dma_wait3A_37 : memref<128x128xf32, #tpu.memory_space<hbm>>)
        tpu.yield
      }) : () -> ()
      %while3A_29 = arith.constant 0 : i32
      scf.yield %while3A_29 : i32
    }
    return
  }
}

#map = affine_map<(d0, d1) -> (0, 0)>
#map1 = affine_map<(d0, d1) -> (0, 0, 0)>
module attributes {stable_mosaic.version = 14 : i64} {
  func.func @_sc_scatter_body(%arg0: i32, %arg1: i32, %arg2: memref<320000x128xf32, #tpu.memory_space<hbm>>, %arg3: memref<2500x128xi32, #tpu.memory_space<hbm>>, %arg4: memref<128x128xf32, #tpu.memory_space<hbm>>, %arg5: memref<2x10112x128xf32, #tpu.memory_space<hbm>>, %arg6: memref<10112x128xf32, #tpu.memory_space<vmem_shared>>, %arg7: memref<128x128xf32, #tpu.memory_space<vmem>>, %arg8: memref<128xi32, #tpu.memory_space<vmem>>) attributes {dimension_semantics = [#tpu.dimension_semantics<core_parallel>, #tpu.dimension_semantics<subcore_parallel>], iteration_bounds = array<i64: 2, 16>, scalar_prefetch = 0 : i64, scratch_operands = 3 : i64, tpu.core_type = #tpu.core_type<sc_vector_subcore>, window_params = [{transform_indices = #map}, {transform_indices = #map}, {transform_indices = #map}, {transform_indices = #map1}]} {
    "tpu.region"() ({
      %run_scoped3A = tpu.sem_alloc : memref<!tpu.dma_semaphore, #tpu.memory_space<semaphore_mem>>
      tpu.enqueue_dma source(%arg4 : memref<128x128xf32, #tpu.memory_space<hbm>>) target(%arg7 : memref<128x128xf32, #tpu.memory_space<vmem>>) target_semaphore(%run_scoped3A : memref<!tpu.dma_semaphore, #tpu.memory_space<semaphore_mem>>)
      tpu.wait_dma2 semaphore(%run_scoped3A : memref<!tpu.dma_semaphore, #tpu.memory_space<semaphore_mem>>) src(%arg4 : memref<128x128xf32, #tpu.memory_space<hbm>>) dst(%arg7 : memref<128x128xf32, #tpu.memory_space<vmem>>)
      tpu.yield
    }) : () -> ()
    %add3A = arith.constant 0 : i32
    %add3A_0 = arith.addi %arg1, %add3A : i32
    %lt3A = arith.constant 79 : i32
    %lt3A_1 = arith.cmpi slt, %add3A_0, %lt3A : i32
    %convert_element_type3A = arith.extui %lt3A_1 : i1 to i32
    %cond3A = arith.constant 0 : i32
    %cond3A_2 = arith.cmpi ne, %convert_element_type3A, %cond3A : i32
    scf.if %cond3A_2 {
      %mul3A_89 = arith.constant 128 : i32
      %mul3A_90 = arith.muli %add3A_0, %mul3A_89 : i32
      "tpu.region"() ({
        %run_scoped3A = tpu.sem_alloc : memref<!tpu.dma_semaphore, #tpu.memory_space<semaphore_mem>>
        %dma_start3A = arith.constant 0 : i32
        %dma_start3A_91 = tpu.memref_slice %arg6[%mul3A_90, %dma_start3A] : memref<10112x128xf32, #tpu.memory_space<vmem_shared>> -> memref<128x128xf32, #tpu.memory_space<vmem_shared>>
        %dma_start3A_92 = arith.constant 0 : i32
        %dma_start3A_93 = tpu.memref_slice %arg6[%mul3A_90, %dma_start3A_92] : memref<10112x128xf32, #tpu.memory_space<vmem_shared>> -> memref<128x128xf32, #tpu.memory_space<vmem_shared>>
        tpu.enqueue_dma source(%arg7 : memref<128x128xf32, #tpu.memory_space<vmem>>) target(%dma_start3A_93 : memref<128x128xf32, #tpu.memory_space<vmem_shared>>) target_semaphore(%run_scoped3A : memref<!tpu.dma_semaphore, #tpu.memory_space<semaphore_mem>>)
        %dma_wait3A = arith.constant 0 : i32
        %dma_wait3A_94 = tpu.memref_slice %arg6[%mul3A_90, %dma_wait3A] : memref<10112x128xf32, #tpu.memory_space<vmem_shared>> -> memref<128x128xf32, #tpu.memory_space<vmem_shared>>
        %dma_wait3A_95 = arith.constant 0 : i32
        %dma_wait3A_96 = tpu.memref_slice %arg6[%mul3A_90, %dma_wait3A_95] : memref<10112x128xf32, #tpu.memory_space<vmem_shared>> -> memref<128x128xf32, #tpu.memory_space<vmem_shared>>
        tpu.wait_dma2 semaphore(%run_scoped3A : memref<!tpu.dma_semaphore, #tpu.memory_space<semaphore_mem>>) src(%arg7 : memref<128x128xf32, #tpu.memory_space<vmem>>) dst(%dma_wait3A_96 : memref<128x128xf32, #tpu.memory_space<vmem_shared>>)
        tpu.yield
      }) : () -> ()
    } else {
    }
    %add3A_3 = arith.constant 16 : i32
    %add3A_4 = arith.addi %arg1, %add3A_3 : i32
    %lt3A_5 = arith.constant 79 : i32
    %lt3A_6 = arith.cmpi slt, %add3A_4, %lt3A_5 : i32
    %convert_element_type3A_7 = arith.extui %lt3A_6 : i1 to i32
    %cond3A_8 = arith.constant 0 : i32
    %cond3A_9 = arith.cmpi ne, %convert_element_type3A_7, %cond3A_8 : i32
    scf.if %cond3A_9 {
      %mul3A_89 = arith.constant 128 : i32
      %mul3A_90 = arith.muli %add3A_4, %mul3A_89 : i32
      "tpu.region"() ({
        %run_scoped3A = tpu.sem_alloc : memref<!tpu.dma_semaphore, #tpu.memory_space<semaphore_mem>>
        %dma_start3A = arith.constant 0 : i32
        %dma_start3A_91 = tpu.memref_slice %arg6[%mul3A_90, %dma_start3A] : memref<10112x128xf32, #tpu.memory_space<vmem_shared>> -> memref<128x128xf32, #tpu.memory_space<vmem_shared>>
        %dma_start3A_92 = arith.constant 0 : i32
        %dma_start3A_93 = tpu.memref_slice %arg6[%mul3A_90, %dma_start3A_92] : memref<10112x128xf32, #tpu.memory_space<vmem_shared>> -> memref<128x128xf32, #tpu.memory_space<vmem_shared>>
        tpu.enqueue_dma source(%arg7 : memref<128x128xf32, #tpu.memory_space<vmem>>) target(%dma_start3A_93 : memref<128x128xf32, #tpu.memory_space<vmem_shared>>) target_semaphore(%run_scoped3A : memref<!tpu.dma_semaphore, #tpu.memory_space<semaphore_mem>>)
        %dma_wait3A = arith.constant 0 : i32
        %dma_wait3A_94 = tpu.memref_slice %arg6[%mul3A_90, %dma_wait3A] : memref<10112x128xf32, #tpu.memory_space<vmem_shared>> -> memref<128x128xf32, #tpu.memory_space<vmem_shared>>
        %dma_wait3A_95 = arith.constant 0 : i32
        %dma_wait3A_96 = tpu.memref_slice %arg6[%mul3A_90, %dma_wait3A_95] : memref<10112x128xf32, #tpu.memory_space<vmem_shared>> -> memref<128x128xf32, #tpu.memory_space<vmem_shared>>
        tpu.wait_dma2 semaphore(%run_scoped3A : memref<!tpu.dma_semaphore, #tpu.memory_space<semaphore_mem>>) src(%arg7 : memref<128x128xf32, #tpu.memory_space<vmem>>) dst(%dma_wait3A_96 : memref<128x128xf32, #tpu.memory_space<vmem_shared>>)
        tpu.yield
      }) : () -> ()
    } else {
    }
    %add3A_10 = arith.constant 32 : i32
    %add3A_11 = arith.addi %arg1, %add3A_10 : i32
    %lt3A_12 = arith.constant 79 : i32
    %lt3A_13 = arith.cmpi slt, %add3A_11, %lt3A_12 : i32
    %convert_element_type3A_14 = arith.extui %lt3A_13 : i1 to i32
    %cond3A_15 = arith.constant 0 : i32
    %cond3A_16 = arith.cmpi ne, %convert_element_type3A_14, %cond3A_15 : i32
    scf.if %cond3A_16 {
      %mul3A_89 = arith.constant 128 : i32
      %mul3A_90 = arith.muli %add3A_11, %mul3A_89 : i32
      "tpu.region"() ({
        %run_scoped3A = tpu.sem_alloc : memref<!tpu.dma_semaphore, #tpu.memory_space<semaphore_mem>>
        %dma_start3A = arith.constant 0 : i32
        %dma_start3A_91 = tpu.memref_slice %arg6[%mul3A_90, %dma_start3A] : memref<10112x128xf32, #tpu.memory_space<vmem_shared>> -> memref<128x128xf32, #tpu.memory_space<vmem_shared>>
        %dma_start3A_92 = arith.constant 0 : i32
        %dma_start3A_93 = tpu.memref_slice %arg6[%mul3A_90, %dma_start3A_92] : memref<10112x128xf32, #tpu.memory_space<vmem_shared>> -> memref<128x128xf32, #tpu.memory_space<vmem_shared>>
        tpu.enqueue_dma source(%arg7 : memref<128x128xf32, #tpu.memory_space<vmem>>) target(%dma_start3A_93 : memref<128x128xf32, #tpu.memory_space<vmem_shared>>) target_semaphore(%run_scoped3A : memref<!tpu.dma_semaphore, #tpu.memory_space<semaphore_mem>>)
        %dma_wait3A = arith.constant 0 : i32
        %dma_wait3A_94 = tpu.memref_slice %arg6[%mul3A_90, %dma_wait3A] : memref<10112x128xf32, #tpu.memory_space<vmem_shared>> -> memref<128x128xf32, #tpu.memory_space<vmem_shared>>
        %dma_wait3A_95 = arith.constant 0 : i32
        %dma_wait3A_96 = tpu.memref_slice %arg6[%mul3A_90, %dma_wait3A_95] : memref<10112x128xf32, #tpu.memory_space<vmem_shared>> -> memref<128x128xf32, #tpu.memory_space<vmem_shared>>
        tpu.wait_dma2 semaphore(%run_scoped3A : memref<!tpu.dma_semaphore, #tpu.memory_space<semaphore_mem>>) src(%arg7 : memref<128x128xf32, #tpu.memory_space<vmem>>) dst(%dma_wait3A_96 : memref<128x128xf32, #tpu.memory_space<vmem_shared>>)
        tpu.yield
      }) : () -> ()
    } else {
    }
    %add3A_17 = arith.constant 48 : i32
    %add3A_18 = arith.addi %arg1, %add3A_17 : i32
    %lt3A_19 = arith.constant 79 : i32
    %lt3A_20 = arith.cmpi slt, %add3A_18, %lt3A_19 : i32
    %convert_element_type3A_21 = arith.extui %lt3A_20 : i1 to i32
    %cond3A_22 = arith.constant 0 : i32
    %cond3A_23 = arith.cmpi ne, %convert_element_type3A_21, %cond3A_22 : i32
    scf.if %cond3A_23 {
      %mul3A_89 = arith.constant 128 : i32
      %mul3A_90 = arith.muli %add3A_18, %mul3A_89 : i32
      "tpu.region"() ({
        %run_scoped3A = tpu.sem_alloc : memref<!tpu.dma_semaphore, #tpu.memory_space<semaphore_mem>>
        %dma_start3A = arith.constant 0 : i32
        %dma_start3A_91 = tpu.memref_slice %arg6[%mul3A_90, %dma_start3A] : memref<10112x128xf32, #tpu.memory_space<vmem_shared>> -> memref<128x128xf32, #tpu.memory_space<vmem_shared>>
        %dma_start3A_92 = arith.constant 0 : i32
        %dma_start3A_93 = tpu.memref_slice %arg6[%mul3A_90, %dma_start3A_92] : memref<10112x128xf32, #tpu.memory_space<vmem_shared>> -> memref<128x128xf32, #tpu.memory_space<vmem_shared>>
        tpu.enqueue_dma source(%arg7 : memref<128x128xf32, #tpu.memory_space<vmem>>) target(%dma_start3A_93 : memref<128x128xf32, #tpu.memory_space<vmem_shared>>) target_semaphore(%run_scoped3A : memref<!tpu.dma_semaphore, #tpu.memory_space<semaphore_mem>>)
        %dma_wait3A = arith.constant 0 : i32
        %dma_wait3A_94 = tpu.memref_slice %arg6[%mul3A_90, %dma_wait3A] : memref<10112x128xf32, #tpu.memory_space<vmem_shared>> -> memref<128x128xf32, #tpu.memory_space<vmem_shared>>
        %dma_wait3A_95 = arith.constant 0 : i32
        %dma_wait3A_96 = tpu.memref_slice %arg6[%mul3A_90, %dma_wait3A_95] : memref<10112x128xf32, #tpu.memory_space<vmem_shared>> -> memref<128x128xf32, #tpu.memory_space<vmem_shared>>
        tpu.wait_dma2 semaphore(%run_scoped3A : memref<!tpu.dma_semaphore, #tpu.memory_space<semaphore_mem>>) src(%arg7 : memref<128x128xf32, #tpu.memory_space<vmem>>) dst(%dma_wait3A_96 : memref<128x128xf32, #tpu.memory_space<vmem_shared>>)
        tpu.yield
      }) : () -> ()
    } else {
    }
    %add3A_24 = arith.constant 64 : i32
    %add3A_25 = arith.addi %arg1, %add3A_24 : i32
    %lt3A_26 = arith.constant 79 : i32
    %lt3A_27 = arith.cmpi slt, %add3A_25, %lt3A_26 : i32
    %convert_element_type3A_28 = arith.extui %lt3A_27 : i1 to i32
    %cond3A_29 = arith.constant 0 : i32
    %cond3A_30 = arith.cmpi ne, %convert_element_type3A_28, %cond3A_29 : i32
    scf.if %cond3A_30 {
      %mul3A_89 = arith.constant 128 : i32
      %mul3A_90 = arith.muli %add3A_25, %mul3A_89 : i32
      "tpu.region"() ({
        %run_scoped3A = tpu.sem_alloc : memref<!tpu.dma_semaphore, #tpu.memory_space<semaphore_mem>>
        %dma_start3A = arith.constant 0 : i32
        %dma_start3A_91 = tpu.memref_slice %arg6[%mul3A_90, %dma_start3A] : memref<10112x128xf32, #tpu.memory_space<vmem_shared>> -> memref<128x128xf32, #tpu.memory_space<vmem_shared>>
        %dma_start3A_92 = arith.constant 0 : i32
        %dma_start3A_93 = tpu.memref_slice %arg6[%mul3A_90, %dma_start3A_92] : memref<10112x128xf32, #tpu.memory_space<vmem_shared>> -> memref<128x128xf32, #tpu.memory_space<vmem_shared>>
        tpu.enqueue_dma source(%arg7 : memref<128x128xf32, #tpu.memory_space<vmem>>) target(%dma_start3A_93 : memref<128x128xf32, #tpu.memory_space<vmem_shared>>) target_semaphore(%run_scoped3A : memref<!tpu.dma_semaphore, #tpu.memory_space<semaphore_mem>>)
        %dma_wait3A = arith.constant 0 : i32
        %dma_wait3A_94 = tpu.memref_slice %arg6[%mul3A_90, %dma_wait3A] : memref<10112x128xf32, #tpu.memory_space<vmem_shared>> -> memref<128x128xf32, #tpu.memory_space<vmem_shared>>
        %dma_wait3A_95 = arith.constant 0 : i32
        %dma_wait3A_96 = tpu.memref_slice %arg6[%mul3A_90, %dma_wait3A_95] : memref<10112x128xf32, #tpu.memory_space<vmem_shared>> -> memref<128x128xf32, #tpu.memory_space<vmem_shared>>
        tpu.wait_dma2 semaphore(%run_scoped3A : memref<!tpu.dma_semaphore, #tpu.memory_space<semaphore_mem>>) src(%arg7 : memref<128x128xf32, #tpu.memory_space<vmem>>) dst(%dma_wait3A_96 : memref<128x128xf32, #tpu.memory_space<vmem_shared>>)
        tpu.yield
      }) : () -> ()
    } else {
    }
    %barrier3A = arith.constant 0 : index
    tpu.barrier barrier_id(%barrier3A)
    %lt3A_31 = arith.constant 2 : i32
    %lt3A_32 = arith.cmpi slt, %arg1, %lt3A_31 : i32
    %jit3A = arith.constant 1 : i32
    %jit3A_33 = arith.constant 0 : i32
    %select_n3A = arith.select %lt3A_32, %jit3A, %jit3A_33 : i32
    %add3A_34 = arith.constant 78 : i32
    %add3A_35 = arith.addi %add3A_34, %select_n3A : i32
    %mul3A = arith.constant 78 : i32
    %mul3A_36 = arith.muli %arg1, %mul3A : i32
    %min3A = arith.constant 2 : i32
    %min3A_37 = arith.minsi %arg1, %min3A : i32
    %add3A_38 = arith.addi %mul3A_36, %min3A_37 : i32
    %mul3A_39 = arith.constant 1250 : i32
    %mul3A_40 = arith.muli %arg0, %mul3A_39 : i32
    %add3A_41 = arith.addi %add3A_38, %mul3A_40 : i32
    %while3A = arith.constant 0 : i32
    %while3A_42 = arith.constant 0 : i32
    %while3A_43 = arith.subi %add3A_35, %while3A : i32
    %while3A_44 = arith.addi %while3A, %while3A_43 : i32
    %while3A_45 = arith.constant 1 : i32
    %while3A_46 = arith.divsi %while3A_43, %while3A_45 : i32
    %while3A_47 = arith.muli %while3A_46, %while3A_45 : i32
    %while3A_48 = arith.addi %while3A, %while3A_47 : i32
    %while3A_49 = arith.constant 1 : i32
    %while3A_50 = scf.for %while3A_89 = %while3A to %while3A_48 step %while3A_49 iter_args(%while3A_90 = %while3A_42) -> (i32)  : i32 {
      %add3A_91 = arith.addi %add3A_41, %while3A_89 : i32
      "tpu.region"() ({
        %run_scoped3A = tpu.sem_alloc : memref<!tpu.dma_semaphore, #tpu.memory_space<semaphore_mem>>
        %dma_start3A = arith.constant 0 : i32
        %dma_start3A_95 = tpu.memref_slice %arg3[%add3A_91, %dma_start3A] : memref<2500x128xi32, #tpu.memory_space<hbm>> -> memref<1x128xi32, #tpu.memory_space<hbm>>
        %dma_start3A_96 = tpu.memref_squeeze %dma_start3A_95 : memref<1x128xi32, #tpu.memory_space<hbm>> -> memref<128xi32, #tpu.memory_space<hbm>>
        %dma_start3A_97 = arith.constant 0 : i32
        %dma_start3A_98 = tpu.memref_slice %arg3[%add3A_91, %dma_start3A_97] : memref<2500x128xi32, #tpu.memory_space<hbm>> -> memref<1x128xi32, #tpu.memory_space<hbm>>
        %dma_start3A_99 = tpu.memref_squeeze %dma_start3A_98 : memref<1x128xi32, #tpu.memory_space<hbm>> -> memref<128xi32, #tpu.memory_space<hbm>>
        tpu.enqueue_dma source(%dma_start3A_99 : memref<128xi32, #tpu.memory_space<hbm>>) target(%arg8 : memref<128xi32, #tpu.memory_space<vmem>>) target_semaphore(%run_scoped3A : memref<!tpu.dma_semaphore, #tpu.memory_space<semaphore_mem>>)
        %dma_wait3A = arith.constant 0 : i32
        %dma_wait3A_100 = tpu.memref_slice %arg3[%add3A_91, %dma_wait3A] : memref<2500x128xi32, #tpu.memory_space<hbm>> -> memref<1x128xi32, #tpu.memory_space<hbm>>
        %dma_wait3A_101 = tpu.memref_squeeze %dma_wait3A_100 : memref<1x128xi32, #tpu.memory_space<hbm>> -> memref<128xi32, #tpu.memory_space<hbm>>
        %dma_wait3A_102 = arith.constant 0 : i32
        %dma_wait3A_103 = tpu.memref_slice %arg3[%add3A_91, %dma_wait3A_102] : memref<2500x128xi32, #tpu.memory_space<hbm>> -> memref<1x128xi32, #tpu.memory_space<hbm>>
        %dma_wait3A_104 = tpu.memref_squeeze %dma_wait3A_103 : memref<1x128xi32, #tpu.memory_space<hbm>> -> memref<128xi32, #tpu.memory_space<hbm>>
        tpu.wait_dma2 semaphore(%run_scoped3A : memref<!tpu.dma_semaphore, #tpu.memory_space<semaphore_mem>>) src(%dma_wait3A_104 : memref<128xi32, #tpu.memory_space<hbm>>) dst(%arg8 : memref<128xi32, #tpu.memory_space<vmem>>)
        tpu.yield
      }) : () -> ()
      %mul3A_92 = arith.constant 128 : i32
      %mul3A_93 = arith.muli %add3A_91, %mul3A_92 : i32
      "tpu.region"() ({
        %run_scoped3A = tpu.sem_alloc : memref<!tpu.dma_semaphore, #tpu.memory_space<semaphore_mem>>
        %dma_start3A = arith.constant 0 : i32
        %dma_start3A_95 = tpu.memref_slice %arg2[%mul3A_93, %dma_start3A] : memref<320000x128xf32, #tpu.memory_space<hbm>> -> memref<128x128xf32, #tpu.memory_space<hbm>>
        %dma_start3A_96 = arith.constant 0 : i32
        %dma_start3A_97 = tpu.memref_slice %arg2[%mul3A_93, %dma_start3A_96] : memref<320000x128xf32, #tpu.memory_space<hbm>> -> memref<128x128xf32, #tpu.memory_space<hbm>>
        tpu.enqueue_dma source(%dma_start3A_97 : memref<128x128xf32, #tpu.memory_space<hbm>>) target(%arg7 : memref<128x128xf32, #tpu.memory_space<vmem>>) target_semaphore(%run_scoped3A : memref<!tpu.dma_semaphore, #tpu.memory_space<semaphore_mem>>)
        %dma_wait3A = arith.constant 0 : i32
        %dma_wait3A_98 = tpu.memref_slice %arg2[%mul3A_93, %dma_wait3A] : memref<320000x128xf32, #tpu.memory_space<hbm>> -> memref<128x128xf32, #tpu.memory_space<hbm>>
        %dma_wait3A_99 = arith.constant 0 : i32
        %dma_wait3A_100 = tpu.memref_slice %arg2[%mul3A_93, %dma_wait3A_99] : memref<320000x128xf32, #tpu.memory_space<hbm>> -> memref<128x128xf32, #tpu.memory_space<hbm>>
        tpu.wait_dma2 semaphore(%run_scoped3A : memref<!tpu.dma_semaphore, #tpu.memory_space<semaphore_mem>>) src(%dma_wait3A_100 : memref<128x128xf32, #tpu.memory_space<hbm>>) dst(%arg7 : memref<128x128xf32, #tpu.memory_space<vmem>>)
        tpu.yield
      }) : () -> ()
      "tpu.region"() ({
        %run_scoped3A = tpu.sem_alloc : memref<!tpu.dma_semaphore, #tpu.memory_space<semaphore_mem>>
        %dma_start3A = arith.constant 0 : i32
        %dma_start3A_95 = arith.constant 0 : i32
        %dma_start3A_96 = tpu.memref_slice %arg6[%dma_start3A, %dma_start3A_95] : memref<10112x128xf32, #tpu.memory_space<vmem_shared>> -> memref<10112x128xf32, #tpu.memory_space<vmem_shared>>
        tpu.enqueue_indirect_dma source(%arg7 : memref<128x128xf32, #tpu.memory_space<vmem>>) target(%dma_start3A_96 : memref<10112x128xf32, #tpu.memory_space<vmem_shared>>) offsets(%arg8 : memref<128xi32, #tpu.memory_space<vmem>>) semaphore(%run_scoped3A : memref<!tpu.dma_semaphore, #tpu.memory_space<semaphore_mem>>) {add = true}
        %dma_wait3A = arith.constant 0 : i32
        %dma_wait3A_97 = arith.constant 0 : i32
        %dma_wait3A_98 = tpu.memref_slice %arg6[%dma_wait3A, %dma_wait3A_97] : memref<10112x128xf32, #tpu.memory_space<vmem_shared>> -> memref<10112x128xf32, #tpu.memory_space<vmem_shared>>
        tpu.wait_indirect_dma semaphore(%run_scoped3A : memref<!tpu.dma_semaphore, #tpu.memory_space<semaphore_mem>>) src(%arg7 : memref<128x128xf32, #tpu.memory_space<vmem>>) dst(%dma_wait3A_98 : memref<10112x128xf32, #tpu.memory_space<vmem_shared>>)
        tpu.yield
      }) : () -> ()
      %while3A_94 = arith.constant 0 : i32
      scf.yield %while3A_94 : i32
    }
    %while3A_51 = arith.constant 1 : i32
    %while3A_52 = scf.for %while3A_89 = %while3A_48 to %while3A_44 step %while3A_51 iter_args(%while3A_90 = %while3A_50) -> (i32)  : i32 {
      %add3A_91 = arith.addi %add3A_41, %while3A_89 : i32
      "tpu.region"() ({
        %run_scoped3A = tpu.sem_alloc : memref<!tpu.dma_semaphore, #tpu.memory_space<semaphore_mem>>
        %dma_start3A = arith.constant 0 : i32
        %dma_start3A_95 = tpu.memref_slice %arg3[%add3A_91, %dma_start3A] : memref<2500x128xi32, #tpu.memory_space<hbm>> -> memref<1x128xi32, #tpu.memory_space<hbm>>
        %dma_start3A_96 = tpu.memref_squeeze %dma_start3A_95 : memref<1x128xi32, #tpu.memory_space<hbm>> -> memref<128xi32, #tpu.memory_space<hbm>>
        %dma_start3A_97 = arith.constant 0 : i32
        %dma_start3A_98 = tpu.memref_slice %arg3[%add3A_91, %dma_start3A_97] : memref<2500x128xi32, #tpu.memory_space<hbm>> -> memref<1x128xi32, #tpu.memory_space<hbm>>
        %dma_start3A_99 = tpu.memref_squeeze %dma_start3A_98 : memref<1x128xi32, #tpu.memory_space<hbm>> -> memref<128xi32, #tpu.memory_space<hbm>>
        tpu.enqueue_dma source(%dma_start3A_99 : memref<128xi32, #tpu.memory_space<hbm>>) target(%arg8 : memref<128xi32, #tpu.memory_space<vmem>>) target_semaphore(%run_scoped3A : memref<!tpu.dma_semaphore, #tpu.memory_space<semaphore_mem>>)
        %dma_wait3A = arith.constant 0 : i32
        %dma_wait3A_100 = tpu.memref_slice %arg3[%add3A_91, %dma_wait3A] : memref<2500x128xi32, #tpu.memory_space<hbm>> -> memref<1x128xi32, #tpu.memory_space<hbm>>
        %dma_wait3A_101 = tpu.memref_squeeze %dma_wait3A_100 : memref<1x128xi32, #tpu.memory_space<hbm>> -> memref<128xi32, #tpu.memory_space<hbm>>
        %dma_wait3A_102 = arith.constant 0 : i32
        %dma_wait3A_103 = tpu.memref_slice %arg3[%add3A_91, %dma_wait3A_102] : memref<2500x128xi32, #tpu.memory_space<hbm>> -> memref<1x128xi32, #tpu.memory_space<hbm>>
        %dma_wait3A_104 = tpu.memref_squeeze %dma_wait3A_103 : memref<1x128xi32, #tpu.memory_space<hbm>> -> memref<128xi32, #tpu.memory_space<hbm>>
        tpu.wait_dma2 semaphore(%run_scoped3A : memref<!tpu.dma_semaphore, #tpu.memory_space<semaphore_mem>>) src(%dma_wait3A_104 : memref<128xi32, #tpu.memory_space<hbm>>) dst(%arg8 : memref<128xi32, #tpu.memory_space<vmem>>)
        tpu.yield
      }) : () -> ()
      %mul3A_92 = arith.constant 128 : i32
      %mul3A_93 = arith.muli %add3A_91, %mul3A_92 : i32
      "tpu.region"() ({
        %run_scoped3A = tpu.sem_alloc : memref<!tpu.dma_semaphore, #tpu.memory_space<semaphore_mem>>
        %dma_start3A = arith.constant 0 : i32
        %dma_start3A_95 = tpu.memref_slice %arg2[%mul3A_93, %dma_start3A] : memref<320000x128xf32, #tpu.memory_space<hbm>> -> memref<128x128xf32, #tpu.memory_space<hbm>>
        %dma_start3A_96 = arith.constant 0 : i32
        %dma_start3A_97 = tpu.memref_slice %arg2[%mul3A_93, %dma_start3A_96] : memref<320000x128xf32, #tpu.memory_space<hbm>> -> memref<128x128xf32, #tpu.memory_space<hbm>>
        tpu.enqueue_dma source(%dma_start3A_97 : memref<128x128xf32, #tpu.memory_space<hbm>>) target(%arg7 : memref<128x128xf32, #tpu.memory_space<vmem>>) target_semaphore(%run_scoped3A : memref<!tpu.dma_semaphore, #tpu.memory_space<semaphore_mem>>)
        %dma_wait3A = arith.constant 0 : i32
        %dma_wait3A_98 = tpu.memref_slice %arg2[%mul3A_93, %dma_wait3A] : memref<320000x128xf32, #tpu.memory_space<hbm>> -> memref<128x128xf32, #tpu.memory_space<hbm>>
        %dma_wait3A_99 = arith.constant 0 : i32
        %dma_wait3A_100 = tpu.memref_slice %arg2[%mul3A_93, %dma_wait3A_99] : memref<320000x128xf32, #tpu.memory_space<hbm>> -> memref<128x128xf32, #tpu.memory_space<hbm>>
        tpu.wait_dma2 semaphore(%run_scoped3A : memref<!tpu.dma_semaphore, #tpu.memory_space<semaphore_mem>>) src(%dma_wait3A_100 : memref<128x128xf32, #tpu.memory_space<hbm>>) dst(%arg7 : memref<128x128xf32, #tpu.memory_space<vmem>>)
        tpu.yield
      }) : () -> ()
      "tpu.region"() ({
        %run_scoped3A = tpu.sem_alloc : memref<!tpu.dma_semaphore, #tpu.memory_space<semaphore_mem>>
        %dma_start3A = arith.constant 0 : i32
        %dma_start3A_95 = arith.constant 0 : i32
        %dma_start3A_96 = tpu.memref_slice %arg6[%dma_start3A, %dma_start3A_95] : memref<10112x128xf32, #tpu.memory_space<vmem_shared>> -> memref<10112x128xf32, #tpu.memory_space<vmem_shared>>
        tpu.enqueue_indirect_dma source(%arg7 : memref<128x128xf32, #tpu.memory_space<vmem>>) target(%dma_start3A_96 : memref<10112x128xf32, #tpu.memory_space<vmem_shared>>) offsets(%arg8 : memref<128xi32, #tpu.memory_space<vmem>>) semaphore(%run_scoped3A : memref<!tpu.dma_semaphore, #tpu.memory_space<semaphore_mem>>) {add = true}
        %dma_wait3A = arith.constant 0 : i32
        %dma_wait3A_97 = arith.constant 0 : i32
        %dma_wait3A_98 = tpu.memref_slice %arg6[%dma_wait3A, %dma_wait3A_97] : memref<10112x128xf32, #tpu.memory_space<vmem_shared>> -> memref<10112x128xf32, #tpu.memory_space<vmem_shared>>
        tpu.wait_indirect_dma semaphore(%run_scoped3A : memref<!tpu.dma_semaphore, #tpu.memory_space<semaphore_mem>>) src(%arg7 : memref<128x128xf32, #tpu.memory_space<vmem>>) dst(%dma_wait3A_98 : memref<10112x128xf32, #tpu.memory_space<vmem_shared>>)
        tpu.yield
      }) : () -> ()
      %while3A_94 = arith.constant 0 : i32
      scf.yield %while3A_94 : i32
    }
    %barrier3A_53 = arith.constant 0 : index
    tpu.barrier barrier_id(%barrier3A_53)
    %add3A_54 = arith.constant 0 : i32
    %add3A_55 = arith.addi %arg1, %add3A_54 : i32
    %lt3A_56 = arith.constant 79 : i32
    %lt3A_57 = arith.cmpi slt, %add3A_55, %lt3A_56 : i32
    %convert_element_type3A_58 = arith.extui %lt3A_57 : i1 to i32
    %cond3A_59 = arith.constant 0 : i32
    %cond3A_60 = arith.cmpi ne, %convert_element_type3A_58, %cond3A_59 : i32
    scf.if %cond3A_60 {
      %mul3A_89 = arith.constant 128 : i32
      %mul3A_90 = arith.muli %add3A_55, %mul3A_89 : i32
      %mul3A_91 = arith.constant 128 : i32
      %mul3A_92 = arith.muli %add3A_55, %mul3A_91 : i32
      "tpu.region"() ({
        %run_scoped3A = tpu.sem_alloc : memref<!tpu.dma_semaphore, #tpu.memory_space<semaphore_mem>>
        %dma_start3A = arith.constant 0 : i32
        %dma_start3A_93 = tpu.memref_slice %arg5[%arg0, %mul3A_92, %dma_start3A] : memref<2x10112x128xf32, #tpu.memory_space<hbm>> -> memref<1x128x128xf32, #tpu.memory_space<hbm>>
        %dma_start3A_94 = tpu.memref_squeeze %dma_start3A_93 : memref<1x128x128xf32, #tpu.memory_space<hbm>> -> memref<128x128xf32, #tpu.memory_space<hbm>>
        %dma_start3A_95 = arith.constant 0 : i32
        %dma_start3A_96 = tpu.memref_slice %arg6[%mul3A_90, %dma_start3A_95] : memref<10112x128xf32, #tpu.memory_space<vmem_shared>> -> memref<128x128xf32, #tpu.memory_space<vmem_shared>>
        tpu.enqueue_dma source(%dma_start3A_96 : memref<128x128xf32, #tpu.memory_space<vmem_shared>>) target(%dma_start3A_94 : memref<128x128xf32, #tpu.memory_space<hbm>>) target_semaphore(%run_scoped3A : memref<!tpu.dma_semaphore, #tpu.memory_space<semaphore_mem>>)
        %dma_wait3A = arith.constant 0 : i32
        %dma_wait3A_97 = tpu.memref_slice %arg5[%arg0, %mul3A_92, %dma_wait3A] : memref<2x10112x128xf32, #tpu.memory_space<hbm>> -> memref<1x128x128xf32, #tpu.memory_space<hbm>>
        %dma_wait3A_98 = tpu.memref_squeeze %dma_wait3A_97 : memref<1x128x128xf32, #tpu.memory_space<hbm>> -> memref<128x128xf32, #tpu.memory_space<hbm>>
        %dma_wait3A_99 = arith.constant 0 : i32
        %dma_wait3A_100 = tpu.memref_slice %arg6[%mul3A_90, %dma_wait3A_99] : memref<10112x128xf32, #tpu.memory_space<vmem_shared>> -> memref<128x128xf32, #tpu.memory_space<vmem_shared>>
        tpu.wait_dma2 semaphore(%run_scoped3A : memref<!tpu.dma_semaphore, #tpu.memory_space<semaphore_mem>>) src(%dma_wait3A_100 : memref<128x128xf32, #tpu.memory_space<vmem_shared>>) dst(%dma_wait3A_98 : memref<128x128xf32, #tpu.memory_space<hbm>>)
        tpu.yield
      }) : () -> ()
    } else {
    }
    %add3A_61 = arith.constant 16 : i32
    %add3A_62 = arith.addi %arg1, %add3A_61 : i32
    %lt3A_63 = arith.constant 79 : i32
    %lt3A_64 = arith.cmpi slt, %add3A_62, %lt3A_63 : i32
    %convert_element_type3A_65 = arith.extui %lt3A_64 : i1 to i32
    %cond3A_66 = arith.constant 0 : i32
    %cond3A_67 = arith.cmpi ne, %convert_element_type3A_65, %cond3A_66 : i32
    scf.if %cond3A_67 {
      %mul3A_89 = arith.constant 128 : i32
      %mul3A_90 = arith.muli %add3A_62, %mul3A_89 : i32
      %mul3A_91 = arith.constant 128 : i32
      %mul3A_92 = arith.muli %add3A_62, %mul3A_91 : i32
      "tpu.region"() ({
        %run_scoped3A = tpu.sem_alloc : memref<!tpu.dma_semaphore, #tpu.memory_space<semaphore_mem>>
        %dma_start3A = arith.constant 0 : i32
        %dma_start3A_93 = tpu.memref_slice %arg5[%arg0, %mul3A_92, %dma_start3A] : memref<2x10112x128xf32, #tpu.memory_space<hbm>> -> memref<1x128x128xf32, #tpu.memory_space<hbm>>
        %dma_start3A_94 = tpu.memref_squeeze %dma_start3A_93 : memref<1x128x128xf32, #tpu.memory_space<hbm>> -> memref<128x128xf32, #tpu.memory_space<hbm>>
        %dma_start3A_95 = arith.constant 0 : i32
        %dma_start3A_96 = tpu.memref_slice %arg6[%mul3A_90, %dma_start3A_95] : memref<10112x128xf32, #tpu.memory_space<vmem_shared>> -> memref<128x128xf32, #tpu.memory_space<vmem_shared>>
        tpu.enqueue_dma source(%dma_start3A_96 : memref<128x128xf32, #tpu.memory_space<vmem_shared>>) target(%dma_start3A_94 : memref<128x128xf32, #tpu.memory_space<hbm>>) target_semaphore(%run_scoped3A : memref<!tpu.dma_semaphore, #tpu.memory_space<semaphore_mem>>)
        %dma_wait3A = arith.constant 0 : i32
        %dma_wait3A_97 = tpu.memref_slice %arg5[%arg0, %mul3A_92, %dma_wait3A] : memref<2x10112x128xf32, #tpu.memory_space<hbm>> -> memref<1x128x128xf32, #tpu.memory_space<hbm>>
        %dma_wait3A_98 = tpu.memref_squeeze %dma_wait3A_97 : memref<1x128x128xf32, #tpu.memory_space<hbm>> -> memref<128x128xf32, #tpu.memory_space<hbm>>
        %dma_wait3A_99 = arith.constant 0 : i32
        %dma_wait3A_100 = tpu.memref_slice %arg6[%mul3A_90, %dma_wait3A_99] : memref<10112x128xf32, #tpu.memory_space<vmem_shared>> -> memref<128x128xf32, #tpu.memory_space<vmem_shared>>
        tpu.wait_dma2 semaphore(%run_scoped3A : memref<!tpu.dma_semaphore, #tpu.memory_space<semaphore_mem>>) src(%dma_wait3A_100 : memref<128x128xf32, #tpu.memory_space<vmem_shared>>) dst(%dma_wait3A_98 : memref<128x128xf32, #tpu.memory_space<hbm>>)
        tpu.yield
      }) : () -> ()
    } else {
    }
    %add3A_68 = arith.constant 32 : i32
    %add3A_69 = arith.addi %arg1, %add3A_68 : i32
    %lt3A_70 = arith.constant 79 : i32
    %lt3A_71 = arith.cmpi slt, %add3A_69, %lt3A_70 : i32
    %convert_element_type3A_72 = arith.extui %lt3A_71 : i1 to i32
    %cond3A_73 = arith.constant 0 : i32
    %cond3A_74 = arith.cmpi ne, %convert_element_type3A_72, %cond3A_73 : i32
    scf.if %cond3A_74 {
      %mul3A_89 = arith.constant 128 : i32
      %mul3A_90 = arith.muli %add3A_69, %mul3A_89 : i32
      %mul3A_91 = arith.constant 128 : i32
      %mul3A_92 = arith.muli %add3A_69, %mul3A_91 : i32
      "tpu.region"() ({
        %run_scoped3A = tpu.sem_alloc : memref<!tpu.dma_semaphore, #tpu.memory_space<semaphore_mem>>
        %dma_start3A = arith.constant 0 : i32
        %dma_start3A_93 = tpu.memref_slice %arg5[%arg0, %mul3A_92, %dma_start3A] : memref<2x10112x128xf32, #tpu.memory_space<hbm>> -> memref<1x128x128xf32, #tpu.memory_space<hbm>>
        %dma_start3A_94 = tpu.memref_squeeze %dma_start3A_93 : memref<1x128x128xf32, #tpu.memory_space<hbm>> -> memref<128x128xf32, #tpu.memory_space<hbm>>
        %dma_start3A_95 = arith.constant 0 : i32
        %dma_start3A_96 = tpu.memref_slice %arg6[%mul3A_90, %dma_start3A_95] : memref<10112x128xf32, #tpu.memory_space<vmem_shared>> -> memref<128x128xf32, #tpu.memory_space<vmem_shared>>
        tpu.enqueue_dma source(%dma_start3A_96 : memref<128x128xf32, #tpu.memory_space<vmem_shared>>) target(%dma_start3A_94 : memref<128x128xf32, #tpu.memory_space<hbm>>) target_semaphore(%run_scoped3A : memref<!tpu.dma_semaphore, #tpu.memory_space<semaphore_mem>>)
        %dma_wait3A = arith.constant 0 : i32
        %dma_wait3A_97 = tpu.memref_slice %arg5[%arg0, %mul3A_92, %dma_wait3A] : memref<2x10112x128xf32, #tpu.memory_space<hbm>> -> memref<1x128x128xf32, #tpu.memory_space<hbm>>
        %dma_wait3A_98 = tpu.memref_squeeze %dma_wait3A_97 : memref<1x128x128xf32, #tpu.memory_space<hbm>> -> memref<128x128xf32, #tpu.memory_space<hbm>>
        %dma_wait3A_99 = arith.constant 0 : i32
        %dma_wait3A_100 = tpu.memref_slice %arg6[%mul3A_90, %dma_wait3A_99] : memref<10112x128xf32, #tpu.memory_space<vmem_shared>> -> memref<128x128xf32, #tpu.memory_space<vmem_shared>>
        tpu.wait_dma2 semaphore(%run_scoped3A : memref<!tpu.dma_semaphore, #tpu.memory_space<semaphore_mem>>) src(%dma_wait3A_100 : memref<128x128xf32, #tpu.memory_space<vmem_shared>>) dst(%dma_wait3A_98 : memref<128x128xf32, #tpu.memory_space<hbm>>)
        tpu.yield
      }) : () -> ()
    } else {
    }
    %add3A_75 = arith.constant 48 : i32
    %add3A_76 = arith.addi %arg1, %add3A_75 : i32
    %lt3A_77 = arith.constant 79 : i32
    %lt3A_78 = arith.cmpi slt, %add3A_76, %lt3A_77 : i32
    %convert_element_type3A_79 = arith.extui %lt3A_78 : i1 to i32
    %cond3A_80 = arith.constant 0 : i32
    %cond3A_81 = arith.cmpi ne, %convert_element_type3A_79, %cond3A_80 : i32
    scf.if %cond3A_81 {
      %mul3A_89 = arith.constant 128 : i32
      %mul3A_90 = arith.muli %add3A_76, %mul3A_89 : i32
      %mul3A_91 = arith.constant 128 : i32
      %mul3A_92 = arith.muli %add3A_76, %mul3A_91 : i32
      "tpu.region"() ({
        %run_scoped3A = tpu.sem_alloc : memref<!tpu.dma_semaphore, #tpu.memory_space<semaphore_mem>>
        %dma_start3A = arith.constant 0 : i32
        %dma_start3A_93 = tpu.memref_slice %arg5[%arg0, %mul3A_92, %dma_start3A] : memref<2x10112x128xf32, #tpu.memory_space<hbm>> -> memref<1x128x128xf32, #tpu.memory_space<hbm>>
        %dma_start3A_94 = tpu.memref_squeeze %dma_start3A_93 : memref<1x128x128xf32, #tpu.memory_space<hbm>> -> memref<128x128xf32, #tpu.memory_space<hbm>>
        %dma_start3A_95 = arith.constant 0 : i32
        %dma_start3A_96 = tpu.memref_slice %arg6[%mul3A_90, %dma_start3A_95] : memref<10112x128xf32, #tpu.memory_space<vmem_shared>> -> memref<128x128xf32, #tpu.memory_space<vmem_shared>>
        tpu.enqueue_dma source(%dma_start3A_96 : memref<128x128xf32, #tpu.memory_space<vmem_shared>>) target(%dma_start3A_94 : memref<128x128xf32, #tpu.memory_space<hbm>>) target_semaphore(%run_scoped3A : memref<!tpu.dma_semaphore, #tpu.memory_space<semaphore_mem>>)
        %dma_wait3A = arith.constant 0 : i32
        %dma_wait3A_97 = tpu.memref_slice %arg5[%arg0, %mul3A_92, %dma_wait3A] : memref<2x10112x128xf32, #tpu.memory_space<hbm>> -> memref<1x128x128xf32, #tpu.memory_space<hbm>>
        %dma_wait3A_98 = tpu.memref_squeeze %dma_wait3A_97 : memref<1x128x128xf32, #tpu.memory_space<hbm>> -> memref<128x128xf32, #tpu.memory_space<hbm>>
        %dma_wait3A_99 = arith.constant 0 : i32
        %dma_wait3A_100 = tpu.memref_slice %arg6[%mul3A_90, %dma_wait3A_99] : memref<10112x128xf32, #tpu.memory_space<vmem_shared>> -> memref<128x128xf32, #tpu.memory_space<vmem_shared>>
        tpu.wait_dma2 semaphore(%run_scoped3A : memref<!tpu.dma_semaphore, #tpu.memory_space<semaphore_mem>>) src(%dma_wait3A_100 : memref<128x128xf32, #tpu.memory_space<vmem_shared>>) dst(%dma_wait3A_98 : memref<128x128xf32, #tpu.memory_space<hbm>>)
        tpu.yield
      }) : () -> ()
    } else {
    }
    %add3A_82 = arith.constant 64 : i32
    %add3A_83 = arith.addi %arg1, %add3A_82 : i32
    %lt3A_84 = arith.constant 79 : i32
    %lt3A_85 = arith.cmpi slt, %add3A_83, %lt3A_84 : i32
    %convert_element_type3A_86 = arith.extui %lt3A_85 : i1 to i32
    %cond3A_87 = arith.constant 0 : i32
    %cond3A_88 = arith.cmpi ne, %convert_element_type3A_86, %cond3A_87 : i32
    scf.if %cond3A_88 {
      %mul3A_89 = arith.constant 128 : i32
      %mul3A_90 = arith.muli %add3A_83, %mul3A_89 : i32
      %mul3A_91 = arith.constant 128 : i32
      %mul3A_92 = arith.muli %add3A_83, %mul3A_91 : i32
      "tpu.region"() ({
        %run_scoped3A = tpu.sem_alloc : memref<!tpu.dma_semaphore, #tpu.memory_space<semaphore_mem>>
        %dma_start3A = arith.constant 0 : i32
        %dma_start3A_93 = tpu.memref_slice %arg5[%arg0, %mul3A_92, %dma_start3A] : memref<2x10112x128xf32, #tpu.memory_space<hbm>> -> memref<1x128x128xf32, #tpu.memory_space<hbm>>
        %dma_start3A_94 = tpu.memref_squeeze %dma_start3A_93 : memref<1x128x128xf32, #tpu.memory_space<hbm>> -> memref<128x128xf32, #tpu.memory_space<hbm>>
        %dma_start3A_95 = arith.constant 0 : i32
        %dma_start3A_96 = tpu.memref_slice %arg6[%mul3A_90, %dma_start3A_95] : memref<10112x128xf32, #tpu.memory_space<vmem_shared>> -> memref<128x128xf32, #tpu.memory_space<vmem_shared>>
        tpu.enqueue_dma source(%dma_start3A_96 : memref<128x128xf32, #tpu.memory_space<vmem_shared>>) target(%dma_start3A_94 : memref<128x128xf32, #tpu.memory_space<hbm>>) target_semaphore(%run_scoped3A : memref<!tpu.dma_semaphore, #tpu.memory_space<semaphore_mem>>)
        %dma_wait3A = arith.constant 0 : i32
        %dma_wait3A_97 = tpu.memref_slice %arg5[%arg0, %mul3A_92, %dma_wait3A] : memref<2x10112x128xf32, #tpu.memory_space<hbm>> -> memref<1x128x128xf32, #tpu.memory_space<hbm>>
        %dma_wait3A_98 = tpu.memref_squeeze %dma_wait3A_97 : memref<1x128x128xf32, #tpu.memory_space<hbm>> -> memref<128x128xf32, #tpu.memory_space<hbm>>
        %dma_wait3A_99 = arith.constant 0 : i32
        %dma_wait3A_100 = tpu.memref_slice %arg6[%mul3A_90, %dma_wait3A_99] : memref<10112x128xf32, #tpu.memory_space<vmem_shared>> -> memref<128x128xf32, #tpu.memory_space<vmem_shared>>
        tpu.wait_dma2 semaphore(%run_scoped3A : memref<!tpu.dma_semaphore, #tpu.memory_space<semaphore_mem>>) src(%dma_wait3A_100 : memref<128x128xf32, #tpu.memory_space<vmem_shared>>) dst(%dma_wait3A_98 : memref<128x128xf32, #tpu.memory_space<hbm>>)
        tpu.yield
      }) : () -> ()
    } else {
    }
    return
  }
}

#map = affine_map<(d0, d1) -> (0, 0)>
#map1 = affine_map<(d0, d1) -> (0, 0, 0)>
module attributes {stable_mosaic.version = 14 : i64} {
  func.func @_sc_scatter_body(%arg0: i32, %arg1: i32, %arg2: memref<320000x128xf32, #tpu.memory_space<hbm>>, %arg3: memref<2500x128xi32, #tpu.memory_space<hbm>>, %arg4: memref<128x128xf32, #tpu.memory_space<hbm>>, %arg5: memref<2x10112x128xf32, #tpu.memory_space<hbm>>, %arg6: memref<10112x128xf32, #tpu.memory_space<vmem_shared>>, %arg7: memref<128x128xf32, #tpu.memory_space<vmem>>, %arg8: memref<128xi32, #tpu.memory_space<vmem>>) attributes {dimension_semantics = [#tpu.dimension_semantics<core_parallel>, #tpu.dimension_semantics<subcore_parallel>], iteration_bounds = array<i64: 2, 16>, scalar_prefetch = 0 : i64, scratch_operands = 3 : i64, tpu.core_type = #tpu.core_type<sc_vector_subcore>, window_params = [{transform_indices = #map}, {transform_indices = #map}, {transform_indices = #map}, {transform_indices = #map1}]} {
    "tpu.region"() ({
      %run_scoped3A = tpu.sem_alloc : memref<!tpu.dma_semaphore, #tpu.memory_space<semaphore_mem>>
      tpu.enqueue_dma source(%arg4 : memref<128x128xf32, #tpu.memory_space<hbm>>) target(%arg7 : memref<128x128xf32, #tpu.memory_space<vmem>>) target_semaphore(%run_scoped3A : memref<!tpu.dma_semaphore, #tpu.memory_space<semaphore_mem>>)
      tpu.wait_dma2 semaphore(%run_scoped3A : memref<!tpu.dma_semaphore, #tpu.memory_space<semaphore_mem>>) src(%arg4 : memref<128x128xf32, #tpu.memory_space<hbm>>) dst(%arg7 : memref<128x128xf32, #tpu.memory_space<vmem>>)
      tpu.yield
    }) : () -> ()
    %add3A = arith.constant 0 : i32
    %add3A_0 = arith.addi %arg1, %add3A : i32
    %lt3A = arith.constant 79 : i32
    %lt3A_1 = arith.cmpi slt, %add3A_0, %lt3A : i32
    %convert_element_type3A = arith.extui %lt3A_1 : i1 to i32
    %cond3A = arith.constant 0 : i32
    %cond3A_2 = arith.cmpi ne, %convert_element_type3A, %cond3A : i32
    scf.if %cond3A_2 {
      %mul3A_89 = arith.constant 128 : i32
      %mul3A_90 = arith.muli %add3A_0, %mul3A_89 : i32
      "tpu.region"() ({
        %run_scoped3A = tpu.sem_alloc : memref<!tpu.dma_semaphore, #tpu.memory_space<semaphore_mem>>
        %dma_start3A = arith.constant 0 : i32
        %dma_start3A_91 = tpu.memref_slice %arg6[%mul3A_90, %dma_start3A] : memref<10112x128xf32, #tpu.memory_space<vmem_shared>> -> memref<128x128xf32, #tpu.memory_space<vmem_shared>>
        %dma_start3A_92 = arith.constant 0 : i32
        %dma_start3A_93 = tpu.memref_slice %arg6[%mul3A_90, %dma_start3A_92] : memref<10112x128xf32, #tpu.memory_space<vmem_shared>> -> memref<128x128xf32, #tpu.memory_space<vmem_shared>>
        tpu.enqueue_dma source(%arg7 : memref<128x128xf32, #tpu.memory_space<vmem>>) target(%dma_start3A_93 : memref<128x128xf32, #tpu.memory_space<vmem_shared>>) target_semaphore(%run_scoped3A : memref<!tpu.dma_semaphore, #tpu.memory_space<semaphore_mem>>)
        %dma_wait3A = arith.constant 0 : i32
        %dma_wait3A_94 = tpu.memref_slice %arg6[%mul3A_90, %dma_wait3A] : memref<10112x128xf32, #tpu.memory_space<vmem_shared>> -> memref<128x128xf32, #tpu.memory_space<vmem_shared>>
        %dma_wait3A_95 = arith.constant 0 : i32
        %dma_wait3A_96 = tpu.memref_slice %arg6[%mul3A_90, %dma_wait3A_95] : memref<10112x128xf32, #tpu.memory_space<vmem_shared>> -> memref<128x128xf32, #tpu.memory_space<vmem_shared>>
        tpu.wait_dma2 semaphore(%run_scoped3A : memref<!tpu.dma_semaphore, #tpu.memory_space<semaphore_mem>>) src(%arg7 : memref<128x128xf32, #tpu.memory_space<vmem>>) dst(%dma_wait3A_96 : memref<128x128xf32, #tpu.memory_space<vmem_shared>>)
        tpu.yield
      }) : () -> ()
    } else {
    }
    %add3A_3 = arith.constant 16 : i32
    %add3A_4 = arith.addi %arg1, %add3A_3 : i32
    %lt3A_5 = arith.constant 79 : i32
    %lt3A_6 = arith.cmpi slt, %add3A_4, %lt3A_5 : i32
    %convert_element_type3A_7 = arith.extui %lt3A_6 : i1 to i32
    %cond3A_8 = arith.constant 0 : i32
    %cond3A_9 = arith.cmpi ne, %convert_element_type3A_7, %cond3A_8 : i32
    scf.if %cond3A_9 {
      %mul3A_89 = arith.constant 128 : i32
      %mul3A_90 = arith.muli %add3A_4, %mul3A_89 : i32
      "tpu.region"() ({
        %run_scoped3A = tpu.sem_alloc : memref<!tpu.dma_semaphore, #tpu.memory_space<semaphore_mem>>
        %dma_start3A = arith.constant 0 : i32
        %dma_start3A_91 = tpu.memref_slice %arg6[%mul3A_90, %dma_start3A] : memref<10112x128xf32, #tpu.memory_space<vmem_shared>> -> memref<128x128xf32, #tpu.memory_space<vmem_shared>>
        %dma_start3A_92 = arith.constant 0 : i32
        %dma_start3A_93 = tpu.memref_slice %arg6[%mul3A_90, %dma_start3A_92] : memref<10112x128xf32, #tpu.memory_space<vmem_shared>> -> memref<128x128xf32, #tpu.memory_space<vmem_shared>>
        tpu.enqueue_dma source(%arg7 : memref<128x128xf32, #tpu.memory_space<vmem>>) target(%dma_start3A_93 : memref<128x128xf32, #tpu.memory_space<vmem_shared>>) target_semaphore(%run_scoped3A : memref<!tpu.dma_semaphore, #tpu.memory_space<semaphore_mem>>)
        %dma_wait3A = arith.constant 0 : i32
        %dma_wait3A_94 = tpu.memref_slice %arg6[%mul3A_90, %dma_wait3A] : memref<10112x128xf32, #tpu.memory_space<vmem_shared>> -> memref<128x128xf32, #tpu.memory_space<vmem_shared>>
        %dma_wait3A_95 = arith.constant 0 : i32
        %dma_wait3A_96 = tpu.memref_slice %arg6[%mul3A_90, %dma_wait3A_95] : memref<10112x128xf32, #tpu.memory_space<vmem_shared>> -> memref<128x128xf32, #tpu.memory_space<vmem_shared>>
        tpu.wait_dma2 semaphore(%run_scoped3A : memref<!tpu.dma_semaphore, #tpu.memory_space<semaphore_mem>>) src(%arg7 : memref<128x128xf32, #tpu.memory_space<vmem>>) dst(%dma_wait3A_96 : memref<128x128xf32, #tpu.memory_space<vmem_shared>>)
        tpu.yield
      }) : () -> ()
    } else {
    }
    %add3A_10 = arith.constant 32 : i32
    %add3A_11 = arith.addi %arg1, %add3A_10 : i32
    %lt3A_12 = arith.constant 79 : i32
    %lt3A_13 = arith.cmpi slt, %add3A_11, %lt3A_12 : i32
    %convert_element_type3A_14 = arith.extui %lt3A_13 : i1 to i32
    %cond3A_15 = arith.constant 0 : i32
    %cond3A_16 = arith.cmpi ne, %convert_element_type3A_14, %cond3A_15 : i32
    scf.if %cond3A_16 {
      %mul3A_89 = arith.constant 128 : i32
      %mul3A_90 = arith.muli %add3A_11, %mul3A_89 : i32
      "tpu.region"() ({
        %run_scoped3A = tpu.sem_alloc : memref<!tpu.dma_semaphore, #tpu.memory_space<semaphore_mem>>
        %dma_start3A = arith.constant 0 : i32
        %dma_start3A_91 = tpu.memref_slice %arg6[%mul3A_90, %dma_start3A] : memref<10112x128xf32, #tpu.memory_space<vmem_shared>> -> memref<128x128xf32, #tpu.memory_space<vmem_shared>>
        %dma_start3A_92 = arith.constant 0 : i32
        %dma_start3A_93 = tpu.memref_slice %arg6[%mul3A_90, %dma_start3A_92] : memref<10112x128xf32, #tpu.memory_space<vmem_shared>> -> memref<128x128xf32, #tpu.memory_space<vmem_shared>>
        tpu.enqueue_dma source(%arg7 : memref<128x128xf32, #tpu.memory_space<vmem>>) target(%dma_start3A_93 : memref<128x128xf32, #tpu.memory_space<vmem_shared>>) target_semaphore(%run_scoped3A : memref<!tpu.dma_semaphore, #tpu.memory_space<semaphore_mem>>)
        %dma_wait3A = arith.constant 0 : i32
        %dma_wait3A_94 = tpu.memref_slice %arg6[%mul3A_90, %dma_wait3A] : memref<10112x128xf32, #tpu.memory_space<vmem_shared>> -> memref<128x128xf32, #tpu.memory_space<vmem_shared>>
        %dma_wait3A_95 = arith.constant 0 : i32
        %dma_wait3A_96 = tpu.memref_slice %arg6[%mul3A_90, %dma_wait3A_95] : memref<10112x128xf32, #tpu.memory_space<vmem_shared>> -> memref<128x128xf32, #tpu.memory_space<vmem_shared>>
        tpu.wait_dma2 semaphore(%run_scoped3A : memref<!tpu.dma_semaphore, #tpu.memory_space<semaphore_mem>>) src(%arg7 : memref<128x128xf32, #tpu.memory_space<vmem>>) dst(%dma_wait3A_96 : memref<128x128xf32, #tpu.memory_space<vmem_shared>>)
        tpu.yield
      }) : () -> ()
    } else {
    }
    %add3A_17 = arith.constant 48 : i32
    %add3A_18 = arith.addi %arg1, %add3A_17 : i32
    %lt3A_19 = arith.constant 79 : i32
    %lt3A_20 = arith.cmpi slt, %add3A_18, %lt3A_19 : i32
    %convert_element_type3A_21 = arith.extui %lt3A_20 : i1 to i32
    %cond3A_22 = arith.constant 0 : i32
    %cond3A_23 = arith.cmpi ne, %convert_element_type3A_21, %cond3A_22 : i32
    scf.if %cond3A_23 {
      %mul3A_89 = arith.constant 128 : i32
      %mul3A_90 = arith.muli %add3A_18, %mul3A_89 : i32
      "tpu.region"() ({
        %run_scoped3A = tpu.sem_alloc : memref<!tpu.dma_semaphore, #tpu.memory_space<semaphore_mem>>
        %dma_start3A = arith.constant 0 : i32
        %dma_start3A_91 = tpu.memref_slice %arg6[%mul3A_90, %dma_start3A] : memref<10112x128xf32, #tpu.memory_space<vmem_shared>> -> memref<128x128xf32, #tpu.memory_space<vmem_shared>>
        %dma_start3A_92 = arith.constant 0 : i32
        %dma_start3A_93 = tpu.memref_slice %arg6[%mul3A_90, %dma_start3A_92] : memref<10112x128xf32, #tpu.memory_space<vmem_shared>> -> memref<128x128xf32, #tpu.memory_space<vmem_shared>>
        tpu.enqueue_dma source(%arg7 : memref<128x128xf32, #tpu.memory_space<vmem>>) target(%dma_start3A_93 : memref<128x128xf32, #tpu.memory_space<vmem_shared>>) target_semaphore(%run_scoped3A : memref<!tpu.dma_semaphore, #tpu.memory_space<semaphore_mem>>)
        %dma_wait3A = arith.constant 0 : i32
        %dma_wait3A_94 = tpu.memref_slice %arg6[%mul3A_90, %dma_wait3A] : memref<10112x128xf32, #tpu.memory_space<vmem_shared>> -> memref<128x128xf32, #tpu.memory_space<vmem_shared>>
        %dma_wait3A_95 = arith.constant 0 : i32
        %dma_wait3A_96 = tpu.memref_slice %arg6[%mul3A_90, %dma_wait3A_95] : memref<10112x128xf32, #tpu.memory_space<vmem_shared>> -> memref<128x128xf32, #tpu.memory_space<vmem_shared>>
        tpu.wait_dma2 semaphore(%run_scoped3A : memref<!tpu.dma_semaphore, #tpu.memory_space<semaphore_mem>>) src(%arg7 : memref<128x128xf32, #tpu.memory_space<vmem>>) dst(%dma_wait3A_96 : memref<128x128xf32, #tpu.memory_space<vmem_shared>>)
        tpu.yield
      }) : () -> ()
    } else {
    }
    %add3A_24 = arith.constant 64 : i32
    %add3A_25 = arith.addi %arg1, %add3A_24 : i32
    %lt3A_26 = arith.constant 79 : i32
    %lt3A_27 = arith.cmpi slt, %add3A_25, %lt3A_26 : i32
    %convert_element_type3A_28 = arith.extui %lt3A_27 : i1 to i32
    %cond3A_29 = arith.constant 0 : i32
    %cond3A_30 = arith.cmpi ne, %convert_element_type3A_28, %cond3A_29 : i32
    scf.if %cond3A_30 {
      %mul3A_89 = arith.constant 128 : i32
      %mul3A_90 = arith.muli %add3A_25, %mul3A_89 : i32
      "tpu.region"() ({
        %run_scoped3A = tpu.sem_alloc : memref<!tpu.dma_semaphore, #tpu.memory_space<semaphore_mem>>
        %dma_start3A = arith.constant 0 : i32
        %dma_start3A_91 = tpu.memref_slice %arg6[%mul3A_90, %dma_start3A] : memref<10112x128xf32, #tpu.memory_space<vmem_shared>> -> memref<128x128xf32, #tpu.memory_space<vmem_shared>>
        %dma_start3A_92 = arith.constant 0 : i32
        %dma_start3A_93 = tpu.memref_slice %arg6[%mul3A_90, %dma_start3A_92] : memref<10112x128xf32, #tpu.memory_space<vmem_shared>> -> memref<128x128xf32, #tpu.memory_space<vmem_shared>>
        tpu.enqueue_dma source(%arg7 : memref<128x128xf32, #tpu.memory_space<vmem>>) target(%dma_start3A_93 : memref<128x128xf32, #tpu.memory_space<vmem_shared>>) target_semaphore(%run_scoped3A : memref<!tpu.dma_semaphore, #tpu.memory_space<semaphore_mem>>)
        %dma_wait3A = arith.constant 0 : i32
        %dma_wait3A_94 = tpu.memref_slice %arg6[%mul3A_90, %dma_wait3A] : memref<10112x128xf32, #tpu.memory_space<vmem_shared>> -> memref<128x128xf32, #tpu.memory_space<vmem_shared>>
        %dma_wait3A_95 = arith.constant 0 : i32
        %dma_wait3A_96 = tpu.memref_slice %arg6[%mul3A_90, %dma_wait3A_95] : memref<10112x128xf32, #tpu.memory_space<vmem_shared>> -> memref<128x128xf32, #tpu.memory_space<vmem_shared>>
        tpu.wait_dma2 semaphore(%run_scoped3A : memref<!tpu.dma_semaphore, #tpu.memory_space<semaphore_mem>>) src(%arg7 : memref<128x128xf32, #tpu.memory_space<vmem>>) dst(%dma_wait3A_96 : memref<128x128xf32, #tpu.memory_space<vmem_shared>>)
        tpu.yield
      }) : () -> ()
    } else {
    }
    %barrier3A = arith.constant 0 : index
    tpu.barrier barrier_id(%barrier3A)
    %lt3A_31 = arith.constant 2 : i32
    %lt3A_32 = arith.cmpi slt, %arg1, %lt3A_31 : i32
    %jit3A = arith.constant 1 : i32
    %jit3A_33 = arith.constant 0 : i32
    %select_n3A = arith.select %lt3A_32, %jit3A, %jit3A_33 : i32
    %add3A_34 = arith.constant 78 : i32
    %add3A_35 = arith.addi %add3A_34, %select_n3A : i32
    %mul3A = arith.constant 78 : i32
    %mul3A_36 = arith.muli %arg1, %mul3A : i32
    %min3A = arith.constant 2 : i32
    %min3A_37 = arith.minsi %arg1, %min3A : i32
    %add3A_38 = arith.addi %mul3A_36, %min3A_37 : i32
    %mul3A_39 = arith.constant 1250 : i32
    %mul3A_40 = arith.muli %arg0, %mul3A_39 : i32
    %add3A_41 = arith.addi %add3A_38, %mul3A_40 : i32
    %while3A = arith.constant 0 : i32
    %while3A_42 = arith.constant 0 : i32
    %while3A_43 = arith.subi %add3A_35, %while3A : i32
    %while3A_44 = arith.addi %while3A, %while3A_43 : i32
    %while3A_45 = arith.constant 1 : i32
    %while3A_46 = arith.divsi %while3A_43, %while3A_45 : i32
    %while3A_47 = arith.muli %while3A_46, %while3A_45 : i32
    %while3A_48 = arith.addi %while3A, %while3A_47 : i32
    %while3A_49 = arith.constant 1 : i32
    %while3A_50 = scf.for %while3A_89 = %while3A to %while3A_48 step %while3A_49 iter_args(%while3A_90 = %while3A_42) -> (i32)  : i32 {
      %add3A_91 = arith.addi %add3A_41, %while3A_89 : i32
      "tpu.region"() ({
        %run_scoped3A = tpu.sem_alloc : memref<!tpu.dma_semaphore, #tpu.memory_space<semaphore_mem>>
        %dma_start3A = arith.constant 0 : i32
        %dma_start3A_95 = tpu.memref_slice %arg3[%add3A_91, %dma_start3A] : memref<2500x128xi32, #tpu.memory_space<hbm>> -> memref<1x128xi32, #tpu.memory_space<hbm>>
        %dma_start3A_96 = tpu.memref_squeeze %dma_start3A_95 : memref<1x128xi32, #tpu.memory_space<hbm>> -> memref<128xi32, #tpu.memory_space<hbm>>
        %dma_start3A_97 = arith.constant 0 : i32
        %dma_start3A_98 = tpu.memref_slice %arg3[%add3A_91, %dma_start3A_97] : memref<2500x128xi32, #tpu.memory_space<hbm>> -> memref<1x128xi32, #tpu.memory_space<hbm>>
        %dma_start3A_99 = tpu.memref_squeeze %dma_start3A_98 : memref<1x128xi32, #tpu.memory_space<hbm>> -> memref<128xi32, #tpu.memory_space<hbm>>
        tpu.enqueue_dma source(%dma_start3A_99 : memref<128xi32, #tpu.memory_space<hbm>>) target(%arg8 : memref<128xi32, #tpu.memory_space<vmem>>) target_semaphore(%run_scoped3A : memref<!tpu.dma_semaphore, #tpu.memory_space<semaphore_mem>>)
        %dma_wait3A = arith.constant 0 : i32
        %dma_wait3A_100 = tpu.memref_slice %arg3[%add3A_91, %dma_wait3A] : memref<2500x128xi32, #tpu.memory_space<hbm>> -> memref<1x128xi32, #tpu.memory_space<hbm>>
        %dma_wait3A_101 = tpu.memref_squeeze %dma_wait3A_100 : memref<1x128xi32, #tpu.memory_space<hbm>> -> memref<128xi32, #tpu.memory_space<hbm>>
        %dma_wait3A_102 = arith.constant 0 : i32
        %dma_wait3A_103 = tpu.memref_slice %arg3[%add3A_91, %dma_wait3A_102] : memref<2500x128xi32, #tpu.memory_space<hbm>> -> memref<1x128xi32, #tpu.memory_space<hbm>>
        %dma_wait3A_104 = tpu.memref_squeeze %dma_wait3A_103 : memref<1x128xi32, #tpu.memory_space<hbm>> -> memref<128xi32, #tpu.memory_space<hbm>>
        tpu.wait_dma2 semaphore(%run_scoped3A : memref<!tpu.dma_semaphore, #tpu.memory_space<semaphore_mem>>) src(%dma_wait3A_104 : memref<128xi32, #tpu.memory_space<hbm>>) dst(%arg8 : memref<128xi32, #tpu.memory_space<vmem>>)
        tpu.yield
      }) : () -> ()
      %mul3A_92 = arith.constant 128 : i32
      %mul3A_93 = arith.muli %add3A_91, %mul3A_92 : i32
      "tpu.region"() ({
        %run_scoped3A = tpu.sem_alloc : memref<!tpu.dma_semaphore, #tpu.memory_space<semaphore_mem>>
        %dma_start3A = arith.constant 0 : i32
        %dma_start3A_95 = tpu.memref_slice %arg2[%mul3A_93, %dma_start3A] : memref<320000x128xf32, #tpu.memory_space<hbm>> -> memref<128x128xf32, #tpu.memory_space<hbm>>
        %dma_start3A_96 = arith.constant 0 : i32
        %dma_start3A_97 = tpu.memref_slice %arg2[%mul3A_93, %dma_start3A_96] : memref<320000x128xf32, #tpu.memory_space<hbm>> -> memref<128x128xf32, #tpu.memory_space<hbm>>
        tpu.enqueue_dma source(%dma_start3A_97 : memref<128x128xf32, #tpu.memory_space<hbm>>) target(%arg7 : memref<128x128xf32, #tpu.memory_space<vmem>>) target_semaphore(%run_scoped3A : memref<!tpu.dma_semaphore, #tpu.memory_space<semaphore_mem>>)
        %dma_wait3A = arith.constant 0 : i32
        %dma_wait3A_98 = tpu.memref_slice %arg2[%mul3A_93, %dma_wait3A] : memref<320000x128xf32, #tpu.memory_space<hbm>> -> memref<128x128xf32, #tpu.memory_space<hbm>>
        %dma_wait3A_99 = arith.constant 0 : i32
        %dma_wait3A_100 = tpu.memref_slice %arg2[%mul3A_93, %dma_wait3A_99] : memref<320000x128xf32, #tpu.memory_space<hbm>> -> memref<128x128xf32, #tpu.memory_space<hbm>>
        tpu.wait_dma2 semaphore(%run_scoped3A : memref<!tpu.dma_semaphore, #tpu.memory_space<semaphore_mem>>) src(%dma_wait3A_100 : memref<128x128xf32, #tpu.memory_space<hbm>>) dst(%arg7 : memref<128x128xf32, #tpu.memory_space<vmem>>)
        tpu.yield
      }) : () -> ()
      "tpu.region"() ({
        %run_scoped3A = tpu.sem_alloc : memref<!tpu.dma_semaphore, #tpu.memory_space<semaphore_mem>>
        %dma_start3A = arith.constant 0 : i32
        %dma_start3A_95 = arith.constant 0 : i32
        %dma_start3A_96 = tpu.memref_slice %arg6[%dma_start3A, %dma_start3A_95] : memref<10112x128xf32, #tpu.memory_space<vmem_shared>> -> memref<10112x128xf32, #tpu.memory_space<vmem_shared>>
        tpu.enqueue_indirect_dma source(%arg7 : memref<128x128xf32, #tpu.memory_space<vmem>>) target(%dma_start3A_96 : memref<10112x128xf32, #tpu.memory_space<vmem_shared>>) offsets(%arg8 : memref<128xi32, #tpu.memory_space<vmem>>) semaphore(%run_scoped3A : memref<!tpu.dma_semaphore, #tpu.memory_space<semaphore_mem>>) {add = true}
        %dma_wait3A = arith.constant 0 : i32
        %dma_wait3A_97 = arith.constant 0 : i32
        %dma_wait3A_98 = tpu.memref_slice %arg6[%dma_wait3A, %dma_wait3A_97] : memref<10112x128xf32, #tpu.memory_space<vmem_shared>> -> memref<10112x128xf32, #tpu.memory_space<vmem_shared>>
        tpu.wait_indirect_dma semaphore(%run_scoped3A : memref<!tpu.dma_semaphore, #tpu.memory_space<semaphore_mem>>) src(%arg7 : memref<128x128xf32, #tpu.memory_space<vmem>>) dst(%dma_wait3A_98 : memref<10112x128xf32, #tpu.memory_space<vmem_shared>>)
        tpu.yield
      }) : () -> ()
      %while3A_94 = arith.constant 0 : i32
      scf.yield %while3A_94 : i32
    }
    %while3A_51 = arith.constant 1 : i32
    %while3A_52 = scf.for %while3A_89 = %while3A_48 to %while3A_44 step %while3A_51 iter_args(%while3A_90 = %while3A_50) -> (i32)  : i32 {
      %add3A_91 = arith.addi %add3A_41, %while3A_89 : i32
      "tpu.region"() ({
        %run_scoped3A = tpu.sem_alloc : memref<!tpu.dma_semaphore, #tpu.memory_space<semaphore_mem>>
        %dma_start3A = arith.constant 0 : i32
        %dma_start3A_95 = tpu.memref_slice %arg3[%add3A_91, %dma_start3A] : memref<2500x128xi32, #tpu.memory_space<hbm>> -> memref<1x128xi32, #tpu.memory_space<hbm>>
        %dma_start3A_96 = tpu.memref_squeeze %dma_start3A_95 : memref<1x128xi32, #tpu.memory_space<hbm>> -> memref<128xi32, #tpu.memory_space<hbm>>
        %dma_start3A_97 = arith.constant 0 : i32
        %dma_start3A_98 = tpu.memref_slice %arg3[%add3A_91, %dma_start3A_97] : memref<2500x128xi32, #tpu.memory_space<hbm>> -> memref<1x128xi32, #tpu.memory_space<hbm>>
        %dma_start3A_99 = tpu.memref_squeeze %dma_start3A_98 : memref<1x128xi32, #tpu.memory_space<hbm>> -> memref<128xi32, #tpu.memory_space<hbm>>
        tpu.enqueue_dma source(%dma_start3A_99 : memref<128xi32, #tpu.memory_space<hbm>>) target(%arg8 : memref<128xi32, #tpu.memory_space<vmem>>) target_semaphore(%run_scoped3A : memref<!tpu.dma_semaphore, #tpu.memory_space<semaphore_mem>>)
        %dma_wait3A = arith.constant 0 : i32
        %dma_wait3A_100 = tpu.memref_slice %arg3[%add3A_91, %dma_wait3A] : memref<2500x128xi32, #tpu.memory_space<hbm>> -> memref<1x128xi32, #tpu.memory_space<hbm>>
        %dma_wait3A_101 = tpu.memref_squeeze %dma_wait3A_100 : memref<1x128xi32, #tpu.memory_space<hbm>> -> memref<128xi32, #tpu.memory_space<hbm>>
        %dma_wait3A_102 = arith.constant 0 : i32
        %dma_wait3A_103 = tpu.memref_slice %arg3[%add3A_91, %dma_wait3A_102] : memref<2500x128xi32, #tpu.memory_space<hbm>> -> memref<1x128xi32, #tpu.memory_space<hbm>>
        %dma_wait3A_104 = tpu.memref_squeeze %dma_wait3A_103 : memref<1x128xi32, #tpu.memory_space<hbm>> -> memref<128xi32, #tpu.memory_space<hbm>>
        tpu.wait_dma2 semaphore(%run_scoped3A : memref<!tpu.dma_semaphore, #tpu.memory_space<semaphore_mem>>) src(%dma_wait3A_104 : memref<128xi32, #tpu.memory_space<hbm>>) dst(%arg8 : memref<128xi32, #tpu.memory_space<vmem>>)
        tpu.yield
      }) : () -> ()
      %mul3A_92 = arith.constant 128 : i32
      %mul3A_93 = arith.muli %add3A_91, %mul3A_92 : i32
      "tpu.region"() ({
        %run_scoped3A = tpu.sem_alloc : memref<!tpu.dma_semaphore, #tpu.memory_space<semaphore_mem>>
        %dma_start3A = arith.constant 0 : i32
        %dma_start3A_95 = tpu.memref_slice %arg2[%mul3A_93, %dma_start3A] : memref<320000x128xf32, #tpu.memory_space<hbm>> -> memref<128x128xf32, #tpu.memory_space<hbm>>
        %dma_start3A_96 = arith.constant 0 : i32
        %dma_start3A_97 = tpu.memref_slice %arg2[%mul3A_93, %dma_start3A_96] : memref<320000x128xf32, #tpu.memory_space<hbm>> -> memref<128x128xf32, #tpu.memory_space<hbm>>
        tpu.enqueue_dma source(%dma_start3A_97 : memref<128x128xf32, #tpu.memory_space<hbm>>) target(%arg7 : memref<128x128xf32, #tpu.memory_space<vmem>>) target_semaphore(%run_scoped3A : memref<!tpu.dma_semaphore, #tpu.memory_space<semaphore_mem>>)
        %dma_wait3A = arith.constant 0 : i32
        %dma_wait3A_98 = tpu.memref_slice %arg2[%mul3A_93, %dma_wait3A] : memref<320000x128xf32, #tpu.memory_space<hbm>> -> memref<128x128xf32, #tpu.memory_space<hbm>>
        %dma_wait3A_99 = arith.constant 0 : i32
        %dma_wait3A_100 = tpu.memref_slice %arg2[%mul3A_93, %dma_wait3A_99] : memref<320000x128xf32, #tpu.memory_space<hbm>> -> memref<128x128xf32, #tpu.memory_space<hbm>>
        tpu.wait_dma2 semaphore(%run_scoped3A : memref<!tpu.dma_semaphore, #tpu.memory_space<semaphore_mem>>) src(%dma_wait3A_100 : memref<128x128xf32, #tpu.memory_space<hbm>>) dst(%arg7 : memref<128x128xf32, #tpu.memory_space<vmem>>)
        tpu.yield
      }) : () -> ()
      "tpu.region"() ({
        %run_scoped3A = tpu.sem_alloc : memref<!tpu.dma_semaphore, #tpu.memory_space<semaphore_mem>>
        %dma_start3A = arith.constant 0 : i32
        %dma_start3A_95 = arith.constant 0 : i32
        %dma_start3A_96 = tpu.memref_slice %arg6[%dma_start3A, %dma_start3A_95] : memref<10112x128xf32, #tpu.memory_space<vmem_shared>> -> memref<10112x128xf32, #tpu.memory_space<vmem_shared>>
        tpu.enqueue_indirect_dma source(%arg7 : memref<128x128xf32, #tpu.memory_space<vmem>>) target(%dma_start3A_96 : memref<10112x128xf32, #tpu.memory_space<vmem_shared>>) offsets(%arg8 : memref<128xi32, #tpu.memory_space<vmem>>) semaphore(%run_scoped3A : memref<!tpu.dma_semaphore, #tpu.memory_space<semaphore_mem>>) {add = true}
        %dma_wait3A = arith.constant 0 : i32
        %dma_wait3A_97 = arith.constant 0 : i32
        %dma_wait3A_98 = tpu.memref_slice %arg6[%dma_wait3A, %dma_wait3A_97] : memref<10112x128xf32, #tpu.memory_space<vmem_shared>> -> memref<10112x128xf32, #tpu.memory_space<vmem_shared>>
        tpu.wait_indirect_dma semaphore(%run_scoped3A : memref<!tpu.dma_semaphore, #tpu.memory_space<semaphore_mem>>) src(%arg7 : memref<128x128xf32, #tpu.memory_space<vmem>>) dst(%dma_wait3A_98 : memref<10112x128xf32, #tpu.memory_space<vmem_shared>>)
        tpu.yield
      }) : () -> ()
      %while3A_94 = arith.constant 0 : i32
      scf.yield %while3A_94 : i32
    }
    %barrier3A_53 = arith.constant 0 : index
    tpu.barrier barrier_id(%barrier3A_53)
    %add3A_54 = arith.constant 0 : i32
    %add3A_55 = arith.addi %arg1, %add3A_54 : i32
    %lt3A_56 = arith.constant 79 : i32
    %lt3A_57 = arith.cmpi slt, %add3A_55, %lt3A_56 : i32
    %convert_element_type3A_58 = arith.extui %lt3A_57 : i1 to i32
    %cond3A_59 = arith.constant 0 : i32
    %cond3A_60 = arith.cmpi ne, %convert_element_type3A_58, %cond3A_59 : i32
    scf.if %cond3A_60 {
      %mul3A_89 = arith.constant 128 : i32
      %mul3A_90 = arith.muli %add3A_55, %mul3A_89 : i32
      %mul3A_91 = arith.constant 128 : i32
      %mul3A_92 = arith.muli %add3A_55, %mul3A_91 : i32
      "tpu.region"() ({
        %run_scoped3A = tpu.sem_alloc : memref<!tpu.dma_semaphore, #tpu.memory_space<semaphore_mem>>
        %dma_start3A = arith.constant 0 : i32
        %dma_start3A_93 = tpu.memref_slice %arg5[%arg0, %mul3A_92, %dma_start3A] : memref<2x10112x128xf32, #tpu.memory_space<hbm>> -> memref<1x128x128xf32, #tpu.memory_space<hbm>>
        %dma_start3A_94 = tpu.memref_squeeze %dma_start3A_93 : memref<1x128x128xf32, #tpu.memory_space<hbm>> -> memref<128x128xf32, #tpu.memory_space<hbm>>
        %dma_start3A_95 = arith.constant 0 : i32
        %dma_start3A_96 = tpu.memref_slice %arg6[%mul3A_90, %dma_start3A_95] : memref<10112x128xf32, #tpu.memory_space<vmem_shared>> -> memref<128x128xf32, #tpu.memory_space<vmem_shared>>
        tpu.enqueue_dma source(%dma_start3A_96 : memref<128x128xf32, #tpu.memory_space<vmem_shared>>) target(%dma_start3A_94 : memref<128x128xf32, #tpu.memory_space<hbm>>) target_semaphore(%run_scoped3A : memref<!tpu.dma_semaphore, #tpu.memory_space<semaphore_mem>>)
        %dma_wait3A = arith.constant 0 : i32
        %dma_wait3A_97 = tpu.memref_slice %arg5[%arg0, %mul3A_92, %dma_wait3A] : memref<2x10112x128xf32, #tpu.memory_space<hbm>> -> memref<1x128x128xf32, #tpu.memory_space<hbm>>
        %dma_wait3A_98 = tpu.memref_squeeze %dma_wait3A_97 : memref<1x128x128xf32, #tpu.memory_space<hbm>> -> memref<128x128xf32, #tpu.memory_space<hbm>>
        %dma_wait3A_99 = arith.constant 0 : i32
        %dma_wait3A_100 = tpu.memref_slice %arg6[%mul3A_90, %dma_wait3A_99] : memref<10112x128xf32, #tpu.memory_space<vmem_shared>> -> memref<128x128xf32, #tpu.memory_space<vmem_shared>>
        tpu.wait_dma2 semaphore(%run_scoped3A : memref<!tpu.dma_semaphore, #tpu.memory_space<semaphore_mem>>) src(%dma_wait3A_100 : memref<128x128xf32, #tpu.memory_space<vmem_shared>>) dst(%dma_wait3A_98 : memref<128x128xf32, #tpu.memory_space<hbm>>)
        tpu.yield
      }) : () -> ()
    } else {
    }
    %add3A_61 = arith.constant 16 : i32
    %add3A_62 = arith.addi %arg1, %add3A_61 : i32
    %lt3A_63 = arith.constant 79 : i32
    %lt3A_64 = arith.cmpi slt, %add3A_62, %lt3A_63 : i32
    %convert_element_type3A_65 = arith.extui %lt3A_64 : i1 to i32
    %cond3A_66 = arith.constant 0 : i32
    %cond3A_67 = arith.cmpi ne, %convert_element_type3A_65, %cond3A_66 : i32
    scf.if %cond3A_67 {
      %mul3A_89 = arith.constant 128 : i32
      %mul3A_90 = arith.muli %add3A_62, %mul3A_89 : i32
      %mul3A_91 = arith.constant 128 : i32
      %mul3A_92 = arith.muli %add3A_62, %mul3A_91 : i32
      "tpu.region"() ({
        %run_scoped3A = tpu.sem_alloc : memref<!tpu.dma_semaphore, #tpu.memory_space<semaphore_mem>>
        %dma_start3A = arith.constant 0 : i32
        %dma_start3A_93 = tpu.memref_slice %arg5[%arg0, %mul3A_92, %dma_start3A] : memref<2x10112x128xf32, #tpu.memory_space<hbm>> -> memref<1x128x128xf32, #tpu.memory_space<hbm>>
        %dma_start3A_94 = tpu.memref_squeeze %dma_start3A_93 : memref<1x128x128xf32, #tpu.memory_space<hbm>> -> memref<128x128xf32, #tpu.memory_space<hbm>>
        %dma_start3A_95 = arith.constant 0 : i32
        %dma_start3A_96 = tpu.memref_slice %arg6[%mul3A_90, %dma_start3A_95] : memref<10112x128xf32, #tpu.memory_space<vmem_shared>> -> memref<128x128xf32, #tpu.memory_space<vmem_shared>>
        tpu.enqueue_dma source(%dma_start3A_96 : memref<128x128xf32, #tpu.memory_space<vmem_shared>>) target(%dma_start3A_94 : memref<128x128xf32, #tpu.memory_space<hbm>>) target_semaphore(%run_scoped3A : memref<!tpu.dma_semaphore, #tpu.memory_space<semaphore_mem>>)
        %dma_wait3A = arith.constant 0 : i32
        %dma_wait3A_97 = tpu.memref_slice %arg5[%arg0, %mul3A_92, %dma_wait3A] : memref<2x10112x128xf32, #tpu.memory_space<hbm>> -> memref<1x128x128xf32, #tpu.memory_space<hbm>>
        %dma_wait3A_98 = tpu.memref_squeeze %dma_wait3A_97 : memref<1x128x128xf32, #tpu.memory_space<hbm>> -> memref<128x128xf32, #tpu.memory_space<hbm>>
        %dma_wait3A_99 = arith.constant 0 : i32
        %dma_wait3A_100 = tpu.memref_slice %arg6[%mul3A_90, %dma_wait3A_99] : memref<10112x128xf32, #tpu.memory_space<vmem_shared>> -> memref<128x128xf32, #tpu.memory_space<vmem_shared>>
        tpu.wait_dma2 semaphore(%run_scoped3A : memref<!tpu.dma_semaphore, #tpu.memory_space<semaphore_mem>>) src(%dma_wait3A_100 : memref<128x128xf32, #tpu.memory_space<vmem_shared>>) dst(%dma_wait3A_98 : memref<128x128xf32, #tpu.memory_space<hbm>>)
        tpu.yield
      }) : () -> ()
    } else {
    }
    %add3A_68 = arith.constant 32 : i32
    %add3A_69 = arith.addi %arg1, %add3A_68 : i32
    %lt3A_70 = arith.constant 79 : i32
    %lt3A_71 = arith.cmpi slt, %add3A_69, %lt3A_70 : i32
    %convert_element_type3A_72 = arith.extui %lt3A_71 : i1 to i32
    %cond3A_73 = arith.constant 0 : i32
    %cond3A_74 = arith.cmpi ne, %convert_element_type3A_72, %cond3A_73 : i32
    scf.if %cond3A_74 {
      %mul3A_89 = arith.constant 128 : i32
      %mul3A_90 = arith.muli %add3A_69, %mul3A_89 : i32
      %mul3A_91 = arith.constant 128 : i32
      %mul3A_92 = arith.muli %add3A_69, %mul3A_91 : i32
      "tpu.region"() ({
        %run_scoped3A = tpu.sem_alloc : memref<!tpu.dma_semaphore, #tpu.memory_space<semaphore_mem>>
        %dma_start3A = arith.constant 0 : i32
        %dma_start3A_93 = tpu.memref_slice %arg5[%arg0, %mul3A_92, %dma_start3A] : memref<2x10112x128xf32, #tpu.memory_space<hbm>> -> memref<1x128x128xf32, #tpu.memory_space<hbm>>
        %dma_start3A_94 = tpu.memref_squeeze %dma_start3A_93 : memref<1x128x128xf32, #tpu.memory_space<hbm>> -> memref<128x128xf32, #tpu.memory_space<hbm>>
        %dma_start3A_95 = arith.constant 0 : i32
        %dma_start3A_96 = tpu.memref_slice %arg6[%mul3A_90, %dma_start3A_95] : memref<10112x128xf32, #tpu.memory_space<vmem_shared>> -> memref<128x128xf32, #tpu.memory_space<vmem_shared>>
        tpu.enqueue_dma source(%dma_start3A_96 : memref<128x128xf32, #tpu.memory_space<vmem_shared>>) target(%dma_start3A_94 : memref<128x128xf32, #tpu.memory_space<hbm>>) target_semaphore(%run_scoped3A : memref<!tpu.dma_semaphore, #tpu.memory_space<semaphore_mem>>)
        %dma_wait3A = arith.constant 0 : i32
        %dma_wait3A_97 = tpu.memref_slice %arg5[%arg0, %mul3A_92, %dma_wait3A] : memref<2x10112x128xf32, #tpu.memory_space<hbm>> -> memref<1x128x128xf32, #tpu.memory_space<hbm>>
        %dma_wait3A_98 = tpu.memref_squeeze %dma_wait3A_97 : memref<1x128x128xf32, #tpu.memory_space<hbm>> -> memref<128x128xf32, #tpu.memory_space<hbm>>
        %dma_wait3A_99 = arith.constant 0 : i32
        %dma_wait3A_100 = tpu.memref_slice %arg6[%mul3A_90, %dma_wait3A_99] : memref<10112x128xf32, #tpu.memory_space<vmem_shared>> -> memref<128x128xf32, #tpu.memory_space<vmem_shared>>
        tpu.wait_dma2 semaphore(%run_scoped3A : memref<!tpu.dma_semaphore, #tpu.memory_space<semaphore_mem>>) src(%dma_wait3A_100 : memref<128x128xf32, #tpu.memory_space<vmem_shared>>) dst(%dma_wait3A_98 : memref<128x128xf32, #tpu.memory_space<hbm>>)
        tpu.yield
      }) : () -> ()
    } else {
    }
    %add3A_75 = arith.constant 48 : i32
    %add3A_76 = arith.addi %arg1, %add3A_75 : i32
    %lt3A_77 = arith.constant 79 : i32
    %lt3A_78 = arith.cmpi slt, %add3A_76, %lt3A_77 : i32
    %convert_element_type3A_79 = arith.extui %lt3A_78 : i1 to i32
    %cond3A_80 = arith.constant 0 : i32
    %cond3A_81 = arith.cmpi ne, %convert_element_type3A_79, %cond3A_80 : i32
    scf.if %cond3A_81 {
      %mul3A_89 = arith.constant 128 : i32
      %mul3A_90 = arith.muli %add3A_76, %mul3A_89 : i32
      %mul3A_91 = arith.constant 128 : i32
      %mul3A_92 = arith.muli %add3A_76, %mul3A_91 : i32
      "tpu.region"() ({
        %run_scoped3A = tpu.sem_alloc : memref<!tpu.dma_semaphore, #tpu.memory_space<semaphore_mem>>
        %dma_start3A = arith.constant 0 : i32
        %dma_start3A_93 = tpu.memref_slice %arg5[%arg0, %mul3A_92, %dma_start3A] : memref<2x10112x128xf32, #tpu.memory_space<hbm>> -> memref<1x128x128xf32, #tpu.memory_space<hbm>>
        %dma_start3A_94 = tpu.memref_squeeze %dma_start3A_93 : memref<1x128x128xf32, #tpu.memory_space<hbm>> -> memref<128x128xf32, #tpu.memory_space<hbm>>
        %dma_start3A_95 = arith.constant 0 : i32
        %dma_start3A_96 = tpu.memref_slice %arg6[%mul3A_90, %dma_start3A_95] : memref<10112x128xf32, #tpu.memory_space<vmem_shared>> -> memref<128x128xf32, #tpu.memory_space<vmem_shared>>
        tpu.enqueue_dma source(%dma_start3A_96 : memref<128x128xf32, #tpu.memory_space<vmem_shared>>) target(%dma_start3A_94 : memref<128x128xf32, #tpu.memory_space<hbm>>) target_semaphore(%run_scoped3A : memref<!tpu.dma_semaphore, #tpu.memory_space<semaphore_mem>>)
        %dma_wait3A = arith.constant 0 : i32
        %dma_wait3A_97 = tpu.memref_slice %arg5[%arg0, %mul3A_92, %dma_wait3A] : memref<2x10112x128xf32, #tpu.memory_space<hbm>> -> memref<1x128x128xf32, #tpu.memory_space<hbm>>
        %dma_wait3A_98 = tpu.memref_squeeze %dma_wait3A_97 : memref<1x128x128xf32, #tpu.memory_space<hbm>> -> memref<128x128xf32, #tpu.memory_space<hbm>>
        %dma_wait3A_99 = arith.constant 0 : i32
        %dma_wait3A_100 = tpu.memref_slice %arg6[%mul3A_90, %dma_wait3A_99] : memref<10112x128xf32, #tpu.memory_space<vmem_shared>> -> memref<128x128xf32, #tpu.memory_space<vmem_shared>>
        tpu.wait_dma2 semaphore(%run_scoped3A : memref<!tpu.dma_semaphore, #tpu.memory_space<semaphore_mem>>) src(%dma_wait3A_100 : memref<128x128xf32, #tpu.memory_space<vmem_shared>>) dst(%dma_wait3A_98 : memref<128x128xf32, #tpu.memory_space<hbm>>)
        tpu.yield
      }) : () -> ()
    } else {
    }
    %add3A_82 = arith.constant 64 : i32
    %add3A_83 = arith.addi %arg1, %add3A_82 : i32
    %lt3A_84 = arith.constant 79 : i32
    %lt3A_85 = arith.cmpi slt, %add3A_83, %lt3A_84 : i32
    %convert_element_type3A_86 = arith.extui %lt3A_85 : i1 to i32
    %cond3A_87 = arith.constant 0 : i32
    %cond3A_88 = arith.cmpi ne, %convert_element_type3A_86, %cond3A_87 : i32
    scf.if %cond3A_88 {
      %mul3A_89 = arith.constant 128 : i32
      %mul3A_90 = arith.muli %add3A_83, %mul3A_89 : i32
      %mul3A_91 = arith.constant 128 : i32
      %mul3A_92 = arith.muli %add3A_83, %mul3A_91 : i32
      "tpu.region"() ({
        %run_scoped3A = tpu.sem_alloc : memref<!tpu.dma_semaphore, #tpu.memory_space<semaphore_mem>>
        %dma_start3A = arith.constant 0 : i32
        %dma_start3A_93 = tpu.memref_slice %arg5[%arg0, %mul3A_92, %dma_start3A] : memref<2x10112x128xf32, #tpu.memory_space<hbm>> -> memref<1x128x128xf32, #tpu.memory_space<hbm>>
        %dma_start3A_94 = tpu.memref_squeeze %dma_start3A_93 : memref<1x128x128xf32, #tpu.memory_space<hbm>> -> memref<128x128xf32, #tpu.memory_space<hbm>>
        %dma_start3A_95 = arith.constant 0 : i32
        %dma_start3A_96 = tpu.memref_slice %arg6[%mul3A_90, %dma_start3A_95] : memref<10112x128xf32, #tpu.memory_space<vmem_shared>> -> memref<128x128xf32, #tpu.memory_space<vmem_shared>>
        tpu.enqueue_dma source(%dma_start3A_96 : memref<128x128xf32, #tpu.memory_space<vmem_shared>>) target(%dma_start3A_94 : memref<128x128xf32, #tpu.memory_space<hbm>>) target_semaphore(%run_scoped3A : memref<!tpu.dma_semaphore, #tpu.memory_space<semaphore_mem>>)
        %dma_wait3A = arith.constant 0 : i32
        %dma_wait3A_97 = tpu.memref_slice %arg5[%arg0, %mul3A_92, %dma_wait3A] : memref<2x10112x128xf32, #tpu.memory_space<hbm>> -> memref<1x128x128xf32, #tpu.memory_space<hbm>>
        %dma_wait3A_98 = tpu.memref_squeeze %dma_wait3A_97 : memref<1x128x128xf32, #tpu.memory_space<hbm>> -> memref<128x128xf32, #tpu.memory_space<hbm>>
        %dma_wait3A_99 = arith.constant 0 : i32
        %dma_wait3A_100 = tpu.memref_slice %arg6[%mul3A_90, %dma_wait3A_99] : memref<10112x128xf32, #tpu.memory_space<vmem_shared>> -> memref<128x128xf32, #tpu.memory_space<vmem_shared>>
        tpu.wait_dma2 semaphore(%run_scoped3A : memref<!tpu.dma_semaphore, #tpu.memory_space<semaphore_mem>>) src(%dma_wait3A_100 : memref<128x128xf32, #tpu.memory_space<vmem_shared>>) dst(%dma_wait3A_98 : memref<128x128xf32, #tpu.memory_space<hbm>>)
        tpu.yield
      }) : () -> ()
    } else {
    }
    return
  }
}

#map = affine_map<(d0, d1) -> (0, 0)>
module attributes {stable_mosaic.version = 14 : i64} {
  func.func @_sc_gather_body(%arg0: i32, %arg1: i32, %arg2: memref<10112x128xf32, #tpu.memory_space<hbm>>, %arg3: memref<2500x128xi32, #tpu.memory_space<hbm>>, %arg4: memref<320000x128xf32, #tpu.memory_space<hbm>>, %arg5: memref<128xi32, #tpu.memory_space<vmem>>, %arg6: memref<128x128xf32, #tpu.memory_space<vmem>>, %arg7: memref<!tpu.dma_semaphore, #tpu.memory_space<semaphore_mem>>) attributes {dimension_semantics = [#tpu.dimension_semantics<core_parallel>, #tpu.dimension_semantics<subcore_parallel>], iteration_bounds = array<i64: 2, 16>, scalar_prefetch = 0 : i64, scratch_operands = 3 : i64, tpu.core_type = #tpu.core_type<sc_vector_subcore>, window_params = [{transform_indices = #map}, {transform_indices = #map}, {transform_indices = #map}]} {
    %mul3A = arith.constant 2 : i32
    %mul3A_0 = arith.muli %arg1, %mul3A : i32
    %add3A = arith.addi %mul3A_0, %arg0 : i32
    %lt3A = arith.constant 4 : i32
    %lt3A_1 = arith.cmpi slt, %add3A, %lt3A : i32
    %jit3A = arith.constant 1 : i32
    %jit3A_2 = arith.constant 0 : i32
    %select_n3A = arith.select %lt3A_1, %jit3A, %jit3A_2 : i32
    %add3A_3 = arith.constant 78 : i32
    %add3A_4 = arith.addi %add3A_3, %select_n3A : i32
    %mul3A_5 = arith.constant 78 : i32
    %mul3A_6 = arith.muli %add3A, %mul3A_5 : i32
    %min3A = arith.constant 4 : i32
    %min3A_7 = arith.minsi %add3A, %min3A : i32
    %add3A_8 = arith.addi %mul3A_6, %min3A_7 : i32
    %while3A = arith.constant 0 : i32
    %while3A_9 = arith.constant 0 : i32
    %while3A_10 = arith.subi %add3A_4, %while3A : i32
    %while3A_11 = arith.addi %while3A, %while3A_10 : i32
    %while3A_12 = arith.constant 1 : i32
    %while3A_13 = arith.divsi %while3A_10, %while3A_12 : i32
    %while3A_14 = arith.muli %while3A_13, %while3A_12 : i32
    %while3A_15 = arith.addi %while3A, %while3A_14 : i32
    %while3A_16 = arith.constant 1 : i32
    %while3A_17 = scf.for %while3A_20 = %while3A to %while3A_15 step %while3A_16 iter_args(%while3A_21 = %while3A_9) -> (i32)  : i32 {
      %add3A_22 = arith.addi %add3A_8, %while3A_20 : i32
      "tpu.region"() ({
        %run_scoped3A = tpu.sem_alloc : memref<!tpu.dma_semaphore, #tpu.memory_space<semaphore_mem>>
        %dma_start3A_30 = arith.constant 0 : i32
        %dma_start3A_31 = tpu.memref_slice %arg3[%add3A_22, %dma_start3A_30] : memref<2500x128xi32, #tpu.memory_space<hbm>> -> memref<1x128xi32, #tpu.memory_space<hbm>>
        %dma_start3A_32 = tpu.memref_squeeze %dma_start3A_31 : memref<1x128xi32, #tpu.memory_space<hbm>> -> memref<128xi32, #tpu.memory_space<hbm>>
        %dma_start3A_33 = arith.constant 0 : i32
        %dma_start3A_34 = tpu.memref_slice %arg3[%add3A_22, %dma_start3A_33] : memref<2500x128xi32, #tpu.memory_space<hbm>> -> memref<1x128xi32, #tpu.memory_space<hbm>>
        %dma_start3A_35 = tpu.memref_squeeze %dma_start3A_34 : memref<1x128xi32, #tpu.memory_space<hbm>> -> memref<128xi32, #tpu.memory_space<hbm>>
        tpu.enqueue_dma source(%dma_start3A_35 : memref<128xi32, #tpu.memory_space<hbm>>) target(%arg5 : memref<128xi32, #tpu.memory_space<vmem>>) target_semaphore(%run_scoped3A : memref<!tpu.dma_semaphore, #tpu.memory_space<semaphore_mem>>)
        %dma_wait3A_36 = arith.constant 0 : i32
        %dma_wait3A_37 = tpu.memref_slice %arg3[%add3A_22, %dma_wait3A_36] : memref<2500x128xi32, #tpu.memory_space<hbm>> -> memref<1x128xi32, #tpu.memory_space<hbm>>
        %dma_wait3A_38 = tpu.memref_squeeze %dma_wait3A_37 : memref<1x128xi32, #tpu.memory_space<hbm>> -> memref<128xi32, #tpu.memory_space<hbm>>
        %dma_wait3A_39 = arith.constant 0 : i32
        %dma_wait3A_40 = tpu.memref_slice %arg3[%add3A_22, %dma_wait3A_39] : memref<2500x128xi32, #tpu.memory_space<hbm>> -> memref<1x128xi32, #tpu.memory_space<hbm>>
        %dma_wait3A_41 = tpu.memref_squeeze %dma_wait3A_40 : memref<1x128xi32, #tpu.memory_space<hbm>> -> memref<128xi32, #tpu.memory_space<hbm>>
        tpu.wait_dma2 semaphore(%run_scoped3A : memref<!tpu.dma_semaphore, #tpu.memory_space<semaphore_mem>>) src(%dma_wait3A_41 : memref<128xi32, #tpu.memory_space<hbm>>) dst(%arg5 : memref<128xi32, #tpu.memory_space<vmem>>)
        tpu.yield
      }) : () -> ()
      %dma_start3A = arith.constant 0 : i32
      %dma_start3A_23 = arith.constant 0 : i32
      %dma_start3A_24 = tpu.memref_slice %arg2[%dma_start3A, %dma_start3A_23] : memref<10112x128xf32, #tpu.memory_space<hbm>> -> memref<10112x128xf32, #tpu.memory_space<hbm>>
      tpu.enqueue_indirect_dma source(%dma_start3A_24 : memref<10112x128xf32, #tpu.memory_space<hbm>>) target(%arg6 : memref<128x128xf32, #tpu.memory_space<vmem>>) offsets(%arg5 : memref<128xi32, #tpu.memory_space<vmem>>) semaphore(%arg7 : memref<!tpu.dma_semaphore, #tpu.memory_space<semaphore_mem>>)
      %dma_wait3A = arith.constant 0 : i32
      %dma_wait3A_25 = arith.constant 0 : i32
      %dma_wait3A_26 = tpu.memref_slice %arg2[%dma_wait3A, %dma_wait3A_25] : memref<10112x128xf32, #tpu.memory_space<hbm>> -> memref<10112x128xf32, #tpu.memory_space<hbm>>
      tpu.wait_indirect_dma semaphore(%arg7 : memref<!tpu.dma_semaphore, #tpu.memory_space<semaphore_mem>>) src(%dma_wait3A_26 : memref<10112x128xf32, #tpu.memory_space<hbm>>) dst(%arg6 : memref<128x128xf32, #tpu.memory_space<vmem>>)
      %mul3A_27 = arith.constant 128 : i32
      %mul3A_28 = arith.muli %add3A_22, %mul3A_27 : i32
      "tpu.region"() ({
        %run_scoped3A = tpu.sem_alloc : memref<!tpu.dma_semaphore, #tpu.memory_space<semaphore_mem>>
        %dma_start3A_30 = arith.constant 0 : i32
        %dma_start3A_31 = tpu.memref_slice %arg4[%mul3A_28, %dma_start3A_30] : memref<320000x128xf32, #tpu.memory_space<hbm>> -> memref<128x128xf32, #tpu.memory_space<hbm>>
        %dma_start3A_32 = arith.constant 0 : i32
        %dma_start3A_33 = tpu.memref_slice %arg4[%mul3A_28, %dma_start3A_32] : memref<320000x128xf32, #tpu.memory_space<hbm>> -> memref<128x128xf32, #tpu.memory_space<hbm>>
        tpu.enqueue_dma source(%arg6 : memref<128x128xf32, #tpu.memory_space<vmem>>) target(%dma_start3A_33 : memref<128x128xf32, #tpu.memory_space<hbm>>) target_semaphore(%run_scoped3A : memref<!tpu.dma_semaphore, #tpu.memory_space<semaphore_mem>>)
        %dma_wait3A_34 = arith.constant 0 : i32
        %dma_wait3A_35 = tpu.memref_slice %arg4[%mul3A_28, %dma_wait3A_34] : memref<320000x128xf32, #tpu.memory_space<hbm>> -> memref<128x128xf32, #tpu.memory_space<hbm>>
        %dma_wait3A_36 = arith.constant 0 : i32
        %dma_wait3A_37 = tpu.memref_slice %arg4[%mul3A_28, %dma_wait3A_36] : memref<320000x128xf32, #tpu.memory_space<hbm>> -> memref<128x128xf32, #tpu.memory_space<hbm>>
        tpu.wait_dma2 semaphore(%run_scoped3A : memref<!tpu.dma_semaphore, #tpu.memory_space<semaphore_mem>>) src(%arg6 : memref<128x128xf32, #tpu.memory_space<vmem>>) dst(%dma_wait3A_37 : memref<128x128xf32, #tpu.memory_space<hbm>>)
        tpu.yield
      }) : () -> ()
      %while3A_29 = arith.constant 0 : i32
      scf.yield %while3A_29 : i32
    }
    %while3A_18 = arith.constant 1 : i32
    %while3A_19 = scf.for %while3A_20 = %while3A_15 to %while3A_11 step %while3A_18 iter_args(%while3A_21 = %while3A_17) -> (i32)  : i32 {
      %add3A_22 = arith.addi %add3A_8, %while3A_20 : i32
      "tpu.region"() ({
        %run_scoped3A = tpu.sem_alloc : memref<!tpu.dma_semaphore, #tpu.memory_space<semaphore_mem>>
        %dma_start3A_30 = arith.constant 0 : i32
        %dma_start3A_31 = tpu.memref_slice %arg3[%add3A_22, %dma_start3A_30] : memref<2500x128xi32, #tpu.memory_space<hbm>> -> memref<1x128xi32, #tpu.memory_space<hbm>>
        %dma_start3A_32 = tpu.memref_squeeze %dma_start3A_31 : memref<1x128xi32, #tpu.memory_space<hbm>> -> memref<128xi32, #tpu.memory_space<hbm>>
        %dma_start3A_33 = arith.constant 0 : i32
        %dma_start3A_34 = tpu.memref_slice %arg3[%add3A_22, %dma_start3A_33] : memref<2500x128xi32, #tpu.memory_space<hbm>> -> memref<1x128xi32, #tpu.memory_space<hbm>>
        %dma_start3A_35 = tpu.memref_squeeze %dma_start3A_34 : memref<1x128xi32, #tpu.memory_space<hbm>> -> memref<128xi32, #tpu.memory_space<hbm>>
        tpu.enqueue_dma source(%dma_start3A_35 : memref<128xi32, #tpu.memory_space<hbm>>) target(%arg5 : memref<128xi32, #tpu.memory_space<vmem>>) target_semaphore(%run_scoped3A : memref<!tpu.dma_semaphore, #tpu.memory_space<semaphore_mem>>)
        %dma_wait3A_36 = arith.constant 0 : i32
        %dma_wait3A_37 = tpu.memref_slice %arg3[%add3A_22, %dma_wait3A_36] : memref<2500x128xi32, #tpu.memory_space<hbm>> -> memref<1x128xi32, #tpu.memory_space<hbm>>
        %dma_wait3A_38 = tpu.memref_squeeze %dma_wait3A_37 : memref<1x128xi32, #tpu.memory_space<hbm>> -> memref<128xi32, #tpu.memory_space<hbm>>
        %dma_wait3A_39 = arith.constant 0 : i32
        %dma_wait3A_40 = tpu.memref_slice %arg3[%add3A_22, %dma_wait3A_39] : memref<2500x128xi32, #tpu.memory_space<hbm>> -> memref<1x128xi32, #tpu.memory_space<hbm>>
        %dma_wait3A_41 = tpu.memref_squeeze %dma_wait3A_40 : memref<1x128xi32, #tpu.memory_space<hbm>> -> memref<128xi32, #tpu.memory_space<hbm>>
        tpu.wait_dma2 semaphore(%run_scoped3A : memref<!tpu.dma_semaphore, #tpu.memory_space<semaphore_mem>>) src(%dma_wait3A_41 : memref<128xi32, #tpu.memory_space<hbm>>) dst(%arg5 : memref<128xi32, #tpu.memory_space<vmem>>)
        tpu.yield
      }) : () -> ()
      %dma_start3A = arith.constant 0 : i32
      %dma_start3A_23 = arith.constant 0 : i32
      %dma_start3A_24 = tpu.memref_slice %arg2[%dma_start3A, %dma_start3A_23] : memref<10112x128xf32, #tpu.memory_space<hbm>> -> memref<10112x128xf32, #tpu.memory_space<hbm>>
      tpu.enqueue_indirect_dma source(%dma_start3A_24 : memref<10112x128xf32, #tpu.memory_space<hbm>>) target(%arg6 : memref<128x128xf32, #tpu.memory_space<vmem>>) offsets(%arg5 : memref<128xi32, #tpu.memory_space<vmem>>) semaphore(%arg7 : memref<!tpu.dma_semaphore, #tpu.memory_space<semaphore_mem>>)
      %dma_wait3A = arith.constant 0 : i32
      %dma_wait3A_25 = arith.constant 0 : i32
      %dma_wait3A_26 = tpu.memref_slice %arg2[%dma_wait3A, %dma_wait3A_25] : memref<10112x128xf32, #tpu.memory_space<hbm>> -> memref<10112x128xf32, #tpu.memory_space<hbm>>
      tpu.wait_indirect_dma semaphore(%arg7 : memref<!tpu.dma_semaphore, #tpu.memory_space<semaphore_mem>>) src(%dma_wait3A_26 : memref<10112x128xf32, #tpu.memory_space<hbm>>) dst(%arg6 : memref<128x128xf32, #tpu.memory_space<vmem>>)
      %mul3A_27 = arith.constant 128 : i32
      %mul3A_28 = arith.muli %add3A_22, %mul3A_27 : i32
      "tpu.region"() ({
        %run_scoped3A = tpu.sem_alloc : memref<!tpu.dma_semaphore, #tpu.memory_space<semaphore_mem>>
        %dma_start3A_30 = arith.constant 0 : i32
        %dma_start3A_31 = tpu.memref_slice %arg4[%mul3A_28, %dma_start3A_30] : memref<320000x128xf32, #tpu.memory_space<hbm>> -> memref<128x128xf32, #tpu.memory_space<hbm>>
        %dma_start3A_32 = arith.constant 0 : i32
        %dma_start3A_33 = tpu.memref_slice %arg4[%mul3A_28, %dma_start3A_32] : memref<320000x128xf32, #tpu.memory_space<hbm>> -> memref<128x128xf32, #tpu.memory_space<hbm>>
        tpu.enqueue_dma source(%arg6 : memref<128x128xf32, #tpu.memory_space<vmem>>) target(%dma_start3A_33 : memref<128x128xf32, #tpu.memory_space<hbm>>) target_semaphore(%run_scoped3A : memref<!tpu.dma_semaphore, #tpu.memory_space<semaphore_mem>>)
        %dma_wait3A_34 = arith.constant 0 : i32
        %dma_wait3A_35 = tpu.memref_slice %arg4[%mul3A_28, %dma_wait3A_34] : memref<320000x128xf32, #tpu.memory_space<hbm>> -> memref<128x128xf32, #tpu.memory_space<hbm>>
        %dma_wait3A_36 = arith.constant 0 : i32
        %dma_wait3A_37 = tpu.memref_slice %arg4[%mul3A_28, %dma_wait3A_36] : memref<320000x128xf32, #tpu.memory_space<hbm>> -> memref<128x128xf32, #tpu.memory_space<hbm>>
        tpu.wait_dma2 semaphore(%run_scoped3A : memref<!tpu.dma_semaphore, #tpu.memory_space<semaphore_mem>>) src(%arg6 : memref<128x128xf32, #tpu.memory_space<vmem>>) dst(%dma_wait3A_37 : memref<128x128xf32, #tpu.memory_space<hbm>>)
        tpu.yield
      }) : () -> ()
      %while3A_29 = arith.constant 0 : i32
      scf.yield %while3A_29 : i32
    }
    return
  }
}

#map = affine_map<(d0, d1) -> (0, 0)>
module attributes {stable_mosaic.version = 14 : i64} {
  func.func @_sc_gather_body(%arg0: i32, %arg1: i32, %arg2: memref<10112x128xf32, #tpu.memory_space<hbm>>, %arg3: memref<2500x128xi32, #tpu.memory_space<hbm>>, %arg4: memref<320000x128xf32, #tpu.memory_space<hbm>>, %arg5: memref<128xi32, #tpu.memory_space<vmem>>, %arg6: memref<128x128xf32, #tpu.memory_space<vmem>>, %arg7: memref<!tpu.dma_semaphore, #tpu.memory_space<semaphore_mem>>) attributes {dimension_semantics = [#tpu.dimension_semantics<core_parallel>, #tpu.dimension_semantics<subcore_parallel>], iteration_bounds = array<i64: 2, 16>, scalar_prefetch = 0 : i64, scratch_operands = 3 : i64, tpu.core_type = #tpu.core_type<sc_vector_subcore>, window_params = [{transform_indices = #map}, {transform_indices = #map}, {transform_indices = #map}]} {
    %mul3A = arith.constant 2 : i32
    %mul3A_0 = arith.muli %arg1, %mul3A : i32
    %add3A = arith.addi %mul3A_0, %arg0 : i32
    %lt3A = arith.constant 4 : i32
    %lt3A_1 = arith.cmpi slt, %add3A, %lt3A : i32
    %jit3A = arith.constant 1 : i32
    %jit3A_2 = arith.constant 0 : i32
    %select_n3A = arith.select %lt3A_1, %jit3A, %jit3A_2 : i32
    %add3A_3 = arith.constant 78 : i32
    %add3A_4 = arith.addi %add3A_3, %select_n3A : i32
    %mul3A_5 = arith.constant 78 : i32
    %mul3A_6 = arith.muli %add3A, %mul3A_5 : i32
    %min3A = arith.constant 4 : i32
    %min3A_7 = arith.minsi %add3A, %min3A : i32
    %add3A_8 = arith.addi %mul3A_6, %min3A_7 : i32
    %while3A = arith.constant 0 : i32
    %while3A_9 = arith.constant 0 : i32
    %while3A_10 = arith.subi %add3A_4, %while3A : i32
    %while3A_11 = arith.addi %while3A, %while3A_10 : i32
    %while3A_12 = arith.constant 1 : i32
    %while3A_13 = arith.divsi %while3A_10, %while3A_12 : i32
    %while3A_14 = arith.muli %while3A_13, %while3A_12 : i32
    %while3A_15 = arith.addi %while3A, %while3A_14 : i32
    %while3A_16 = arith.constant 1 : i32
    %while3A_17 = scf.for %while3A_20 = %while3A to %while3A_15 step %while3A_16 iter_args(%while3A_21 = %while3A_9) -> (i32)  : i32 {
      %add3A_22 = arith.addi %add3A_8, %while3A_20 : i32
      "tpu.region"() ({
        %run_scoped3A = tpu.sem_alloc : memref<!tpu.dma_semaphore, #tpu.memory_space<semaphore_mem>>
        %dma_start3A_30 = arith.constant 0 : i32
        %dma_start3A_31 = tpu.memref_slice %arg3[%add3A_22, %dma_start3A_30] : memref<2500x128xi32, #tpu.memory_space<hbm>> -> memref<1x128xi32, #tpu.memory_space<hbm>>
        %dma_start3A_32 = tpu.memref_squeeze %dma_start3A_31 : memref<1x128xi32, #tpu.memory_space<hbm>> -> memref<128xi32, #tpu.memory_space<hbm>>
        %dma_start3A_33 = arith.constant 0 : i32
        %dma_start3A_34 = tpu.memref_slice %arg3[%add3A_22, %dma_start3A_33] : memref<2500x128xi32, #tpu.memory_space<hbm>> -> memref<1x128xi32, #tpu.memory_space<hbm>>
        %dma_start3A_35 = tpu.memref_squeeze %dma_start3A_34 : memref<1x128xi32, #tpu.memory_space<hbm>> -> memref<128xi32, #tpu.memory_space<hbm>>
        tpu.enqueue_dma source(%dma_start3A_35 : memref<128xi32, #tpu.memory_space<hbm>>) target(%arg5 : memref<128xi32, #tpu.memory_space<vmem>>) target_semaphore(%run_scoped3A : memref<!tpu.dma_semaphore, #tpu.memory_space<semaphore_mem>>)
        %dma_wait3A_36 = arith.constant 0 : i32
        %dma_wait3A_37 = tpu.memref_slice %arg3[%add3A_22, %dma_wait3A_36] : memref<2500x128xi32, #tpu.memory_space<hbm>> -> memref<1x128xi32, #tpu.memory_space<hbm>>
        %dma_wait3A_38 = tpu.memref_squeeze %dma_wait3A_37 : memref<1x128xi32, #tpu.memory_space<hbm>> -> memref<128xi32, #tpu.memory_space<hbm>>
        %dma_wait3A_39 = arith.constant 0 : i32
        %dma_wait3A_40 = tpu.memref_slice %arg3[%add3A_22, %dma_wait3A_39] : memref<2500x128xi32, #tpu.memory_space<hbm>> -> memref<1x128xi32, #tpu.memory_space<hbm>>
        %dma_wait3A_41 = tpu.memref_squeeze %dma_wait3A_40 : memref<1x128xi32, #tpu.memory_space<hbm>> -> memref<128xi32, #tpu.memory_space<hbm>>
        tpu.wait_dma2 semaphore(%run_scoped3A : memref<!tpu.dma_semaphore, #tpu.memory_space<semaphore_mem>>) src(%dma_wait3A_41 : memref<128xi32, #tpu.memory_space<hbm>>) dst(%arg5 : memref<128xi32, #tpu.memory_space<vmem>>)
        tpu.yield
      }) : () -> ()
      %dma_start3A = arith.constant 0 : i32
      %dma_start3A_23 = arith.constant 0 : i32
      %dma_start3A_24 = tpu.memref_slice %arg2[%dma_start3A, %dma_start3A_23] : memref<10112x128xf32, #tpu.memory_space<hbm>> -> memref<10112x128xf32, #tpu.memory_space<hbm>>
      tpu.enqueue_indirect_dma source(%dma_start3A_24 : memref<10112x128xf32, #tpu.memory_space<hbm>>) target(%arg6 : memref<128x128xf32, #tpu.memory_space<vmem>>) offsets(%arg5 : memref<128xi32, #tpu.memory_space<vmem>>) semaphore(%arg7 : memref<!tpu.dma_semaphore, #tpu.memory_space<semaphore_mem>>)
      %dma_wait3A = arith.constant 0 : i32
      %dma_wait3A_25 = arith.constant 0 : i32
      %dma_wait3A_26 = tpu.memref_slice %arg2[%dma_wait3A, %dma_wait3A_25] : memref<10112x128xf32, #tpu.memory_space<hbm>> -> memref<10112x128xf32, #tpu.memory_space<hbm>>
      tpu.wait_indirect_dma semaphore(%arg7 : memref<!tpu.dma_semaphore, #tpu.memory_space<semaphore_mem>>) src(%dma_wait3A_26 : memref<10112x128xf32, #tpu.memory_space<hbm>>) dst(%arg6 : memref<128x128xf32, #tpu.memory_space<vmem>>)
      %mul3A_27 = arith.constant 128 : i32
      %mul3A_28 = arith.muli %add3A_22, %mul3A_27 : i32
      "tpu.region"() ({
        %run_scoped3A = tpu.sem_alloc : memref<!tpu.dma_semaphore, #tpu.memory_space<semaphore_mem>>
        %dma_start3A_30 = arith.constant 0 : i32
        %dma_start3A_31 = tpu.memref_slice %arg4[%mul3A_28, %dma_start3A_30] : memref<320000x128xf32, #tpu.memory_space<hbm>> -> memref<128x128xf32, #tpu.memory_space<hbm>>
        %dma_start3A_32 = arith.constant 0 : i32
        %dma_start3A_33 = tpu.memref_slice %arg4[%mul3A_28, %dma_start3A_32] : memref<320000x128xf32, #tpu.memory_space<hbm>> -> memref<128x128xf32, #tpu.memory_space<hbm>>
        tpu.enqueue_dma source(%arg6 : memref<128x128xf32, #tpu.memory_space<vmem>>) target(%dma_start3A_33 : memref<128x128xf32, #tpu.memory_space<hbm>>) target_semaphore(%run_scoped3A : memref<!tpu.dma_semaphore, #tpu.memory_space<semaphore_mem>>)
        %dma_wait3A_34 = arith.constant 0 : i32
        %dma_wait3A_35 = tpu.memref_slice %arg4[%mul3A_28, %dma_wait3A_34] : memref<320000x128xf32, #tpu.memory_space<hbm>> -> memref<128x128xf32, #tpu.memory_space<hbm>>
        %dma_wait3A_36 = arith.constant 0 : i32
        %dma_wait3A_37 = tpu.memref_slice %arg4[%mul3A_28, %dma_wait3A_36] : memref<320000x128xf32, #tpu.memory_space<hbm>> -> memref<128x128xf32, #tpu.memory_space<hbm>>
        tpu.wait_dma2 semaphore(%run_scoped3A : memref<!tpu.dma_semaphore, #tpu.memory_space<semaphore_mem>>) src(%arg6 : memref<128x128xf32, #tpu.memory_space<vmem>>) dst(%dma_wait3A_37 : memref<128x128xf32, #tpu.memory_space<hbm>>)
        tpu.yield
      }) : () -> ()
      %while3A_29 = arith.constant 0 : i32
      scf.yield %while3A_29 : i32
    }
    %while3A_18 = arith.constant 1 : i32
    %while3A_19 = scf.for %while3A_20 = %while3A_15 to %while3A_11 step %while3A_18 iter_args(%while3A_21 = %while3A_17) -> (i32)  : i32 {
      %add3A_22 = arith.addi %add3A_8, %while3A_20 : i32
      "tpu.region"() ({
        %run_scoped3A = tpu.sem_alloc : memref<!tpu.dma_semaphore, #tpu.memory_space<semaphore_mem>>
        %dma_start3A_30 = arith.constant 0 : i32
        %dma_start3A_31 = tpu.memref_slice %arg3[%add3A_22, %dma_start3A_30] : memref<2500x128xi32, #tpu.memory_space<hbm>> -> memref<1x128xi32, #tpu.memory_space<hbm>>
        %dma_start3A_32 = tpu.memref_squeeze %dma_start3A_31 : memref<1x128xi32, #tpu.memory_space<hbm>> -> memref<128xi32, #tpu.memory_space<hbm>>
        %dma_start3A_33 = arith.constant 0 : i32
        %dma_start3A_34 = tpu.memref_slice %arg3[%add3A_22, %dma_start3A_33] : memref<2500x128xi32, #tpu.memory_space<hbm>> -> memref<1x128xi32, #tpu.memory_space<hbm>>
        %dma_start3A_35 = tpu.memref_squeeze %dma_start3A_34 : memref<1x128xi32, #tpu.memory_space<hbm>> -> memref<128xi32, #tpu.memory_space<hbm>>
        tpu.enqueue_dma source(%dma_start3A_35 : memref<128xi32, #tpu.memory_space<hbm>>) target(%arg5 : memref<128xi32, #tpu.memory_space<vmem>>) target_semaphore(%run_scoped3A : memref<!tpu.dma_semaphore, #tpu.memory_space<semaphore_mem>>)
        %dma_wait3A_36 = arith.constant 0 : i32
        %dma_wait3A_37 = tpu.memref_slice %arg3[%add3A_22, %dma_wait3A_36] : memref<2500x128xi32, #tpu.memory_space<hbm>> -> memref<1x128xi32, #tpu.memory_space<hbm>>
        %dma_wait3A_38 = tpu.memref_squeeze %dma_wait3A_37 : memref<1x128xi32, #tpu.memory_space<hbm>> -> memref<128xi32, #tpu.memory_space<hbm>>
        %dma_wait3A_39 = arith.constant 0 : i32
        %dma_wait3A_40 = tpu.memref_slice %arg3[%add3A_22, %dma_wait3A_39] : memref<2500x128xi32, #tpu.memory_space<hbm>> -> memref<1x128xi32, #tpu.memory_space<hbm>>
        %dma_wait3A_41 = tpu.memref_squeeze %dma_wait3A_40 : memref<1x128xi32, #tpu.memory_space<hbm>> -> memref<128xi32, #tpu.memory_space<hbm>>
        tpu.wait_dma2 semaphore(%run_scoped3A : memref<!tpu.dma_semaphore, #tpu.memory_space<semaphore_mem>>) src(%dma_wait3A_41 : memref<128xi32, #tpu.memory_space<hbm>>) dst(%arg5 : memref<128xi32, #tpu.memory_space<vmem>>)
        tpu.yield
      }) : () -> ()
      %dma_start3A = arith.constant 0 : i32
      %dma_start3A_23 = arith.constant 0 : i32
      %dma_start3A_24 = tpu.memref_slice %arg2[%dma_start3A, %dma_start3A_23] : memref<10112x128xf32, #tpu.memory_space<hbm>> -> memref<10112x128xf32, #tpu.memory_space<hbm>>
      tpu.enqueue_indirect_dma source(%dma_start3A_24 : memref<10112x128xf32, #tpu.memory_space<hbm>>) target(%arg6 : memref<128x128xf32, #tpu.memory_space<vmem>>) offsets(%arg5 : memref<128xi32, #tpu.memory_space<vmem>>) semaphore(%arg7 : memref<!tpu.dma_semaphore, #tpu.memory_space<semaphore_mem>>)
      %dma_wait3A = arith.constant 0 : i32
      %dma_wait3A_25 = arith.constant 0 : i32
      %dma_wait3A_26 = tpu.memref_slice %arg2[%dma_wait3A, %dma_wait3A_25] : memref<10112x128xf32, #tpu.memory_space<hbm>> -> memref<10112x128xf32, #tpu.memory_space<hbm>>
      tpu.wait_indirect_dma semaphore(%arg7 : memref<!tpu.dma_semaphore, #tpu.memory_space<semaphore_mem>>) src(%dma_wait3A_26 : memref<10112x128xf32, #tpu.memory_space<hbm>>) dst(%arg6 : memref<128x128xf32, #tpu.memory_space<vmem>>)
      %mul3A_27 = arith.constant 128 : i32
      %mul3A_28 = arith.muli %add3A_22, %mul3A_27 : i32
      "tpu.region"() ({
        %run_scoped3A = tpu.sem_alloc : memref<!tpu.dma_semaphore, #tpu.memory_space<semaphore_mem>>
        %dma_start3A_30 = arith.constant 0 : i32
        %dma_start3A_31 = tpu.memref_slice %arg4[%mul3A_28, %dma_start3A_30] : memref<320000x128xf32, #tpu.memory_space<hbm>> -> memref<128x128xf32, #tpu.memory_space<hbm>>
        %dma_start3A_32 = arith.constant 0 : i32
        %dma_start3A_33 = tpu.memref_slice %arg4[%mul3A_28, %dma_start3A_32] : memref<320000x128xf32, #tpu.memory_space<hbm>> -> memref<128x128xf32, #tpu.memory_space<hbm>>
        tpu.enqueue_dma source(%arg6 : memref<128x128xf32, #tpu.memory_space<vmem>>) target(%dma_start3A_33 : memref<128x128xf32, #tpu.memory_space<hbm>>) target_semaphore(%run_scoped3A : memref<!tpu.dma_semaphore, #tpu.memory_space<semaphore_mem>>)
        %dma_wait3A_34 = arith.constant 0 : i32
        %dma_wait3A_35 = tpu.memref_slice %arg4[%mul3A_28, %dma_wait3A_34] : memref<320000x128xf32, #tpu.memory_space<hbm>> -> memref<128x128xf32, #tpu.memory_space<hbm>>
        %dma_wait3A_36 = arith.constant 0 : i32
        %dma_wait3A_37 = tpu.memref_slice %arg4[%mul3A_28, %dma_wait3A_36] : memref<320000x128xf32, #tpu.memory_space<hbm>> -> memref<128x128xf32, #tpu.memory_space<hbm>>
        tpu.wait_dma2 semaphore(%run_scoped3A : memref<!tpu.dma_semaphore, #tpu.memory_space<semaphore_mem>>) src(%arg6 : memref<128x128xf32, #tpu.memory_space<vmem>>) dst(%dma_wait3A_37 : memref<128x128xf32, #tpu.memory_space<hbm>>)
        tpu.yield
      }) : () -> ()
      %while3A_29 = arith.constant 0 : i32
      scf.yield %while3A_29 : i32
    }
    return
  }
}

#map = affine_map<(d0, d1) -> (0, 0)>
#map1 = affine_map<(d0, d1) -> (0, 0, 0)>
module attributes {stable_mosaic.version = 14 : i64} {
  func.func @_sc_scatter_body(%arg0: i32, %arg1: i32, %arg2: memref<320000x128xf32, #tpu.memory_space<hbm>>, %arg3: memref<2500x128xi32, #tpu.memory_space<hbm>>, %arg4: memref<128x128xf32, #tpu.memory_space<hbm>>, %arg5: memref<2x10112x128xf32, #tpu.memory_space<hbm>>, %arg6: memref<10112x128xf32, #tpu.memory_space<vmem_shared>>, %arg7: memref<128x128xf32, #tpu.memory_space<vmem>>, %arg8: memref<128xi32, #tpu.memory_space<vmem>>) attributes {dimension_semantics = [#tpu.dimension_semantics<core_parallel>, #tpu.dimension_semantics<subcore_parallel>], iteration_bounds = array<i64: 2, 16>, scalar_prefetch = 0 : i64, scratch_operands = 3 : i64, tpu.core_type = #tpu.core_type<sc_vector_subcore>, window_params = [{transform_indices = #map}, {transform_indices = #map}, {transform_indices = #map}, {transform_indices = #map1}]} {
    "tpu.region"() ({
      %run_scoped3A = tpu.sem_alloc : memref<!tpu.dma_semaphore, #tpu.memory_space<semaphore_mem>>
      tpu.enqueue_dma source(%arg4 : memref<128x128xf32, #tpu.memory_space<hbm>>) target(%arg7 : memref<128x128xf32, #tpu.memory_space<vmem>>) target_semaphore(%run_scoped3A : memref<!tpu.dma_semaphore, #tpu.memory_space<semaphore_mem>>)
      tpu.wait_dma2 semaphore(%run_scoped3A : memref<!tpu.dma_semaphore, #tpu.memory_space<semaphore_mem>>) src(%arg4 : memref<128x128xf32, #tpu.memory_space<hbm>>) dst(%arg7 : memref<128x128xf32, #tpu.memory_space<vmem>>)
      tpu.yield
    }) : () -> ()
    %add3A = arith.constant 0 : i32
    %add3A_0 = arith.addi %arg1, %add3A : i32
    %lt3A = arith.constant 79 : i32
    %lt3A_1 = arith.cmpi slt, %add3A_0, %lt3A : i32
    %convert_element_type3A = arith.extui %lt3A_1 : i1 to i32
    %cond3A = arith.constant 0 : i32
    %cond3A_2 = arith.cmpi ne, %convert_element_type3A, %cond3A : i32
    scf.if %cond3A_2 {
      %mul3A_89 = arith.constant 128 : i32
      %mul3A_90 = arith.muli %add3A_0, %mul3A_89 : i32
      "tpu.region"() ({
        %run_scoped3A = tpu.sem_alloc : memref<!tpu.dma_semaphore, #tpu.memory_space<semaphore_mem>>
        %dma_start3A = arith.constant 0 : i32
        %dma_start3A_91 = tpu.memref_slice %arg6[%mul3A_90, %dma_start3A] : memref<10112x128xf32, #tpu.memory_space<vmem_shared>> -> memref<128x128xf32, #tpu.memory_space<vmem_shared>>
        %dma_start3A_92 = arith.constant 0 : i32
        %dma_start3A_93 = tpu.memref_slice %arg6[%mul3A_90, %dma_start3A_92] : memref<10112x128xf32, #tpu.memory_space<vmem_shared>> -> memref<128x128xf32, #tpu.memory_space<vmem_shared>>
        tpu.enqueue_dma source(%arg7 : memref<128x128xf32, #tpu.memory_space<vmem>>) target(%dma_start3A_93 : memref<128x128xf32, #tpu.memory_space<vmem_shared>>) target_semaphore(%run_scoped3A : memref<!tpu.dma_semaphore, #tpu.memory_space<semaphore_mem>>)
        %dma_wait3A = arith.constant 0 : i32
        %dma_wait3A_94 = tpu.memref_slice %arg6[%mul3A_90, %dma_wait3A] : memref<10112x128xf32, #tpu.memory_space<vmem_shared>> -> memref<128x128xf32, #tpu.memory_space<vmem_shared>>
        %dma_wait3A_95 = arith.constant 0 : i32
        %dma_wait3A_96 = tpu.memref_slice %arg6[%mul3A_90, %dma_wait3A_95] : memref<10112x128xf32, #tpu.memory_space<vmem_shared>> -> memref<128x128xf32, #tpu.memory_space<vmem_shared>>
        tpu.wait_dma2 semaphore(%run_scoped3A : memref<!tpu.dma_semaphore, #tpu.memory_space<semaphore_mem>>) src(%arg7 : memref<128x128xf32, #tpu.memory_space<vmem>>) dst(%dma_wait3A_96 : memref<128x128xf32, #tpu.memory_space<vmem_shared>>)
        tpu.yield
      }) : () -> ()
    } else {
    }
    %add3A_3 = arith.constant 16 : i32
    %add3A_4 = arith.addi %arg1, %add3A_3 : i32
    %lt3A_5 = arith.constant 79 : i32
    %lt3A_6 = arith.cmpi slt, %add3A_4, %lt3A_5 : i32
    %convert_element_type3A_7 = arith.extui %lt3A_6 : i1 to i32
    %cond3A_8 = arith.constant 0 : i32
    %cond3A_9 = arith.cmpi ne, %convert_element_type3A_7, %cond3A_8 : i32
    scf.if %cond3A_9 {
      %mul3A_89 = arith.constant 128 : i32
      %mul3A_90 = arith.muli %add3A_4, %mul3A_89 : i32
      "tpu.region"() ({
        %run_scoped3A = tpu.sem_alloc : memref<!tpu.dma_semaphore, #tpu.memory_space<semaphore_mem>>
        %dma_start3A = arith.constant 0 : i32
        %dma_start3A_91 = tpu.memref_slice %arg6[%mul3A_90, %dma_start3A] : memref<10112x128xf32, #tpu.memory_space<vmem_shared>> -> memref<128x128xf32, #tpu.memory_space<vmem_shared>>
        %dma_start3A_92 = arith.constant 0 : i32
        %dma_start3A_93 = tpu.memref_slice %arg6[%mul3A_90, %dma_start3A_92] : memref<10112x128xf32, #tpu.memory_space<vmem_shared>> -> memref<128x128xf32, #tpu.memory_space<vmem_shared>>
        tpu.enqueue_dma source(%arg7 : memref<128x128xf32, #tpu.memory_space<vmem>>) target(%dma_start3A_93 : memref<128x128xf32, #tpu.memory_space<vmem_shared>>) target_semaphore(%run_scoped3A : memref<!tpu.dma_semaphore, #tpu.memory_space<semaphore_mem>>)
        %dma_wait3A = arith.constant 0 : i32
        %dma_wait3A_94 = tpu.memref_slice %arg6[%mul3A_90, %dma_wait3A] : memref<10112x128xf32, #tpu.memory_space<vmem_shared>> -> memref<128x128xf32, #tpu.memory_space<vmem_shared>>
        %dma_wait3A_95 = arith.constant 0 : i32
        %dma_wait3A_96 = tpu.memref_slice %arg6[%mul3A_90, %dma_wait3A_95] : memref<10112x128xf32, #tpu.memory_space<vmem_shared>> -> memref<128x128xf32, #tpu.memory_space<vmem_shared>>
        tpu.wait_dma2 semaphore(%run_scoped3A : memref<!tpu.dma_semaphore, #tpu.memory_space<semaphore_mem>>) src(%arg7 : memref<128x128xf32, #tpu.memory_space<vmem>>) dst(%dma_wait3A_96 : memref<128x128xf32, #tpu.memory_space<vmem_shared>>)
        tpu.yield
      }) : () -> ()
    } else {
    }
    %add3A_10 = arith.constant 32 : i32
    %add3A_11 = arith.addi %arg1, %add3A_10 : i32
    %lt3A_12 = arith.constant 79 : i32
    %lt3A_13 = arith.cmpi slt, %add3A_11, %lt3A_12 : i32
    %convert_element_type3A_14 = arith.extui %lt3A_13 : i1 to i32
    %cond3A_15 = arith.constant 0 : i32
    %cond3A_16 = arith.cmpi ne, %convert_element_type3A_14, %cond3A_15 : i32
    scf.if %cond3A_16 {
      %mul3A_89 = arith.constant 128 : i32
      %mul3A_90 = arith.muli %add3A_11, %mul3A_89 : i32
      "tpu.region"() ({
        %run_scoped3A = tpu.sem_alloc : memref<!tpu.dma_semaphore, #tpu.memory_space<semaphore_mem>>
        %dma_start3A = arith.constant 0 : i32
        %dma_start3A_91 = tpu.memref_slice %arg6[%mul3A_90, %dma_start3A] : memref<10112x128xf32, #tpu.memory_space<vmem_shared>> -> memref<128x128xf32, #tpu.memory_space<vmem_shared>>
        %dma_start3A_92 = arith.constant 0 : i32
        %dma_start3A_93 = tpu.memref_slice %arg6[%mul3A_90, %dma_start3A_92] : memref<10112x128xf32, #tpu.memory_space<vmem_shared>> -> memref<128x128xf32, #tpu.memory_space<vmem_shared>>
        tpu.enqueue_dma source(%arg7 : memref<128x128xf32, #tpu.memory_space<vmem>>) target(%dma_start3A_93 : memref<128x128xf32, #tpu.memory_space<vmem_shared>>) target_semaphore(%run_scoped3A : memref<!tpu.dma_semaphore, #tpu.memory_space<semaphore_mem>>)
        %dma_wait3A = arith.constant 0 : i32
        %dma_wait3A_94 = tpu.memref_slice %arg6[%mul3A_90, %dma_wait3A] : memref<10112x128xf32, #tpu.memory_space<vmem_shared>> -> memref<128x128xf32, #tpu.memory_space<vmem_shared>>
        %dma_wait3A_95 = arith.constant 0 : i32
        %dma_wait3A_96 = tpu.memref_slice %arg6[%mul3A_90, %dma_wait3A_95] : memref<10112x128xf32, #tpu.memory_space<vmem_shared>> -> memref<128x128xf32, #tpu.memory_space<vmem_shared>>
        tpu.wait_dma2 semaphore(%run_scoped3A : memref<!tpu.dma_semaphore, #tpu.memory_space<semaphore_mem>>) src(%arg7 : memref<128x128xf32, #tpu.memory_space<vmem>>) dst(%dma_wait3A_96 : memref<128x128xf32, #tpu.memory_space<vmem_shared>>)
        tpu.yield
      }) : () -> ()
    } else {
    }
    %add3A_17 = arith.constant 48 : i32
    %add3A_18 = arith.addi %arg1, %add3A_17 : i32
    %lt3A_19 = arith.constant 79 : i32
    %lt3A_20 = arith.cmpi slt, %add3A_18, %lt3A_19 : i32
    %convert_element_type3A_21 = arith.extui %lt3A_20 : i1 to i32
    %cond3A_22 = arith.constant 0 : i32
    %cond3A_23 = arith.cmpi ne, %convert_element_type3A_21, %cond3A_22 : i32
    scf.if %cond3A_23 {
      %mul3A_89 = arith.constant 128 : i32
      %mul3A_90 = arith.muli %add3A_18, %mul3A_89 : i32
      "tpu.region"() ({
        %run_scoped3A = tpu.sem_alloc : memref<!tpu.dma_semaphore, #tpu.memory_space<semaphore_mem>>
        %dma_start3A = arith.constant 0 : i32
        %dma_start3A_91 = tpu.memref_slice %arg6[%mul3A_90, %dma_start3A] : memref<10112x128xf32, #tpu.memory_space<vmem_shared>> -> memref<128x128xf32, #tpu.memory_space<vmem_shared>>
        %dma_start3A_92 = arith.constant 0 : i32
        %dma_start3A_93 = tpu.memref_slice %arg6[%mul3A_90, %dma_start3A_92] : memref<10112x128xf32, #tpu.memory_space<vmem_shared>> -> memref<128x128xf32, #tpu.memory_space<vmem_shared>>
        tpu.enqueue_dma source(%arg7 : memref<128x128xf32, #tpu.memory_space<vmem>>) target(%dma_start3A_93 : memref<128x128xf32, #tpu.memory_space<vmem_shared>>) target_semaphore(%run_scoped3A : memref<!tpu.dma_semaphore, #tpu.memory_space<semaphore_mem>>)
        %dma_wait3A = arith.constant 0 : i32
        %dma_wait3A_94 = tpu.memref_slice %arg6[%mul3A_90, %dma_wait3A] : memref<10112x128xf32, #tpu.memory_space<vmem_shared>> -> memref<128x128xf32, #tpu.memory_space<vmem_shared>>
        %dma_wait3A_95 = arith.constant 0 : i32
        %dma_wait3A_96 = tpu.memref_slice %arg6[%mul3A_90, %dma_wait3A_95] : memref<10112x128xf32, #tpu.memory_space<vmem_shared>> -> memref<128x128xf32, #tpu.memory_space<vmem_shared>>
        tpu.wait_dma2 semaphore(%run_scoped3A : memref<!tpu.dma_semaphore, #tpu.memory_space<semaphore_mem>>) src(%arg7 : memref<128x128xf32, #tpu.memory_space<vmem>>) dst(%dma_wait3A_96 : memref<128x128xf32, #tpu.memory_space<vmem_shared>>)
        tpu.yield
      }) : () -> ()
    } else {
    }
    %add3A_24 = arith.constant 64 : i32
    %add3A_25 = arith.addi %arg1, %add3A_24 : i32
    %lt3A_26 = arith.constant 79 : i32
    %lt3A_27 = arith.cmpi slt, %add3A_25, %lt3A_26 : i32
    %convert_element_type3A_28 = arith.extui %lt3A_27 : i1 to i32
    %cond3A_29 = arith.constant 0 : i32
    %cond3A_30 = arith.cmpi ne, %convert_element_type3A_28, %cond3A_29 : i32
    scf.if %cond3A_30 {
      %mul3A_89 = arith.constant 128 : i32
      %mul3A_90 = arith.muli %add3A_25, %mul3A_89 : i32
      "tpu.region"() ({
        %run_scoped3A = tpu.sem_alloc : memref<!tpu.dma_semaphore, #tpu.memory_space<semaphore_mem>>
        %dma_start3A = arith.constant 0 : i32
        %dma_start3A_91 = tpu.memref_slice %arg6[%mul3A_90, %dma_start3A] : memref<10112x128xf32, #tpu.memory_space<vmem_shared>> -> memref<128x128xf32, #tpu.memory_space<vmem_shared>>
        %dma_start3A_92 = arith.constant 0 : i32
        %dma_start3A_93 = tpu.memref_slice %arg6[%mul3A_90, %dma_start3A_92] : memref<10112x128xf32, #tpu.memory_space<vmem_shared>> -> memref<128x128xf32, #tpu.memory_space<vmem_shared>>
        tpu.enqueue_dma source(%arg7 : memref<128x128xf32, #tpu.memory_space<vmem>>) target(%dma_start3A_93 : memref<128x128xf32, #tpu.memory_space<vmem_shared>>) target_semaphore(%run_scoped3A : memref<!tpu.dma_semaphore, #tpu.memory_space<semaphore_mem>>)
        %dma_wait3A = arith.constant 0 : i32
        %dma_wait3A_94 = tpu.memref_slice %arg6[%mul3A_90, %dma_wait3A] : memref<10112x128xf32, #tpu.memory_space<vmem_shared>> -> memref<128x128xf32, #tpu.memory_space<vmem_shared>>
        %dma_wait3A_95 = arith.constant 0 : i32
        %dma_wait3A_96 = tpu.memref_slice %arg6[%mul3A_90, %dma_wait3A_95] : memref<10112x128xf32, #tpu.memory_space<vmem_shared>> -> memref<128x128xf32, #tpu.memory_space<vmem_shared>>
        tpu.wait_dma2 semaphore(%run_scoped3A : memref<!tpu.dma_semaphore, #tpu.memory_space<semaphore_mem>>) src(%arg7 : memref<128x128xf32, #tpu.memory_space<vmem>>) dst(%dma_wait3A_96 : memref<128x128xf32, #tpu.memory_space<vmem_shared>>)
        tpu.yield
      }) : () -> ()
    } else {
    }
    %barrier3A = arith.constant 0 : index
    tpu.barrier barrier_id(%barrier3A)
    %lt3A_31 = arith.constant 2 : i32
    %lt3A_32 = arith.cmpi slt, %arg1, %lt3A_31 : i32
    %jit3A = arith.constant 1 : i32
    %jit3A_33 = arith.constant 0 : i32
    %select_n3A = arith.select %lt3A_32, %jit3A, %jit3A_33 : i32
    %add3A_34 = arith.constant 78 : i32
    %add3A_35 = arith.addi %add3A_34, %select_n3A : i32
    %mul3A = arith.constant 78 : i32
    %mul3A_36 = arith.muli %arg1, %mul3A : i32
    %min3A = arith.constant 2 : i32
    %min3A_37 = arith.minsi %arg1, %min3A : i32
    %add3A_38 = arith.addi %mul3A_36, %min3A_37 : i32
    %mul3A_39 = arith.constant 1250 : i32
    %mul3A_40 = arith.muli %arg0, %mul3A_39 : i32
    %add3A_41 = arith.addi %add3A_38, %mul3A_40 : i32
    %while3A = arith.constant 0 : i32
    %while3A_42 = arith.constant 0 : i32
    %while3A_43 = arith.subi %add3A_35, %while3A : i32
    %while3A_44 = arith.addi %while3A, %while3A_43 : i32
    %while3A_45 = arith.constant 1 : i32
    %while3A_46 = arith.divsi %while3A_43, %while3A_45 : i32
    %while3A_47 = arith.muli %while3A_46, %while3A_45 : i32
    %while3A_48 = arith.addi %while3A, %while3A_47 : i32
    %while3A_49 = arith.constant 1 : i32
    %while3A_50 = scf.for %while3A_89 = %while3A to %while3A_48 step %while3A_49 iter_args(%while3A_90 = %while3A_42) -> (i32)  : i32 {
      %add3A_91 = arith.addi %add3A_41, %while3A_89 : i32
      "tpu.region"() ({
        %run_scoped3A = tpu.sem_alloc : memref<!tpu.dma_semaphore, #tpu.memory_space<semaphore_mem>>
        %dma_start3A = arith.constant 0 : i32
        %dma_start3A_95 = tpu.memref_slice %arg3[%add3A_91, %dma_start3A] : memref<2500x128xi32, #tpu.memory_space<hbm>> -> memref<1x128xi32, #tpu.memory_space<hbm>>
        %dma_start3A_96 = tpu.memref_squeeze %dma_start3A_95 : memref<1x128xi32, #tpu.memory_space<hbm>> -> memref<128xi32, #tpu.memory_space<hbm>>
        %dma_start3A_97 = arith.constant 0 : i32
        %dma_start3A_98 = tpu.memref_slice %arg3[%add3A_91, %dma_start3A_97] : memref<2500x128xi32, #tpu.memory_space<hbm>> -> memref<1x128xi32, #tpu.memory_space<hbm>>
        %dma_start3A_99 = tpu.memref_squeeze %dma_start3A_98 : memref<1x128xi32, #tpu.memory_space<hbm>> -> memref<128xi32, #tpu.memory_space<hbm>>
        tpu.enqueue_dma source(%dma_start3A_99 : memref<128xi32, #tpu.memory_space<hbm>>) target(%arg8 : memref<128xi32, #tpu.memory_space<vmem>>) target_semaphore(%run_scoped3A : memref<!tpu.dma_semaphore, #tpu.memory_space<semaphore_mem>>)
        %dma_wait3A = arith.constant 0 : i32
        %dma_wait3A_100 = tpu.memref_slice %arg3[%add3A_91, %dma_wait3A] : memref<2500x128xi32, #tpu.memory_space<hbm>> -> memref<1x128xi32, #tpu.memory_space<hbm>>
        %dma_wait3A_101 = tpu.memref_squeeze %dma_wait3A_100 : memref<1x128xi32, #tpu.memory_space<hbm>> -> memref<128xi32, #tpu.memory_space<hbm>>
        %dma_wait3A_102 = arith.constant 0 : i32
        %dma_wait3A_103 = tpu.memref_slice %arg3[%add3A_91, %dma_wait3A_102] : memref<2500x128xi32, #tpu.memory_space<hbm>> -> memref<1x128xi32, #tpu.memory_space<hbm>>
        %dma_wait3A_104 = tpu.memref_squeeze %dma_wait3A_103 : memref<1x128xi32, #tpu.memory_space<hbm>> -> memref<128xi32, #tpu.memory_space<hbm>>
        tpu.wait_dma2 semaphore(%run_scoped3A : memref<!tpu.dma_semaphore, #tpu.memory_space<semaphore_mem>>) src(%dma_wait3A_104 : memref<128xi32, #tpu.memory_space<hbm>>) dst(%arg8 : memref<128xi32, #tpu.memory_space<vmem>>)
        tpu.yield
      }) : () -> ()
      %mul3A_92 = arith.constant 128 : i32
      %mul3A_93 = arith.muli %add3A_91, %mul3A_92 : i32
      "tpu.region"() ({
        %run_scoped3A = tpu.sem_alloc : memref<!tpu.dma_semaphore, #tpu.memory_space<semaphore_mem>>
        %dma_start3A = arith.constant 0 : i32
        %dma_start3A_95 = tpu.memref_slice %arg2[%mul3A_93, %dma_start3A] : memref<320000x128xf32, #tpu.memory_space<hbm>> -> memref<128x128xf32, #tpu.memory_space<hbm>>
        %dma_start3A_96 = arith.constant 0 : i32
        %dma_start3A_97 = tpu.memref_slice %arg2[%mul3A_93, %dma_start3A_96] : memref<320000x128xf32, #tpu.memory_space<hbm>> -> memref<128x128xf32, #tpu.memory_space<hbm>>
        tpu.enqueue_dma source(%dma_start3A_97 : memref<128x128xf32, #tpu.memory_space<hbm>>) target(%arg7 : memref<128x128xf32, #tpu.memory_space<vmem>>) target_semaphore(%run_scoped3A : memref<!tpu.dma_semaphore, #tpu.memory_space<semaphore_mem>>)
        %dma_wait3A = arith.constant 0 : i32
        %dma_wait3A_98 = tpu.memref_slice %arg2[%mul3A_93, %dma_wait3A] : memref<320000x128xf32, #tpu.memory_space<hbm>> -> memref<128x128xf32, #tpu.memory_space<hbm>>
        %dma_wait3A_99 = arith.constant 0 : i32
        %dma_wait3A_100 = tpu.memref_slice %arg2[%mul3A_93, %dma_wait3A_99] : memref<320000x128xf32, #tpu.memory_space<hbm>> -> memref<128x128xf32, #tpu.memory_space<hbm>>
        tpu.wait_dma2 semaphore(%run_scoped3A : memref<!tpu.dma_semaphore, #tpu.memory_space<semaphore_mem>>) src(%dma_wait3A_100 : memref<128x128xf32, #tpu.memory_space<hbm>>) dst(%arg7 : memref<128x128xf32, #tpu.memory_space<vmem>>)
        tpu.yield
      }) : () -> ()
      "tpu.region"() ({
        %run_scoped3A = tpu.sem_alloc : memref<!tpu.dma_semaphore, #tpu.memory_space<semaphore_mem>>
        %dma_start3A = arith.constant 0 : i32
        %dma_start3A_95 = arith.constant 0 : i32
        %dma_start3A_96 = tpu.memref_slice %arg6[%dma_start3A, %dma_start3A_95] : memref<10112x128xf32, #tpu.memory_space<vmem_shared>> -> memref<10112x128xf32, #tpu.memory_space<vmem_shared>>
        tpu.enqueue_indirect_dma source(%arg7 : memref<128x128xf32, #tpu.memory_space<vmem>>) target(%dma_start3A_96 : memref<10112x128xf32, #tpu.memory_space<vmem_shared>>) offsets(%arg8 : memref<128xi32, #tpu.memory_space<vmem>>) semaphore(%run_scoped3A : memref<!tpu.dma_semaphore, #tpu.memory_space<semaphore_mem>>) {add = true}
        %dma_wait3A = arith.constant 0 : i32
        %dma_wait3A_97 = arith.constant 0 : i32
        %dma_wait3A_98 = tpu.memref_slice %arg6[%dma_wait3A, %dma_wait3A_97] : memref<10112x128xf32, #tpu.memory_space<vmem_shared>> -> memref<10112x128xf32, #tpu.memory_space<vmem_shared>>
        tpu.wait_indirect_dma semaphore(%run_scoped3A : memref<!tpu.dma_semaphore, #tpu.memory_space<semaphore_mem>>) src(%arg7 : memref<128x128xf32, #tpu.memory_space<vmem>>) dst(%dma_wait3A_98 : memref<10112x128xf32, #tpu.memory_space<vmem_shared>>)
        tpu.yield
      }) : () -> ()
      %while3A_94 = arith.constant 0 : i32
      scf.yield %while3A_94 : i32
    }
    %while3A_51 = arith.constant 1 : i32
    %while3A_52 = scf.for %while3A_89 = %while3A_48 to %while3A_44 step %while3A_51 iter_args(%while3A_90 = %while3A_50) -> (i32)  : i32 {
      %add3A_91 = arith.addi %add3A_41, %while3A_89 : i32
      "tpu.region"() ({
        %run_scoped3A = tpu.sem_alloc : memref<!tpu.dma_semaphore, #tpu.memory_space<semaphore_mem>>
        %dma_start3A = arith.constant 0 : i32
        %dma_start3A_95 = tpu.memref_slice %arg3[%add3A_91, %dma_start3A] : memref<2500x128xi32, #tpu.memory_space<hbm>> -> memref<1x128xi32, #tpu.memory_space<hbm>>
        %dma_start3A_96 = tpu.memref_squeeze %dma_start3A_95 : memref<1x128xi32, #tpu.memory_space<hbm>> -> memref<128xi32, #tpu.memory_space<hbm>>
        %dma_start3A_97 = arith.constant 0 : i32
        %dma_start3A_98 = tpu.memref_slice %arg3[%add3A_91, %dma_start3A_97] : memref<2500x128xi32, #tpu.memory_space<hbm>> -> memref<1x128xi32, #tpu.memory_space<hbm>>
        %dma_start3A_99 = tpu.memref_squeeze %dma_start3A_98 : memref<1x128xi32, #tpu.memory_space<hbm>> -> memref<128xi32, #tpu.memory_space<hbm>>
        tpu.enqueue_dma source(%dma_start3A_99 : memref<128xi32, #tpu.memory_space<hbm>>) target(%arg8 : memref<128xi32, #tpu.memory_space<vmem>>) target_semaphore(%run_scoped3A : memref<!tpu.dma_semaphore, #tpu.memory_space<semaphore_mem>>)
        %dma_wait3A = arith.constant 0 : i32
        %dma_wait3A_100 = tpu.memref_slice %arg3[%add3A_91, %dma_wait3A] : memref<2500x128xi32, #tpu.memory_space<hbm>> -> memref<1x128xi32, #tpu.memory_space<hbm>>
        %dma_wait3A_101 = tpu.memref_squeeze %dma_wait3A_100 : memref<1x128xi32, #tpu.memory_space<hbm>> -> memref<128xi32, #tpu.memory_space<hbm>>
        %dma_wait3A_102 = arith.constant 0 : i32
        %dma_wait3A_103 = tpu.memref_slice %arg3[%add3A_91, %dma_wait3A_102] : memref<2500x128xi32, #tpu.memory_space<hbm>> -> memref<1x128xi32, #tpu.memory_space<hbm>>
        %dma_wait3A_104 = tpu.memref_squeeze %dma_wait3A_103 : memref<1x128xi32, #tpu.memory_space<hbm>> -> memref<128xi32, #tpu.memory_space<hbm>>
        tpu.wait_dma2 semaphore(%run_scoped3A : memref<!tpu.dma_semaphore, #tpu.memory_space<semaphore_mem>>) src(%dma_wait3A_104 : memref<128xi32, #tpu.memory_space<hbm>>) dst(%arg8 : memref<128xi32, #tpu.memory_space<vmem>>)
        tpu.yield
      }) : () -> ()
      %mul3A_92 = arith.constant 128 : i32
      %mul3A_93 = arith.muli %add3A_91, %mul3A_92 : i32
      "tpu.region"() ({
        %run_scoped3A = tpu.sem_alloc : memref<!tpu.dma_semaphore, #tpu.memory_space<semaphore_mem>>
        %dma_start3A = arith.constant 0 : i32
        %dma_start3A_95 = tpu.memref_slice %arg2[%mul3A_93, %dma_start3A] : memref<320000x128xf32, #tpu.memory_space<hbm>> -> memref<128x128xf32, #tpu.memory_space<hbm>>
        %dma_start3A_96 = arith.constant 0 : i32
        %dma_start3A_97 = tpu.memref_slice %arg2[%mul3A_93, %dma_start3A_96] : memref<320000x128xf32, #tpu.memory_space<hbm>> -> memref<128x128xf32, #tpu.memory_space<hbm>>
        tpu.enqueue_dma source(%dma_start3A_97 : memref<128x128xf32, #tpu.memory_space<hbm>>) target(%arg7 : memref<128x128xf32, #tpu.memory_space<vmem>>) target_semaphore(%run_scoped3A : memref<!tpu.dma_semaphore, #tpu.memory_space<semaphore_mem>>)
        %dma_wait3A = arith.constant 0 : i32
        %dma_wait3A_98 = tpu.memref_slice %arg2[%mul3A_93, %dma_wait3A] : memref<320000x128xf32, #tpu.memory_space<hbm>> -> memref<128x128xf32, #tpu.memory_space<hbm>>
        %dma_wait3A_99 = arith.constant 0 : i32
        %dma_wait3A_100 = tpu.memref_slice %arg2[%mul3A_93, %dma_wait3A_99] : memref<320000x128xf32, #tpu.memory_space<hbm>> -> memref<128x128xf32, #tpu.memory_space<hbm>>
        tpu.wait_dma2 semaphore(%run_scoped3A : memref<!tpu.dma_semaphore, #tpu.memory_space<semaphore_mem>>) src(%dma_wait3A_100 : memref<128x128xf32, #tpu.memory_space<hbm>>) dst(%arg7 : memref<128x128xf32, #tpu.memory_space<vmem>>)
        tpu.yield
      }) : () -> ()
      "tpu.region"() ({
        %run_scoped3A = tpu.sem_alloc : memref<!tpu.dma_semaphore, #tpu.memory_space<semaphore_mem>>
        %dma_start3A = arith.constant 0 : i32
        %dma_start3A_95 = arith.constant 0 : i32
        %dma_start3A_96 = tpu.memref_slice %arg6[%dma_start3A, %dma_start3A_95] : memref<10112x128xf32, #tpu.memory_space<vmem_shared>> -> memref<10112x128xf32, #tpu.memory_space<vmem_shared>>
        tpu.enqueue_indirect_dma source(%arg7 : memref<128x128xf32, #tpu.memory_space<vmem>>) target(%dma_start3A_96 : memref<10112x128xf32, #tpu.memory_space<vmem_shared>>) offsets(%arg8 : memref<128xi32, #tpu.memory_space<vmem>>) semaphore(%run_scoped3A : memref<!tpu.dma_semaphore, #tpu.memory_space<semaphore_mem>>) {add = true}
        %dma_wait3A = arith.constant 0 : i32
        %dma_wait3A_97 = arith.constant 0 : i32
        %dma_wait3A_98 = tpu.memref_slice %arg6[%dma_wait3A, %dma_wait3A_97] : memref<10112x128xf32, #tpu.memory_space<vmem_shared>> -> memref<10112x128xf32, #tpu.memory_space<vmem_shared>>
        tpu.wait_indirect_dma semaphore(%run_scoped3A : memref<!tpu.dma_semaphore, #tpu.memory_space<semaphore_mem>>) src(%arg7 : memref<128x128xf32, #tpu.memory_space<vmem>>) dst(%dma_wait3A_98 : memref<10112x128xf32, #tpu.memory_space<vmem_shared>>)
        tpu.yield
      }) : () -> ()
      %while3A_94 = arith.constant 0 : i32
      scf.yield %while3A_94 : i32
    }
    %barrier3A_53 = arith.constant 0 : index
    tpu.barrier barrier_id(%barrier3A_53)
    %add3A_54 = arith.constant 0 : i32
    %add3A_55 = arith.addi %arg1, %add3A_54 : i32
    %lt3A_56 = arith.constant 79 : i32
    %lt3A_57 = arith.cmpi slt, %add3A_55, %lt3A_56 : i32
    %convert_element_type3A_58 = arith.extui %lt3A_57 : i1 to i32
    %cond3A_59 = arith.constant 0 : i32
    %cond3A_60 = arith.cmpi ne, %convert_element_type3A_58, %cond3A_59 : i32
    scf.if %cond3A_60 {
      %mul3A_89 = arith.constant 128 : i32
      %mul3A_90 = arith.muli %add3A_55, %mul3A_89 : i32
      %mul3A_91 = arith.constant 128 : i32
      %mul3A_92 = arith.muli %add3A_55, %mul3A_91 : i32
      "tpu.region"() ({
        %run_scoped3A = tpu.sem_alloc : memref<!tpu.dma_semaphore, #tpu.memory_space<semaphore_mem>>
        %dma_start3A = arith.constant 0 : i32
        %dma_start3A_93 = tpu.memref_slice %arg5[%arg0, %mul3A_92, %dma_start3A] : memref<2x10112x128xf32, #tpu.memory_space<hbm>> -> memref<1x128x128xf32, #tpu.memory_space<hbm>>
        %dma_start3A_94 = tpu.memref_squeeze %dma_start3A_93 : memref<1x128x128xf32, #tpu.memory_space<hbm>> -> memref<128x128xf32, #tpu.memory_space<hbm>>
        %dma_start3A_95 = arith.constant 0 : i32
        %dma_start3A_96 = tpu.memref_slice %arg6[%mul3A_90, %dma_start3A_95] : memref<10112x128xf32, #tpu.memory_space<vmem_shared>> -> memref<128x128xf32, #tpu.memory_space<vmem_shared>>
        tpu.enqueue_dma source(%dma_start3A_96 : memref<128x128xf32, #tpu.memory_space<vmem_shared>>) target(%dma_start3A_94 : memref<128x128xf32, #tpu.memory_space<hbm>>) target_semaphore(%run_scoped3A : memref<!tpu.dma_semaphore, #tpu.memory_space<semaphore_mem>>)
        %dma_wait3A = arith.constant 0 : i32
        %dma_wait3A_97 = tpu.memref_slice %arg5[%arg0, %mul3A_92, %dma_wait3A] : memref<2x10112x128xf32, #tpu.memory_space<hbm>> -> memref<1x128x128xf32, #tpu.memory_space<hbm>>
        %dma_wait3A_98 = tpu.memref_squeeze %dma_wait3A_97 : memref<1x128x128xf32, #tpu.memory_space<hbm>> -> memref<128x128xf32, #tpu.memory_space<hbm>>
        %dma_wait3A_99 = arith.constant 0 : i32
        %dma_wait3A_100 = tpu.memref_slice %arg6[%mul3A_90, %dma_wait3A_99] : memref<10112x128xf32, #tpu.memory_space<vmem_shared>> -> memref<128x128xf32, #tpu.memory_space<vmem_shared>>
        tpu.wait_dma2 semaphore(%run_scoped3A : memref<!tpu.dma_semaphore, #tpu.memory_space<semaphore_mem>>) src(%dma_wait3A_100 : memref<128x128xf32, #tpu.memory_space<vmem_shared>>) dst(%dma_wait3A_98 : memref<128x128xf32, #tpu.memory_space<hbm>>)
        tpu.yield
      }) : () -> ()
    } else {
    }
    %add3A_61 = arith.constant 16 : i32
    %add3A_62 = arith.addi %arg1, %add3A_61 : i32
    %lt3A_63 = arith.constant 79 : i32
    %lt3A_64 = arith.cmpi slt, %add3A_62, %lt3A_63 : i32
    %convert_element_type3A_65 = arith.extui %lt3A_64 : i1 to i32
    %cond3A_66 = arith.constant 0 : i32
    %cond3A_67 = arith.cmpi ne, %convert_element_type3A_65, %cond3A_66 : i32
    scf.if %cond3A_67 {
      %mul3A_89 = arith.constant 128 : i32
      %mul3A_90 = arith.muli %add3A_62, %mul3A_89 : i32
      %mul3A_91 = arith.constant 128 : i32
      %mul3A_92 = arith.muli %add3A_62, %mul3A_91 : i32
      "tpu.region"() ({
        %run_scoped3A = tpu.sem_alloc : memref<!tpu.dma_semaphore, #tpu.memory_space<semaphore_mem>>
        %dma_start3A = arith.constant 0 : i32
        %dma_start3A_93 = tpu.memref_slice %arg5[%arg0, %mul3A_92, %dma_start3A] : memref<2x10112x128xf32, #tpu.memory_space<hbm>> -> memref<1x128x128xf32, #tpu.memory_space<hbm>>
        %dma_start3A_94 = tpu.memref_squeeze %dma_start3A_93 : memref<1x128x128xf32, #tpu.memory_space<hbm>> -> memref<128x128xf32, #tpu.memory_space<hbm>>
        %dma_start3A_95 = arith.constant 0 : i32
        %dma_start3A_96 = tpu.memref_slice %arg6[%mul3A_90, %dma_start3A_95] : memref<10112x128xf32, #tpu.memory_space<vmem_shared>> -> memref<128x128xf32, #tpu.memory_space<vmem_shared>>
        tpu.enqueue_dma source(%dma_start3A_96 : memref<128x128xf32, #tpu.memory_space<vmem_shared>>) target(%dma_start3A_94 : memref<128x128xf32, #tpu.memory_space<hbm>>) target_semaphore(%run_scoped3A : memref<!tpu.dma_semaphore, #tpu.memory_space<semaphore_mem>>)
        %dma_wait3A = arith.constant 0 : i32
        %dma_wait3A_97 = tpu.memref_slice %arg5[%arg0, %mul3A_92, %dma_wait3A] : memref<2x10112x128xf32, #tpu.memory_space<hbm>> -> memref<1x128x128xf32, #tpu.memory_space<hbm>>
        %dma_wait3A_98 = tpu.memref_squeeze %dma_wait3A_97 : memref<1x128x128xf32, #tpu.memory_space<hbm>> -> memref<128x128xf32, #tpu.memory_space<hbm>>
        %dma_wait3A_99 = arith.constant 0 : i32
        %dma_wait3A_100 = tpu.memref_slice %arg6[%mul3A_90, %dma_wait3A_99] : memref<10112x128xf32, #tpu.memory_space<vmem_shared>> -> memref<128x128xf32, #tpu.memory_space<vmem_shared>>
        tpu.wait_dma2 semaphore(%run_scoped3A : memref<!tpu.dma_semaphore, #tpu.memory_space<semaphore_mem>>) src(%dma_wait3A_100 : memref<128x128xf32, #tpu.memory_space<vmem_shared>>) dst(%dma_wait3A_98 : memref<128x128xf32, #tpu.memory_space<hbm>>)
        tpu.yield
      }) : () -> ()
    } else {
    }
    %add3A_68 = arith.constant 32 : i32
    %add3A_69 = arith.addi %arg1, %add3A_68 : i32
    %lt3A_70 = arith.constant 79 : i32
    %lt3A_71 = arith.cmpi slt, %add3A_69, %lt3A_70 : i32
    %convert_element_type3A_72 = arith.extui %lt3A_71 : i1 to i32
    %cond3A_73 = arith.constant 0 : i32
    %cond3A_74 = arith.cmpi ne, %convert_element_type3A_72, %cond3A_73 : i32
    scf.if %cond3A_74 {
      %mul3A_89 = arith.constant 128 : i32
      %mul3A_90 = arith.muli %add3A_69, %mul3A_89 : i32
      %mul3A_91 = arith.constant 128 : i32
      %mul3A_92 = arith.muli %add3A_69, %mul3A_91 : i32
      "tpu.region"() ({
        %run_scoped3A = tpu.sem_alloc : memref<!tpu.dma_semaphore, #tpu.memory_space<semaphore_mem>>
        %dma_start3A = arith.constant 0 : i32
        %dma_start3A_93 = tpu.memref_slice %arg5[%arg0, %mul3A_92, %dma_start3A] : memref<2x10112x128xf32, #tpu.memory_space<hbm>> -> memref<1x128x128xf32, #tpu.memory_space<hbm>>
        %dma_start3A_94 = tpu.memref_squeeze %dma_start3A_93 : memref<1x128x128xf32, #tpu.memory_space<hbm>> -> memref<128x128xf32, #tpu.memory_space<hbm>>
        %dma_start3A_95 = arith.constant 0 : i32
        %dma_start3A_96 = tpu.memref_slice %arg6[%mul3A_90, %dma_start3A_95] : memref<10112x128xf32, #tpu.memory_space<vmem_shared>> -> memref<128x128xf32, #tpu.memory_space<vmem_shared>>
        tpu.enqueue_dma source(%dma_start3A_96 : memref<128x128xf32, #tpu.memory_space<vmem_shared>>) target(%dma_start3A_94 : memref<128x128xf32, #tpu.memory_space<hbm>>) target_semaphore(%run_scoped3A : memref<!tpu.dma_semaphore, #tpu.memory_space<semaphore_mem>>)
        %dma_wait3A = arith.constant 0 : i32
        %dma_wait3A_97 = tpu.memref_slice %arg5[%arg0, %mul3A_92, %dma_wait3A] : memref<2x10112x128xf32, #tpu.memory_space<hbm>> -> memref<1x128x128xf32, #tpu.memory_space<hbm>>
        %dma_wait3A_98 = tpu.memref_squeeze %dma_wait3A_97 : memref<1x128x128xf32, #tpu.memory_space<hbm>> -> memref<128x128xf32, #tpu.memory_space<hbm>>
        %dma_wait3A_99 = arith.constant 0 : i32
        %dma_wait3A_100 = tpu.memref_slice %arg6[%mul3A_90, %dma_wait3A_99] : memref<10112x128xf32, #tpu.memory_space<vmem_shared>> -> memref<128x128xf32, #tpu.memory_space<vmem_shared>>
        tpu.wait_dma2 semaphore(%run_scoped3A : memref<!tpu.dma_semaphore, #tpu.memory_space<semaphore_mem>>) src(%dma_wait3A_100 : memref<128x128xf32, #tpu.memory_space<vmem_shared>>) dst(%dma_wait3A_98 : memref<128x128xf32, #tpu.memory_space<hbm>>)
        tpu.yield
      }) : () -> ()
    } else {
    }
    %add3A_75 = arith.constant 48 : i32
    %add3A_76 = arith.addi %arg1, %add3A_75 : i32
    %lt3A_77 = arith.constant 79 : i32
    %lt3A_78 = arith.cmpi slt, %add3A_76, %lt3A_77 : i32
    %convert_element_type3A_79 = arith.extui %lt3A_78 : i1 to i32
    %cond3A_80 = arith.constant 0 : i32
    %cond3A_81 = arith.cmpi ne, %convert_element_type3A_79, %cond3A_80 : i32
    scf.if %cond3A_81 {
      %mul3A_89 = arith.constant 128 : i32
      %mul3A_90 = arith.muli %add3A_76, %mul3A_89 : i32
      %mul3A_91 = arith.constant 128 : i32
      %mul3A_92 = arith.muli %add3A_76, %mul3A_91 : i32
      "tpu.region"() ({
        %run_scoped3A = tpu.sem_alloc : memref<!tpu.dma_semaphore, #tpu.memory_space<semaphore_mem>>
        %dma_start3A = arith.constant 0 : i32
        %dma_start3A_93 = tpu.memref_slice %arg5[%arg0, %mul3A_92, %dma_start3A] : memref<2x10112x128xf32, #tpu.memory_space<hbm>> -> memref<1x128x128xf32, #tpu.memory_space<hbm>>
        %dma_start3A_94 = tpu.memref_squeeze %dma_start3A_93 : memref<1x128x128xf32, #tpu.memory_space<hbm>> -> memref<128x128xf32, #tpu.memory_space<hbm>>
        %dma_start3A_95 = arith.constant 0 : i32
        %dma_start3A_96 = tpu.memref_slice %arg6[%mul3A_90, %dma_start3A_95] : memref<10112x128xf32, #tpu.memory_space<vmem_shared>> -> memref<128x128xf32, #tpu.memory_space<vmem_shared>>
        tpu.enqueue_dma source(%dma_start3A_96 : memref<128x128xf32, #tpu.memory_space<vmem_shared>>) target(%dma_start3A_94 : memref<128x128xf32, #tpu.memory_space<hbm>>) target_semaphore(%run_scoped3A : memref<!tpu.dma_semaphore, #tpu.memory_space<semaphore_mem>>)
        %dma_wait3A = arith.constant 0 : i32
        %dma_wait3A_97 = tpu.memref_slice %arg5[%arg0, %mul3A_92, %dma_wait3A] : memref<2x10112x128xf32, #tpu.memory_space<hbm>> -> memref<1x128x128xf32, #tpu.memory_space<hbm>>
        %dma_wait3A_98 = tpu.memref_squeeze %dma_wait3A_97 : memref<1x128x128xf32, #tpu.memory_space<hbm>> -> memref<128x128xf32, #tpu.memory_space<hbm>>
        %dma_wait3A_99 = arith.constant 0 : i32
        %dma_wait3A_100 = tpu.memref_slice %arg6[%mul3A_90, %dma_wait3A_99] : memref<10112x128xf32, #tpu.memory_space<vmem_shared>> -> memref<128x128xf32, #tpu.memory_space<vmem_shared>>
        tpu.wait_dma2 semaphore(%run_scoped3A : memref<!tpu.dma_semaphore, #tpu.memory_space<semaphore_mem>>) src(%dma_wait3A_100 : memref<128x128xf32, #tpu.memory_space<vmem_shared>>) dst(%dma_wait3A_98 : memref<128x128xf32, #tpu.memory_space<hbm>>)
        tpu.yield
      }) : () -> ()
    } else {
    }
    %add3A_82 = arith.constant 64 : i32
    %add3A_83 = arith.addi %arg1, %add3A_82 : i32
    %lt3A_84 = arith.constant 79 : i32
    %lt3A_85 = arith.cmpi slt, %add3A_83, %lt3A_84 : i32
    %convert_element_type3A_86 = arith.extui %lt3A_85 : i1 to i32
    %cond3A_87 = arith.constant 0 : i32
    %cond3A_88 = arith.cmpi ne, %convert_element_type3A_86, %cond3A_87 : i32
    scf.if %cond3A_88 {
      %mul3A_89 = arith.constant 128 : i32
      %mul3A_90 = arith.muli %add3A_83, %mul3A_89 : i32
      %mul3A_91 = arith.constant 128 : i32
      %mul3A_92 = arith.muli %add3A_83, %mul3A_91 : i32
      "tpu.region"() ({
        %run_scoped3A = tpu.sem_alloc : memref<!tpu.dma_semaphore, #tpu.memory_space<semaphore_mem>>
        %dma_start3A = arith.constant 0 : i32
        %dma_start3A_93 = tpu.memref_slice %arg5[%arg0, %mul3A_92, %dma_start3A] : memref<2x10112x128xf32, #tpu.memory_space<hbm>> -> memref<1x128x128xf32, #tpu.memory_space<hbm>>
        %dma_start3A_94 = tpu.memref_squeeze %dma_start3A_93 : memref<1x128x128xf32, #tpu.memory_space<hbm>> -> memref<128x128xf32, #tpu.memory_space<hbm>>
        %dma_start3A_95 = arith.constant 0 : i32
        %dma_start3A_96 = tpu.memref_slice %arg6[%mul3A_90, %dma_start3A_95] : memref<10112x128xf32, #tpu.memory_space<vmem_shared>> -> memref<128x128xf32, #tpu.memory_space<vmem_shared>>
        tpu.enqueue_dma source(%dma_start3A_96 : memref<128x128xf32, #tpu.memory_space<vmem_shared>>) target(%dma_start3A_94 : memref<128x128xf32, #tpu.memory_space<hbm>>) target_semaphore(%run_scoped3A : memref<!tpu.dma_semaphore, #tpu.memory_space<semaphore_mem>>)
        %dma_wait3A = arith.constant 0 : i32
        %dma_wait3A_97 = tpu.memref_slice %arg5[%arg0, %mul3A_92, %dma_wait3A] : memref<2x10112x128xf32, #tpu.memory_space<hbm>> -> memref<1x128x128xf32, #tpu.memory_space<hbm>>
        %dma_wait3A_98 = tpu.memref_squeeze %dma_wait3A_97 : memref<1x128x128xf32, #tpu.memory_space<hbm>> -> memref<128x128xf32, #tpu.memory_space<hbm>>
        %dma_wait3A_99 = arith.constant 0 : i32
        %dma_wait3A_100 = tpu.memref_slice %arg6[%mul3A_90, %dma_wait3A_99] : memref<10112x128xf32, #tpu.memory_space<vmem_shared>> -> memref<128x128xf32, #tpu.memory_space<vmem_shared>>
        tpu.wait_dma2 semaphore(%run_scoped3A : memref<!tpu.dma_semaphore, #tpu.memory_space<semaphore_mem>>) src(%dma_wait3A_100 : memref<128x128xf32, #tpu.memory_space<vmem_shared>>) dst(%dma_wait3A_98 : memref<128x128xf32, #tpu.memory_space<hbm>>)
        tpu.yield
      }) : () -> ()
    } else {
    }
    return
  }
}

module attributes {stable_mosaic.version = 14 : i64} {
  func.func @_xw_body(%arg0: i32, %arg1: memref<2000x128xf32, #tpu.memory_space<vmem>>, %arg2: memref<128x128xf32, #tpu.memory_space<vmem>>, %arg3: memref<2000x128xf32, #tpu.memory_space<vmem>>) attributes {dimension_semantics = [#tpu.dimension_semantics<arbitrary>], iteration_bounds = array<i64: 5>, scalar_prefetch = 0 : i64, scratch_operands = 0 : i64, tpu.core_type = #tpu.core_type<tc>, window_params = [{transform_indices = @transform_0, window_bounds = array<i64: 2000, 128>}, {pipeline_mode = #tpu.pipeline_mode<synchronous>, transform_indices = @transform_1, window_bounds = array<i64: 128, 128>}, {transform_indices = @transform_2, window_bounds = array<i64: 2000, 128>}]} {
    %get3A = arith.constant 0 : index
    %get3A_0 = arith.constant 0 : index
    %get3A_1 = vector.load %arg1[%get3A, %get3A_0] : memref<2000x128xf32, #tpu.memory_space<vmem>>, vector<2000x128xf32>
    %get3A_2 = arith.constant 0 : index
    %get3A_3 = arith.constant 0 : index
    %get3A_4 = vector.load %arg2[%get3A_2, %get3A_3] : memref<128x128xf32, #tpu.memory_space<vmem>>, vector<128x128xf32>
    %dot_general3A = arith.constant dense<0.000000e+00> : vector<2000x128xf32>
    %dot_general3A_5 = tpu.matmul %get3A_1, %get3A_4, %dot_general3A {dimension_numbers = #tpu.dot_dimension_numbers<[1], [0], [0], [1], [0, 0, 1, 1], [], []>, transpose_lhs_hint = false} : vector<2000x128xf32>, vector<128x128xf32>, vector<2000x128xf32> -> vector<2000x128xf32>
    %swap3A = arith.constant 0 : index
    %swap3A_6 = arith.constant 0 : index
    %swap3A_7 = vector.load %arg3[%swap3A, %swap3A_6] : memref<2000x128xf32, #tpu.memory_space<vmem>>, vector<2000x128xf32>
    tpu.vector_store %arg3[%swap3A, %swap3A_6], %dot_general3A_5 {strides = array<i32>} : memref<2000x128xf32, #tpu.memory_space<vmem>>, vector<2000x128xf32>,
    return
  }
  func.func @transform_0(%arg0: i32) -> (i32, i32) {
    %c0_i32 = arith.constant 0 : i32
    %c0_i32_0 = arith.constant 0 : i32
    return %arg0, %c0_i32 : i32, i32
  }
  func.func @transform_1(%arg0: i32) -> (i32, i32) {
    %c0_i32 = arith.constant 0 : i32
    %c0_i32_0 = arith.constant 0 : i32
    %c0_i32_1 = arith.constant 0 : i32
    return %c0_i32, %c0_i32_0 : i32, i32
  }
  func.func @transform_2(%arg0: i32) -> (i32, i32) {
    %c0_i32 = arith.constant 0 : i32
    %c0_i32_0 = arith.constant 0 : i32
    return %arg0, %c0_i32 : i32, i32
  }
}

module attributes {stable_mosaic.version = 14 : i64} {
  func.func @_k1_body(%arg0: i32, %arg1: memref<2000x128xf32, #tpu.memory_space<vmem>>, %arg2: memref<2000x16xf32, #tpu.memory_space<vmem>>, %arg3: memref<16x128xf32, #tpu.memory_space<vmem>>, %arg4: memref<1x128xf32, #tpu.memory_space<vmem>>, %arg5: memref<128x128xf32, #tpu.memory_space<vmem>>, %arg6: memref<2000x128xf32, #tpu.memory_space<vmem>>, %arg7: memref<2000x128xf32, #tpu.memory_space<vmem>>) attributes {dimension_semantics = [#tpu.dimension_semantics<arbitrary>], iteration_bounds = array<i64: 160>, scalar_prefetch = 0 : i64, scratch_operands = 0 : i64, tpu.core_type = #tpu.core_type<tc>, window_params = [{transform_indices = @transform_0, window_bounds = array<i64: 2000, 128>}, {transform_indices = @transform_1, window_bounds = array<i64: 2000, 16>}, {pipeline_mode = #tpu.pipeline_mode<synchronous>, transform_indices = @transform_2, window_bounds = array<i64: 16, 128>}, {pipeline_mode = #tpu.pipeline_mode<synchronous>, transform_indices = @transform_3, window_bounds = array<i64: 1, 128>}, {pipeline_mode = #tpu.pipeline_mode<synchronous>, transform_indices = @transform_4, window_bounds = array<i64: 128, 128>}, {transform_indices = @transform_5, window_bounds = array<i64: 2000, 128>}, {transform_indices = @transform_6, window_bounds = array<i64: 2000, 128>}]} {
    %get3A = arith.constant 0 : index
    %get3A_0 = arith.constant 0 : index
    %get3A_1 = vector.load %arg2[%get3A, %get3A_0] : memref<2000x16xf32, #tpu.memory_space<vmem>>, vector<2000x16xf32>
    %get3A_2 = arith.constant 0 : index
    %get3A_3 = arith.constant 0 : index
    %get3A_4 = vector.load %arg3[%get3A_2, %get3A_3] : memref<16x128xf32, #tpu.memory_space<vmem>>, vector<16x128xf32>
    %dot_general3A = arith.constant dense<0.000000e+00> : vector<2000x128xf32>
    %dot_general3A_5 = tpu.matmul %get3A_1, %get3A_4, %dot_general3A {dimension_numbers = #tpu.dot_dimension_numbers<[1], [0], [0], [1], [0, 0, 1, 1], [], []>, transpose_lhs_hint = false} : vector<2000x16xf32>, vector<16x128xf32>, vector<2000x128xf32> -> vector<2000x128xf32>
    %get3A_6 = arith.constant 0 : index
    %get3A_7 = arith.constant 0 : index
    %get3A_8 = vector.load %arg1[%get3A_6, %get3A_7] : memref<2000x128xf32, #tpu.memory_space<vmem>>, vector<2000x128xf32>
    %add3A = arith.addf %get3A_8, %dot_general3A_5 : vector<2000x128xf32>
    %get3A_9 = arith.constant 0 : index
    %get3A_10 = arith.constant 0 : index
    %get3A_11 = vector.load %arg4[%get3A_9, %get3A_10] : memref<1x128xf32, #tpu.memory_space<vmem>>, vector<1x128xf32>
    %add3A_12 = vector.broadcast %get3A_11 : vector<1x128xf32> to vector<2000x128xf32>
    %add3A_13 = arith.addf %add3A, %add3A_12 : vector<2000x128xf32>
    %max3A = arith.constant 0.000000e+00 : f32
    %max3A_14 = vector.broadcast %max3A : f32 to vector<2000x128xf32>
    %max3A_15 = arith.maximumf %add3A_13, %max3A_14 : vector<2000x128xf32>
    %swap3A = arith.constant 0 : index
    %swap3A_16 = arith.constant 0 : index
    %swap3A_17 = vector.load %arg7[%swap3A, %swap3A_16] : memref<2000x128xf32, #tpu.memory_space<vmem>>, vector<2000x128xf32>
    tpu.vector_store %arg7[%swap3A, %swap3A_16], %max3A_15 {strides = array<i32>} : memref<2000x128xf32, #tpu.memory_space<vmem>>, vector<2000x128xf32>,
    %get3A_18 = arith.constant 0 : index
    %get3A_19 = arith.constant 0 : index
    %get3A_20 = vector.load %arg5[%get3A_18, %get3A_19] : memref<128x128xf32, #tpu.memory_space<vmem>>, vector<128x128xf32>
    %dot_general3A_21 = arith.constant dense<0.000000e+00> : vector<2000x128xf32>
    %dot_general3A_22 = tpu.matmul %max3A_15, %get3A_20, %dot_general3A_21 {dimension_numbers = #tpu.dot_dimension_numbers<[1], [0], [0], [1], [0, 0, 1, 1], [], []>, transpose_lhs_hint = false} : vector<2000x128xf32>, vector<128x128xf32>, vector<2000x128xf32> -> vector<2000x128xf32>
    %swap3A_23 = arith.constant 0 : index
    %swap3A_24 = arith.constant 0 : index
    %swap3A_25 = vector.load %arg6[%swap3A_23, %swap3A_24] : memref<2000x128xf32, #tpu.memory_space<vmem>>, vector<2000x128xf32>
    tpu.vector_store %arg6[%swap3A_23, %swap3A_24], %dot_general3A_22 {strides = array<i32>} : memref<2000x128xf32, #tpu.memory_space<vmem>>, vector<2000x128xf32>,
    return
  }
  func.func @transform_0(%arg0: i32) -> (i32, i32) {
    %c0_i32 = arith.constant 0 : i32
    %c0_i32_0 = arith.constant 0 : i32
    return %arg0, %c0_i32 : i32, i32
  }
  func.func @transform_1(%arg0: i32) -> (i32, i32) {
    %c0_i32 = arith.constant 0 : i32
    %c0_i32_0 = arith.constant 0 : i32
    return %arg0, %c0_i32 : i32, i32
  }
  func.func @transform_2(%arg0: i32) -> (i32, i32) {
    %c0_i32 = arith.constant 0 : i32
    %c0_i32_0 = arith.constant 0 : i32
    %c0_i32_1 = arith.constant 0 : i32
    return %c0_i32, %c0_i32_0 : i32, i32
  }
  func.func @transform_3(%arg0: i32) -> (i32, i32) {
    %c0_i32 = arith.constant 0 : i32
    %c0_i32_0 = arith.constant 0 : i32
    %c0_i32_1 = arith.constant 0 : i32
    return %c0_i32, %c0_i32_0 : i32, i32
  }
  func.func @transform_4(%arg0: i32) -> (i32, i32) {
    %c0_i32 = arith.constant 0 : i32
    %c0_i32_0 = arith.constant 0 : i32
    %c0_i32_1 = arith.constant 0 : i32
    return %c0_i32, %c0_i32_0 : i32, i32
  }
  func.func @transform_5(%arg0: i32) -> (i32, i32) {
    %c0_i32 = arith.constant 0 : i32
    %c0_i32_0 = arith.constant 0 : i32
    return %arg0, %c0_i32 : i32, i32
  }
  func.func @transform_6(%arg0: i32) -> (i32, i32) {
    %c0_i32 = arith.constant 0 : i32
    %c0_i32_0 = arith.constant 0 : i32
    return %arg0, %c0_i32 : i32, i32
  }
}

module attributes {stable_mosaic.version = 14 : i64} {
  func.func @_add_body(%arg0: i32, %arg1: memref<1x128x128xf32, #tpu.memory_space<vmem>>, %arg2: memref<1x128x128xf32, #tpu.memory_space<vmem>>, %arg3: memref<128x128xf32, #tpu.memory_space<vmem>>) attributes {dimension_semantics = [#tpu.dimension_semantics<arbitrary>], iteration_bounds = array<i64: 79>, scalar_prefetch = 0 : i64, scratch_operands = 0 : i64, tpu.core_type = #tpu.core_type<tc>, window_params = [{transform_indices = @transform_0, window_bounds = array<i64: 1, 128, 128>}, {transform_indices = @transform_1, window_bounds = array<i64: 1, 128, 128>}, {transform_indices = @transform_2, window_bounds = array<i64: 128, 128>}]} {
    %get3A = arith.constant 0 : index
    %get3A_0 = arith.constant 0 : index
    %get3A_1 = arith.constant 0 : index
    %get3A_2 = vector.load %arg1[%get3A, %get3A_0, %get3A_1] : memref<1x128x128xf32, #tpu.memory_space<vmem>>, vector<1x128x128xf32>
    %get3A_3 = vector.shape_cast %get3A_2 : vector<1x128x128xf32> to vector<128x128xf32>
    %get3A_4 = arith.constant 0 : index
    %get3A_5 = arith.constant 0 : index
    %get3A_6 = arith.constant 0 : index
    %get3A_7 = vector.load %arg2[%get3A_4, %get3A_5, %get3A_6] : memref<1x128x128xf32, #tpu.memory_space<vmem>>, vector<1x128x128xf32>
    %get3A_8 = vector.shape_cast %get3A_7 : vector<1x128x128xf32> to vector<128x128xf32>
    %add3A = arith.addf %get3A_3, %get3A_8 : vector<128x128xf32>
    %swap3A = arith.constant 0 : index
    %swap3A_9 = arith.constant 0 : index
    %swap3A_10 = vector.load %arg3[%swap3A, %swap3A_9] : memref<128x128xf32, #tpu.memory_space<vmem>>, vector<128x128xf32>
    tpu.vector_store %arg3[%swap3A, %swap3A_9], %add3A {strides = array<i32>} : memref<128x128xf32, #tpu.memory_space<vmem>>, vector<128x128xf32>,
    return
  }
  func.func @transform_0(%arg0: i32) -> (i32, i32, i32) {
    %c0_i32 = arith.constant 0 : i32
    %c0_i32_0 = arith.constant 0 : i32
    %c0_i32_1 = arith.constant 0 : i32
    return %c0_i32, %arg0, %c0_i32_0 : i32, i32, i32
  }
  func.func @transform_1(%arg0: i32) -> (i32, i32, i32) {
    %c1_i32 = arith.constant 1 : i32
    %c0_i32 = arith.constant 0 : i32
    %c0_i32_0 = arith.constant 0 : i32
    return %c1_i32, %arg0, %c0_i32 : i32, i32, i32
  }
  func.func @transform_2(%arg0: i32) -> (i32, i32) {
    %c0_i32 = arith.constant 0 : i32
    %c0_i32_0 = arith.constant 0 : i32
    return %arg0, %c0_i32 : i32, i32
  }
}

module attributes {stable_mosaic.version = 14 : i64} {
  func.func @_layer_body(%arg0: i32, %arg1: memref<2000x128xf32, #tpu.memory_space<vmem>>, %arg2: memref<2000x128xf32, #tpu.memory_space<vmem>>, %arg3: memref<2000x128xf32, #tpu.memory_space<vmem>>, %arg4: memref<1x128xf32, #tpu.memory_space<vmem>>, %arg5: memref<128x128xf32, #tpu.memory_space<vmem>>, %arg6: memref<2000x128xf32, #tpu.memory_space<vmem>>) attributes {dimension_semantics = [#tpu.dimension_semantics<arbitrary>], iteration_bounds = array<i64: 160>, scalar_prefetch = 0 : i64, scratch_operands = 0 : i64, tpu.core_type = #tpu.core_type<tc>, window_params = [{transform_indices = @transform_0, window_bounds = array<i64: 2000, 128>}, {transform_indices = @transform_1, window_bounds = array<i64: 2000, 128>}, {transform_indices = @transform_2, window_bounds = array<i64: 2000, 128>}, {pipeline_mode = #tpu.pipeline_mode<synchronous>, transform_indices = @transform_3, window_bounds = array<i64: 1, 128>}, {pipeline_mode = #tpu.pipeline_mode<synchronous>, transform_indices = @transform_4, window_bounds = array<i64: 128, 128>}, {transform_indices = @transform_5, window_bounds = array<i64: 2000, 128>}]} {
    %get3A = arith.constant 0 : index
    %get3A_0 = arith.constant 0 : index
    %get3A_1 = vector.load %arg1[%get3A, %get3A_0] : memref<2000x128xf32, #tpu.memory_space<vmem>>, vector<2000x128xf32>
    %get3A_2 = arith.constant 0 : index
    %get3A_3 = arith.constant 0 : index
    %get3A_4 = vector.load %arg2[%get3A_2, %get3A_3] : memref<2000x128xf32, #tpu.memory_space<vmem>>, vector<2000x128xf32>
    %iota3A = tpu.iota {dimensions = array<i32: 0>} : vector<2000x1xi32>
    %jit3A = arith.constant 2 : i32
    %eq3A = arith.constant 0 : i32
    %eq3A_5 = arith.cmpi eq, %jit3A, %eq3A : i32
    %jit3A_6 = arith.constant 1 : i32
    %select_n3A = arith.select %eq3A_5, %jit3A_6, %jit3A : i32
    %rem3A = vector.broadcast %select_n3A : i32 to vector<2000x1xi32>
    %rem3A_7 = arith.remsi %iota3A, %rem3A : vector<2000x1xi32>
    %ne3A = arith.constant 0 : i32
    %ne3A_8 = vector.broadcast %ne3A : i32 to vector<2000x1xi32>
    %ne3A_9 = arith.cmpi ne, %rem3A_7, %ne3A_8 : vector<2000x1xi32>
    %lt3A = arith.constant 0 : i32
    %lt3A_10 = vector.broadcast %lt3A : i32 to vector<2000x1xi32>
    %lt3A_11 = arith.cmpi slt, %rem3A_7, %lt3A_10 : vector<2000x1xi32>
    %lt3A_12 = arith.constant 0 : i32
    %lt3A_13 = arith.cmpi slt, %select_n3A, %lt3A_12 : i32
    %ne3A_14 = vector.broadcast %lt3A_13 : i1 to vector<2000x1xi1>
    %ne3A_15 = vector.broadcast %ne3A_14 : vector<2000x1xi1> to vector<2000x1xi1>
    %ne3A_16 = arith.xori %lt3A_11, %ne3A_15 : vector<2000x1xi1>
    %and3A = arith.andi %ne3A_16, %ne3A_9 : vector<2000x1xi1>
    %add3A = vector.broadcast %select_n3A : i32 to vector<2000x1xi32>
    %add3A_17 = arith.addi %rem3A_7, %add3A : vector<2000x1xi32>
    %select_n3A_18 = arith.select %and3A, %add3A_17, %rem3A_7 : vector<2000x1xi1>, vector<2000x1xi32>
    %eq3A_19 = arith.constant 0 : i32
    %eq3A_20 = vector.broadcast %eq3A_19 : i32 to vector<2000x1xi32>
    %eq3A_21 = arith.cmpi eq, %select_n3A_18, %eq3A_20 : vector<2000x1xi32>
    %roll3A = arith.constant 1999 : i32
    %roll3A_22 = tpu.dynamic_rotate %get3A_4 by %roll3A dim 0 : vector<2000x128xf32>, i32 -> vector<2000x128xf32>
    %roll3A_23 = arith.constant 1 : i32
    %roll3A_24 = tpu.dynamic_rotate %get3A_4 by %roll3A_23 dim 0 : vector<2000x128xf32>, i32 -> vector<2000x128xf32>
    %broadcast_in_dim3A = vector.shape_cast %eq3A_21 : vector<2000x1xi1> to vector<2000x1xi1>
    %broadcast_in_dim3A_25 = vector.broadcast %broadcast_in_dim3A : vector<2000x1xi1> to vector<2000x128xi1>
    %select_n3A_26 = arith.select %broadcast_in_dim3A_25, %roll3A_22, %roll3A_24 : vector<2000x128xi1>, vector<2000x128xf32>
    %sub3A = arith.subf %get3A_1, %select_n3A_26 : vector<2000x128xf32>
    %get3A_27 = arith.constant 0 : index
    %get3A_28 = arith.constant 0 : index
    %get3A_29 = vector.load %arg3[%get3A_27, %get3A_28] : memref<2000x128xf32, #tpu.memory_space<vmem>>, vector<2000x128xf32>
    %add3A_30 = arith.addf %sub3A, %get3A_29 : vector<2000x128xf32>
    %get3A_31 = arith.constant 0 : index
    %get3A_32 = arith.constant 0 : index
    %get3A_33 = vector.load %arg4[%get3A_31, %get3A_32] : memref<1x128xf32, #tpu.memory_space<vmem>>, vector<1x128xf32>
    %add3A_34 = vector.broadcast %get3A_33 : vector<1x128xf32> to vector<2000x128xf32>
    %add3A_35 = arith.addf %add3A_30, %add3A_34 : vector<2000x128xf32>
    %max3A = arith.constant 0.000000e+00 : f32
    %max3A_36 = vector.broadcast %max3A : f32 to vector<2000x128xf32>
    %max3A_37 = arith.maximumf %add3A_35, %max3A_36 : vector<2000x128xf32>
    %get3A_38 = arith.constant 0 : index
    %get3A_39 = arith.constant 0 : index
    %get3A_40 = vector.load %arg5[%get3A_38, %get3A_39] : memref<128x128xf32, #tpu.memory_space<vmem>>, vector<128x128xf32>
    %dot_general3A = arith.constant dense<0.000000e+00> : vector<2000x128xf32>
    %dot_general3A_41 = tpu.matmul %max3A_37, %get3A_40, %dot_general3A {dimension_numbers = #tpu.dot_dimension_numbers<[1], [0], [0], [1], [0, 0, 1, 1], [], []>, transpose_lhs_hint = false} : vector<2000x128xf32>, vector<128x128xf32>, vector<2000x128xf32> -> vector<2000x128xf32>
    %swap3A = arith.constant 0 : index
    %swap3A_42 = arith.constant 0 : index
    %swap3A_43 = vector.load %arg6[%swap3A, %swap3A_42] : memref<2000x128xf32, #tpu.memory_space<vmem>>, vector<2000x128xf32>
    tpu.vector_store %arg6[%swap3A, %swap3A_42], %dot_general3A_41 {strides = array<i32>} : memref<2000x128xf32, #tpu.memory_space<vmem>>, vector<2000x128xf32>,
    return
  }
  func.func @transform_0(%arg0: i32) -> (i32, i32) {
    %c0_i32 = arith.constant 0 : i32
    %c0_i32_0 = arith.constant 0 : i32
    return %arg0, %c0_i32 : i32, i32
  }
  func.func @transform_1(%arg0: i32) -> (i32, i32) {
    %c0_i32 = arith.constant 0 : i32
    %c0_i32_0 = arith.constant 0 : i32
    return %arg0, %c0_i32 : i32, i32
  }
  func.func @transform_2(%arg0: i32) -> (i32, i32) {
    %c0_i32 = arith.constant 0 : i32
    %c0_i32_0 = arith.constant 0 : i32
    return %arg0, %c0_i32 : i32, i32
  }
  func.func @transform_3(%arg0: i32) -> (i32, i32) {
    %c0_i32 = arith.constant 0 : i32
    %c0_i32_0 = arith.constant 0 : i32
    %c0_i32_1 = arith.constant 0 : i32
    return %c0_i32, %c0_i32_0 : i32, i32
  }
  func.func @transform_4(%arg0: i32) -> (i32, i32) {
    %c0_i32 = arith.constant 0 : i32
    %c0_i32_0 = arith.constant 0 : i32
    %c0_i32_1 = arith.constant 0 : i32
    return %c0_i32, %c0_i32_0 : i32, i32
  }
  func.func @transform_5(%arg0: i32) -> (i32, i32) {
    %c0_i32 = arith.constant 0 : i32
    %c0_i32_0 = arith.constant 0 : i32
    return %arg0, %c0_i32 : i32, i32
  }
}

module attributes {stable_mosaic.version = 14 : i64} {
  func.func @_hlast_body(%arg0: i32, %arg1: memref<2000x128xf32, #tpu.memory_space<vmem>>, %arg2: memref<2000x128xf32, #tpu.memory_space<vmem>>, %arg3: memref<2000x128xf32, #tpu.memory_space<vmem>>, %arg4: memref<1x128xf32, #tpu.memory_space<vmem>>, %arg5: memref<2000x128xf32, #tpu.memory_space<vmem>>) attributes {dimension_semantics = [#tpu.dimension_semantics<arbitrary>], iteration_bounds = array<i64: 160>, scalar_prefetch = 0 : i64, scratch_operands = 0 : i64, tpu.core_type = #tpu.core_type<tc>, window_params = [{transform_indices = @transform_0, window_bounds = array<i64: 2000, 128>}, {transform_indices = @transform_1, window_bounds = array<i64: 2000, 128>}, {transform_indices = @transform_2, window_bounds = array<i64: 2000, 128>}, {pipeline_mode = #tpu.pipeline_mode<synchronous>, transform_indices = @transform_3, window_bounds = array<i64: 1, 128>}, {transform_indices = @transform_4, window_bounds = array<i64: 2000, 128>}]} {
    %get3A = arith.constant 0 : index
    %get3A_0 = arith.constant 0 : index
    %get3A_1 = vector.load %arg1[%get3A, %get3A_0] : memref<2000x128xf32, #tpu.memory_space<vmem>>, vector<2000x128xf32>
    %get3A_2 = arith.constant 0 : index
    %get3A_3 = arith.constant 0 : index
    %get3A_4 = vector.load %arg2[%get3A_2, %get3A_3] : memref<2000x128xf32, #tpu.memory_space<vmem>>, vector<2000x128xf32>
    %iota3A = tpu.iota {dimensions = array<i32: 0>} : vector<2000x1xi32>
    %jit3A = arith.constant 2 : i32
    %eq3A = arith.constant 0 : i32
    %eq3A_5 = arith.cmpi eq, %jit3A, %eq3A : i32
    %jit3A_6 = arith.constant 1 : i32
    %select_n3A = arith.select %eq3A_5, %jit3A_6, %jit3A : i32
    %rem3A = vector.broadcast %select_n3A : i32 to vector<2000x1xi32>
    %rem3A_7 = arith.remsi %iota3A, %rem3A : vector<2000x1xi32>
    %ne3A = arith.constant 0 : i32
    %ne3A_8 = vector.broadcast %ne3A : i32 to vector<2000x1xi32>
    %ne3A_9 = arith.cmpi ne, %rem3A_7, %ne3A_8 : vector<2000x1xi32>
    %lt3A = arith.constant 0 : i32
    %lt3A_10 = vector.broadcast %lt3A : i32 to vector<2000x1xi32>
    %lt3A_11 = arith.cmpi slt, %rem3A_7, %lt3A_10 : vector<2000x1xi32>
    %lt3A_12 = arith.constant 0 : i32
    %lt3A_13 = arith.cmpi slt, %select_n3A, %lt3A_12 : i32
    %ne3A_14 = vector.broadcast %lt3A_13 : i1 to vector<2000x1xi1>
    %ne3A_15 = vector.broadcast %ne3A_14 : vector<2000x1xi1> to vector<2000x1xi1>
    %ne3A_16 = arith.xori %lt3A_11, %ne3A_15 : vector<2000x1xi1>
    %and3A = arith.andi %ne3A_16, %ne3A_9 : vector<2000x1xi1>
    %add3A = vector.broadcast %select_n3A : i32 to vector<2000x1xi32>
    %add3A_17 = arith.addi %rem3A_7, %add3A : vector<2000x1xi32>
    %select_n3A_18 = arith.select %and3A, %add3A_17, %rem3A_7 : vector<2000x1xi1>, vector<2000x1xi32>
    %eq3A_19 = arith.constant 0 : i32
    %eq3A_20 = vector.broadcast %eq3A_19 : i32 to vector<2000x1xi32>
    %eq3A_21 = arith.cmpi eq, %select_n3A_18, %eq3A_20 : vector<2000x1xi32>
    %roll3A = arith.constant 1999 : i32
    %roll3A_22 = tpu.dynamic_rotate %get3A_4 by %roll3A dim 0 : vector<2000x128xf32>, i32 -> vector<2000x128xf32>
    %roll3A_23 = arith.constant 1 : i32
    %roll3A_24 = tpu.dynamic_rotate %get3A_4 by %roll3A_23 dim 0 : vector<2000x128xf32>, i32 -> vector<2000x128xf32>
    %broadcast_in_dim3A = vector.shape_cast %eq3A_21 : vector<2000x1xi1> to vector<2000x1xi1>
    %broadcast_in_dim3A_25 = vector.broadcast %broadcast_in_dim3A : vector<2000x1xi1> to vector<2000x128xi1>
    %select_n3A_26 = arith.select %broadcast_in_dim3A_25, %roll3A_22, %roll3A_24 : vector<2000x128xi1>, vector<2000x128xf32>
    %sub3A = arith.subf %get3A_1, %select_n3A_26 : vector<2000x128xf32>
    %get3A_27 = arith.constant 0 : index
    %get3A_28 = arith.constant 0 : index
    %get3A_29 = vector.load %arg3[%get3A_27, %get3A_28] : memref<2000x128xf32, #tpu.memory_space<vmem>>, vector<2000x128xf32>
    %add3A_30 = arith.addf %sub3A, %get3A_29 : vector<2000x128xf32>
    %get3A_31 = arith.constant 0 : index
    %get3A_32 = arith.constant 0 : index
    %get3A_33 = vector.load %arg4[%get3A_31, %get3A_32] : memref<1x128xf32, #tpu.memory_space<vmem>>, vector<1x128xf32>
    %add3A_34 = vector.broadcast %get3A_33 : vector<1x128xf32> to vector<2000x128xf32>
    %add3A_35 = arith.addf %add3A_30, %add3A_34 : vector<2000x128xf32>
    %max3A = arith.constant 0.000000e+00 : f32
    %max3A_36 = vector.broadcast %max3A : f32 to vector<2000x128xf32>
    %max3A_37 = arith.maximumf %add3A_35, %max3A_36 : vector<2000x128xf32>
    %swap3A = arith.constant 0 : index
    %swap3A_38 = arith.constant 0 : index
    %swap3A_39 = vector.load %arg5[%swap3A, %swap3A_38] : memref<2000x128xf32, #tpu.memory_space<vmem>>, vector<2000x128xf32>
    tpu.vector_store %arg5[%swap3A, %swap3A_38], %max3A_37 {strides = array<i32>} : memref<2000x128xf32, #tpu.memory_space<vmem>>, vector<2000x128xf32>,
    return
  }
  func.func @transform_0(%arg0: i32) -> (i32, i32) {
    %c0_i32 = arith.constant 0 : i32
    %c0_i32_0 = arith.constant 0 : i32
    return %arg0, %c0_i32 : i32, i32
  }
  func.func @transform_1(%arg0: i32) -> (i32, i32) {
    %c0_i32 = arith.constant 0 : i32
    %c0_i32_0 = arith.constant 0 : i32
    return %arg0, %c0_i32 : i32, i32
  }
  func.func @transform_2(%arg0: i32) -> (i32, i32) {
    %c0_i32 = arith.constant 0 : i32
    %c0_i32_0 = arith.constant 0 : i32
    return %arg0, %c0_i32 : i32, i32
  }
  func.func @transform_3(%arg0: i32) -> (i32, i32) {
    %c0_i32 = arith.constant 0 : i32
    %c0_i32_0 = arith.constant 0 : i32
    %c0_i32_1 = arith.constant 0 : i32
    return %c0_i32, %c0_i32_0 : i32, i32
  }
  func.func @transform_4(%arg0: i32) -> (i32, i32) {
    %c0_i32 = arith.constant 0 : i32
    %c0_i32_0 = arith.constant 0 : i32
    return %arg0, %c0_i32 : i32, i32
  }
}

module attributes {stable_mosaic.version = 14 : i64} {
  func.func @_tail_body(%arg0: i32, %arg1: memref<2000x128xf32, #tpu.memory_space<vmem>>, %arg2: memref<2000x128xf32, #tpu.memory_space<vmem>>, %arg3: memref<1x1x2000xi32, #tpu.memory_space<vmem>>, %arg4: memref<128x128xf32, #tpu.memory_space<vmem>>, %arg5: memref<128x128xf32, #tpu.memory_space<vmem>>, %arg6: memref<1x128xf32, #tpu.memory_space<vmem>>, %arg7: memref<128x128xf32, #tpu.memory_space<vmem>>, %arg8: memref<1x128xf32, #tpu.memory_space<vmem>>, %arg9: memref<1x128xf32, #tpu.memory_space<vmem>>, %arg10: memref<1x1xf32, #tpu.memory_space<vmem>>, %arg11: memref<64x1xf32, #tpu.memory_space<vmem>>, %arg12: memref<64x128xf32, #tpu.memory_space<vmem>>) attributes {dimension_semantics = [#tpu.dimension_semantics<arbitrary>], iteration_bounds = array<i64: 5>, scalar_prefetch = 0 : i64, scratch_operands = 1 : i64, tpu.core_type = #tpu.core_type<tc>, window_params = [{transform_indices = @transform_0, window_bounds = array<i64: 2000, 128>}, {transform_indices = @transform_1, window_bounds = array<i64: 2000, 128>}, {transform_indices = @transform_2, window_bounds = array<i64: 1, 1, 2000>}, {pipeline_mode = #tpu.pipeline_mode<synchronous>, transform_indices = @transform_3, window_bounds = array<i64: 128, 128>}, {pipeline_mode = #tpu.pipeline_mode<synchronous>, transform_indices = @transform_4, window_bounds = array<i64: 128, 128>}, {pipeline_mode = #tpu.pipeline_mode<synchronous>, transform_indices = @transform_5, window_bounds = array<i64: 1, 128>}, {pipeline_mode = #tpu.pipeline_mode<synchronous>, transform_indices = @transform_6, window_bounds = array<i64: 128, 128>}, {pipeline_mode = #tpu.pipeline_mode<synchronous>, transform_indices = @transform_7, window_bounds = array<i64: 1, 128>}, {pipeline_mode = #tpu.pipeline_mode<synchronous>, transform_indices = @transform_8, window_bounds = array<i64: 1, 128>}, {pipeline_mode = #tpu.pipeline_mode<synchronous>, transform_indices = @transform_9, window_bounds = array<i64: 1, 1>}, {pipeline_mode = #tpu.pipeline_mode<synchronous>, transform_indices = @transform_10, window_bounds = array<i64: 64, 1>}]} {
    %eq3A = arith.constant 0 : i32
    %eq3A_0 = arith.cmpi eq, %arg0, %eq3A : i32
    %convert_element_type3A = arith.extui %eq3A_0 : i1 to i32
    %cond3A = arith.constant 0 : i32
    %cond3A_1 = arith.cmpi ne, %convert_element_type3A, %cond3A : i32
    scf.if %cond3A_1 {
      %broadcast_in_dim3A = arith.constant 0.000000e+00 : f32
      %broadcast_in_dim3A_46 = vector.broadcast %broadcast_in_dim3A : f32 to vector<64x128xf32>
      %swap3A_47 = arith.constant 0 : index
      %swap3A_48 = arith.constant 0 : index
      %swap3A_49 = vector.load %arg12[%swap3A_47, %swap3A_48] : memref<64x128xf32, #tpu.memory_space<vmem>>, vector<64x128xf32>
      tpu.vector_store %arg12[%swap3A_47, %swap3A_48], %broadcast_in_dim3A_46 {strides = array<i32>} : memref<64x128xf32, #tpu.memory_space<vmem>>, vector<64x128xf32>,
    } else {
    }
    %get3A = arith.constant 0 : index
    %get3A_2 = arith.constant 0 : index
    %get3A_3 = vector.load %arg1[%get3A, %get3A_2] : memref<2000x128xf32, #tpu.memory_space<vmem>>, vector<2000x128xf32>
    %get3A_4 = arith.constant 0 : index
    %get3A_5 = arith.constant 0 : index
    %get3A_6 = vector.load %arg4[%get3A_4, %get3A_5] : memref<128x128xf32, #tpu.memory_space<vmem>>, vector<128x128xf32>
    %dot_general3A = arith.constant dense<0.000000e+00> : vector<2000x128xf32>
    %dot_general3A_7 = tpu.matmul %get3A_3, %get3A_6, %dot_general3A {dimension_numbers = #tpu.dot_dimension_numbers<[1], [0], [0], [1], [0, 0, 1, 1], [], []>, transpose_lhs_hint = false} : vector<2000x128xf32>, vector<128x128xf32>, vector<2000x128xf32> -> vector<2000x128xf32>
    %get3A_8 = arith.constant 0 : index
    %get3A_9 = arith.constant 0 : index
    %get3A_10 = vector.load %arg2[%get3A_8, %get3A_9] : memref<2000x128xf32, #tpu.memory_space<vmem>>, vector<2000x128xf32>
    %get3A_11 = arith.constant 0 : index
    %get3A_12 = arith.constant 0 : index
    %get3A_13 = vector.load %arg5[%get3A_11, %get3A_12] : memref<128x128xf32, #tpu.memory_space<vmem>>, vector<128x128xf32>
    %dot_general3A_14 = arith.constant dense<0.000000e+00> : vector<2000x128xf32>
    %dot_general3A_15 = tpu.matmul %get3A_10, %get3A_13, %dot_general3A_14 {dimension_numbers = #tpu.dot_dimension_numbers<[1], [0], [0], [1], [0, 0, 1, 1], [], []>, transpose_lhs_hint = false} : vector<2000x128xf32>, vector<128x128xf32>, vector<2000x128xf32> -> vector<2000x128xf32>
    %add3A = arith.addf %dot_general3A_7, %dot_general3A_15 : vector<2000x128xf32>
    %get3A_16 = arith.constant 0 : index
    %get3A_17 = arith.constant 0 : index
    %get3A_18 = vector.load %arg6[%get3A_16, %get3A_17] : memref<1x128xf32, #tpu.memory_space<vmem>>, vector<1x128xf32>
    %add3A_19 = vector.broadcast %get3A_18 : vector<1x128xf32> to vector<2000x128xf32>
    %add3A_20 = arith.addf %add3A, %add3A_19 : vector<2000x128xf32>
    %max3A = arith.constant 0.000000e+00 : f32
    %max3A_21 = vector.broadcast %max3A : f32 to vector<2000x128xf32>
    %max3A_22 = arith.maximumf %add3A_20, %max3A_21 : vector<2000x128xf32>
    %get3A_23 = arith.constant 0 : index
    %get3A_24 = arith.constant 0 : index
    %get3A_25 = arith.constant 0 : index
    %get3A_26 = vector.load %arg3[%get3A_23, %get3A_24, %get3A_25] : memref<1x1x2000xi32, #tpu.memory_space<vmem>>, vector<1x1x2000xi32>
    %get3A_27 = vector.shape_cast %get3A_26 : vector<1x1x2000xi32> to vector<1x2000xi32>
    %iota3A = tpu.iota {dimensions = array<i32: 0>} : vector<64x1xi32>
    %eq3A_28 = vector.broadcast %get3A_27 : vector<1x2000xi32> to vector<64x2000xi32>
    %eq3A_29 = vector.broadcast %iota3A : vector<64x1xi32> to vector<64x2000xi32>
    %eq3A_30 = arith.cmpi eq, %eq3A_28, %eq3A_29 : vector<64x2000xi32>
    %convert_element_type3A_31 = arith.extui %eq3A_30 : vector<64x2000xi1> to vector<64x2000xi32>
    %convert_element_type3A_32 = arith.sitofp %convert_element_type3A_31 : vector<64x2000xi32> to vector<64x2000xf32>
    %get3A_33 = arith.constant 0 : index
    %get3A_34 = arith.constant 0 : index
    %get3A_35 = vector.load %arg12[%get3A_33, %get3A_34] : memref<64x128xf32, #tpu.memory_space<vmem>>, vector<64x128xf32>
    %dot_general3A_36 = arith.constant dense<0.000000e+00> : vector<64x128xf32>
    %dot_general3A_37 = tpu.matmul %convert_element_type3A_32, %max3A_22, %dot_general3A_36 {dimension_numbers = #tpu.dot_dimension_numbers<[1], [0], [0], [1], [0, 0, 1, 1], [], []>, transpose_lhs_hint = false} : vector<64x2000xf32>, vector<2000x128xf32>, vector<64x128xf32> -> vector<64x128xf32>
    %add3A_38 = arith.addf %get3A_35, %dot_general3A_37 : vector<64x128xf32>
    %swap3A = arith.constant 0 : index
    %swap3A_39 = arith.constant 0 : index
    %swap3A_40 = vector.load %arg12[%swap3A, %swap3A_39] : memref<64x128xf32, #tpu.memory_space<vmem>>, vector<64x128xf32>
    tpu.vector_store %arg12[%swap3A, %swap3A_39], %add3A_38 {strides = array<i32>} : memref<64x128xf32, #tpu.memory_space<vmem>>, vector<64x128xf32>,
    %eq3A_41 = arith.constant 4 : i32
    %eq3A_42 = arith.cmpi eq, %arg0, %eq3A_41 : i32
    %convert_element_type3A_43 = arith.extui %eq3A_42 : i1 to i32
    %cond3A_44 = arith.constant 0 : i32
    %cond3A_45 = arith.cmpi ne, %convert_element_type3A_43, %cond3A_44 : i32
    scf.if %cond3A_45 {
      %get3A_46 = arith.constant 0 : index
      %get3A_47 = arith.constant 0 : index
      %get3A_48 = vector.load %arg12[%get3A_46, %get3A_47] : memref<64x128xf32, #tpu.memory_space<vmem>>, vector<64x128xf32>
      %get3A_49 = arith.constant 0 : index
      %get3A_50 = arith.constant 0 : index
      %get3A_51 = vector.load %arg7[%get3A_49, %get3A_50] : memref<128x128xf32, #tpu.memory_space<vmem>>, vector<128x128xf32>
      %dot_general3A_52 = arith.constant dense<0.000000e+00> : vector<64x128xf32>
      %dot_general3A_53 = tpu.matmul %get3A_48, %get3A_51, %dot_general3A_52 {dimension_numbers = #tpu.dot_dimension_numbers<[1], [0], [0], [1], [0, 0, 1, 1], [], []>, transpose_lhs_hint = false} : vector<64x128xf32>, vector<128x128xf32>, vector<64x128xf32> -> vector<64x128xf32>
      %get3A_54 = arith.constant 0 : index
      %get3A_55 = arith.constant 0 : index
      %get3A_56 = vector.load %arg8[%get3A_54, %get3A_55] : memref<1x128xf32, #tpu.memory_space<vmem>>, vector<1x128xf32>
      %add3A_57 = vector.broadcast %get3A_56 : vector<1x128xf32> to vector<64x128xf32>
      %add3A_58 = arith.addf %dot_general3A_53, %add3A_57 : vector<64x128xf32>
      %max3A_59 = arith.constant 0.000000e+00 : f32
      %max3A_60 = vector.broadcast %max3A_59 : f32 to vector<64x128xf32>
      %max3A_61 = arith.maximumf %add3A_58, %max3A_60 : vector<64x128xf32>
      %get3A_62 = arith.constant 0 : index
      %get3A_63 = arith.constant 0 : index
      %get3A_64 = vector.load %arg9[%get3A_62, %get3A_63] : memref<1x128xf32, #tpu.memory_space<vmem>>, vector<1x128xf32>
      %mul3A = vector.broadcast %get3A_64 : vector<1x128xf32> to vector<64x128xf32>
      %mul3A_65 = arith.mulf %max3A_61, %mul3A : vector<64x128xf32>
      %reduce_sum3A = arith.constant dense<0.000000e+00> : vector<64xf32>
      %reduce_sum3A_66 = vector.multi_reduction <add>, %mul3A_65, %reduce_sum3A [1] : vector<64x128xf32> to vector<64xf32>
      %broadcast_in_dim3A = vector.shape_cast %reduce_sum3A_66 : vector<64xf32> to vector<64x1xf32>
      %get3A_67 = arith.constant 0 : index
      %get3A_68 = arith.constant 0 : index
      %get3A_69 = vector.load %arg10[%get3A_67, %get3A_68] : memref<1x1xf32, #tpu.memory_space<vmem>>, vector<1x1xf32>
      %add3A_70 = vector.broadcast %get3A_69 : vector<1x1xf32> to vector<64x1xf32>
      %add3A_71 = arith.addf %broadcast_in_dim3A, %add3A_70 : vector<64x1xf32>
      %swap3A_72 = arith.constant 0 : index
      %swap3A_73 = arith.constant 0 : index
      %swap3A_74 = vector.load %arg11[%swap3A_72, %swap3A_73] : memref<64x1xf32, #tpu.memory_space<vmem>>, vector<64x1xf32>
      tpu.vector_store %arg11[%swap3A_72, %swap3A_73], %add3A_71 {strides = array<i32>} : memref<64x1xf32, #tpu.memory_space<vmem>>, vector<64x1xf32>,
    } else {
    }
    return
  }
  func.func @transform_0(%arg0: i32) -> (i32, i32) {
    %c0_i32 = arith.constant 0 : i32
    %c0_i32_0 = arith.constant 0 : i32
    return %arg0, %c0_i32 : i32, i32
  }
  func.func @transform_1(%arg0: i32) -> (i32, i32) {
    %c0_i32 = arith.constant 0 : i32
    %c0_i32_0 = arith.constant 0 : i32
    return %arg0, %c0_i32 : i32, i32
  }
  func.func @transform_2(%arg0: i32) -> (i32, i32, i32) {
    %c0_i32 = arith.constant 0 : i32
    %c0_i32_0 = arith.constant 0 : i32
    %c0_i32_1 = arith.constant 0 : i32
    return %arg0, %c0_i32, %c0_i32_0 : i32, i32, i32
  }
  func.func @transform_3(%arg0: i32) -> (i32, i32) {
    %c0_i32 = arith.constant 0 : i32
    %c0_i32_0 = arith.constant 0 : i32
    %c0_i32_1 = arith.constant 0 : i32
    return %c0_i32, %c0_i32_0 : i32, i32
  }
  func.func @transform_4(%arg0: i32) -> (i32, i32) {
    %c0_i32 = arith.constant 0 : i32
    %c0_i32_0 = arith.constant 0 : i32
    %c0_i32_1 = arith.constant 0 : i32
    return %c0_i32, %c0_i32_0 : i32, i32
  }
  func.func @transform_5(%arg0: i32) -> (i32, i32) {
    %c0_i32 = arith.constant 0 : i32
    %c0_i32_0 = arith.constant 0 : i32
    %c0_i32_1 = arith.constant 0 : i32
    return %c0_i32, %c0_i32_0 : i32, i32
  }
  func.func @transform_6(%arg0: i32) -> (i32, i32) {
    %c0_i32 = arith.constant 0 : i32
    %c0_i32_0 = arith.constant 0 : i32
    %c0_i32_1 = arith.constant 0 : i32
    return %c0_i32, %c0_i32_0 : i32, i32
  }
  func.func @transform_7(%arg0: i32) -> (i32, i32) {
    %c0_i32 = arith.constant 0 : i32
    %c0_i32_0 = arith.constant 0 : i32
    %c0_i32_1 = arith.constant 0 : i32
    return %c0_i32, %c0_i32_0 : i32, i32
  }
  func.func @transform_8(%arg0: i32) -> (i32, i32) {
    %c0_i32 = arith.constant 0 : i32
    %c0_i32_0 = arith.constant 0 : i32
    %c0_i32_1 = arith.constant 0 : i32
    return %c0_i32, %c0_i32_0 : i32, i32
  }
  func.func @transform_9(%arg0: i32) -> (i32, i32) {
    %c0_i32 = arith.constant 0 : i32
    %c0_i32_0 = arith.constant 0 : i32
    %c0_i32_1 = arith.constant 0 : i32
    return %c0_i32, %c0_i32_0 : i32, i32
  }
  func.func @transform_10(%arg0: i32) -> (i32, i32) {
    %c0_i32 = arith.constant 0 : i32
    %c0_i32_0 = arith.constant 0 : i32
    %c0_i32_1 = arith.constant 0 : i32
    return %c0_i32, %c0_i32_0 : i32, i32
  }
}

</mosaic_0001>

<sc_bundles>
// kernel: kernel.20.cloned.1.call-start
scs
__scs_entry_jumppad:
0x0: {  	(pc) =	sbr.rel $0x88, $3  }
0x1: {  	(tag) =	ssettag $0x0;
	lr =	simm.s32 $0x1  }
0x2: {  	[smem:$0x3F93] =	sst lr;
	_ =	strace $0xD0000000  }
0x3: {  	_ = 	snop  }
0x4: {  	_ = 	snop  }
0x5: {  	_ = 	snop  }
0x6: {  	_ = 	snop  }
0x7: {  	_ = 	snop  }
__scs_overlays_trampoline_lowered:
0x8: {  	[smem:$0x3FA2] =	sst s0  }
0x9: {  	[smem:$0x3FA3] =	sst s1  }
0xa: {  	[smem:$0x3FA4] =	sst s2  }
0xb: {  	[smem:$0x3FA5] =	sst s3  }
0xc: {  	[smem:$0x3FA6] =	sst s4  }
0xd: {  	[smem:$0x3FA7] =	sst s5  }
0xe: {  	[smem:$0x3FA8] =	sst s6  }
0xf: {  	[smem:$0x3FA9] =	sst s7  }
0x10: {  	[smem:$0x3FAA] =	sst s8  }
0x11: {  	[smem:$0x3FAB] =	sst s9;
	s0 =	simm.s32 @!p0 $0x0  }
0x12: {  	s1 =	sld [smem:$0x3F91];
	s0 =	simm.s32 @p0 $0x1  }
0x13: {  	[smem:$0x3FAC] =	sst s0;
	s0 =	simm.s32 @!p1 $0x0  }
0x14: {  	s2 =	sld [smem:$0x3F90];
	s0 =	simm.s32 @p1 $0x1  }
0x15: {  	[smem:$0x3FAD] =	sst s0;
	s0 =	simm.s32 @!p2 $0x0  }
0x16: {  	s3 =	sld [smem:$0x3FDB];
	s0 =	simm.s32 @p2 $0x1  }
0x17: {  	s4 =	simm.s32 $0x1BF5;
	[smem:$0x3FAF] =	sst s0  }
0x18: {  	s0 =	sld [smem:$0x3F92];
	_ =	swait.ge [sflag:s4], $0x0  }
0x19: {  	s7 =	sld [smem:$0x3F93]  }
0x1a: {  	s8 =	sadd.s32 $0xFFFFE003, lr  }
0x1b: {  	s9 =	sadd.s32 $0xFFFFFEF7, lr;
	s5 =	simm.s32 $0xFFFFFFFF;
	p2 =	slt.u32 s8, $0xFFFFF086  }
0x1c: {  	p1 =	slt.u32 s9, $0xF7A;
	s5 =	simm.s32 @!p2 $0x0  }
0x1d: {  	s5 =	simm.s32 @p1 $0x1;
	p0 =	seq.s32 s7, s2  }
0x1e: {  	s7 =	smul.u32 @!p0 $0xF7A, s2;
	p2 =	seq.s32 @!p0 s5, $0x0  }
0x1f: {  	s9 =	smul.u32 $0xF7A, s1;
	s8 =	simm.s32 @!p0 $0x1BF5;
	p2 =	por !p2, p0  }
0x20: {  	[sflag:s8] =	ssyncset.s32 @!p0 $0xFFFFF086;
	s6 =	sadd.s32 @!p0 s3, s7;
	s7 =	simm.s32 @!p0 $0x108  }
0x21: {  	s3 =	sadd.s32 s3, s9;
	s6 =	sadd.s32 @!p0 $0x88, s6;
	s7 =	simm.s32 @p2 $0x1082  }
0x22: {  	[simem:s7], [sflag:s8] =	dma.local @!p0 [hbm:s6], $0xF7A  }
0x23: {  	s9 =	sor.u32 $0xD0000000, s2;
	s6 =	simm.s32 $0x108;
	_ =	swait.ge @!p0 [sflag:s8], $0x0  }
0x24: {  	s3 =	sadd.s32 $0x88, s3;
	s6 =	simm.s32 @!p1 $0x1082;
	[sflag:s4] =	ssyncset.s32 $0xFFFFF086  }
0x25: {  	[simem:s6], [sflag:s4] =	dma.local [hbm:s3], $0xF7A  }
0x26: {  	[smem:$0x3F93] =	sst s1;
	(tag) =	ssettag s2;
	_ =	strace s9  }
0x27: {  	s1 =	sld [smem:$0x3FA3]  }
0x28: {  	s2 =	sld [smem:$0x3FA4]  }
0x29: {  	s4 =	sld [smem:$0x3FA6]  }
0x2a: {  	p0 =	seq.s32 s5, $0x0;
	s5 =	sld [smem:$0x3FA7]  }
0x2b: {  	s6 =	sld [smem:$0x3FA8]  }
0x2c: {  	s7 =	sld [smem:$0x3FA9]  }
0x2d: {  	s3 =	simm.s32 $0x108;
	s8 =	sld [smem:$0x3FAA]  }
0x2e: {  	s3 =	simm.s32 @!p0 $0x1082;
	s9 =	sld [smem:$0x3FAB]  }
0x2f: {  	lr =	sadd.s32 s0, s3;
	s0 =	sld [smem:$0x3FA2]  }
0x30: {  	s3 =	sld [smem:$0x3FA5]  }
0x31: {  	[smem:$0x3FAE] =	sst s10  }
0x32: {  	s10 =	sld [smem:$0x3FAC];
	_ =	sdelay $0x3  }
0x33: {  	p0 =	seq.s32 s10, $0x1;
	s10 =	sld [smem:$0x3FAE];
	_ =	sdelay $0x3  }
0x34: {  	[smem:$0x3FAE] =	sst s10  }
0x35: {  	s10 =	sld [smem:$0x3FAD];
	_ =	sdelay $0x3  }
0x36: {  	p1 =	seq.s32 s10, $0x1;
	s10 =	sld [smem:$0x3FAE];
	_ =	sdelay $0x3  }
0x37: {  	[smem:$0x3FAE] =	sst s10  }
0x38: {  	s10 =	sld [smem:$0x3FAF]  }
0x39: {  	_ = 	snop;
	(pc) =	sbr.ind lr, $3  }
0x3a: {  	_ = 	snop  }
0x3b: {  	_ = 	snop  }
0x3c: {  	p2 =	seq.s32 s10, $0x1;
	s10 =	sld [smem:$0x3FAE]  }
0x3d: {  	_ =	shalt  }
0x3e: {  	_ =	shalt  }
0x3f: {  	_ =	shalt  }
0x40: {  	_ =	shalt  }
0x41: {  	_ =	shalt  }
0x42: {  	_ =	shalt  }
0x43: {  	_ =	shalt  }
0x44: {  	_ =	shalt  }
0x45: {  	_ =	shalt  }
0x46: {  	_ =	shalt  }
0x47: {  	_ =	shalt  }
0x48: {  	_ =	shalt  }
0x49: {  	_ =	shalt  }
0x4a: {  	_ =	shalt  }
0x4b: {  	_ =	shalt  }
0x4c: {  	_ =	shalt  }
0x4d: {  	_ =	shalt  }
0x4e: {  	_ =	shalt  }
0x4f: {  	_ =	shalt  }
0x50: {  	_ =	shalt  }
0x51: {  	_ =	shalt  }
0x52: {  	_ =	shalt  }
0x53: {  	_ =	shalt  }
0x54: {  	_ =	shalt  }
0x55: {  	_ =	shalt  }
0x56: {  	_ =	shalt  }
0x57: {  	_ =	shalt  }
0x58: {  	_ =	shalt  }
0x59: {  	_ =	shalt  }
0x5a: {  	_ =	shalt  }
0x5b: {  	_ =	shalt  }
0x5c: {  	_ =	shalt  }
0x5d: {  	_ =	shalt  }
0x5e: {  	_ =	shalt  }
0x5f: {  	_ =	shalt  }
0x60: {  	_ =	shalt  }
0x61: {  	_ =	shalt  }
0x62: {  	_ =	shalt  }
0x63: {  	_ =	shalt  }
0x64: {  	_ =	shalt  }
0x65: {  	_ =	shalt  }
0x66: {  	_ =	shalt  }
0x67: {  	_ =	shalt  }
0x68: {  	_ =	shalt  }
0x69: {  	_ =	shalt  }
0x6a: {  	_ =	shalt  }
0x6b: {  	_ =	shalt  }
0x6c: {  	_ =	shalt  }
0x6d: {  	_ =	shalt  }
0x6e: {  	_ =	shalt  }
0x6f: {  	_ =	shalt  }
0x70: {  	_ =	shalt  }
0x71: {  	_ =	shalt  }
0x72: {  	_ =	shalt  }
0x73: {  	_ =	shalt  }
0x74: {  	_ =	shalt  }
0x75: {  	_ =	shalt  }
0x76: {  	_ =	shalt  }
0x77: {  	_ =	shalt  }
0x78: {  	_ =	shalt  }
0x79: {  	_ =	shalt  }
0x7a: {  	_ =	shalt  }
0x7b: {  	_ =	shalt  }
0x7c: {  	_ =	shalt  }
0x7d: {  	_ =	shalt  }
0x7e: {  	_ =	shalt  }
0x7f: {  	_ =	shalt  }
0x80: {  	_ =	shalt  }
0x81: {  	_ =	shalt  }
0x82: {  	_ =	shalt  }
0x83: {  	_ =	shalt  }
0x84: {  	_ =	shalt  }
0x85: {  	_ =	shalt  }
0x86: {  	_ =	shalt  }
0x87: {  	_ =	shalt  }
.Lfunc_end0:
.L_simem_size_0:
called_computation_lowered:
.L_overlay_start_0:
0x88: {  	s2 =	sld [smem:$0x3FD9]  }
0x89: {  	s3 =	sld [smem:$0x3FFE];
	_ =	sdelay $0x1  }
0x8a: {  	s1 =	srdreg.scid  }
0x8b: {  	s0 =	sand.u32 $0x1, s1  }
0x8c: {  	s16 =	sshll.u32 s0, $0xA;
	s2 =	sadd.s32 s3, s2  }
0x8d: {  	s2 =	sadd.s32 s2, s16  }
0x8e: {  	[smem:$0x3FBA] =	sst s2  }
0x8f: {  	_ = 	snop  }
0x90: {  	(tm) =	ssettm $0x1  }
0x91: {  	s17 =	sld [smem:$0x3FFB];
	_ =	sdelay $0x3  }
0x92: {  	_ =	strace s17  }
0x93: {  	s2 =	sld [smem:$0x3FFC];
	_ =	sdelay $0x3  }
0x94: {  	_ =	strace s2  }
0x95: {  	s2 =	sld [smem:$0x3FFD];
	_ =	sdelay $0x3  }
0x96: {  	_ =	strace s2  }
0x97: {  	_ =	strace $0x8FFFFFFF  }
0x98: {  	s18 =	sld [smem:$0x3FDB];
	_ =	sdelay $0x1  }
0x99: {  	s19 =	simm.s32 $_scs_section_size  }
0x9a: {  	s4 =	simm.s32 $_size__tile_overlayer_lowered;
	s5 =	simm.s32 $_tile_overlayer_lowered  }
0x9b: {  	s22 =	simm.s32 $0x1BFF;
	s21 =	sshll.u32 s5, $0x1;
	s2 =	sadd.s32 s19, s18  }
0x9c: {  	s6 =	simm.s32 $0x0;
	s20 =	sshll.u32 s4, $0x1;
	s4 =	sadd.s32 s21, s2  }
0x9d: {  	[timem:s6], [sflag:s22] =	dma.local [hbm:s4], s20  }
0x9e: {  	_ =	swait.ge [sflag:s22], s20  }
0x9f: {  	s3 =	ssub.s32 $0x0, s20;
	[sflag:s22] =	ssyncset.done $0x0  }
0xa0: {  	[sflag:s22] =	ssyncadd.s32 s3;
	_ =	sdelay $0x1  }
0xa1: {  	s23 =	simm.s32 $0x1B8B  }
0xa2: {  	_ =	swait.ge [sflag:s23], $0x1  }
0xa3: {  	[sflag:s23] =	ssyncset.done $0x0  }
0xa4: {  	s25 =	simm.s32 $0x1B8E;
	s24 =	sld [smem:$0x3FFE];
	[sflag:s23] =	ssyncadd.s32 $0xFFFFFFFF  }
0xa5: {  	s26 =	simm.s32 $execute0_lowered;
	[smem:$0x3FD2] =	sst s25  }
0xa6: {  	s4 =	sshll.u32 s26, $0x1;
	_ =	strace $0x80000046;
	[dreg:$0x1] =	wrdreg $0xFFFFFFFF  }
0xa7: {  	s28 =	simm.s32 $_size_execute0_lowered;
	s2 =	sadd.s32 s2, s4;
	[dreg:$0x0] =	wrdreg $0x0  }
0xa8: {  	s4 =	sshll.u32 s28, $0x1;
	[dreg:$0x2] =	wrdreg s2  }
0xa9: {  	[dreg:$0x3] =	wrdreg s4  }
0xaa: {  	[dreg:$0x4] =	wrdreg $0xC0  }
0xab: {  	_ =	task [dreg:s6], $0x5FFFF  }
0xac: {  	[dreg:$0x1] =	wrdreg $0xFFFFFFFF  }
0xad: {  	[dreg:$0x0] =	wrdreg $0x60  }
0xae: {  	[dreg:$0x2] =	wrdreg s24  }
0xaf: {  	[dreg:$0x3] =	wrdreg $0x9  }
0xb0: {  	_ =	task.clear_ibuf [dreg:s6], $0x4FFFF;
	_ =	strace $0x90000046  }
0xb1: {  	s29 =	simm.s32 $0x9;
	_ =	strace $0x80000048  }
0xb2: {  	_ =	swait.ge [sflag:s29], $0x1  }
0xb3: {  	[sflag:s29] =	ssyncadd.s32 $0xFFFFFFFF  }
0xb4: {  	_ =	strace $0x90000048  }
0xb5: {  	_ =	sfence  }
0xb6: {  	s30 =	sld [smem:$0x0];
	_ =	sdelay $0x2  }
0xb7: {  	s31 =	sshll.u32 s1, $0xD;
	s1 =	sshrl.u32 s1, $0x2  }
0xb8: {  	s3 =	sand.u32 $0x4000, s31;
	s1 =	sadd.s32 s1, s30  }
0xb9: {  	s0 =	sor.u32 s3, s0;
	s1 =	sshll.u32 s1, $0x11  }
0xba: {  	s0 =	sor.u32 s1, s0  }
0xbb: {  	s0 =	sadd.s32 $0x8F2B, s0  }
0xbc: {  	[sflag:s0] =	ssyncadd.remote.s32 $0x1  }
0xbd: {  	_ =	sfence.sel $0xFFFF  }
0xbe: {  	[dreg:$0x0] =	wrdreg $0xFFFFFFFF;
	(pc) =	sbr.abs _section_cstart, $3  }
0xbf: {  	[dreg:$0x1] =	wrdreg $0xFFFFFFFF  }
0xc0: {  	_ =	task.clear_ibuf [dreg:s6], $0x2FFFF;
	_ =	strace $0x9FFFFFFF  }
0xc1: {  	(tm) =	ssettm $0x7FFFFFFF  }
tec
execute0_lowered:
.L_overlay_start_1:
0x0: {  	(tag) =	ssettag $0x1  }
0x1: {  	s1 =	srdreg.scid  }
0x2: {  	s0 =	stileid.u32;
	s5 =	rddreg [dreg:$0x0]  }
0x3: {  	s2 =	simm.s32 $0x0;
	s10 =	simm.s32 $0x1;
	s11 =	simm.s32 $0x0  }
0x4: {  	s4 =	sand.u32 $0x1, s1;
	s3 =	smul.u32 $0x9C, s0;
	s1 =	rddreg [dreg:$0x1]  }
0x5: {  	s6 =	sshll.u32 s0, $0x1;
	[smem:$0x7FF] =	sst s2;
	s7 =	smul.u32 $0x4E, s4  }
0x6: {  	p0 =	slt.u32 s0, $0x2;
	s6 =	sor.u32 s4, s6;
	s4 =	ssub.s32 $0x2, s4  }
0x7: {  	s6 =	smin.u32 s6, $0x4;
	s8 =	sshrl.u32 s4, $0x1;
	s3 =	sadd.s32 s7, s3  }
0x8: {  	_ =	strace $0x80000047;
	s8 =	ssub.s32 s4, s8;
	s6 =	sadd.s32 s6, s3  }
0x9: {  	s4 =	simm.s32 $0x4F;
	s3 =	sadd.s32 $0x18400, s5;
	s31 =	sshll.u32 s6, $0x4  }
0xa: {  	s4 =	simm.s32 @!p0 $0x4E;
	s6 =	sshll.u32 s6, $0xB;
	s7 =	sadd.s32 s31, s5  }
0xb: {  	s9 =	sadd.s32 s6, s5;
	s5 =	smax.u32 s8, $0x1;
	s8 =	simm.s32 $0x2  }
0xc: {  	s6 =	sadd.s32 $0x4800, s7;
	s7 =	sadd.s32 $0x3F600, s9;
	s9 =	simm.s32 $0x80  }
.LBB2_1:
0xd: {  	[tilespmem:s2], [sflag:$0x2] =	stream.linear.gather [hbm4b:s6+s2], $0x80, $0x38;
	[tilespmem:$0x4080] =	vst v63  }
0xe: {  	_ =	swait.ge [sflag:s8], $0x80  }
0xf: {  	[sflag:s8] =	ssyncset.done $0x0  }
0x10: {  	[sflag:s8] =	ssyncadd.s32 $0xFFFFFF80  }
0x11: {  	[tilespmem:s9], [sflag:$0x1] =	stream.indirect.gather [hbm4b:s3+s9], $0x80, s2, s9, $0xb8;
	[tilespmem:$0x4080] =	vst v63  }
0x12: {  	p0 =	sne.s32 s4, $0x1;
	_ =	swait.ge [sflag:s10], $0x4000  }
.Ltmp0:
0x13: {  	[sflag:s10] =	ssyncset.done $0x0;
	(pc) =	sbr.rel @!p0 .LBB2_3-.Ltmp0, $4  }
0x14: {  	[sflag:s10] =	ssyncadd.s32 $0xFFFFC000  }
0x15: {  	[hbm4b:s7+s2] =	stream.linear.scatter [tilespmem:s9], [sflag:$0x2], $0x4000, $0x38;
	[tilespmem:$0x4080] =	vst v63  }
0x16: {  	s12 =	sadd.s32 $0xFFFFFFFF, s4;
	_ =	swait.ge [sflag:s8], $0x4000  }
0x17: {  	s13 =	smov.u32 s6;
	s14 =	smov.u32 s7;
	[sflag:s8] =	ssyncset.done $0x0  }
.LBB2_2:
0x18: {  	[sflag:s8] =	ssyncadd.s32 $0xFFFFC000;
	s13 =	sadd.s32 $0x10, s13;
	s14 =	sadd.s32 $0x800, s14  }
0x19: {  	[tilespmem:s2], [sflag:$0x2] =	stream.linear.gather [hbm4b:s13+s2], $0x80, $0x38;
	[tilespmem:$0x4080] =	vst v63  }
0x1a: {  	p0 =	sne.s32 s12, $0x1;
	s12 =	sadd.s32 $0xFFFFFFFF, s12;
	_ =	swait.ge [sflag:s8], $0x80  }
0x1b: {  	[sflag:s8] =	ssyncset.done $0x0  }
0x1c: {  	[sflag:s8] =	ssyncadd.s32 $0xFFFFFF80  }
0x1d: {  	[tilespmem:s9], [sflag:$0x1] =	stream.indirect.gather [hbm4b:s3+s9], $0x80, s2, s9, $0xb8;
	[tilespmem:$0x4080] =	vst v63  }
0x1e: {  	_ =	swait.ge [sflag:s10], $0x4000  }
.Ltmp1:
0x1f: {  	[sflag:s10] =	ssyncset.done $0x0;
	(pc) =	sbr.rel @p0 .LBB2_2-.Ltmp1, $4  }
0x20: {  	[sflag:s10] =	ssyncadd.s32 $0xFFFFC000  }
0x21: {  	[hbm4b:s14+s2] =	stream.linear.scatter [tilespmem:s9], [sflag:$0x2], $0x4000, $0x38;
	[tilespmem:$0x4080] =	vst v63  }
0x22: {  	_ =	swait.ge [sflag:s8], $0x4000  }
0x23: {  	[sflag:s8] =	ssyncset.done $0x0  }
.LBB2_3:
0x24: {  	s11 =	sadd.s32 $0x1, s11  }
0x25: {  	p0 =	sne.s32 s11, s5  }
.Ltmp2:
0x26: {  	_ = 	snop;
	(pc) =	sbr.rel @p0 .LBB2_1-.Ltmp2, $2  }
0x27: {  	_ =	sdelay $0x2  }
0x28: {  	[sflag:s8] =	ssyncadd.s32 $0xFFFFC000  }
0x29: {  	_ =	sfence.sel $0x180000  }
0x2a: {  	[bflag:$0x0] =	sbarrier.arrive $0xFFFF  }
0x2b: {  	p0 =	sne.s32 s0, $0x0;
	_ =	strace $0x90000047  }
0x2c: {  	s0 =	sadd.s32 @!p0 $0x100000, s1;
	[bflag:$0x2] =	sbarrier.arrive $0xFFFF  }
0x2d: {  	[sflag:s0] =	ssyncadd.tile.s32 @!p0 $0x1;
	_ =	shalt  }
.Lfunc_end2:
_tile_overlayer_lowered:
.L_overlay_start_2:
0x2e: {  	(tag) =	ssettag $0x2  }
0x2f: {  	s0 =	rddreg [dreg:$0x0];
	s2 =	stileid.u32  }
0x30: {  	s1 =	rddreg [dreg:$0x1];
	p0 =	sne.s32 s2, $0x0  }
0x31: {  	s3 =	rddreg [dreg:$0x2];
	[bflag:$0x3] =	sbarrier.arrive $0xFFFF;
	s2 =	simm.s32 @!p0 $0x1C02  }
0x32: {  	[timem:s3], [sflag:s2] =	dma.local @!p0 [hbm:s0], s1  }
0x33: {  	s0 =	simm.s32 @!p0 $0x2  }
0x34: {  	_ =	swait.ge @!p0 [sflag:s0], s1  }
0x35: {  	s1 =	ssub.s32 @!p0 $0x0, s1;
	[sflag:s0] =	ssyncset.done @!p0 $0x0  }
0x36: {  	[sflag:s0] =	ssyncadd.s32 @!p0 s1  }
0x37: {  	[bflag:$0x3] =	sbarrier.arrive $0xFFFF  }
0x38: {  	_ =	shalt  }

// kernel: kernel.23.cloned.1.call-start
scs
__scs_entry_jumppad:
0x0: {  	(pc) =	sbr.rel $0x88, $3  }
0x1: {  	(tag) =	ssettag $0x0;
	lr =	simm.s32 $0x1  }
0x2: {  	[smem:$0x3F93] =	sst lr;
	_ =	strace $0xD0000000  }
0x3: {  	_ = 	snop  }
0x4: {  	_ = 	snop  }
0x5: {  	_ = 	snop  }
0x6: {  	_ = 	snop  }
0x7: {  	_ = 	snop  }
__scs_overlays_trampoline_lowered:
0x8: {  	[smem:$0x3FA2] =	sst s0  }
0x9: {  	[smem:$0x3FA3] =	sst s1  }
0xa: {  	[smem:$0x3FA4] =	sst s2  }
0xb: {  	[smem:$0x3FA5] =	sst s3  }
0xc: {  	[smem:$0x3FA6] =	sst s4  }
0xd: {  	[smem:$0x3FA7] =	sst s5  }
0xe: {  	[smem:$0x3FA8] =	sst s6  }
0xf: {  	[smem:$0x3FA9] =	sst s7  }
0x10: {  	[smem:$0x3FAA] =	sst s8  }
0x11: {  	[smem:$0x3FAB] =	sst s9;
	s0 =	simm.s32 @!p0 $0x0  }
0x12: {  	s1 =	sld [smem:$0x3F91];
	s0 =	simm.s32 @p0 $0x1  }
0x13: {  	[smem:$0x3FAC] =	sst s0;
	s0 =	simm.s32 @!p1 $0x0  }
0x14: {  	s2 =	sld [smem:$0x3F90];
	s0 =	simm.s32 @p1 $0x1  }
0x15: {  	[smem:$0x3FAD] =	sst s0;
	s0 =	simm.s32 @!p2 $0x0  }
0x16: {  	s3 =	sld [smem:$0x3FDB];
	s0 =	simm.s32 @p2 $0x1  }
0x17: {  	s4 =	simm.s32 $0x1BF5;
	[smem:$0x3FAF] =	sst s0  }
0x18: {  	s0 =	sld [smem:$0x3F92];
	_ =	swait.ge [sflag:s4], $0x0  }
0x19: {  	s7 =	sld [smem:$0x3F93]  }
0x1a: {  	s8 =	sadd.s32 $0xFFFFE003, lr  }
0x1b: {  	s9 =	sadd.s32 $0xFFFFFEF7, lr;
	s5 =	simm.s32 $0xFFFFFFFF;
	p2 =	slt.u32 s8, $0xFFFFF086  }
0x1c: {  	p1 =	slt.u32 s9, $0xF7A;
	s5 =	simm.s32 @!p2 $0x0  }
0x1d: {  	s5 =	simm.s32 @p1 $0x1;
	p0 =	seq.s32 s7, s2  }
0x1e: {  	s7 =	smul.u32 @!p0 $0xF7A, s2;
	p2 =	seq.s32 @!p0 s5, $0x0  }
0x1f: {  	s9 =	smul.u32 $0xF7A, s1;
	s8 =	simm.s32 @!p0 $0x1BF5;
	p2 =	por !p2, p0  }
0x20: {  	[sflag:s8] =	ssyncset.s32 @!p0 $0xFFFFF086;
	s6 =	sadd.s32 @!p0 s3, s7;
	s7 =	simm.s32 @!p0 $0x108  }
0x21: {  	s3 =	sadd.s32 s3, s9;
	s6 =	sadd.s32 @!p0 $0x88, s6;
	s7 =	simm.s32 @p2 $0x1082  }
0x22: {  	[simem:s7], [sflag:s8] =	dma.local @!p0 [hbm:s6], $0xF7A  }
0x23: {  	s9 =	sor.u32 $0xD0000000, s2;
	s6 =	simm.s32 $0x108;
	_ =	swait.ge @!p0 [sflag:s8], $0x0  }
0x24: {  	s3 =	sadd.s32 $0x88, s3;
	s6 =	simm.s32 @!p1 $0x1082;
	[sflag:s4] =	ssyncset.s32 $0xFFFFF086  }
0x25: {  	[simem:s6], [sflag:s4] =	dma.local [hbm:s3], $0xF7A  }
0x26: {  	[smem:$0x3F93] =	sst s1;
	(tag) =	ssettag s2;
	_ =	strace s9  }
0x27: {  	s1 =	sld [smem:$0x3FA3]  }
0x28: {  	s2 =	sld [smem:$0x3FA4]  }
0x29: {  	s4 =	sld [smem:$0x3FA6]  }
0x2a: {  	p0 =	seq.s32 s5, $0x0;
	s5 =	sld [smem:$0x3FA7]  }
0x2b: {  	s6 =	sld [smem:$0x3FA8]  }
0x2c: {  	s7 =	sld [smem:$0x3FA9]  }
0x2d: {  	s3 =	simm.s32 $0x108;
	s8 =	sld [smem:$0x3FAA]  }
0x2e: {  	s3 =	simm.s32 @!p0 $0x1082;
	s9 =	sld [smem:$0x3FAB]  }
0x2f: {  	lr =	sadd.s32 s0, s3;
	s0 =	sld [smem:$0x3FA2]  }
0x30: {  	s3 =	sld [smem:$0x3FA5]  }
0x31: {  	[smem:$0x3FAE] =	sst s10  }
0x32: {  	s10 =	sld [smem:$0x3FAC];
	_ =	sdelay $0x3  }
0x33: {  	p0 =	seq.s32 s10, $0x1;
	s10 =	sld [smem:$0x3FAE];
	_ =	sdelay $0x3  }
0x34: {  	[smem:$0x3FAE] =	sst s10  }
0x35: {  	s10 =	sld [smem:$0x3FAD];
	_ =	sdelay $0x3  }
0x36: {  	p1 =	seq.s32 s10, $0x1;
	s10 =	sld [smem:$0x3FAE];
	_ =	sdelay $0x3  }
0x37: {  	[smem:$0x3FAE] =	sst s10  }
0x38: {  	s10 =	sld [smem:$0x3FAF]  }
0x39: {  	_ = 	snop;
	(pc) =	sbr.ind lr, $3  }
0x3a: {  	_ = 	snop  }
0x3b: {  	_ = 	snop  }
0x3c: {  	p2 =	seq.s32 s10, $0x1;
	s10 =	sld [smem:$0x3FAE]  }
0x3d: {  	_ =	shalt  }
0x3e: {  	_ =	shalt  }
0x3f: {  	_ =	shalt  }
0x40: {  	_ =	shalt  }
0x41: {  	_ =	shalt  }
0x42: {  	_ =	shalt  }
0x43: {  	_ =	shalt  }
0x44: {  	_ =	shalt  }
0x45: {  	_ =	shalt  }
0x46: {  	_ =	shalt  }
0x47: {  	_ =	shalt  }
0x48: {  	_ =	shalt  }
0x49: {  	_ =	shalt  }
0x4a: {  	_ =	shalt  }
0x4b: {  	_ =	shalt  }
0x4c: {  	_ =	shalt  }
0x4d: {  	_ =	shalt  }
0x4e: {  	_ =	shalt  }
0x4f: {  	_ =	shalt  }
0x50: {  	_ =	shalt  }
0x51: {  	_ =	shalt  }
0x52: {  	_ =	shalt  }
0x53: {  	_ =	shalt  }
0x54: {  	_ =	shalt  }
0x55: {  	_ =	shalt  }
0x56: {  	_ =	shalt  }
0x57: {  	_ =	shalt  }
0x58: {  	_ =	shalt  }
0x59: {  	_ =	shalt  }
0x5a: {  	_ =	shalt  }
0x5b: {  	_ =	shalt  }
0x5c: {  	_ =	shalt  }
0x5d: {  	_ =	shalt  }
0x5e: {  	_ =	shalt  }
0x5f: {  	_ =	shalt  }
0x60: {  	_ =	shalt  }
0x61: {  	_ =	shalt  }
0x62: {  	_ =	shalt  }
0x63: {  	_ =	shalt  }
0x64: {  	_ =	shalt  }
0x65: {  	_ =	shalt  }
0x66: {  	_ =	shalt  }
0x67: {  	_ =	shalt  }
0x68: {  	_ =	shalt  }
0x69: {  	_ =	shalt  }
0x6a: {  	_ =	shalt  }
0x6b: {  	_ =	shalt  }
0x6c: {  	_ =	shalt  }
0x6d: {  	_ =	shalt  }
0x6e: {  	_ =	shalt  }
0x6f: {  	_ =	shalt  }
0x70: {  	_ =	shalt  }
0x71: {  	_ =	shalt  }
0x72: {  	_ =	shalt  }
0x73: {  	_ =	shalt  }
0x74: {  	_ =	shalt  }
0x75: {  	_ =	shalt  }
0x76: {  	_ =	shalt  }
0x77: {  	_ =	shalt  }
0x78: {  	_ =	shalt  }
0x79: {  	_ =	shalt  }
0x7a: {  	_ =	shalt  }
0x7b: {  	_ =	shalt  }
0x7c: {  	_ =	shalt  }
0x7d: {  	_ =	shalt  }
0x7e: {  	_ =	shalt  }
0x7f: {  	_ =	shalt  }
0x80: {  	_ =	shalt  }
0x81: {  	_ =	shalt  }
0x82: {  	_ =	shalt  }
0x83: {  	_ =	shalt  }
0x84: {  	_ =	shalt  }
0x85: {  	_ =	shalt  }
0x86: {  	_ =	shalt  }
0x87: {  	_ =	shalt  }
.Lfunc_end0:
.L_simem_size_0:
called_computation.1_lowered:
.L_overlay_start_0:
0x88: {  	s2 =	sld [smem:$0x3FD9]  }
0x89: {  	s3 =	sld [smem:$0x3FFE];
	_ =	sdelay $0x1  }
0x8a: {  	s1 =	srdreg.scid  }
0x8b: {  	s0 =	sand.u32 $0x1, s1  }
0x8c: {  	s16 =	sshll.u32 s0, $0xA;
	s2 =	sadd.s32 s3, s2  }
0x8d: {  	s2 =	sadd.s32 s2, s16  }
0x8e: {  	[smem:$0x3FBA] =	sst s2  }
0x8f: {  	_ = 	snop  }
0x90: {  	(tm) =	ssettm $0x1  }
0x91: {  	s17 =	sld [smem:$0x3FFB];
	_ =	sdelay $0x3  }
0x92: {  	_ =	strace s17  }
0x93: {  	s2 =	sld [smem:$0x3FFC];
	_ =	sdelay $0x3  }
0x94: {  	_ =	strace s2  }
0x95: {  	s2 =	sld [smem:$0x3FFD];
	_ =	sdelay $0x3  }
0x96: {  	_ =	strace s2  }
0x97: {  	_ =	strace $0x8FFFFFFF  }
0x98: {  	s18 =	sld [smem:$0x3FDB];
	_ =	sdelay $0x1  }
0x99: {  	s19 =	simm.s32 $_scs_section_size  }
0x9a: {  	s4 =	simm.s32 $_size__tile_overlayer_lowered;
	s5 =	simm.s32 $_tile_overlayer_lowered  }
0x9b: {  	s22 =	simm.s32 $0x1BFF;
	s21 =	sshll.u32 s5, $0x1;
	s2 =	sadd.s32 s19, s18  }
0x9c: {  	s6 =	simm.s32 $0x0;
	s20 =	sshll.u32 s4, $0x1;
	s4 =	sadd.s32 s21, s2  }
0x9d: {  	[timem:s6], [sflag:s22] =	dma.local [hbm:s4], s20  }
0x9e: {  	_ =	swait.ge [sflag:s22], s20  }
0x9f: {  	s3 =	ssub.s32 $0x0, s20;
	[sflag:s22] =	ssyncset.done $0x0  }
0xa0: {  	[sflag:s22] =	ssyncadd.s32 s3;
	_ =	sdelay $0x1  }
0xa1: {  	s23 =	simm.s32 $0x1B8B  }
0xa2: {  	_ =	swait.ge [sflag:s23], $0x1  }
0xa3: {  	[sflag:s23] =	ssyncset.done $0x0  }
0xa4: {  	s25 =	simm.s32 $0x1B8E;
	s24 =	sld [smem:$0x3FFE];
	[sflag:s23] =	ssyncadd.s32 $0xFFFFFFFF  }
0xa5: {  	s26 =	simm.s32 $execute0_lowered;
	[smem:$0x3FD2] =	sst s25  }
0xa6: {  	s4 =	sshll.u32 s26, $0x1;
	_ =	strace $0x80000049;
	[dreg:$0x1] =	wrdreg $0xFFFFFFFF  }
0xa7: {  	s28 =	simm.s32 $_size_execute0_lowered;
	s2 =	sadd.s32 s2, s4;
	[dreg:$0x0] =	wrdreg $0x0  }
0xa8: {  	s4 =	sshll.u32 s28, $0x1;
	[dreg:$0x2] =	wrdreg s2  }
0xa9: {  	[dreg:$0x3] =	wrdreg s4  }
0xaa: {  	[dreg:$0x4] =	wrdreg $0xC0  }
0xab: {  	_ =	task [dreg:s6], $0x5FFFF  }
0xac: {  	[dreg:$0x1] =	wrdreg $0xFFFFFFFF  }
0xad: {  	[dreg:$0x0] =	wrdreg $0x60  }
0xae: {  	[dreg:$0x2] =	wrdreg s24  }
0xaf: {  	[dreg:$0x3] =	wrdreg $0x0  }
0xb0: {  	[dreg:$0x4] =	wrdreg $0x9  }
0xb1: {  	_ =	task.clear_ibuf [dreg:s6], $0x5FFFF;
	_ =	strace $0x90000049  }
0xb2: {  	s29 =	simm.s32 $0x9;
	_ =	strace $0x8000004B  }
0xb3: {  	_ =	swait.ge [sflag:s29], $0x1  }
0xb4: {  	[sflag:s29] =	ssyncadd.s32 $0xFFFFFFFF  }
0xb5: {  	_ =	strace $0x9000004B  }
0xb6: {  	_ =	sfence  }
0xb7: {  	s30 =	sld [smem:$0x0];
	_ =	sdelay $0x2  }
0xb8: {  	s31 =	sshll.u32 s1, $0xD;
	s1 =	sshrl.u32 s1, $0x2  }
0xb9: {  	s3 =	sand.u32 $0x4000, s31;
	s1 =	sadd.s32 s1, s30  }
0xba: {  	s0 =	sor.u32 s3, s0;
	s1 =	sshll.u32 s1, $0x11  }
0xbb: {  	s0 =	sor.u32 s1, s0  }
0xbc: {  	s0 =	sadd.s32 $0x8F2B, s0  }
0xbd: {  	[sflag:s0] =	ssyncadd.remote.s32 $0x1  }
0xbe: {  	_ =	sfence.sel $0xFFFF  }
0xbf: {  	[dreg:$0x0] =	wrdreg $0xFFFFFFFF;
	(pc) =	sbr.abs _section_cstart, $3  }
0xc0: {  	[dreg:$0x1] =	wrdreg $0xFFFFFFFF  }
0xc1: {  	_ =	task.clear_ibuf [dreg:s6], $0x2FFFF;
	_ =	strace $0x9FFFFFFF  }
0xc2: {  	(tm) =	ssettm $0x7FFFFFFF  }
0xc3: {  	_ =	shalt  }
tec
execute0_lowered:
.L_overlay_start_1:
0x0: {  	(tag) =	ssettag $0x1  }
0x1: {  	s1 =	srdreg.scid;
	s5 =	rddreg [dreg:$0x0]  }
0x2: {  	s0 =	stileid.u32;
	s2 =	rddreg [dreg:$0x1]  }
0x3: {  	s3 =	simm.s32 $0x0;
	s22 =	simm.s32 $0x80;
	s23 =	simm.s32 $0x0  }
0x4: {  	s7 =	sand.u32 $0x1, s1;
	s4 =	smul.u32 $0x4E, s0;
	s1 =	rddreg [dreg:$0x2]  }
0x5: {  	s8 =	smin.u32 s0, $0x2;
	[smem:$0x7FF] =	sst s3;
	s10 =	sshll.u32 s0, $0xE  }
0x6: {  	s15 =	sadd.s32 $0x18C00, s5;
	p0 =	slt.u32 s0, $0x2;
	s6 =	smul.u32 $0x4E2, s7  }
0x7: {  	_ =	strace $0x8000004A;
	s30 =	ssub.s32 $0x2, s7;
	s11 =	sor.u32 $0x40000, s10  }
0x8: {  	s13 =	sor.u32 $0x80000, s10;
	s14 =	sor.u32 $0xC0000, s10;
	s19 =	sor.u32 $0x100000, s10  }
0x9: {  	s20 =	smul.u32 $0x13C000, s7;
	s31 =	sshrl.u32 s30, $0x1;
	s7 =	sadd.s32 s13, s2  }
0xa: {  	s9 =	sadd.s32 s19, s2;
	s4 =	sadd.s32 s4, s6;
	s16 =	ssub.s32 s30, s31  }
0xb: {  	s6 =	sadd.s32 s11, s2;
	s12 =	sadd.s32 s10, s20;
	s11 =	sadd.s32 s20, s11  }
0xc: {  	s13 =	sadd.s32 s20, s13;
	s19 =	sadd.s32 s20, s19;
	s4 =	sadd.s32 s8, s4  }
0xd: {  	s8 =	sadd.s32 s14, s2;
	s12 =	sshrl.u32 s12, $0x3;
	s21 =	sshrl.u32 s11, $0x3  }
0xe: {  	s14 =	sadd.s32 s20, s14;
	s13 =	sshrl.u32 s13, $0x3;
	s19 =	sshrl.u32 s19, $0x3  }
0xf: {  	s16 =	smax.u32 s16, $0x1;
	s20 =	simm.s32 $0x1;
	s29 =	sshll.u32 s4, $0xB  }
0x10: {  	s4 =	sshll.u32 s4, $0x4;
	s11 =	sadd.s32 s15, s12;
	s12 =	sadd.s32 s15, s21  }
0x11: {  	s14 =	sshrl.u32 s14, $0x3;
	s13 =	sadd.s32 s15, s13;
	s21 =	simm.s32 $0x17C00  }
0x12: {  	s18 =	sadd.s32 s29, s5;
	s17 =	sadd.s32 s4, s5;
	s4 =	sadd.s32 $0x18400, s5  }
0x13: {  	s5 =	sadd.s32 s10, s2;
	s10 =	simm.s32 $0x4F;
	s14 =	sadd.s32 s15, s14  }
0x14: {  	s15 =	sadd.s32 s15, s19;
	s19 =	simm.s32 $0x13C00;
	s10 =	simm.s32 @!p0 $0x4E  }
0x15: {  	s17 =	sadd.s32 $0xE600, s17;
	s18 =	sadd.s32 $0xA04600, s18;
	p0 =	seq.s32 s0, $0xF  }
.LBB2_1:
0x16: {  	[tilespmem:s19], [sflag:$0x1] =	stream.linear.gather [hbm4b:s4+s3], $0x4000, $0x38;
	[tilespmem:$0x17C80] =	vst v63  }
0x17: {  	_ =	swait.ge [sflag:s20], $0x4000  }
0x18: {  	[sflag:s20] =	ssyncset.done $0x0  }
0x19: {  	[sflag:s20] =	ssyncadd.s32 $0xFFFFC000  }
0x1a: {  	[spmem:s5] =	stream.linear.scatter [tilespmem:s19], [sflag:$0x1], $0x4000, $0x38;
	[tilespmem:$0x17C80] =	vst v63  }
0x1b: {  	_ =	swait.ge [sflag:s20], $0x4000  }
0x1c: {  	[sflag:s20] =	ssyncset.done $0x0  }
0x1d: {  	[sflag:s20] =	ssyncadd.s32 $0xFFFFC000  }
0x1e: {  	[spmem:s6] =	stream.linear.scatter [tilespmem:s19], [sflag:$0x1], $0x4000, $0x38;
	[tilespmem:$0x17C80] =	vst v63  }
0x1f: {  	_ =	swait.ge [sflag:s20], $0x4000  }
0x20: {  	[sflag:s20] =	ssyncset.done $0x0  }
0x21: {  	[sflag:s20] =	ssyncadd.s32 $0xFFFFC000  }
0x22: {  	[spmem:s7] =	stream.linear.scatter [tilespmem:s19], [sflag:$0x1], $0x4000, $0x38;
	[tilespmem:$0x17C80] =	vst v63  }
0x23: {  	_ =	swait.ge [sflag:s20], $0x4000  }
0x24: {  	[sflag:s20] =	ssyncset.done $0x0  }
0x25: {  	[sflag:s20] =	ssyncadd.s32 $0xFFFFC000  }
0x26: {  	[spmem:s8] =	stream.linear.scatter [tilespmem:s19], [sflag:$0x1], $0x4000, $0x38;
	[tilespmem:$0x17C80] =	vst v63  }
0x27: {  	_ =	swait.ge [sflag:s20], $0x4000  }
0x28: {  	[sflag:s20] =	ssyncset.done $0x0  }
0x29: {  	s24 =	simm.s32 @!p0 $0x13C00;
	[sflag:s20] =	ssyncadd.s32 $0xFFFFC000  }
0x2a: {  	[spmem:s9] =	stream.linear.scatter @!p0 [tilespmem:s24], [sflag:$0x1], $0x4000, $0x38;
	[tilespmem:$0x17C80] =	vst v63  }
0x2b: {  	s24 =	simm.s32 @!p0 $0x1  }
0x2c: {  	_ =	swait.ge @!p0 [sflag:s24], $0x4000  }
0x2d: {  	[sflag:s24] =	ssyncset.done @!p0 $0x0  }
0x2e: {  	[sflag:s24] =	ssyncadd.s32 @!p0 $0xFFFFC000  }
0x2f: {  	[bflag:$0x0] =	sbarrier.arrive $0xFFFF  }
0x30: {  	[tilespmem:s21], [sflag:$0x1] =	stream.linear.gather [hbm4b:s17+s3], $0x80, $0x38;
	[tilespmem:$0x17C80] =	vst v63  }
0x31: {  	_ =	swait.ge [sflag:s20], $0x80  }
0x32: {  	[sflag:s20] =	ssyncset.done $0x0  }
0x33: {  	[sflag:s20] =	ssyncadd.s32 $0xFFFFFF80  }
0x34: {  	[tilespmem:s19], [sflag:$0x1] =	stream.linear.gather [hbm4b:s18+s3], $0x4000, $0x38;
	[tilespmem:$0x17C80] =	vst v63  }
0x35: {  	p1 =	sne.s32 s10, $0x1;
	_ =	swait.ge [sflag:s20], $0x4000  }
.Ltmp0:
0x36: {  	[sflag:s20] =	ssyncset.done $0x0;
	(pc) =	sbr.rel @!p1 .LBB2_3-.Ltmp0, $4  }
0x37: {  	[sflag:s20] =	ssyncadd.s32 $0xFFFFC000  }
0x38: {  	[spmem:s2] =	stream.indirect.scatter.add.f32 [tilespmem:s19], [sflag:$0x1], $0x80, s21, s22, $0xb8;
	[tilespmem:$0x17C80] =	vst v63  }
0x39: {  	s25 =	sadd.s32 $0xFFFFFFFF, s10;
	_ =	swait.ge [sflag:s20], $0x4000  }
0x3a: {  	s26 =	smov.u32 s17;
	s28 =	smov.u32 s18;
	[sflag:s20] =	ssyncset.done $0x0  }
.LBB2_2:
0x3b: {  	[sflag:s20] =	ssyncadd.s32 $0xFFFFC000;
	s26 =	sadd.s32 $0x10, s26;
	s28 =	sadd.s32 $0x800, s28  }
0x3c: {  	[tilespmem:s21], [sflag:$0x1] =	stream.linear.gather [hbm4b:s26+s3], $0x80, $0x38;
	[tilespmem:$0x17C80] =	vst v63  }
0x3d: {  	p1 =	sne.s32 s25, $0x1;
	s25 =	sadd.s32 $0xFFFFFFFF, s25;
	_ =	swait.ge [sflag:s20], $0x80  }
0x3e: {  	[sflag:s20] =	ssyncset.done $0x0  }
0x3f: {  	[sflag:s20] =	ssyncadd.s32 $0xFFFFFF80  }
0x40: {  	[tilespmem:s19], [sflag:$0x1] =	stream.linear.gather [hbm4b:s28+s3], $0x4000, $0x38;
	[tilespmem:$0x17C80] =	vst v63  }
0x41: {  	_ =	swait.ge [sflag:s20], $0x4000  }
.Ltmp1:
0x42: {  	[sflag:s20] =	ssyncset.done $0x0;
	(pc) =	sbr.rel @p1 .LBB2_2-.Ltmp1, $4  }
0x43: {  	[sflag:s20] =	ssyncadd.s32 $0xFFFFC000  }
0x44: {  	[spmem:s2] =	stream.indirect.scatter.add.f32 [tilespmem:s19], [sflag:$0x1], $0x80, s21, s22, $0xb8;
	[tilespmem:$0x17C80] =	vst v63  }
0x45: {  	_ =	swait.ge [sflag:s20], $0x4000  }
0x46: {  	[sflag:s20] =	ssyncset.done $0x0  }
.LBB2_3:
0x47: {  	[sflag:s20] =	ssyncadd.s32 $0xFFFFC000;
	s25 =	sshll.u32 s0, $0x6  }
0x48: {  	s26 =	sshrl.u32 s5, $0x3;
	[bflag:$0x0] =	sbarrier.arrive $0xFFFF;
	s25 =	sor.u32 $0x1C01, s25  }
0x49: {  	[hbm:s11], [sflag:s25] =	dma.local [spmem:s26], $0x800  }
0x4a: {  	_ =	swait.ge [sflag:s20], $0x800  }
0x4b: {  	[sflag:s20] =	ssyncset.done $0x0  }
0x4c: {  	s29 =	sshrl.u32 s6, $0x3;
	[sflag:s20] =	ssyncadd.s32 $0xFFFFF800  }
0x4d: {  	[hbm:s12], [sflag:s25] =	dma.local [spmem:s29], $0x800  }
0x4e: {  	_ =	swait.ge [sflag:s20], $0x800  }
0x4f: {  	[sflag:s20] =	ssyncset.done $0x0  }
0x50: {  	s30 =	sshrl.u32 s7, $0x3;
	[sflag:s20] =	ssyncadd.s32 $0xFFFFF800  }
0x51: {  	[hbm:s13], [sflag:s25] =	dma.local [spmem:s30], $0x800  }
0x52: {  	_ =	swait.ge [sflag:s20], $0x800  }
0x53: {  	[sflag:s20] =	ssyncset.done $0x0  }
0x54: {  	s31 =	sshrl.u32 s8, $0x3;
	[sflag:s20] =	ssyncadd.s32 $0xFFFFF800  }
0x55: {  	[hbm:s14], [sflag:s25] =	dma.local [spmem:s31], $0x800  }
0x56: {  	s23 =	sadd.s32 $0x1, s23;
	_ =	swait.ge [sflag:s20], $0x800  }
0x57: {  	p1 =	sne.s32 s23, s16;
	[sflag:s20] =	ssyncset.done $0x0  }
.Ltmp2:
0x58: {  	s26 =	sshrl.u32 @!p0 s9, $0x3;
	[sflag:s20] =	ssyncadd.s32 $0xFFFFF800;
	(pc) =	sbr.rel @p1 .LBB2_1-.Ltmp2, $4  }
0x59: {  	[hbm:s15], [sflag:s25] =	dma.local @!p0 [spmem:s26], $0x800  }
0x5a: {  	_ =	swait.ge @!p0 [sflag:s24], $0x800  }
0x5b: {  	[sflag:s24] =	ssyncset.done @!p0 $0x0  }
0x5c: {  	[sflag:s24] =	ssyncadd.s32 @!p0 $0xFFFFF800  }
0x5d: {  	_ =	sfence.sel $0x180000  }
0x5e: {  	[bflag:$0x0] =	sbarrier.arrive $0xFFFF  }
0x5f: {  	p0 =	sne.s32 s0, $0x0;
	_ =	strace $0x9000004A  }
0x60: {  	s0 =	sadd.s32 @!p0 $0x100000, s1;
	[bflag:$0x2] =	sbarrier.arrive $0xFFFF  }
0x61: {  	[sflag:s0] =	ssyncadd.tile.s32 @!p0 $0x1;
	_ =	shalt  }
.Lfunc_end2:
_tile_overlayer_lowered:
.L_overlay_start_2:
0x62: {  	(tag) =	ssettag $0x2  }
0x63: {  	s0 =	rddreg [dreg:$0x0];
	s2 =	stileid.u32  }
0x64: {  	s1 =	rddreg [dreg:$0x1];
	p0 =	sne.s32 s2, $0x0  }
0x65: {  	s3 =	rddreg [dreg:$0x2];
	[bflag:$0x3] =	sbarrier.arrive $0xFFFF;
	s2 =	simm.s32 @!p0 $0x1C01  }
0x66: {  	[timem:s3], [sflag:s2] =	dma.local @!p0 [hbm:s0], s1  }
0x67: {  	s0 =	simm.s32 @!p0 $0x1  }
0x68: {  	_ =	swait.ge @!p0 [sflag:s0], s1  }
0x69: {  	s1 =	ssub.s32 @!p0 $0x0, s1;
	[sflag:s0] =	ssyncset.done @!p0 $0x0  }
0x6a: {  	[sflag:s0] =	ssyncadd.s32 @!p0 s1  }
0x6b: {  	[bflag:$0x3] =	sbarrier.arrive $0xFFFF  }
0x6c: {  	_ =	shalt  }

// kernel: kernel.26.cloned.1.call-start
scs
__scs_entry_jumppad:
0x0: {  	(pc) =	sbr.rel $0x88, $3  }
0x1: {  	(tag) =	ssettag $0x0;
	lr =	simm.s32 $0x1  }
0x2: {  	[smem:$0x3F93] =	sst lr;
	_ =	strace $0xD0000000  }
0x3: {  	_ = 	snop  }
0x4: {  	_ = 	snop  }
0x5: {  	_ = 	snop  }
0x6: {  	_ = 	snop  }
0x7: {  	_ = 	snop  }
__scs_overlays_trampoline_lowered:
0x8: {  	[smem:$0x3FA2] =	sst s0  }
0x9: {  	[smem:$0x3FA3] =	sst s1  }
0xa: {  	[smem:$0x3FA4] =	sst s2  }
0xb: {  	[smem:$0x3FA5] =	sst s3  }
0xc: {  	[smem:$0x3FA6] =	sst s4  }
0xd: {  	[smem:$0x3FA7] =	sst s5  }
0xe: {  	[smem:$0x3FA8] =	sst s6  }
0xf: {  	[smem:$0x3FA9] =	sst s7  }
0x10: {  	[smem:$0x3FAA] =	sst s8  }
0x11: {  	[smem:$0x3FAB] =	sst s9;
	s0 =	simm.s32 @!p0 $0x0  }
0x12: {  	s1 =	sld [smem:$0x3F91];
	s0 =	simm.s32 @p0 $0x1  }
0x13: {  	[smem:$0x3FAC] =	sst s0;
	s0 =	simm.s32 @!p1 $0x0  }
0x14: {  	s2 =	sld [smem:$0x3F90];
	s0 =	simm.s32 @p1 $0x1  }
0x15: {  	[smem:$0x3FAD] =	sst s0;
	s0 =	simm.s32 @!p2 $0x0  }
0x16: {  	s3 =	sld [smem:$0x3FDB];
	s0 =	simm.s32 @p2 $0x1  }
0x17: {  	s4 =	simm.s32 $0x1BF5;
	[smem:$0x3FAF] =	sst s0  }
0x18: {  	s0 =	sld [smem:$0x3F92];
	_ =	swait.ge [sflag:s4], $0x0  }
0x19: {  	s7 =	sld [smem:$0x3F93]  }
0x1a: {  	s8 =	sadd.s32 $0xFFFFE003, lr  }
0x1b: {  	s9 =	sadd.s32 $0xFFFFFEF7, lr;
	s5 =	simm.s32 $0xFFFFFFFF;
	p2 =	slt.u32 s8, $0xFFFFF086  }
0x1c: {  	p1 =	slt.u32 s9, $0xF7A;
	s5 =	simm.s32 @!p2 $0x0  }
0x1d: {  	s5 =	simm.s32 @p1 $0x1;
	p0 =	seq.s32 s7, s2  }
0x1e: {  	s7 =	smul.u32 @!p0 $0xF7A, s2;
	p2 =	seq.s32 @!p0 s5, $0x0  }
0x1f: {  	s9 =	smul.u32 $0xF7A, s1;
	s8 =	simm.s32 @!p0 $0x1BF5;
	p2 =	por !p2, p0  }
0x20: {  	[sflag:s8] =	ssyncset.s32 @!p0 $0xFFFFF086;
	s6 =	sadd.s32 @!p0 s3, s7;
	s7 =	simm.s32 @!p0 $0x108  }
0x21: {  	s3 =	sadd.s32 s3, s9;
	s6 =	sadd.s32 @!p0 $0x88, s6;
	s7 =	simm.s32 @p2 $0x1082  }
0x22: {  	[simem:s7], [sflag:s8] =	dma.local @!p0 [hbm:s6], $0xF7A  }
0x23: {  	s9 =	sor.u32 $0xD0000000, s2;
	s6 =	simm.s32 $0x108;
	_ =	swait.ge @!p0 [sflag:s8], $0x0  }
0x24: {  	s3 =	sadd.s32 $0x88, s3;
	s6 =	simm.s32 @!p1 $0x1082;
	[sflag:s4] =	ssyncset.s32 $0xFFFFF086  }
0x25: {  	[simem:s6], [sflag:s4] =	dma.local [hbm:s3], $0xF7A  }
0x26: {  	[smem:$0x3F93] =	sst s1;
	(tag) =	ssettag s2;
	_ =	strace s9  }
0x27: {  	s1 =	sld [smem:$0x3FA3]  }
0x28: {  	s2 =	sld [smem:$0x3FA4]  }
0x29: {  	s4 =	sld [smem:$0x3FA6]  }
0x2a: {  	p0 =	seq.s32 s5, $0x0;
	s5 =	sld [smem:$0x3FA7]  }
0x2b: {  	s6 =	sld [smem:$0x3FA8]  }
0x2c: {  	s7 =	sld [smem:$0x3FA9]  }
0x2d: {  	s3 =	simm.s32 $0x108;
	s8 =	sld [smem:$0x3FAA]  }
0x2e: {  	s3 =	simm.s32 @!p0 $0x1082;
	s9 =	sld [smem:$0x3FAB]  }
0x2f: {  	lr =	sadd.s32 s0, s3;
	s0 =	sld [smem:$0x3FA2]  }
0x30: {  	s3 =	sld [smem:$0x3FA5]  }
0x31: {  	[smem:$0x3FAE] =	sst s10  }
0x32: {  	s10 =	sld [smem:$0x3FAC];
	_ =	sdelay $0x3  }
0x33: {  	p0 =	seq.s32 s10, $0x1;
	s10 =	sld [smem:$0x3FAE];
	_ =	sdelay $0x3  }
0x34: {  	[smem:$0x3FAE] =	sst s10  }
0x35: {  	s10 =	sld [smem:$0x3FAD];
	_ =	sdelay $0x3  }
0x36: {  	p1 =	seq.s32 s10, $0x1;
	s10 =	sld [smem:$0x3FAE];
	_ =	sdelay $0x3  }
0x37: {  	[smem:$0x3FAE] =	sst s10  }
0x38: {  	s10 =	sld [smem:$0x3FAF]  }
0x39: {  	_ = 	snop;
	(pc) =	sbr.ind lr, $3  }
0x3a: {  	_ = 	snop  }
0x3b: {  	_ = 	snop  }
0x3c: {  	p2 =	seq.s32 s10, $0x1;
	s10 =	sld [smem:$0x3FAE]  }
0x3d: {  	_ =	shalt  }
0x3e: {  	_ =	shalt  }
0x3f: {  	_ =	shalt  }
0x40: {  	_ =	shalt  }
0x41: {  	_ =	shalt  }
0x42: {  	_ =	shalt  }
0x43: {  	_ =	shalt  }
0x44: {  	_ =	shalt  }
0x45: {  	_ =	shalt  }
0x46: {  	_ =	shalt  }
0x47: {  	_ =	shalt  }
0x48: {  	_ =	shalt  }
0x49: {  	_ =	shalt  }
0x4a: {  	_ =	shalt  }
0x4b: {  	_ =	shalt  }
0x4c: {  	_ =	shalt  }
0x4d: {  	_ =	shalt  }
0x4e: {  	_ =	shalt  }
0x4f: {  	_ =	shalt  }
0x50: {  	_ =	shalt  }
0x51: {  	_ =	shalt  }
0x52: {  	_ =	shalt  }
0x53: {  	_ =	shalt  }
0x54: {  	_ =	shalt  }
0x55: {  	_ =	shalt  }
0x56: {  	_ =	shalt  }
0x57: {  	_ =	shalt  }
0x58: {  	_ =	shalt  }
0x59: {  	_ =	shalt  }
0x5a: {  	_ =	shalt  }
0x5b: {  	_ =	shalt  }
0x5c: {  	_ =	shalt  }
0x5d: {  	_ =	shalt  }
0x5e: {  	_ =	shalt  }
0x5f: {  	_ =	shalt  }
0x60: {  	_ =	shalt  }
0x61: {  	_ =	shalt  }
0x62: {  	_ =	shalt  }
0x63: {  	_ =	shalt  }
0x64: {  	_ =	shalt  }
0x65: {  	_ =	shalt  }
0x66: {  	_ =	shalt  }
0x67: {  	_ =	shalt  }
0x68: {  	_ =	shalt  }
0x69: {  	_ =	shalt  }
0x6a: {  	_ =	shalt  }
0x6b: {  	_ =	shalt  }
0x6c: {  	_ =	shalt  }
0x6d: {  	_ =	shalt  }
0x6e: {  	_ =	shalt  }
0x6f: {  	_ =	shalt  }
0x70: {  	_ =	shalt  }
0x71: {  	_ =	shalt  }
0x72: {  	_ =	shalt  }
0x73: {  	_ =	shalt  }
0x74: {  	_ =	shalt  }
0x75: {  	_ =	shalt  }
0x76: {  	_ =	shalt  }
0x77: {  	_ =	shalt  }
0x78: {  	_ =	shalt  }
0x79: {  	_ =	shalt  }
0x7a: {  	_ =	shalt  }
0x7b: {  	_ =	shalt  }
0x7c: {  	_ =	shalt  }
0x7d: {  	_ =	shalt  }
0x7e: {  	_ =	shalt  }
0x7f: {  	_ =	shalt  }
0x80: {  	_ =	shalt  }
0x81: {  	_ =	shalt  }
0x82: {  	_ =	shalt  }
0x83: {  	_ =	shalt  }
0x84: {  	_ =	shalt  }
0x85: {  	_ =	shalt  }
0x86: {  	_ =	shalt  }
0x87: {  	_ =	shalt  }
.Lfunc_end0:
.L_simem_size_0:
called_computation.2_lowered:
.L_overlay_start_0:
0x88: {  	s2 =	sld [smem:$0x3FD9]  }
0x89: {  	s3 =	sld [smem:$0x3FFE];
	_ =	sdelay $0x1  }
0x8a: {  	s1 =	srdreg.scid  }
0x8b: {  	s0 =	sand.u32 $0x1, s1  }
0x8c: {  	s16 =	sshll.u32 s0, $0xA;
	s2 =	sadd.s32 s3, s2  }
0x8d: {  	s2 =	sadd.s32 s2, s16  }
0x8e: {  	[smem:$0x3FBA] =	sst s2  }
0x8f: {  	_ = 	snop  }
0x90: {  	(tm) =	ssettm $0x1  }
0x91: {  	s17 =	sld [smem:$0x3FFB];
	_ =	sdelay $0x3  }
0x92: {  	_ =	strace s17  }
0x93: {  	s2 =	sld [smem:$0x3FFC];
	_ =	sdelay $0x3  }
0x94: {  	_ =	strace s2  }
0x95: {  	s2 =	sld [smem:$0x3FFD];
	_ =	sdelay $0x3  }
0x96: {  	_ =	strace s2  }
0x97: {  	_ =	strace $0x8FFFFFFF  }
0x98: {  	s18 =	sld [smem:$0x3FDB];
	_ =	sdelay $0x1  }
0x99: {  	s19 =	simm.s32 $_scs_section_size  }
0x9a: {  	s4 =	simm.s32 $_size__tile_overlayer_lowered;
	s5 =	simm.s32 $_tile_overlayer_lowered  }
0x9b: {  	s22 =	simm.s32 $0x1BFF;
	s21 =	sshll.u32 s5, $0x1;
	s2 =	sadd.s32 s19, s18  }
0x9c: {  	s6 =	simm.s32 $0x0;
	s20 =	sshll.u32 s4, $0x1;
	s4 =	sadd.s32 s21, s2  }
0x9d: {  	[timem:s6], [sflag:s22] =	dma.local [hbm:s4], s20  }
0x9e: {  	_ =	swait.ge [sflag:s22], s20  }
0x9f: {  	s3 =	ssub.s32 $0x0, s20;
	[sflag:s22] =	ssyncset.done $0x0  }
0xa0: {  	[sflag:s22] =	ssyncadd.s32 s3;
	_ =	sdelay $0x1  }
0xa1: {  	s23 =	simm.s32 $0x1B8B  }
0xa2: {  	_ =	swait.ge [sflag:s23], $0x1  }
0xa3: {  	[sflag:s23] =	ssyncset.done $0x0  }
0xa4: {  	s25 =	simm.s32 $0x1B8E;
	s24 =	sld [smem:$0x3FFE];
	[sflag:s23] =	ssyncadd.s32 $0xFFFFFFFF  }
0xa5: {  	s26 =	simm.s32 $execute0_lowered;
	[smem:$0x3FD2] =	sst s25  }
0xa6: {  	s4 =	sshll.u32 s26, $0x1;
	_ =	strace $0x8000004C;
	[dreg:$0x1] =	wrdreg $0xFFFFFFFF  }
0xa7: {  	s28 =	simm.s32 $_size_execute0_lowered;
	s2 =	sadd.s32 s2, s4;
	[dreg:$0x0] =	wrdreg $0x0  }
0xa8: {  	s4 =	sshll.u32 s28, $0x1;
	[dreg:$0x2] =	wrdreg s2  }
0xa9: {  	[dreg:$0x3] =	wrdreg s4  }
0xaa: {  	[dreg:$0x4] =	wrdreg $0xC0  }
0xab: {  	_ =	task [dreg:s6], $0x5FFFF  }
0xac: {  	[dreg:$0x1] =	wrdreg $0xFFFFFFFF  }
0xad: {  	[dreg:$0x0] =	wrdreg $0x60  }
0xae: {  	[dreg:$0x2] =	wrdreg s24  }
0xaf: {  	[dreg:$0x3] =	wrdreg $0x9  }
0xb0: {  	_ =	task.clear_ibuf [dreg:s6], $0x4FFFF;
	_ =	strace $0x9000004C  }
0xb1: {  	s29 =	simm.s32 $0x9;
	_ =	strace $0x8000004E  }
0xb2: {  	_ =	swait.ge [sflag:s29], $0x1  }
0xb3: {  	[sflag:s29] =	ssyncadd.s32 $0xFFFFFFFF  }
0xb4: {  	_ =	strace $0x9000004E  }
0xb5: {  	_ =	sfence  }
0xb6: {  	s30 =	sld [smem:$0x0];
	_ =	sdelay $0x2  }
0xb7: {  	s31 =	sshll.u32 s1, $0xD;
	s1 =	sshrl.u32 s1, $0x2  }
0xb8: {  	s3 =	sand.u32 $0x4000, s31;
	s1 =	sadd.s32 s1, s30  }
0xb9: {  	s0 =	sor.u32 s3, s0;
	s1 =	sshll.u32 s1, $0x11  }
0xba: {  	s0 =	sor.u32 s1, s0  }
0xbb: {  	s0 =	sadd.s32 $0x8F2B, s0  }
0xbc: {  	[sflag:s0] =	ssyncadd.remote.s32 $0x1  }
0xbd: {  	_ =	sfence.sel $0xFFFF  }
0xbe: {  	[dreg:$0x0] =	wrdreg $0xFFFFFFFF;
	(pc) =	sbr.abs _section_cstart, $3  }
0xbf: {  	[dreg:$0x1] =	wrdreg $0xFFFFFFFF  }
0xc0: {  	_ =	task.clear_ibuf [dreg:s6], $0x2FFFF;
	_ =	strace $0x9FFFFFFF  }
0xc1: {  	(tm) =	ssettm $0x7FFFFFFF  }
tec
execute0_lowered:
.L_overlay_start_1:
0x0: {  	(tag) =	ssettag $0x1  }
0x1: {  	s1 =	srdreg.scid  }
0x2: {  	s0 =	stileid.u32;
	s5 =	rddreg [dreg:$0x0]  }
0x3: {  	s2 =	simm.s32 $0x0;
	s10 =	simm.s32 $0x1;
	s11 =	simm.s32 $0x0  }
0x4: {  	s4 =	sand.u32 $0x1, s1;
	s3 =	smul.u32 $0x9C, s0;
	s1 =	rddreg [dreg:$0x1]  }
0x5: {  	s6 =	sshll.u32 s0, $0x1;
	[smem:$0x7FF] =	sst s2;
	s7 =	smul.u32 $0x4E, s4  }
0x6: {  	p0 =	slt.u32 s0, $0x2;
	s6 =	sor.u32 s4, s6;
	s4 =	ssub.s32 $0x2, s4  }
0x7: {  	s6 =	smin.u32 s6, $0x4;
	s8 =	sshrl.u32 s4, $0x1;
	s3 =	sadd.s32 s7, s3  }
0x8: {  	_ =	strace $0x8000004D;
	s8 =	ssub.s32 s4, s8;
	s6 =	sadd.s32 s6, s3  }
0x9: {  	s4 =	simm.s32 $0x4F;
	s3 =	sadd.s32 $0x18C00, s5;
	s31 =	sshll.u32 s6, $0x4  }
0xa: {  	s4 =	simm.s32 @!p0 $0x4E;
	s6 =	sshll.u32 s6, $0xB;
	s7 =	sadd.s32 s31, s5  }
0xb: {  	s9 =	sadd.s32 s6, s5;
	s5 =	smax.u32 s8, $0x1;
	s8 =	simm.s32 $0x2  }
0xc: {  	s6 =	sadd.s32 $0x4800, s7;
	s7 =	sadd.s32 $0x40400, s9;
	s9 =	simm.s32 $0x80  }
.LBB2_1:
0xd: {  	[tilespmem:s2], [sflag:$0x2] =	stream.linear.gather [hbm4b:s6+s2], $0x80, $0x38;
	[tilespmem:$0x4080] =	vst v63  }
0xe: {  	_ =	swait.ge [sflag:s8], $0x80  }
0xf: {  	[sflag:s8] =	ssyncset.done $0x0  }
0x10: {  	[sflag:s8] =	ssyncadd.s32 $0xFFFFFF80  }
0x11: {  	[tilespmem:s9], [sflag:$0x1] =	stream.indirect.gather [hbm4b:s3+s9], $0x80, s2, s9, $0xb8;
	[tilespmem:$0x4080] =	vst v63  }
0x12: {  	p0 =	sne.s32 s4, $0x1;
	_ =	swait.ge [sflag:s10], $0x4000  }
.Ltmp0:
0x13: {  	[sflag:s10] =	ssyncset.done $0x0;
	(pc) =	sbr.rel @!p0 .LBB2_3-.Ltmp0, $4  }
0x14: {  	[sflag:s10] =	ssyncadd.s32 $0xFFFFC000  }
0x15: {  	[hbm4b:s7+s2] =	stream.linear.scatter [tilespmem:s9], [sflag:$0x2], $0x4000, $0x38;
	[tilespmem:$0x4080] =	vst v63  }
0x16: {  	s12 =	sadd.s32 $0xFFFFFFFF, s4;
	_ =	swait.ge [sflag:s8], $0x4000  }
0x17: {  	s13 =	smov.u32 s6;
	s14 =	smov.u32 s7;
	[sflag:s8] =	ssyncset.done $0x0  }
.LBB2_2:
0x18: {  	[sflag:s8] =	ssyncadd.s32 $0xFFFFC000;
	s13 =	sadd.s32 $0x10, s13;
	s14 =	sadd.s32 $0x800, s14  }
0x19: {  	[tilespmem:s2], [sflag:$0x2] =	stream.linear.gather [hbm4b:s13+s2], $0x80, $0x38;
	[tilespmem:$0x4080] =	vst v63  }
0x1a: {  	p0 =	sne.s32 s12, $0x1;
	s12 =	sadd.s32 $0xFFFFFFFF, s12;
	_ =	swait.ge [sflag:s8], $0x80  }
0x1b: {  	[sflag:s8] =	ssyncset.done $0x0  }
0x1c: {  	[sflag:s8] =	ssyncadd.s32 $0xFFFFFF80  }
0x1d: {  	[tilespmem:s9], [sflag:$0x1] =	stream.indirect.gather [hbm4b:s3+s9], $0x80, s2, s9, $0xb8;
	[tilespmem:$0x4080] =	vst v63  }
0x1e: {  	_ =	swait.ge [sflag:s10], $0x4000  }
.Ltmp1:
0x1f: {  	[sflag:s10] =	ssyncset.done $0x0;
	(pc) =	sbr.rel @p0 .LBB2_2-.Ltmp1, $4  }
0x20: {  	[sflag:s10] =	ssyncadd.s32 $0xFFFFC000  }
0x21: {  	[hbm4b:s14+s2] =	stream.linear.scatter [tilespmem:s9], [sflag:$0x2], $0x4000, $0x38;
	[tilespmem:$0x4080] =	vst v63  }
0x22: {  	_ =	swait.ge [sflag:s8], $0x4000  }
0x23: {  	[sflag:s8] =	ssyncset.done $0x0  }
.LBB2_3:
0x24: {  	s11 =	sadd.s32 $0x1, s11  }
0x25: {  	p0 =	sne.s32 s11, s5  }
.Ltmp2:
0x26: {  	_ = 	snop;
	(pc) =	sbr.rel @p0 .LBB2_1-.Ltmp2, $2  }
0x27: {  	_ =	sdelay $0x2  }
0x28: {  	[sflag:s8] =	ssyncadd.s32 $0xFFFFC000  }
0x29: {  	_ =	sfence.sel $0x180000  }
0x2a: {  	[bflag:$0x0] =	sbarrier.arrive $0xFFFF  }
0x2b: {  	p0 =	sne.s32 s0, $0x0;
	_ =	strace $0x9000004D  }
0x2c: {  	s0 =	sadd.s32 @!p0 $0x100000, s1;
	[bflag:$0x2] =	sbarrier.arrive $0xFFFF  }
0x2d: {  	[sflag:s0] =	ssyncadd.tile.s32 @!p0 $0x1;
	_ =	shalt  }
.Lfunc_end2:
_tile_overlayer_lowered:
.L_overlay_start_2:
0x2e: {  	(tag) =	ssettag $0x2  }
0x2f: {  	s0 =	rddreg [dreg:$0x0];
	s2 =	stileid.u32  }
0x30: {  	s1 =	rddreg [dreg:$0x1];
	p0 =	sne.s32 s2, $0x0  }
0x31: {  	s3 =	rddreg [dreg:$0x2];
	[bflag:$0x3] =	sbarrier.arrive $0xFFFF;
	s2 =	simm.s32 @!p0 $0x1C02  }
0x32: {  	[timem:s3], [sflag:s2] =	dma.local @!p0 [hbm:s0], s1  }
0x33: {  	s0 =	simm.s32 @!p0 $0x2  }
0x34: {  	_ =	swait.ge @!p0 [sflag:s0], s1  }
0x35: {  	s1 =	ssub.s32 @!p0 $0x0, s1;
	[sflag:s0] =	ssyncset.done @!p0 $0x0  }
0x36: {  	[sflag:s0] =	ssyncadd.s32 @!p0 s1  }
0x37: {  	[bflag:$0x3] =	sbarrier.arrive $0xFFFF  }
0x38: {  	_ =	shalt  }

// kernel: kernel.29.cloned.1.call-start
scs
__scs_entry_jumppad:
0x0: {  	(pc) =	sbr.rel $0x88, $3  }
0x1: {  	(tag) =	ssettag $0x0;
	lr =	simm.s32 $0x1  }
0x2: {  	[smem:$0x3F93] =	sst lr;
	_ =	strace $0xD0000000  }
0x3: {  	_ = 	snop  }
0x4: {  	_ = 	snop  }
0x5: {  	_ = 	snop  }
0x6: {  	_ = 	snop  }
0x7: {  	_ = 	snop  }
__scs_overlays_trampoline_lowered:
0x8: {  	[smem:$0x3FA2] =	sst s0  }
0x9: {  	[smem:$0x3FA3] =	sst s1  }
0xa: {  	[smem:$0x3FA4] =	sst s2  }
0xb: {  	[smem:$0x3FA5] =	sst s3  }
0xc: {  	[smem:$0x3FA6] =	sst s4  }
0xd: {  	[smem:$0x3FA7] =	sst s5  }
0xe: {  	[smem:$0x3FA8] =	sst s6  }
0xf: {  	[smem:$0x3FA9] =	sst s7  }
0x10: {  	[smem:$0x3FAA] =	sst s8  }
0x11: {  	[smem:$0x3FAB] =	sst s9;
	s0 =	simm.s32 @!p0 $0x0  }
0x12: {  	s1 =	sld [smem:$0x3F91];
	s0 =	simm.s32 @p0 $0x1  }
0x13: {  	[smem:$0x3FAC] =	sst s0;
	s0 =	simm.s32 @!p1 $0x0  }
0x14: {  	s2 =	sld [smem:$0x3F90];
	s0 =	simm.s32 @p1 $0x1  }
0x15: {  	[smem:$0x3FAD] =	sst s0;
	s0 =	simm.s32 @!p2 $0x0  }
0x16: {  	s3 =	sld [smem:$0x3FDB];
	s0 =	simm.s32 @p2 $0x1  }
0x17: {  	s4 =	simm.s32 $0x1BF5;
	[smem:$0x3FAF] =	sst s0  }
0x18: {  	s0 =	sld [smem:$0x3F92];
	_ =	swait.ge [sflag:s4], $0x0  }
0x19: {  	s7 =	sld [smem:$0x3F93]  }
0x1a: {  	s8 =	sadd.s32 $0xFFFFE003, lr  }
0x1b: {  	s9 =	sadd.s32 $0xFFFFFEF7, lr;
	s5 =	simm.s32 $0xFFFFFFFF;
	p2 =	slt.u32 s8, $0xFFFFF086  }
0x1c: {  	p1 =	slt.u32 s9, $0xF7A;
	s5 =	simm.s32 @!p2 $0x0  }
0x1d: {  	s5 =	simm.s32 @p1 $0x1;
	p0 =	seq.s32 s7, s2  }
0x1e: {  	s7 =	smul.u32 @!p0 $0xF7A, s2;
	p2 =	seq.s32 @!p0 s5, $0x0  }
0x1f: {  	s9 =	smul.u32 $0xF7A, s1;
	s8 =	simm.s32 @!p0 $0x1BF5;
	p2 =	por !p2, p0  }
0x20: {  	[sflag:s8] =	ssyncset.s32 @!p0 $0xFFFFF086;
	s6 =	sadd.s32 @!p0 s3, s7;
	s7 =	simm.s32 @!p0 $0x108  }
0x21: {  	s3 =	sadd.s32 s3, s9;
	s6 =	sadd.s32 @!p0 $0x88, s6;
	s7 =	simm.s32 @p2 $0x1082  }
0x22: {  	[simem:s7], [sflag:s8] =	dma.local @!p0 [hbm:s6], $0xF7A  }
0x23: {  	s9 =	sor.u32 $0xD0000000, s2;
	s6 =	simm.s32 $0x108;
	_ =	swait.ge @!p0 [sflag:s8], $0x0  }
0x24: {  	s3 =	sadd.s32 $0x88, s3;
	s6 =	simm.s32 @!p1 $0x1082;
	[sflag:s4] =	ssyncset.s32 $0xFFFFF086  }
0x25: {  	[simem:s6], [sflag:s4] =	dma.local [hbm:s3], $0xF7A  }
0x26: {  	[smem:$0x3F93] =	sst s1;
	(tag) =	ssettag s2;
	_ =	strace s9  }
0x27: {  	s1 =	sld [smem:$0x3FA3]  }
0x28: {  	s2 =	sld [smem:$0x3FA4]  }
0x29: {  	s4 =	sld [smem:$0x3FA6]  }
0x2a: {  	p0 =	seq.s32 s5, $0x0;
	s5 =	sld [smem:$0x3FA7]  }
0x2b: {  	s6 =	sld [smem:$0x3FA8]  }
0x2c: {  	s7 =	sld [smem:$0x3FA9]  }
0x2d: {  	s3 =	simm.s32 $0x108;
	s8 =	sld [smem:$0x3FAA]  }
0x2e: {  	s3 =	simm.s32 @!p0 $0x1082;
	s9 =	sld [smem:$0x3FAB]  }
0x2f: {  	lr =	sadd.s32 s0, s3;
	s0 =	sld [smem:$0x3FA2]  }
0x30: {  	s3 =	sld [smem:$0x3FA5]  }
0x31: {  	[smem:$0x3FAE] =	sst s10  }
0x32: {  	s10 =	sld [smem:$0x3FAC];
	_ =	sdelay $0x3  }
0x33: {  	p0 =	seq.s32 s10, $0x1;
	s10 =	sld [smem:$0x3FAE];
	_ =	sdelay $0x3  }
0x34: {  	[smem:$0x3FAE] =	sst s10  }
0x35: {  	s10 =	sld [smem:$0x3FAD];
	_ =	sdelay $0x3  }
0x36: {  	p1 =	seq.s32 s10, $0x1;
	s10 =	sld [smem:$0x3FAE];
	_ =	sdelay $0x3  }
0x37: {  	[smem:$0x3FAE] =	sst s10  }
0x38: {  	s10 =	sld [smem:$0x3FAF]  }
0x39: {  	_ = 	snop;
	(pc) =	sbr.ind lr, $3  }
0x3a: {  	_ = 	snop  }
0x3b: {  	_ = 	snop  }
0x3c: {  	p2 =	seq.s32 s10, $0x1;
	s10 =	sld [smem:$0x3FAE]  }
0x3d: {  	_ =	shalt  }
0x3e: {  	_ =	shalt  }
0x3f: {  	_ =	shalt  }
0x40: {  	_ =	shalt  }
0x41: {  	_ =	shalt  }
0x42: {  	_ =	shalt  }
0x43: {  	_ =	shalt  }
0x44: {  	_ =	shalt  }
0x45: {  	_ =	shalt  }
0x46: {  	_ =	shalt  }
0x47: {  	_ =	shalt  }
0x48: {  	_ =	shalt  }
0x49: {  	_ =	shalt  }
0x4a: {  	_ =	shalt  }
0x4b: {  	_ =	shalt  }
0x4c: {  	_ =	shalt  }
0x4d: {  	_ =	shalt  }
0x4e: {  	_ =	shalt  }
0x4f: {  	_ =	shalt  }
0x50: {  	_ =	shalt  }
0x51: {  	_ =	shalt  }
0x52: {  	_ =	shalt  }
0x53: {  	_ =	shalt  }
0x54: {  	_ =	shalt  }
0x55: {  	_ =	shalt  }
0x56: {  	_ =	shalt  }
0x57: {  	_ =	shalt  }
0x58: {  	_ =	shalt  }
0x59: {  	_ =	shalt  }
0x5a: {  	_ =	shalt  }
0x5b: {  	_ =	shalt  }
0x5c: {  	_ =	shalt  }
0x5d: {  	_ =	shalt  }
0x5e: {  	_ =	shalt  }
0x5f: {  	_ =	shalt  }
0x60: {  	_ =	shalt  }
0x61: {  	_ =	shalt  }
0x62: {  	_ =	shalt  }
0x63: {  	_ =	shalt  }
0x64: {  	_ =	shalt  }
0x65: {  	_ =	shalt  }
0x66: {  	_ =	shalt  }
0x67: {  	_ =	shalt  }
0x68: {  	_ =	shalt  }
0x69: {  	_ =	shalt  }
0x6a: {  	_ =	shalt  }
0x6b: {  	_ =	shalt  }
0x6c: {  	_ =	shalt  }
0x6d: {  	_ =	shalt  }
0x6e: {  	_ =	shalt  }
0x6f: {  	_ =	shalt  }
0x70: {  	_ =	shalt  }
0x71: {  	_ =	shalt  }
0x72: {  	_ =	shalt  }
0x73: {  	_ =	shalt  }
0x74: {  	_ =	shalt  }
0x75: {  	_ =	shalt  }
0x76: {  	_ =	shalt  }
0x77: {  	_ =	shalt  }
0x78: {  	_ =	shalt  }
0x79: {  	_ =	shalt  }
0x7a: {  	_ =	shalt  }
0x7b: {  	_ =	shalt  }
0x7c: {  	_ =	shalt  }
0x7d: {  	_ =	shalt  }
0x7e: {  	_ =	shalt  }
0x7f: {  	_ =	shalt  }
0x80: {  	_ =	shalt  }
0x81: {  	_ =	shalt  }
0x82: {  	_ =	shalt  }
0x83: {  	_ =	shalt  }
0x84: {  	_ =	shalt  }
0x85: {  	_ =	shalt  }
0x86: {  	_ =	shalt  }
0x87: {  	_ =	shalt  }
.Lfunc_end0:
.L_simem_size_0:
called_computation.3_lowered:
.L_overlay_start_0:
0x88: {  	s2 =	sld [smem:$0x3FD9]  }
0x89: {  	s3 =	sld [smem:$0x3FFE];
	_ =	sdelay $0x1  }
0x8a: {  	s1 =	srdreg.scid  }
0x8b: {  	s0 =	sand.u32 $0x1, s1  }
0x8c: {  	s16 =	sshll.u32 s0, $0xA;
	s2 =	sadd.s32 s3, s2  }
0x8d: {  	s2 =	sadd.s32 s2, s16  }
0x8e: {  	[smem:$0x3FBA] =	sst s2  }
0x8f: {  	_ = 	snop  }
0x90: {  	(tm) =	ssettm $0x1  }
0x91: {  	s17 =	sld [smem:$0x3FFB];
	_ =	sdelay $0x3  }
0x92: {  	_ =	strace s17  }
0x93: {  	s2 =	sld [smem:$0x3FFC];
	_ =	sdelay $0x3  }
0x94: {  	_ =	strace s2  }
0x95: {  	s2 =	sld [smem:$0x3FFD];
	_ =	sdelay $0x3  }
0x96: {  	_ =	strace s2  }
0x97: {  	_ =	strace $0x8FFFFFFF  }
0x98: {  	s18 =	sld [smem:$0x3FDB];
	_ =	sdelay $0x1  }
0x99: {  	s19 =	simm.s32 $_scs_section_size  }
0x9a: {  	s4 =	simm.s32 $_size__tile_overlayer_lowered;
	s5 =	simm.s32 $_tile_overlayer_lowered  }
0x9b: {  	s22 =	simm.s32 $0x1BFF;
	s21 =	sshll.u32 s5, $0x1;
	s2 =	sadd.s32 s19, s18  }
0x9c: {  	s6 =	simm.s32 $0x0;
	s20 =	sshll.u32 s4, $0x1;
	s4 =	sadd.s32 s21, s2  }
0x9d: {  	[timem:s6], [sflag:s22] =	dma.local [hbm:s4], s20  }
0x9e: {  	_ =	swait.ge [sflag:s22], s20  }
0x9f: {  	s3 =	ssub.s32 $0x0, s20;
	[sflag:s22] =	ssyncset.done $0x0  }
0xa0: {  	[sflag:s22] =	ssyncadd.s32 s3;
	_ =	sdelay $0x1  }
0xa1: {  	s23 =	simm.s32 $0x1B8B  }
0xa2: {  	_ =	swait.ge [sflag:s23], $0x1  }
0xa3: {  	[sflag:s23] =	ssyncset.done $0x0  }
0xa4: {  	s25 =	simm.s32 $0x1B8E;
	s24 =	sld [smem:$0x3FFE];
	[sflag:s23] =	ssyncadd.s32 $0xFFFFFFFF  }
0xa5: {  	s26 =	simm.s32 $execute0_lowered;
	[smem:$0x3FD2] =	sst s25  }
0xa6: {  	s4 =	sshll.u32 s26, $0x1;
	_ =	strace $0x8000004F;
	[dreg:$0x1] =	wrdreg $0xFFFFFFFF  }
0xa7: {  	s28 =	simm.s32 $_size_execute0_lowered;
	s2 =	sadd.s32 s2, s4;
	[dreg:$0x0] =	wrdreg $0x0  }
0xa8: {  	s4 =	sshll.u32 s28, $0x1;
	[dreg:$0x2] =	wrdreg s2  }
0xa9: {  	[dreg:$0x3] =	wrdreg s4  }
0xaa: {  	[dreg:$0x4] =	wrdreg $0xC0  }
0xab: {  	_ =	task [dreg:s6], $0x5FFFF  }
0xac: {  	[dreg:$0x1] =	wrdreg $0xFFFFFFFF  }
0xad: {  	[dreg:$0x0] =	wrdreg $0x60  }
0xae: {  	[dreg:$0x2] =	wrdreg s24  }
0xaf: {  	[dreg:$0x3] =	wrdreg $0x0  }
0xb0: {  	[dreg:$0x4] =	wrdreg $0x9  }
0xb1: {  	_ =	task.clear_ibuf [dreg:s6], $0x5FFFF;
	_ =	strace $0x9000004F  }
0xb2: {  	s29 =	simm.s32 $0x9;
	_ =	strace $0x80000051  }
0xb3: {  	_ =	swait.ge [sflag:s29], $0x1  }
0xb4: {  	[sflag:s29] =	ssyncadd.s32 $0xFFFFFFFF  }
0xb5: {  	_ =	strace $0x90000051  }
0xb6: {  	_ =	sfence  }
0xb7: {  	s30 =	sld [smem:$0x0];
	_ =	sdelay $0x2  }
0xb8: {  	s31 =	sshll.u32 s1, $0xD;
	s1 =	sshrl.u32 s1, $0x2  }
0xb9: {  	s3 =	sand.u32 $0x4000, s31;
	s1 =	sadd.s32 s1, s30  }
0xba: {  	s0 =	sor.u32 s3, s0;
	s1 =	sshll.u32 s1, $0x11  }
0xbb: {  	s0 =	sor.u32 s1, s0  }
0xbc: {  	s0 =	sadd.s32 $0x8F2B, s0  }
0xbd: {  	[sflag:s0] =	ssyncadd.remote.s32 $0x1  }
0xbe: {  	_ =	sfence.sel $0xFFFF  }
0xbf: {  	[dreg:$0x0] =	wrdreg $0xFFFFFFFF;
	(pc) =	sbr.abs _section_cstart, $3  }
0xc0: {  	[dreg:$0x1] =	wrdreg $0xFFFFFFFF  }
0xc1: {  	_ =	task.clear_ibuf [dreg:s6], $0x2FFFF;
	_ =	strace $0x9FFFFFFF  }
0xc2: {  	(tm) =	ssettm $0x7FFFFFFF  }
0xc3: {  	_ =	shalt  }
tec
execute0_lowered:
.L_overlay_start_1:
0x0: {  	(tag) =	ssettag $0x1  }
0x1: {  	s1 =	srdreg.scid;
	s5 =	rddreg [dreg:$0x0]  }
0x2: {  	s0 =	stileid.u32;
	s2 =	rddreg [dreg:$0x1]  }
0x3: {  	s3 =	simm.s32 $0x0;
	s22 =	simm.s32 $0x80;
	s23 =	simm.s32 $0x0  }
0x4: {  	s7 =	sand.u32 $0x1, s1;
	s4 =	smul.u32 $0x4E, s0;
	s1 =	rddreg [dreg:$0x2]  }
0x5: {  	s8 =	smin.u32 s0, $0x2;
	[smem:$0x7FF] =	sst s3;
	s10 =	sshll.u32 s0, $0xE  }
0x6: {  	s15 =	sadd.s32 $0x522600, s5;
	p0 =	slt.u32 s0, $0x2;
	s6 =	smul.u32 $0x4E2, s7  }
0x7: {  	_ =	strace $0x80000050;
	s30 =	ssub.s32 $0x2, s7;
	s11 =	sor.u32 $0x40000, s10  }
0x8: {  	s13 =	sor.u32 $0x80000, s10;
	s14 =	sor.u32 $0xC0000, s10;
	s19 =	sor.u32 $0x100000, s10  }
0x9: {  	s20 =	smul.u32 $0x13C000, s7;
	s31 =	sshrl.u32 s30, $0x1;
	s7 =	sadd.s32 s13, s2  }
0xa: {  	s9 =	sadd.s32 s19, s2;
	s4 =	sadd.s32 s4, s6;
	s16 =	ssub.s32 s30, s31  }
0xb: {  	s6 =	sadd.s32 s11, s2;
	s12 =	sadd.s32 s10, s20;
	s11 =	sadd.s32 s20, s11  }
0xc: {  	s13 =	sadd.s32 s20, s13;
	s19 =	sadd.s32 s20, s19;
	s4 =	sadd.s32 s8, s4  }
0xd: {  	s8 =	sadd.s32 s14, s2;
	s12 =	sshrl.u32 s12, $0x3;
	s21 =	sshrl.u32 s11, $0x3  }
0xe: {  	s14 =	sadd.s32 s20, s14;
	s13 =	sshrl.u32 s13, $0x3;
	s19 =	sshrl.u32 s19, $0x3  }
0xf: {  	s16 =	smax.u32 s16, $0x1;
	s20 =	simm.s32 $0x1;
	s29 =	sshll.u32 s4, $0xB  }
0x10: {  	s4 =	sshll.u32 s4, $0x4;
	s11 =	sadd.s32 s15, s12;
	s12 =	sadd.s32 s15, s21  }
0x11: {  	s14 =	sshrl.u32 s14, $0x3;
	s13 =	sadd.s32 s15, s13;
	s21 =	simm.s32 $0x17C00  }
0x12: {  	s18 =	sadd.s32 s29, s5;
	s17 =	sadd.s32 s4, s5;
	s4 =	sadd.s32 $0x18400, s5  }
0x13: {  	s5 =	sadd.s32 s10, s2;
	s10 =	simm.s32 $0x4F;
	s14 =	sadd.s32 s15, s14  }
0x14: {  	s15 =	sadd.s32 s15, s19;
	s19 =	simm.s32 $0x13C00;
	s10 =	simm.s32 @!p0 $0x4E  }
0x15: {  	s17 =	sadd.s32 $0xE600, s17;
	s18 =	sadd.s32 $0x13C8600, s18;
	p0 =	seq.s32 s0, $0xF  }
.LBB2_1:
0x16: {  	[tilespmem:s19], [sflag:$0x1] =	stream.linear.gather [hbm4b:s4+s3], $0x4000, $0x38;
	[tilespmem:$0x17C80] =	vst v63  }
0x17: {  	_ =	swait.ge [sflag:s20], $0x4000  }
0x18: {  	[sflag:s20] =	ssyncset.done $0x0  }
0x19: {  	[sflag:s20] =	ssyncadd.s32 $0xFFFFC000  }
0x1a: {  	[spmem:s5] =	stream.linear.scatter [tilespmem:s19], [sflag:$0x1], $0x4000, $0x38;
	[tilespmem:$0x17C80] =	vst v63  }
0x1b: {  	_ =	swait.ge [sflag:s20], $0x4000  }
0x1c: {  	[sflag:s20] =	ssyncset.done $0x0  }
0x1d: {  	[sflag:s20] =	ssyncadd.s32 $0xFFFFC000  }
0x1e: {  	[spmem:s6] =	stream.linear.scatter [tilespmem:s19], [sflag:$0x1], $0x4000, $0x38;
	[tilespmem:$0x17C80] =	vst v63  }
0x1f: {  	_ =	swait.ge [sflag:s20], $0x4000  }
0x20: {  	[sflag:s20] =	ssyncset.done $0x0  }
0x21: {  	[sflag:s20] =	ssyncadd.s32 $0xFFFFC000  }
0x22: {  	[spmem:s7] =	stream.linear.scatter [tilespmem:s19], [sflag:$0x1], $0x4000, $0x38;
	[tilespmem:$0x17C80] =	vst v63  }
0x23: {  	_ =	swait.ge [sflag:s20], $0x4000  }
0x24: {  	[sflag:s20] =	ssyncset.done $0x0  }
0x25: {  	[sflag:s20] =	ssyncadd.s32 $0xFFFFC000  }
0x26: {  	[spmem:s8] =	stream.linear.scatter [tilespmem:s19], [sflag:$0x1], $0x4000, $0x38;
	[tilespmem:$0x17C80] =	vst v63  }
0x27: {  	_ =	swait.ge [sflag:s20], $0x4000  }
0x28: {  	[sflag:s20] =	ssyncset.done $0x0  }
0x29: {  	s24 =	simm.s32 @!p0 $0x13C00;
	[sflag:s20] =	ssyncadd.s32 $0xFFFFC000  }
0x2a: {  	[spmem:s9] =	stream.linear.scatter @!p0 [tilespmem:s24], [sflag:$0x1], $0x4000, $0x38;
	[tilespmem:$0x17C80] =	vst v63  }
0x2b: {  	s24 =	simm.s32 @!p0 $0x1  }
0x2c: {  	_ =	swait.ge @!p0 [sflag:s24], $0x4000  }
0x2d: {  	[sflag:s24] =	ssyncset.done @!p0 $0x0  }
0x2e: {  	[sflag:s24] =	ssyncadd.s32 @!p0 $0xFFFFC000  }
0x2f: {  	[bflag:$0x0] =	sbarrier.arrive $0xFFFF  }
0x30: {  	[tilespmem:s21], [sflag:$0x1] =	stream.linear.gather [hbm4b:s17+s3], $0x80, $0x38;
	[tilespmem:$0x17C80] =	vst v63  }
0x31: {  	_ =	swait.ge [sflag:s20], $0x80  }
0x32: {  	[sflag:s20] =	ssyncset.done $0x0  }
0x33: {  	[sflag:s20] =	ssyncadd.s32 $0xFFFFFF80  }
0x34: {  	[tilespmem:s19], [sflag:$0x1] =	stream.linear.gather [hbm4b:s18+s3], $0x4000, $0x38;
	[tilespmem:$0x17C80] =	vst v63  }
0x35: {  	p1 =	sne.s32 s10, $0x1;
	_ =	swait.ge [sflag:s20], $0x4000  }
.Ltmp0:
0x36: {  	[sflag:s20] =	ssyncset.done $0x0;
	(pc) =	sbr.rel @!p1 .LBB2_3-.Ltmp0, $4  }
0x37: {  	[sflag:s20] =	ssyncadd.s32 $0xFFFFC000  }
0x38: {  	[spmem:s2] =	stream.indirect.scatter.add.f32 [tilespmem:s19], [sflag:$0x1], $0x80, s21, s22, $0xb8;
	[tilespmem:$0x17C80] =	vst v63  }
0x39: {  	s25 =	sadd.s32 $0xFFFFFFFF, s10;
	_ =	swait.ge [sflag:s20], $0x4000  }
0x3a: {  	s26 =	smov.u32 s17;
	s28 =	smov.u32 s18;
	[sflag:s20] =	ssyncset.done $0x0  }
.LBB2_2:
0x3b: {  	[sflag:s20] =	ssyncadd.s32 $0xFFFFC000;
	s26 =	sadd.s32 $0x10, s26;
	s28 =	sadd.s32 $0x800, s28  }
0x3c: {  	[tilespmem:s21], [sflag:$0x1] =	stream.linear.gather [hbm4b:s26+s3], $0x80, $0x38;
	[tilespmem:$0x17C80] =	vst v63  }
0x3d: {  	p1 =	sne.s32 s25, $0x1;
	s25 =	sadd.s32 $0xFFFFFFFF, s25;
	_ =	swait.ge [sflag:s20], $0x80  }
0x3e: {  	[sflag:s20] =	ssyncset.done $0x0  }
0x3f: {  	[sflag:s20] =	ssyncadd.s32 $0xFFFFFF80  }
0x40: {  	[tilespmem:s19], [sflag:$0x1] =	stream.linear.gather [hbm4b:s28+s3], $0x4000, $0x38;
	[tilespmem:$0x17C80] =	vst v63  }
0x41: {  	_ =	swait.ge [sflag:s20], $0x4000  }
.Ltmp1:
0x42: {  	[sflag:s20] =	ssyncset.done $0x0;
	(pc) =	sbr.rel @p1 .LBB2_2-.Ltmp1, $4  }
0x43: {  	[sflag:s20] =	ssyncadd.s32 $0xFFFFC000  }
0x44: {  	[spmem:s2] =	stream.indirect.scatter.add.f32 [tilespmem:s19], [sflag:$0x1], $0x80, s21, s22, $0xb8;
	[tilespmem:$0x17C80] =	vst v63  }
0x45: {  	_ =	swait.ge [sflag:s20], $0x4000  }
0x46: {  	[sflag:s20] =	ssyncset.done $0x0  }
.LBB2_3:
0x47: {  	[sflag:s20] =	ssyncadd.s32 $0xFFFFC000;
	s25 =	sshll.u32 s0, $0x6  }
0x48: {  	s26 =	sshrl.u32 s5, $0x3;
	[bflag:$0x0] =	sbarrier.arrive $0xFFFF;
	s25 =	sor.u32 $0x1C01, s25  }
0x49: {  	[hbm:s11], [sflag:s25] =	dma.local [spmem:s26], $0x800  }
0x4a: {  	_ =	swait.ge [sflag:s20], $0x800  }
0x4b: {  	[sflag:s20] =	ssyncset.done $0x0  }
0x4c: {  	s29 =	sshrl.u32 s6, $0x3;
	[sflag:s20] =	ssyncadd.s32 $0xFFFFF800  }
0x4d: {  	[hbm:s12], [sflag:s25] =	dma.local [spmem:s29], $0x800  }
0x4e: {  	_ =	swait.ge [sflag:s20], $0x800  }
0x4f: {  	[sflag:s20] =	ssyncset.done $0x0  }
0x50: {  	s30 =	sshrl.u32 s7, $0x3;
	[sflag:s20] =	ssyncadd.s32 $0xFFFFF800  }
0x51: {  	[hbm:s13], [sflag:s25] =	dma.local [spmem:s30], $0x800  }
0x52: {  	_ =	swait.ge [sflag:s20], $0x800  }
0x53: {  	[sflag:s20] =	ssyncset.done $0x0  }
0x54: {  	s31 =	sshrl.u32 s8, $0x3;
	[sflag:s20] =	ssyncadd.s32 $0xFFFFF800  }
0x55: {  	[hbm:s14], [sflag:s25] =	dma.local [spmem:s31], $0x800  }
0x56: {  	s23 =	sadd.s32 $0x1, s23;
	_ =	swait.ge [sflag:s20], $0x800  }
0x57: {  	p1 =	sne.s32 s23, s16;
	[sflag:s20] =	ssyncset.done $0x0  }
.Ltmp2:
0x58: {  	s26 =	sshrl.u32 @!p0 s9, $0x3;
	[sflag:s20] =	ssyncadd.s32 $0xFFFFF800;
	(pc) =	sbr.rel @p1 .LBB2_1-.Ltmp2, $4  }
0x59: {  	[hbm:s15], [sflag:s25] =	dma.local @!p0 [spmem:s26], $0x800  }
0x5a: {  	_ =	swait.ge @!p0 [sflag:s24], $0x800  }
0x5b: {  	[sflag:s24] =	ssyncset.done @!p0 $0x0  }
0x5c: {  	[sflag:s24] =	ssyncadd.s32 @!p0 $0xFFFFF800  }
0x5d: {  	_ =	sfence.sel $0x180000  }
0x5e: {  	[bflag:$0x0] =	sbarrier.arrive $0xFFFF  }
0x5f: {  	p0 =	sne.s32 s0, $0x0;
	_ =	strace $0x90000050  }
0x60: {  	s0 =	sadd.s32 @!p0 $0x100000, s1;
	[bflag:$0x2] =	sbarrier.arrive $0xFFFF  }
0x61: {  	[sflag:s0] =	ssyncadd.tile.s32 @!p0 $0x1;
	_ =	shalt  }
.Lfunc_end2:
_tile_overlayer_lowered:
.L_overlay_start_2:
0x62: {  	(tag) =	ssettag $0x2  }
0x63: {  	s0 =	rddreg [dreg:$0x0];
	s2 =	stileid.u32  }
0x64: {  	s1 =	rddreg [dreg:$0x1];
	p0 =	sne.s32 s2, $0x0  }
0x65: {  	s3 =	rddreg [dreg:$0x2];
	[bflag:$0x3] =	sbarrier.arrive $0xFFFF;
	s2 =	simm.s32 @!p0 $0x1C01  }
0x66: {  	[timem:s3], [sflag:s2] =	dma.local @!p0 [hbm:s0], s1  }
0x67: {  	s0 =	simm.s32 @!p0 $0x1  }
0x68: {  	_ =	swait.ge @!p0 [sflag:s0], s1  }
0x69: {  	s1 =	ssub.s32 @!p0 $0x0, s1;
	[sflag:s0] =	ssyncset.done @!p0 $0x0  }
0x6a: {  	[sflag:s0] =	ssyncadd.s32 @!p0 s1  }
0x6b: {  	[bflag:$0x3] =	sbarrier.arrive $0xFFFF  }
0x6c: {  	_ =	shalt  }

// kernel: kernel.32.cloned.1.call-start
scs
__scs_entry_jumppad:
0x0: {  	(pc) =	sbr.rel $0x88, $3  }
0x1: {  	(tag) =	ssettag $0x0;
	lr =	simm.s32 $0x1  }
0x2: {  	[smem:$0x3F93] =	sst lr;
	_ =	strace $0xD0000000  }
0x3: {  	_ = 	snop  }
0x4: {  	_ = 	snop  }
0x5: {  	_ = 	snop  }
0x6: {  	_ = 	snop  }
0x7: {  	_ = 	snop  }
__scs_overlays_trampoline_lowered:
0x8: {  	[smem:$0x3FA2] =	sst s0  }
0x9: {  	[smem:$0x3FA3] =	sst s1  }
0xa: {  	[smem:$0x3FA4] =	sst s2  }
0xb: {  	[smem:$0x3FA5] =	sst s3  }
0xc: {  	[smem:$0x3FA6] =	sst s4  }
0xd: {  	[smem:$0x3FA7] =	sst s5  }
0xe: {  	[smem:$0x3FA8] =	sst s6  }
0xf: {  	[smem:$0x3FA9] =	sst s7  }
0x10: {  	[smem:$0x3FAA] =	sst s8  }
0x11: {  	[smem:$0x3FAB] =	sst s9;
	s0 =	simm.s32 @!p0 $0x0  }
0x12: {  	s1 =	sld [smem:$0x3F91];
	s0 =	simm.s32 @p0 $0x1  }
0x13: {  	[smem:$0x3FAC] =	sst s0;
	s0 =	simm.s32 @!p1 $0x0  }
0x14: {  	s2 =	sld [smem:$0x3F90];
	s0 =	simm.s32 @p1 $0x1  }
0x15: {  	[smem:$0x3FAD] =	sst s0;
	s0 =	simm.s32 @!p2 $0x0  }
0x16: {  	s3 =	sld [smem:$0x3FDB];
	s0 =	simm.s32 @p2 $0x1  }
0x17: {  	s4 =	simm.s32 $0x1BF5;
	[smem:$0x3FAF] =	sst s0  }
0x18: {  	s0 =	sld [smem:$0x3F92];
	_ =	swait.ge [sflag:s4], $0x0  }
0x19: {  	s7 =	sld [smem:$0x3F93]  }
0x1a: {  	s8 =	sadd.s32 $0xFFFFE003, lr  }
0x1b: {  	s9 =	sadd.s32 $0xFFFFFEF7, lr;
	s5 =	simm.s32 $0xFFFFFFFF;
	p2 =	slt.u32 s8, $0xFFFFF086  }
0x1c: {  	p1 =	slt.u32 s9, $0xF7A;
	s5 =	simm.s32 @!p2 $0x0  }
0x1d: {  	s5 =	simm.s32 @p1 $0x1;
	p0 =	seq.s32 s7, s2  }
0x1e: {  	s7 =	smul.u32 @!p0 $0xF7A, s2;
	p2 =	seq.s32 @!p0 s5, $0x0  }
0x1f: {  	s9 =	smul.u32 $0xF7A, s1;
	s8 =	simm.s32 @!p0 $0x1BF5;
	p2 =	por !p2, p0  }
0x20: {  	[sflag:s8] =	ssyncset.s32 @!p0 $0xFFFFF086;
	s6 =	sadd.s32 @!p0 s3, s7;
	s7 =	simm.s32 @!p0 $0x108  }
0x21: {  	s3 =	sadd.s32 s3, s9;
	s6 =	sadd.s32 @!p0 $0x88, s6;
	s7 =	simm.s32 @p2 $0x1082  }
0x22: {  	[simem:s7], [sflag:s8] =	dma.local @!p0 [hbm:s6], $0xF7A  }
0x23: {  	s9 =	sor.u32 $0xD0000000, s2;
	s6 =	simm.s32 $0x108;
	_ =	swait.ge @!p0 [sflag:s8], $0x0  }
0x24: {  	s3 =	sadd.s32 $0x88, s3;
	s6 =	simm.s32 @!p1 $0x1082;
	[sflag:s4] =	ssyncset.s32 $0xFFFFF086  }
0x25: {  	[simem:s6], [sflag:s4] =	dma.local [hbm:s3], $0xF7A  }
0x26: {  	[smem:$0x3F93] =	sst s1;
	(tag) =	ssettag s2;
	_ =	strace s9  }
0x27: {  	s1 =	sld [smem:$0x3FA3]  }
0x28: {  	s2 =	sld [smem:$0x3FA4]  }
0x29: {  	s4 =	sld [smem:$0x3FA6]  }
0x2a: {  	p0 =	seq.s32 s5, $0x0;
	s5 =	sld [smem:$0x3FA7]  }
0x2b: {  	s6 =	sld [smem:$0x3FA8]  }
0x2c: {  	s7 =	sld [smem:$0x3FA9]  }
0x2d: {  	s3 =	simm.s32 $0x108;
	s8 =	sld [smem:$0x3FAA]  }
0x2e: {  	s3 =	simm.s32 @!p0 $0x1082;
	s9 =	sld [smem:$0x3FAB]  }
0x2f: {  	lr =	sadd.s32 s0, s3;
	s0 =	sld [smem:$0x3FA2]  }
0x30: {  	s3 =	sld [smem:$0x3FA5]  }
0x31: {  	[smem:$0x3FAE] =	sst s10  }
0x32: {  	s10 =	sld [smem:$0x3FAC];
	_ =	sdelay $0x3  }
0x33: {  	p0 =	seq.s32 s10, $0x1;
	s10 =	sld [smem:$0x3FAE];
	_ =	sdelay $0x3  }
0x34: {  	[smem:$0x3FAE] =	sst s10  }
0x35: {  	s10 =	sld [smem:$0x3FAD];
	_ =	sdelay $0x3  }
0x36: {  	p1 =	seq.s32 s10, $0x1;
	s10 =	sld [smem:$0x3FAE];
	_ =	sdelay $0x3  }
0x37: {  	[smem:$0x3FAE] =	sst s10  }
0x38: {  	s10 =	sld [smem:$0x3FAF]  }
0x39: {  	_ = 	snop;
	(pc) =	sbr.ind lr, $3  }
0x3a: {  	_ = 	snop  }
0x3b: {  	_ = 	snop  }
0x3c: {  	p2 =	seq.s32 s10, $0x1;
	s10 =	sld [smem:$0x3FAE]  }
0x3d: {  	_ =	shalt  }
0x3e: {  	_ =	shalt  }
0x3f: {  	_ =	shalt  }
0x40: {  	_ =	shalt  }
0x41: {  	_ =	shalt  }
0x42: {  	_ =	shalt  }
0x43: {  	_ =	shalt  }
0x44: {  	_ =	shalt  }
0x45: {  	_ =	shalt  }
0x46: {  	_ =	shalt  }
0x47: {  	_ =	shalt  }
0x48: {  	_ =	shalt  }
0x49: {  	_ =	shalt  }
0x4a: {  	_ =	shalt  }
0x4b: {  	_ =	shalt  }
0x4c: {  	_ =	shalt  }
0x4d: {  	_ =	shalt  }
0x4e: {  	_ =	shalt  }
0x4f: {  	_ =	shalt  }
0x50: {  	_ =	shalt  }
0x51: {  	_ =	shalt  }
0x52: {  	_ =	shalt  }
0x53: {  	_ =	shalt  }
0x54: {  	_ =	shalt  }
0x55: {  	_ =	shalt  }
0x56: {  	_ =	shalt  }
0x57: {  	_ =	shalt  }
0x58: {  	_ =	shalt  }
0x59: {  	_ =	shalt  }
0x5a: {  	_ =	shalt  }
0x5b: {  	_ =	shalt  }
0x5c: {  	_ =	shalt  }
0x5d: {  	_ =	shalt  }
0x5e: {  	_ =	shalt  }
0x5f: {  	_ =	shalt  }
0x60: {  	_ =	shalt  }
0x61: {  	_ =	shalt  }
0x62: {  	_ =	shalt  }
0x63: {  	_ =	shalt  }
0x64: {  	_ =	shalt  }
0x65: {  	_ =	shalt  }
0x66: {  	_ =	shalt  }
0x67: {  	_ =	shalt  }
0x68: {  	_ =	shalt  }
0x69: {  	_ =	shalt  }
0x6a: {  	_ =	shalt  }
0x6b: {  	_ =	shalt  }
0x6c: {  	_ =	shalt  }
0x6d: {  	_ =	shalt  }
0x6e: {  	_ =	shalt  }
0x6f: {  	_ =	shalt  }
0x70: {  	_ =	shalt  }
0x71: {  	_ =	shalt  }
0x72: {  	_ =	shalt  }
0x73: {  	_ =	shalt  }
0x74: {  	_ =	shalt  }
0x75: {  	_ =	shalt  }
0x76: {  	_ =	shalt  }
0x77: {  	_ =	shalt  }
0x78: {  	_ =	shalt  }
0x79: {  	_ =	shalt  }
0x7a: {  	_ =	shalt  }
0x7b: {  	_ =	shalt  }
0x7c: {  	_ =	shalt  }
0x7d: {  	_ =	shalt  }
0x7e: {  	_ =	shalt  }
0x7f: {  	_ =	shalt  }
0x80: {  	_ =	shalt  }
0x81: {  	_ =	shalt  }
0x82: {  	_ =	shalt  }
0x83: {  	_ =	shalt  }
0x84: {  	_ =	shalt  }
0x85: {  	_ =	shalt  }
0x86: {  	_ =	shalt  }
0x87: {  	_ =	shalt  }
.Lfunc_end0:
.L_simem_size_0:
called_computation.4_lowered:
.L_overlay_start_0:
0x88: {  	s2 =	sld [smem:$0x3FD9]  }
0x89: {  	s3 =	sld [smem:$0x3FFE];
	_ =	sdelay $0x1  }
0x8a: {  	s1 =	srdreg.scid  }
0x8b: {  	s0 =	sand.u32 $0x1, s1  }
0x8c: {  	s16 =	sshll.u32 s0, $0xA;
	s2 =	sadd.s32 s3, s2  }
0x8d: {  	s2 =	sadd.s32 s2, s16  }
0x8e: {  	[smem:$0x3FBA] =	sst s2  }
0x8f: {  	_ = 	snop  }
0x90: {  	(tm) =	ssettm $0x1  }
0x91: {  	s17 =	sld [smem:$0x3FFB];
	_ =	sdelay $0x3  }
0x92: {  	_ =	strace s17  }
0x93: {  	s2 =	sld [smem:$0x3FFC];
	_ =	sdelay $0x3  }
0x94: {  	_ =	strace s2  }
0x95: {  	s2 =	sld [smem:$0x3FFD];
	_ =	sdelay $0x3  }
0x96: {  	_ =	strace s2  }
0x97: {  	_ =	strace $0x8FFFFFFF  }
0x98: {  	s18 =	sld [smem:$0x3FDB];
	_ =	sdelay $0x1  }
0x99: {  	s19 =	simm.s32 $_scs_section_size  }
0x9a: {  	s4 =	simm.s32 $_size__tile_overlayer_lowered;
	s5 =	simm.s32 $_tile_overlayer_lowered  }
0x9b: {  	s22 =	simm.s32 $0x1BFF;
	s21 =	sshll.u32 s5, $0x1;
	s2 =	sadd.s32 s19, s18  }
0x9c: {  	s6 =	simm.s32 $0x0;
	s20 =	sshll.u32 s4, $0x1;
	s4 =	sadd.s32 s21, s2  }
0x9d: {  	[timem:s6], [sflag:s22] =	dma.local [hbm:s4], s20  }
0x9e: {  	_ =	swait.ge [sflag:s22], s20  }
0x9f: {  	s3 =	ssub.s32 $0x0, s20;
	[sflag:s22] =	ssyncset.done $0x0  }
0xa0: {  	[sflag:s22] =	ssyncadd.s32 s3;
	_ =	sdelay $0x1  }
0xa1: {  	s23 =	simm.s32 $0x1B8B  }
0xa2: {  	_ =	swait.ge [sflag:s23], $0x1  }
0xa3: {  	[sflag:s23] =	ssyncset.done $0x0  }
0xa4: {  	s25 =	simm.s32 $0x1B8E;
	s24 =	sld [smem:$0x3FFE];
	[sflag:s23] =	ssyncadd.s32 $0xFFFFFFFF  }
0xa5: {  	s26 =	simm.s32 $execute0_lowered;
	[smem:$0x3FD2] =	sst s25  }
0xa6: {  	s4 =	sshll.u32 s26, $0x1;
	_ =	strace $0x80000052;
	[dreg:$0x1] =	wrdreg $0xFFFFFFFF  }
0xa7: {  	s28 =	simm.s32 $_size_execute0_lowered;
	s2 =	sadd.s32 s2, s4;
	[dreg:$0x0] =	wrdreg $0x0  }
0xa8: {  	s4 =	sshll.u32 s28, $0x1;
	[dreg:$0x2] =	wrdreg s2  }
0xa9: {  	[dreg:$0x3] =	wrdreg s4  }
0xaa: {  	[dreg:$0x4] =	wrdreg $0xC0  }
0xab: {  	_ =	task [dreg:s6], $0x5FFFF  }
0xac: {  	[dreg:$0x1] =	wrdreg $0xFFFFFFFF  }
0xad: {  	[dreg:$0x0] =	wrdreg $0x60  }
0xae: {  	[dreg:$0x2] =	wrdreg s24  }
0xaf: {  	[dreg:$0x3] =	wrdreg $0x9  }
0xb0: {  	_ =	task.clear_ibuf [dreg:s6], $0x4FFFF;
	_ =	strace $0x90000052  }
0xb1: {  	s29 =	simm.s32 $0x9;
	_ =	strace $0x80000054  }
0xb2: {  	_ =	swait.ge [sflag:s29], $0x1  }
0xb3: {  	[sflag:s29] =	ssyncadd.s32 $0xFFFFFFFF  }
0xb4: {  	_ =	strace $0x90000054  }
0xb5: {  	_ =	sfence  }
0xb6: {  	s30 =	sld [smem:$0x0];
	_ =	sdelay $0x2  }
0xb7: {  	s31 =	sshll.u32 s1, $0xD;
	s1 =	sshrl.u32 s1, $0x2  }
0xb8: {  	s3 =	sand.u32 $0x4000, s31;
	s1 =	sadd.s32 s1, s30  }
0xb9: {  	s0 =	sor.u32 s3, s0;
	s1 =	sshll.u32 s1, $0x11  }
0xba: {  	s0 =	sor.u32 s1, s0  }
0xbb: {  	s0 =	sadd.s32 $0x8F2B, s0  }
0xbc: {  	[sflag:s0] =	ssyncadd.remote.s32 $0x1  }
0xbd: {  	_ =	sfence.sel $0xFFFF  }
0xbe: {  	[dreg:$0x0] =	wrdreg $0xFFFFFFFF;
	(pc) =	sbr.abs _section_cstart, $3  }
0xbf: {  	[dreg:$0x1] =	wrdreg $0xFFFFFFFF  }
0xc0: {  	_ =	task.clear_ibuf [dreg:s6], $0x2FFFF;
	_ =	strace $0x9FFFFFFF  }
0xc1: {  	(tm) =	ssettm $0x7FFFFFFF  }
tec
execute0_lowered:
.L_overlay_start_1:
0x0: {  	(tag) =	ssettag $0x1  }
0x1: {  	s1 =	srdreg.scid  }
0x2: {  	s0 =	stileid.u32;
	s5 =	rddreg [dreg:$0x0]  }
0x3: {  	s2 =	simm.s32 $0x0;
	s10 =	simm.s32 $0x1;
	s11 =	simm.s32 $0x0  }
0x4: {  	s4 =	sand.u32 $0x1, s1;
	s3 =	smul.u32 $0x9C, s0;
	s1 =	rddreg [dreg:$0x1]  }
0x5: {  	s6 =	sshll.u32 s0, $0x1;
	[smem:$0x7FF] =	sst s2;
	s7 =	smul.u32 $0x4E, s4  }
0x6: {  	p0 =	slt.u32 s0, $0x2;
	s6 =	sor.u32 s4, s6;
	s4 =	ssub.s32 $0x2, s4  }
0x7: {  	s6 =	smin.u32 s6, $0x4;
	s8 =	sshrl.u32 s4, $0x1;
	s3 =	sadd.s32 s7, s3  }
0x8: {  	_ =	strace $0x80000053;
	s8 =	ssub.s32 s4, s8;
	s6 =	sadd.s32 s6, s3  }
0x9: {  	s4 =	simm.s32 $0x4F;
	s3 =	sadd.s32 $0x522600, s5;
	s31 =	sshll.u32 s6, $0x4  }
0xa: {  	s4 =	simm.s32 @!p0 $0x4E;
	s6 =	sshll.u32 s6, $0xB;
	s7 =	sadd.s32 s31, s5  }
0xb: {  	s9 =	sadd.s32 s6, s5;
	s5 =	smax.u32 s8, $0x1;
	s8 =	simm.s32 $0x2  }
0xc: {  	s6 =	sadd.s32 $0x4800, s7;
	s7 =	sadd.s32 $0xA04600, s9;
	s9 =	simm.s32 $0x80  }
.LBB2_1:
0xd: {  	[tilespmem:s2], [sflag:$0x2] =	stream.linear.gather [hbm4b:s6+s2], $0x80, $0x38;
	[tilespmem:$0x4080] =	vst v63  }
0xe: {  	_ =	swait.ge [sflag:s8], $0x80  }
0xf: {  	[sflag:s8] =	ssyncset.done $0x0  }
0x10: {  	[sflag:s8] =	ssyncadd.s32 $0xFFFFFF80  }
0x11: {  	[tilespmem:s9], [sflag:$0x1] =	stream.indirect.gather [hbm4b:s3+s9], $0x80, s2, s9, $0xb8;
	[tilespmem:$0x4080] =	vst v63  }
0x12: {  	p0 =	sne.s32 s4, $0x1;
	_ =	swait.ge [sflag:s10], $0x4000  }
.Ltmp0:
0x13: {  	[sflag:s10] =	ssyncset.done $0x0;
	(pc) =	sbr.rel @!p0 .LBB2_3-.Ltmp0, $4  }
0x14: {  	[sflag:s10] =	ssyncadd.s32 $0xFFFFC000  }
0x15: {  	[hbm4b:s7+s2] =	stream.linear.scatter [tilespmem:s9], [sflag:$0x2], $0x4000, $0x38;
	[tilespmem:$0x4080] =	vst v63  }
0x16: {  	s12 =	sadd.s32 $0xFFFFFFFF, s4;
	_ =	swait.ge [sflag:s8], $0x4000  }
0x17: {  	s13 =	smov.u32 s6;
	s14 =	smov.u32 s7;
	[sflag:s8] =	ssyncset.done $0x0  }
.LBB2_2:
0x18: {  	[sflag:s8] =	ssyncadd.s32 $0xFFFFC000;
	s13 =	sadd.s32 $0x10, s13;
	s14 =	sadd.s32 $0x800, s14  }
0x19: {  	[tilespmem:s2], [sflag:$0x2] =	stream.linear.gather [hbm4b:s13+s2], $0x80, $0x38;
	[tilespmem:$0x4080] =	vst v63  }
0x1a: {  	p0 =	sne.s32 s12, $0x1;
	s12 =	sadd.s32 $0xFFFFFFFF, s12;
	_ =	swait.ge [sflag:s8], $0x80  }
0x1b: {  	[sflag:s8] =	ssyncset.done $0x0  }
0x1c: {  	[sflag:s8] =	ssyncadd.s32 $0xFFFFFF80  }
0x1d: {  	[tilespmem:s9], [sflag:$0x1] =	stream.indirect.gather [hbm4b:s3+s9], $0x80, s2, s9, $0xb8;
	[tilespmem:$0x4080] =	vst v63  }
0x1e: {  	_ =	swait.ge [sflag:s10], $0x4000  }
.Ltmp1:
0x1f: {  	[sflag:s10] =	ssyncset.done $0x0;
	(pc) =	sbr.rel @p0 .LBB2_2-.Ltmp1, $4  }
0x20: {  	[sflag:s10] =	ssyncadd.s32 $0xFFFFC000  }
0x21: {  	[hbm4b:s14+s2] =	stream.linear.scatter [tilespmem:s9], [sflag:$0x2], $0x4000, $0x38;
	[tilespmem:$0x4080] =	vst v63  }
0x22: {  	_ =	swait.ge [sflag:s8], $0x4000  }
0x23: {  	[sflag:s8] =	ssyncset.done $0x0  }
.LBB2_3:
0x24: {  	s11 =	sadd.s32 $0x1, s11  }
0x25: {  	p0 =	sne.s32 s11, s5  }
.Ltmp2:
0x26: {  	_ = 	snop;
	(pc) =	sbr.rel @p0 .LBB2_1-.Ltmp2, $2  }
0x27: {  	_ =	sdelay $0x2  }
0x28: {  	[sflag:s8] =	ssyncadd.s32 $0xFFFFC000  }
0x29: {  	_ =	sfence.sel $0x180000  }
0x2a: {  	[bflag:$0x0] =	sbarrier.arrive $0xFFFF  }
0x2b: {  	p0 =	sne.s32 s0, $0x0;
	_ =	strace $0x90000053  }
0x2c: {  	s0 =	sadd.s32 @!p0 $0x100000, s1;
	[bflag:$0x2] =	sbarrier.arrive $0xFFFF  }
0x2d: {  	[sflag:s0] =	ssyncadd.tile.s32 @!p0 $0x1;
	_ =	shalt  }
.Lfunc_end2:
_tile_overlayer_lowered:
.L_overlay_start_2:
0x2e: {  	(tag) =	ssettag $0x2  }
0x2f: {  	s0 =	rddreg [dreg:$0x0];
	s2 =	stileid.u32  }
0x30: {  	s1 =	rddreg [dreg:$0x1];
	p0 =	sne.s32 s2, $0x0  }
0x31: {  	s3 =	rddreg [dreg:$0x2];
	[bflag:$0x3] =	sbarrier.arrive $0xFFFF;
	s2 =	simm.s32 @!p0 $0x1C02  }
0x32: {  	[timem:s3], [sflag:s2] =	dma.local @!p0 [hbm:s0], s1  }
0x33: {  	s0 =	simm.s32 @!p0 $0x2  }
0x34: {  	_ =	swait.ge @!p0 [sflag:s0], s1  }
0x35: {  	s1 =	ssub.s32 @!p0 $0x0, s1;
	[sflag:s0] =	ssyncset.done @!p0 $0x0  }
0x36: {  	[sflag:s0] =	ssyncadd.s32 @!p0 s1  }
0x37: {  	[bflag:$0x3] =	sbarrier.arrive $0xFFFF  }
0x38: {  	_ =	shalt  }

// kernel: kernel.35.cloned.1.call-start
scs
__scs_entry_jumppad:
0x0: {  	(pc) =	sbr.rel $0x88, $3  }
0x1: {  	(tag) =	ssettag $0x0;
	lr =	simm.s32 $0x1  }
0x2: {  	[smem:$0x3F93] =	sst lr;
	_ =	strace $0xD0000000  }
0x3: {  	_ = 	snop  }
0x4: {  	_ = 	snop  }
0x5: {  	_ = 	snop  }
0x6: {  	_ = 	snop  }
0x7: {  	_ = 	snop  }
__scs_overlays_trampoline_lowered:
0x8: {  	[smem:$0x3FA2] =	sst s0  }
0x9: {  	[smem:$0x3FA3] =	sst s1  }
0xa: {  	[smem:$0x3FA4] =	sst s2  }
0xb: {  	[smem:$0x3FA5] =	sst s3  }
0xc: {  	[smem:$0x3FA6] =	sst s4  }
0xd: {  	[smem:$0x3FA7] =	sst s5  }
0xe: {  	[smem:$0x3FA8] =	sst s6  }
0xf: {  	[smem:$0x3FA9] =	sst s7  }
0x10: {  	[smem:$0x3FAA] =	sst s8  }
0x11: {  	[smem:$0x3FAB] =	sst s9;
	s0 =	simm.s32 @!p0 $0x0  }
0x12: {  	s1 =	sld [smem:$0x3F91];
	s0 =	simm.s32 @p0 $0x1  }
0x13: {  	[smem:$0x3FAC] =	sst s0;
	s0 =	simm.s32 @!p1 $0x0  }
0x14: {  	s2 =	sld [smem:$0x3F90];
	s0 =	simm.s32 @p1 $0x1  }
0x15: {  	[smem:$0x3FAD] =	sst s0;
	s0 =	simm.s32 @!p2 $0x0  }
0x16: {  	s3 =	sld [smem:$0x3FDB];
	s0 =	simm.s32 @p2 $0x1  }
0x17: {  	s4 =	simm.s32 $0x1BF5;
	[smem:$0x3FAF] =	sst s0  }
0x18: {  	s0 =	sld [smem:$0x3F92];
	_ =	swait.ge [sflag:s4], $0x0  }
0x19: {  	s7 =	sld [smem:$0x3F93]  }
0x1a: {  	s8 =	sadd.s32 $0xFFFFE003, lr  }
0x1b: {  	s9 =	sadd.s32 $0xFFFFFEF7, lr;
	s5 =	simm.s32 $0xFFFFFFFF;
	p2 =	slt.u32 s8, $0xFFFFF086  }
0x1c: {  	p1 =	slt.u32 s9, $0xF7A;
	s5 =	simm.s32 @!p2 $0x0  }
0x1d: {  	s5 =	simm.s32 @p1 $0x1;
	p0 =	seq.s32 s7, s2  }
0x1e: {  	s7 =	smul.u32 @!p0 $0xF7A, s2;
	p2 =	seq.s32 @!p0 s5, $0x0  }
0x1f: {  	s9 =	smul.u32 $0xF7A, s1;
	s8 =	simm.s32 @!p0 $0x1BF5;
	p2 =	por !p2, p0  }
0x20: {  	[sflag:s8] =	ssyncset.s32 @!p0 $0xFFFFF086;
	s6 =	sadd.s32 @!p0 s3, s7;
	s7 =	simm.s32 @!p0 $0x108  }
0x21: {  	s3 =	sadd.s32 s3, s9;
	s6 =	sadd.s32 @!p0 $0x88, s6;
	s7 =	simm.s32 @p2 $0x1082  }
0x22: {  	[simem:s7], [sflag:s8] =	dma.local @!p0 [hbm:s6], $0xF7A  }
0x23: {  	s9 =	sor.u32 $0xD0000000, s2;
	s6 =	simm.s32 $0x108;
	_ =	swait.ge @!p0 [sflag:s8], $0x0  }
0x24: {  	s3 =	sadd.s32 $0x88, s3;
	s6 =	simm.s32 @!p1 $0x1082;
	[sflag:s4] =	ssyncset.s32 $0xFFFFF086  }
0x25: {  	[simem:s6], [sflag:s4] =	dma.local [hbm:s3], $0xF7A  }
0x26: {  	[smem:$0x3F93] =	sst s1;
	(tag) =	ssettag s2;
	_ =	strace s9  }
0x27: {  	s1 =	sld [smem:$0x3FA3]  }
0x28: {  	s2 =	sld [smem:$0x3FA4]  }
0x29: {  	s4 =	sld [smem:$0x3FA6]  }
0x2a: {  	p0 =	seq.s32 s5, $0x0;
	s5 =	sld [smem:$0x3FA7]  }
0x2b: {  	s6 =	sld [smem:$0x3FA8]  }
0x2c: {  	s7 =	sld [smem:$0x3FA9]  }
0x2d: {  	s3 =	simm.s32 $0x108;
	s8 =	sld [smem:$0x3FAA]  }
0x2e: {  	s3 =	simm.s32 @!p0 $0x1082;
	s9 =	sld [smem:$0x3FAB]  }
0x2f: {  	lr =	sadd.s32 s0, s3;
	s0 =	sld [smem:$0x3FA2]  }
0x30: {  	s3 =	sld [smem:$0x3FA5]  }
0x31: {  	[smem:$0x3FAE] =	sst s10  }
0x32: {  	s10 =	sld [smem:$0x3FAC];
	_ =	sdelay $0x3  }
0x33: {  	p0 =	seq.s32 s10, $0x1;
	s10 =	sld [smem:$0x3FAE];
	_ =	sdelay $0x3  }
0x34: {  	[smem:$0x3FAE] =	sst s10  }
0x35: {  	s10 =	sld [smem:$0x3FAD];
	_ =	sdelay $0x3  }
0x36: {  	p1 =	seq.s32 s10, $0x1;
	s10 =	sld [smem:$0x3FAE];
	_ =	sdelay $0x3  }
0x37: {  	[smem:$0x3FAE] =	sst s10  }
0x38: {  	s10 =	sld [smem:$0x3FAF]  }
0x39: {  	_ = 	snop;
	(pc) =	sbr.ind lr, $3  }
0x3a: {  	_ = 	snop  }
0x3b: {  	_ = 	snop  }
0x3c: {  	p2 =	seq.s32 s10, $0x1;
	s10 =	sld [smem:$0x3FAE]  }
0x3d: {  	_ =	shalt  }
0x3e: {  	_ =	shalt  }
0x3f: {  	_ =	shalt  }
0x40: {  	_ =	shalt  }
0x41: {  	_ =	shalt  }
0x42: {  	_ =	shalt  }
0x43: {  	_ =	shalt  }
0x44: {  	_ =	shalt  }
0x45: {  	_ =	shalt  }
0x46: {  	_ =	shalt  }
0x47: {  	_ =	shalt  }
0x48: {  	_ =	shalt  }
0x49: {  	_ =	shalt  }
0x4a: {  	_ =	shalt  }
0x4b: {  	_ =	shalt  }
0x4c: {  	_ =	shalt  }
0x4d: {  	_ =	shalt  }
0x4e: {  	_ =	shalt  }
0x4f: {  	_ =	shalt  }
0x50: {  	_ =	shalt  }
0x51: {  	_ =	shalt  }
0x52: {  	_ =	shalt  }
0x53: {  	_ =	shalt  }
0x54: {  	_ =	shalt  }
0x55: {  	_ =	shalt  }
0x56: {  	_ =	shalt  }
0x57: {  	_ =	shalt  }
0x58: {  	_ =	shalt  }
0x59: {  	_ =	shalt  }
0x5a: {  	_ =	shalt  }
0x5b: {  	_ =	shalt  }
0x5c: {  	_ =	shalt  }
0x5d: {  	_ =	shalt  }
0x5e: {  	_ =	shalt  }
0x5f: {  	_ =	shalt  }
0x60: {  	_ =	shalt  }
0x61: {  	_ =	shalt  }
0x62: {  	_ =	shalt  }
0x63: {  	_ =	shalt  }
0x64: {  	_ =	shalt  }
0x65: {  	_ =	shalt  }
0x66: {  	_ =	shalt  }
0x67: {  	_ =	shalt  }
0x68: {  	_ =	shalt  }
0x69: {  	_ =	shalt  }
0x6a: {  	_ =	shalt  }
0x6b: {  	_ =	shalt  }
0x6c: {  	_ =	shalt  }
0x6d: {  	_ =	shalt  }
0x6e: {  	_ =	shalt  }
0x6f: {  	_ =	shalt  }
0x70: {  	_ =	shalt  }
0x71: {  	_ =	shalt  }
0x72: {  	_ =	shalt  }
0x73: {  	_ =	shalt  }
0x74: {  	_ =	shalt  }
0x75: {  	_ =	shalt  }
0x76: {  	_ =	shalt  }
0x77: {  	_ =	shalt  }
0x78: {  	_ =	shalt  }
0x79: {  	_ =	shalt  }
0x7a: {  	_ =	shalt  }
0x7b: {  	_ =	shalt  }
0x7c: {  	_ =	shalt  }
0x7d: {  	_ =	shalt  }
0x7e: {  	_ =	shalt  }
0x7f: {  	_ =	shalt  }
0x80: {  	_ =	shalt  }
0x81: {  	_ =	shalt  }
0x82: {  	_ =	shalt  }
0x83: {  	_ =	shalt  }
0x84: {  	_ =	shalt  }
0x85: {  	_ =	shalt  }
0x86: {  	_ =	shalt  }
0x87: {  	_ =	shalt  }
.Lfunc_end0:
.L_simem_size_0:
called_computation.5_lowered:
.L_overlay_start_0:
0x88: {  	s2 =	sld [smem:$0x3FD9]  }
0x89: {  	s3 =	sld [smem:$0x3FFE];
	_ =	sdelay $0x1  }
0x8a: {  	s1 =	srdreg.scid  }
0x8b: {  	s0 =	sand.u32 $0x1, s1  }
0x8c: {  	s16 =	sshll.u32 s0, $0xA;
	s2 =	sadd.s32 s3, s2  }
0x8d: {  	s2 =	sadd.s32 s2, s16  }
0x8e: {  	[smem:$0x3FBA] =	sst s2  }
0x8f: {  	_ = 	snop  }
0x90: {  	(tm) =	ssettm $0x1  }
0x91: {  	s17 =	sld [smem:$0x3FFB];
	_ =	sdelay $0x3  }
0x92: {  	_ =	strace s17  }
0x93: {  	s2 =	sld [smem:$0x3FFC];
	_ =	sdelay $0x3  }
0x94: {  	_ =	strace s2  }
0x95: {  	s2 =	sld [smem:$0x3FFD];
	_ =	sdelay $0x3  }
0x96: {  	_ =	strace s2  }
0x97: {  	_ =	strace $0x8FFFFFFF  }
0x98: {  	s18 =	sld [smem:$0x3FDB];
	_ =	sdelay $0x1  }
0x99: {  	s19 =	simm.s32 $_scs_section_size  }
0x9a: {  	s4 =	simm.s32 $_size__tile_overlayer_lowered;
	s5 =	simm.s32 $_tile_overlayer_lowered  }
0x9b: {  	s22 =	simm.s32 $0x1BFF;
	s21 =	sshll.u32 s5, $0x1;
	s2 =	sadd.s32 s19, s18  }
0x9c: {  	s6 =	simm.s32 $0x0;
	s20 =	sshll.u32 s4, $0x1;
	s4 =	sadd.s32 s21, s2  }
0x9d: {  	[timem:s6], [sflag:s22] =	dma.local [hbm:s4], s20  }
0x9e: {  	_ =	swait.ge [sflag:s22], s20  }
0x9f: {  	s3 =	ssub.s32 $0x0, s20;
	[sflag:s22] =	ssyncset.done $0x0  }
0xa0: {  	[sflag:s22] =	ssyncadd.s32 s3;
	_ =	sdelay $0x1  }
0xa1: {  	s23 =	simm.s32 $0x1B8B  }
0xa2: {  	_ =	swait.ge [sflag:s23], $0x1  }
0xa3: {  	[sflag:s23] =	ssyncset.done $0x0  }
0xa4: {  	s25 =	simm.s32 $0x1B8E;
	s24 =	sld [smem:$0x3FFE];
	[sflag:s23] =	ssyncadd.s32 $0xFFFFFFFF  }
0xa5: {  	s26 =	simm.s32 $execute0_lowered;
	[smem:$0x3FD2] =	sst s25  }
0xa6: {  	s4 =	sshll.u32 s26, $0x1;
	_ =	strace $0x80000055;
	[dreg:$0x1] =	wrdreg $0xFFFFFFFF  }
0xa7: {  	s28 =	simm.s32 $_size_execute0_lowered;
	s2 =	sadd.s32 s2, s4;
	[dreg:$0x0] =	wrdreg $0x0  }
0xa8: {  	s4 =	sshll.u32 s28, $0x1;
	[dreg:$0x2] =	wrdreg s2  }
0xa9: {  	[dreg:$0x3] =	wrdreg s4  }
0xaa: {  	[dreg:$0x4] =	wrdreg $0xC0  }
0xab: {  	_ =	task [dreg:s6], $0x5FFFF  }
0xac: {  	[dreg:$0x1] =	wrdreg $0xFFFFFFFF  }
0xad: {  	[dreg:$0x0] =	wrdreg $0x60  }
0xae: {  	[dreg:$0x2] =	wrdreg s24  }
0xaf: {  	[dreg:$0x3] =	wrdreg $0x0  }
0xb0: {  	[dreg:$0x4] =	wrdreg $0x9  }
0xb1: {  	_ =	task.clear_ibuf [dreg:s6], $0x5FFFF;
	_ =	strace $0x90000055  }
0xb2: {  	s29 =	simm.s32 $0x9;
	_ =	strace $0x80000057  }
0xb3: {  	_ =	swait.ge [sflag:s29], $0x1  }
0xb4: {  	[sflag:s29] =	ssyncadd.s32 $0xFFFFFFFF  }
0xb5: {  	_ =	strace $0x90000057  }
0xb6: {  	_ =	sfence  }
0xb7: {  	s30 =	sld [smem:$0x0];
	_ =	sdelay $0x2  }
0xb8: {  	s31 =	sshll.u32 s1, $0xD;
	s1 =	sshrl.u32 s1, $0x2  }
0xb9: {  	s3 =	sand.u32 $0x4000, s31;
	s1 =	sadd.s32 s1, s30  }
0xba: {  	s0 =	sor.u32 s3, s0;
	s1 =	sshll.u32 s1, $0x11  }
0xbb: {  	s0 =	sor.u32 s1, s0  }
0xbc: {  	s0 =	sadd.s32 $0x8F2B, s0  }
0xbd: {  	[sflag:s0] =	ssyncadd.remote.s32 $0x1  }
0xbe: {  	_ =	sfence.sel $0xFFFF  }
0xbf: {  	[dreg:$0x0] =	wrdreg $0xFFFFFFFF;
	(pc) =	sbr.abs _section_cstart, $3  }
0xc0: {  	[dreg:$0x1] =	wrdreg $0xFFFFFFFF  }
0xc1: {  	_ =	task.clear_ibuf [dreg:s6], $0x2FFFF;
	_ =	strace $0x9FFFFFFF  }
0xc2: {  	(tm) =	ssettm $0x7FFFFFFF  }
0xc3: {  	_ =	shalt  }
tec
execute0_lowered:
.L_overlay_start_1:
0x0: {  	(tag) =	ssettag $0x1  }
0x1: {  	s1 =	srdreg.scid;
	s5 =	rddreg [dreg:$0x0]  }
0x2: {  	s0 =	stileid.u32;
	s2 =	rddreg [dreg:$0x1]  }
0x3: {  	s3 =	simm.s32 $0x0;
	s22 =	simm.s32 $0x80;
	s23 =	simm.s32 $0x0  }
0x4: {  	s7 =	sand.u32 $0x1, s1;
	s4 =	smul.u32 $0x4E, s0;
	s1 =	rddreg [dreg:$0x2]  }
0x5: {  	s8 =	smin.u32 s0, $0x2;
	[smem:$0x7FF] =	sst s3;
	s10 =	sshll.u32 s0, $0xE  }
0x6: {  	s15 =	sadd.s32 $0x4FAC00, s5;
	p0 =	slt.u32 s0, $0x2;
	s6 =	smul.u32 $0x4E2, s7  }
0x7: {  	_ =	strace $0x80000056;
	s30 =	ssub.s32 $0x2, s7;
	s11 =	sor.u32 $0x40000, s10  }
0x8: {  	s13 =	sor.u32 $0x80000, s10;
	s14 =	sor.u32 $0xC0000, s10;
	s19 =	sor.u32 $0x100000, s10  }
0x9: {  	s20 =	smul.u32 $0x13C000, s7;
	s31 =	sshrl.u32 s30, $0x1;
	s7 =	sadd.s32 s13, s2  }
0xa: {  	s9 =	sadd.s32 s19, s2;
	s4 =	sadd.s32 s4, s6;
	s16 =	ssub.s32 s30, s31  }
0xb: {  	s6 =	sadd.s32 s11, s2;
	s12 =	sadd.s32 s10, s20;
	s11 =	sadd.s32 s20, s11  }
0xc: {  	s13 =	sadd.s32 s20, s13;
	s19 =	sadd.s32 s20, s19;
	s4 =	sadd.s32 s8, s4  }
0xd: {  	s8 =	sadd.s32 s14, s2;
	s12 =	sshrl.u32 s12, $0x3;
	s21 =	sshrl.u32 s11, $0x3  }
0xe: {  	s14 =	sadd.s32 s20, s14;
	s13 =	sshrl.u32 s13, $0x3;
	s19 =	sshrl.u32 s19, $0x3  }
0xf: {  	s16 =	smax.u32 s16, $0x1;
	s20 =	simm.s32 $0x1;
	s29 =	sshll.u32 s4, $0xB  }
0x10: {  	s4 =	sshll.u32 s4, $0x4;
	s11 =	sadd.s32 s15, s12;
	s12 =	sadd.s32 s15, s21  }
0x11: {  	s14 =	sshrl.u32 s14, $0x3;
	s13 =	sadd.s32 s15, s13;
	s21 =	simm.s32 $0x17C00  }
0x12: {  	s18 =	sadd.s32 s29, s5;
	s17 =	sadd.s32 s4, s5;
	s4 =	sadd.s32 $0x18400, s5  }
0x13: {  	s5 =	sadd.s32 s10, s2;
	s10 =	simm.s32 $0x4F;
	s14 =	sadd.s32 s15, s14  }
0x14: {  	s15 =	sadd.s32 s15, s19;
	s19 =	simm.s32 $0x13C00;
	s10 =	simm.s32 @!p0 $0x4E  }
0x15: {  	s17 =	sadd.s32 $0xE600, s17;
	s18 =	sadd.s32 $0x18C00, s18;
	p0 =	seq.s32 s0, $0xF  }
.LBB2_1:
0x16: {  	[tilespmem:s19], [sflag:$0x1] =	stream.linear.gather [hbm4b:s4+s3], $0x4000, $0x38;
	[tilespmem:$0x17C80] =	vst v63  }
0x17: {  	_ =	swait.ge [sflag:s20], $0x4000  }
0x18: {  	[sflag:s20] =	ssyncset.done $0x0  }
0x19: {  	[sflag:s20] =	ssyncadd.s32 $0xFFFFC000  }
0x1a: {  	[spmem:s5] =	stream.linear.scatter [tilespmem:s19], [sflag:$0x1], $0x4000, $0x38;
	[tilespmem:$0x17C80] =	vst v63  }
0x1b: {  	_ =	swait.ge [sflag:s20], $0x4000  }
0x1c: {  	[sflag:s20] =	ssyncset.done $0x0  }
0x1d: {  	[sflag:s20] =	ssyncadd.s32 $0xFFFFC000  }
0x1e: {  	[spmem:s6] =	stream.linear.scatter [tilespmem:s19], [sflag:$0x1], $0x4000, $0x38;
	[tilespmem:$0x17C80] =	vst v63  }
0x1f: {  	_ =	swait.ge [sflag:s20], $0x4000  }
0x20: {  	[sflag:s20] =	ssyncset.done $0x0  }
0x21: {  	[sflag:s20] =	ssyncadd.s32 $0xFFFFC000  }
0x22: {  	[spmem:s7] =	stream.linear.scatter [tilespmem:s19], [sflag:$0x1], $0x4000, $0x38;
	[tilespmem:$0x17C80] =	vst v63  }
0x23: {  	_ =	swait.ge [sflag:s20], $0x4000  }
0x24: {  	[sflag:s20] =	ssyncset.done $0x0  }
0x25: {  	[sflag:s20] =	ssyncadd.s32 $0xFFFFC000  }
0x26: {  	[spmem:s8] =	stream.linear.scatter [tilespmem:s19], [sflag:$0x1], $0x4000, $0x38;
	[tilespmem:$0x17C80] =	vst v63  }
0x27: {  	_ =	swait.ge [sflag:s20], $0x4000  }
0x28: {  	[sflag:s20] =	ssyncset.done $0x0  }
0x29: {  	s24 =	simm.s32 @!p0 $0x13C00;
	[sflag:s20] =	ssyncadd.s32 $0xFFFFC000  }
0x2a: {  	[spmem:s9] =	stream.linear.scatter @!p0 [tilespmem:s24], [sflag:$0x1], $0x4000, $0x38;
	[tilespmem:$0x17C80] =	vst v63  }
0x2b: {  	s24 =	simm.s32 @!p0 $0x1  }
0x2c: {  	_ =	swait.ge @!p0 [sflag:s24], $0x4000  }
0x2d: {  	[sflag:s24] =	ssyncset.done @!p0 $0x0  }
0x2e: {  	[sflag:s24] =	ssyncadd.s32 @!p0 $0xFFFFC000  }
0x2f: {  	[bflag:$0x0] =	sbarrier.arrive $0xFFFF  }
0x30: {  	[tilespmem:s21], [sflag:$0x1] =	stream.linear.gather [hbm4b:s17+s3], $0x80, $0x38;
	[tilespmem:$0x17C80] =	vst v63  }
0x31: {  	_ =	swait.ge [sflag:s20], $0x80  }
0x32: {  	[sflag:s20] =	ssyncset.done $0x0  }
0x33: {  	[sflag:s20] =	ssyncadd.s32 $0xFFFFFF80  }
0x34: {  	[tilespmem:s19], [sflag:$0x1] =	stream.linear.gather [hbm4b:s18+s3], $0x4000, $0x38;
	[tilespmem:$0x17C80] =	vst v63  }
0x35: {  	p1 =	sne.s32 s10, $0x1;
	_ =	swait.ge [sflag:s20], $0x4000  }
.Ltmp0:
0x36: {  	[sflag:s20] =	ssyncset.done $0x0;
	(pc) =	sbr.rel @!p1 .LBB2_3-.Ltmp0, $4  }
0x37: {  	[sflag:s20] =	ssyncadd.s32 $0xFFFFC000  }
0x38: {  	[spmem:s2] =	stream.indirect.scatter.add.f32 [tilespmem:s19], [sflag:$0x1], $0x80, s21, s22, $0xb8;
	[tilespmem:$0x17C80] =	vst v63  }
0x39: {  	s25 =	sadd.s32 $0xFFFFFFFF, s10;
	_ =	swait.ge [sflag:s20], $0x4000  }
0x3a: {  	s26 =	smov.u32 s17;
	s28 =	smov.u32 s18;
	[sflag:s20] =	ssyncset.done $0x0  }
.LBB2_2:
0x3b: {  	[sflag:s20] =	ssyncadd.s32 $0xFFFFC000;
	s26 =	sadd.s32 $0x10, s26;
	s28 =	sadd.s32 $0x800, s28  }
0x3c: {  	[tilespmem:s21], [sflag:$0x1] =	stream.linear.gather [hbm4b:s26+s3], $0x80, $0x38;
	[tilespmem:$0x17C80] =	vst v63  }
0x3d: {  	p1 =	sne.s32 s25, $0x1;
	s25 =	sadd.s32 $0xFFFFFFFF, s25;
	_ =	swait.ge [sflag:s20], $0x80  }
0x3e: {  	[sflag:s20] =	ssyncset.done $0x0  }
0x3f: {  	[sflag:s20] =	ssyncadd.s32 $0xFFFFFF80  }
0x40: {  	[tilespmem:s19], [sflag:$0x1] =	stream.linear.gather [hbm4b:s28+s3], $0x4000, $0x38;
	[tilespmem:$0x17C80] =	vst v63  }
0x41: {  	_ =	swait.ge [sflag:s20], $0x4000  }
.Ltmp1:
0x42: {  	[sflag:s20] =	ssyncset.done $0x0;
	(pc) =	sbr.rel @p1 .LBB2_2-.Ltmp1, $4  }
0x43: {  	[sflag:s20] =	ssyncadd.s32 $0xFFFFC000  }
0x44: {  	[spmem:s2] =	stream.indirect.scatter.add.f32 [tilespmem:s19], [sflag:$0x1], $0x80, s21, s22, $0xb8;
	[tilespmem:$0x17C80] =	vst v63  }
0x45: {  	_ =	swait.ge [sflag:s20], $0x4000  }
0x46: {  	[sflag:s20] =	ssyncset.done $0x0  }
.LBB2_3:
0x47: {  	[sflag:s20] =	ssyncadd.s32 $0xFFFFC000;
	s25 =	sshll.u32 s0, $0x6  }
0x48: {  	s26 =	sshrl.u32 s5, $0x3;
	[bflag:$0x0] =	sbarrier.arrive $0xFFFF;
	s25 =	sor.u32 $0x1C01, s25  }
0x49: {  	[hbm:s11], [sflag:s25] =	dma.local [spmem:s26], $0x800  }
0x4a: {  	_ =	swait.ge [sflag:s20], $0x800  }
0x4b: {  	[sflag:s20] =	ssyncset.done $0x0  }
0x4c: {  	s29 =	sshrl.u32 s6, $0x3;
	[sflag:s20] =	ssyncadd.s32 $0xFFFFF800  }
0x4d: {  	[hbm:s12], [sflag:s25] =	dma.local [spmem:s29], $0x800  }
0x4e: {  	_ =	swait.ge [sflag:s20], $0x800  }
0x4f: {  	[sflag:s20] =	ssyncset.done $0x0  }
0x50: {  	s30 =	sshrl.u32 s7, $0x3;
	[sflag:s20] =	ssyncadd.s32 $0xFFFFF800  }
0x51: {  	[hbm:s13], [sflag:s25] =	dma.local [spmem:s30], $0x800  }
0x52: {  	_ =	swait.ge [sflag:s20], $0x800  }
0x53: {  	[sflag:s20] =	ssyncset.done $0x0  }
0x54: {  	s31 =	sshrl.u32 s8, $0x3;
	[sflag:s20] =	ssyncadd.s32 $0xFFFFF800  }
0x55: {  	[hbm:s14], [sflag:s25] =	dma.local [spmem:s31], $0x800  }
0x56: {  	s23 =	sadd.s32 $0x1, s23;
	_ =	swait.ge [sflag:s20], $0x800  }
0x57: {  	p1 =	sne.s32 s23, s16;
	[sflag:s20] =	ssyncset.done $0x0  }
.Ltmp2:
0x58: {  	s26 =	sshrl.u32 @!p0 s9, $0x3;
	[sflag:s20] =	ssyncadd.s32 $0xFFFFF800;
	(pc) =	sbr.rel @p1 .LBB2_1-.Ltmp2, $4  }
0x59: {  	[hbm:s15], [sflag:s25] =	dma.local @!p0 [spmem:s26], $0x800  }
0x5a: {  	_ =	swait.ge @!p0 [sflag:s24], $0x800  }
0x5b: {  	[sflag:s24] =	ssyncset.done @!p0 $0x0  }
0x5c: {  	[sflag:s24] =	ssyncadd.s32 @!p0 $0xFFFFF800  }
0x5d: {  	_ =	sfence.sel $0x180000  }
0x5e: {  	[bflag:$0x0] =	sbarrier.arrive $0xFFFF  }
0x5f: {  	p0 =	sne.s32 s0, $0x0;
	_ =	strace $0x90000056  }
0x60: {  	s0 =	sadd.s32 @!p0 $0x100000, s1;
	[bflag:$0x2] =	sbarrier.arrive $0xFFFF  }
0x61: {  	[sflag:s0] =	ssyncadd.tile.s32 @!p0 $0x1;
	_ =	shalt  }
.Lfunc_end2:
_tile_overlayer_lowered:
.L_overlay_start_2:
0x62: {  	(tag) =	ssettag $0x2  }
0x63: {  	s0 =	rddreg [dreg:$0x0];
	s2 =	stileid.u32  }
0x64: {  	s1 =	rddreg [dreg:$0x1];
	p0 =	sne.s32 s2, $0x0  }
0x65: {  	s3 =	rddreg [dreg:$0x2];
	[bflag:$0x3] =	sbarrier.arrive $0xFFFF;
	s2 =	simm.s32 @!p0 $0x1C01  }
0x66: {  	[timem:s3], [sflag:s2] =	dma.local @!p0 [hbm:s0], s1  }
0x67: {  	s0 =	simm.s32 @!p0 $0x1  }
0x68: {  	_ =	swait.ge @!p0 [sflag:s0], s1  }
0x69: {  	s1 =	ssub.s32 @!p0 $0x0, s1;
	[sflag:s0] =	ssyncset.done @!p0 $0x0  }
0x6a: {  	[sflag:s0] =	ssyncadd.s32 @!p0 s1  }
0x6b: {  	[bflag:$0x3] =	sbarrier.arrive $0xFFFF  }
0x6c: {  	_ =	shalt  }

// kernel: kernel.38.cloned.1.call-start
scs
__scs_entry_jumppad:
0x0: {  	(pc) =	sbr.rel $0x88, $3  }
0x1: {  	(tag) =	ssettag $0x0;
	lr =	simm.s32 $0x1  }
0x2: {  	[smem:$0x3F93] =	sst lr;
	_ =	strace $0xD0000000  }
0x3: {  	_ = 	snop  }
0x4: {  	_ = 	snop  }
0x5: {  	_ = 	snop  }
0x6: {  	_ = 	snop  }
0x7: {  	_ = 	snop  }
__scs_overlays_trampoline_lowered:
0x8: {  	[smem:$0x3FA2] =	sst s0  }
0x9: {  	[smem:$0x3FA3] =	sst s1  }
0xa: {  	[smem:$0x3FA4] =	sst s2  }
0xb: {  	[smem:$0x3FA5] =	sst s3  }
0xc: {  	[smem:$0x3FA6] =	sst s4  }
0xd: {  	[smem:$0x3FA7] =	sst s5  }
0xe: {  	[smem:$0x3FA8] =	sst s6  }
0xf: {  	[smem:$0x3FA9] =	sst s7  }
0x10: {  	[smem:$0x3FAA] =	sst s8  }
0x11: {  	[smem:$0x3FAB] =	sst s9;
	s0 =	simm.s32 @!p0 $0x0  }
0x12: {  	s1 =	sld [smem:$0x3F91];
	s0 =	simm.s32 @p0 $0x1  }
0x13: {  	[smem:$0x3FAC] =	sst s0;
	s0 =	simm.s32 @!p1 $0x0  }
0x14: {  	s2 =	sld [smem:$0x3F90];
	s0 =	simm.s32 @p1 $0x1  }
0x15: {  	[smem:$0x3FAD] =	sst s0;
	s0 =	simm.s32 @!p2 $0x0  }
0x16: {  	s3 =	sld [smem:$0x3FDB];
	s0 =	simm.s32 @p2 $0x1  }
0x17: {  	s4 =	simm.s32 $0x1BF5;
	[smem:$0x3FAF] =	sst s0  }
0x18: {  	s0 =	sld [smem:$0x3F92];
	_ =	swait.ge [sflag:s4], $0x0  }
0x19: {  	s7 =	sld [smem:$0x3F93]  }
0x1a: {  	s8 =	sadd.s32 $0xFFFFE003, lr  }
0x1b: {  	s9 =	sadd.s32 $0xFFFFFEF7, lr;
	s5 =	simm.s32 $0xFFFFFFFF;
	p2 =	slt.u32 s8, $0xFFFFF086  }
0x1c: {  	p1 =	slt.u32 s9, $0xF7A;
	s5 =	simm.s32 @!p2 $0x0  }
0x1d: {  	s5 =	simm.s32 @p1 $0x1;
	p0 =	seq.s32 s7, s2  }
0x1e: {  	s7 =	smul.u32 @!p0 $0xF7A, s2;
	p2 =	seq.s32 @!p0 s5, $0x0  }
0x1f: {  	s9 =	smul.u32 $0xF7A, s1;
	s8 =	simm.s32 @!p0 $0x1BF5;
	p2 =	por !p2, p0  }
0x20: {  	[sflag:s8] =	ssyncset.s32 @!p0 $0xFFFFF086;
	s6 =	sadd.s32 @!p0 s3, s7;
	s7 =	simm.s32 @!p0 $0x108  }
0x21: {  	s3 =	sadd.s32 s3, s9;
	s6 =	sadd.s32 @!p0 $0x88, s6;
	s7 =	simm.s32 @p2 $0x1082  }
0x22: {  	[simem:s7], [sflag:s8] =	dma.local @!p0 [hbm:s6], $0xF7A  }
0x23: {  	s9 =	sor.u32 $0xD0000000, s2;
	s6 =	simm.s32 $0x108;
	_ =	swait.ge @!p0 [sflag:s8], $0x0  }
0x24: {  	s3 =	sadd.s32 $0x88, s3;
	s6 =	simm.s32 @!p1 $0x1082;
	[sflag:s4] =	ssyncset.s32 $0xFFFFF086  }
0x25: {  	[simem:s6], [sflag:s4] =	dma.local [hbm:s3], $0xF7A  }
0x26: {  	[smem:$0x3F93] =	sst s1;
	(tag) =	ssettag s2;
	_ =	strace s9  }
0x27: {  	s1 =	sld [smem:$0x3FA3]  }
0x28: {  	s2 =	sld [smem:$0x3FA4]  }
0x29: {  	s4 =	sld [smem:$0x3FA6]  }
0x2a: {  	p0 =	seq.s32 s5, $0x0;
	s5 =	sld [smem:$0x3FA7]  }
0x2b: {  	s6 =	sld [smem:$0x3FA8]  }
0x2c: {  	s7 =	sld [smem:$0x3FA9]  }
0x2d: {  	s3 =	simm.s32 $0x108;
	s8 =	sld [smem:$0x3FAA]  }
0x2e: {  	s3 =	simm.s32 @!p0 $0x1082;
	s9 =	sld [smem:$0x3FAB]  }
0x2f: {  	lr =	sadd.s32 s0, s3;
	s0 =	sld [smem:$0x3FA2]  }
0x30: {  	s3 =	sld [smem:$0x3FA5]  }
0x31: {  	[smem:$0x3FAE] =	sst s10  }
0x32: {  	s10 =	sld [smem:$0x3FAC];
	_ =	sdelay $0x3  }
0x33: {  	p0 =	seq.s32 s10, $0x1;
	s10 =	sld [smem:$0x3FAE];
	_ =	sdelay $0x3  }
0x34: {  	[smem:$0x3FAE] =	sst s10  }
0x35: {  	s10 =	sld [smem:$0x3FAD];
	_ =	sdelay $0x3  }
0x36: {  	p1 =	seq.s32 s10, $0x1;
	s10 =	sld [smem:$0x3FAE];
	_ =	sdelay $0x3  }
0x37: {  	[smem:$0x3FAE] =	sst s10  }
0x38: {  	s10 =	sld [smem:$0x3FAF]  }
0x39: {  	_ = 	snop;
	(pc) =	sbr.ind lr, $3  }
0x3a: {  	_ = 	snop  }
0x3b: {  	_ = 	snop  }
0x3c: {  	p2 =	seq.s32 s10, $0x1;
	s10 =	sld [smem:$0x3FAE]  }
0x3d: {  	_ =	shalt  }
0x3e: {  	_ =	shalt  }
0x3f: {  	_ =	shalt  }
0x40: {  	_ =	shalt  }
0x41: {  	_ =	shalt  }
0x42: {  	_ =	shalt  }
0x43: {  	_ =	shalt  }
0x44: {  	_ =	shalt  }
0x45: {  	_ =	shalt  }
0x46: {  	_ =	shalt  }
0x47: {  	_ =	shalt  }
0x48: {  	_ =	shalt  }
0x49: {  	_ =	shalt  }
0x4a: {  	_ =	shalt  }
0x4b: {  	_ =	shalt  }
0x4c: {  	_ =	shalt  }
0x4d: {  	_ =	shalt  }
0x4e: {  	_ =	shalt  }
0x4f: {  	_ =	shalt  }
0x50: {  	_ =	shalt  }
0x51: {  	_ =	shalt  }
0x52: {  	_ =	shalt  }
0x53: {  	_ =	shalt  }
0x54: {  	_ =	shalt  }
0x55: {  	_ =	shalt  }
0x56: {  	_ =	shalt  }
0x57: {  	_ =	shalt  }
0x58: {  	_ =	shalt  }
0x59: {  	_ =	shalt  }
0x5a: {  	_ =	shalt  }
0x5b: {  	_ =	shalt  }
0x5c: {  	_ =	shalt  }
0x5d: {  	_ =	shalt  }
0x5e: {  	_ =	shalt  }
0x5f: {  	_ =	shalt  }
0x60: {  	_ =	shalt  }
0x61: {  	_ =	shalt  }
0x62: {  	_ =	shalt  }
0x63: {  	_ =	shalt  }
0x64: {  	_ =	shalt  }
0x65: {  	_ =	shalt  }
0x66: {  	_ =	shalt  }
0x67: {  	_ =	shalt  }
0x68: {  	_ =	shalt  }
0x69: {  	_ =	shalt  }
0x6a: {  	_ =	shalt  }
0x6b: {  	_ =	shalt  }
0x6c: {  	_ =	shalt  }
0x6d: {  	_ =	shalt  }
0x6e: {  	_ =	shalt  }
0x6f: {  	_ =	shalt  }
0x70: {  	_ =	shalt  }
0x71: {  	_ =	shalt  }
0x72: {  	_ =	shalt  }
0x73: {  	_ =	shalt  }
0x74: {  	_ =	shalt  }
0x75: {  	_ =	shalt  }
0x76: {  	_ =	shalt  }
0x77: {  	_ =	shalt  }
0x78: {  	_ =	shalt  }
0x79: {  	_ =	shalt  }
0x7a: {  	_ =	shalt  }
0x7b: {  	_ =	shalt  }
0x7c: {  	_ =	shalt  }
0x7d: {  	_ =	shalt  }
0x7e: {  	_ =	shalt  }
0x7f: {  	_ =	shalt  }
0x80: {  	_ =	shalt  }
0x81: {  	_ =	shalt  }
0x82: {  	_ =	shalt  }
0x83: {  	_ =	shalt  }
0x84: {  	_ =	shalt  }
0x85: {  	_ =	shalt  }
0x86: {  	_ =	shalt  }
0x87: {  	_ =	shalt  }
.Lfunc_end0:
.L_simem_size_0:
called_computation.6_lowered:
.L_overlay_start_0:
0x88: {  	s2 =	sld [smem:$0x3FD9]  }
0x89: {  	s3 =	sld [smem:$0x3FFE];
	_ =	sdelay $0x1  }
0x8a: {  	s1 =	srdreg.scid  }
0x8b: {  	s0 =	sand.u32 $0x1, s1  }
0x8c: {  	s16 =	sshll.u32 s0, $0xA;
	s2 =	sadd.s32 s3, s2  }
0x8d: {  	s2 =	sadd.s32 s2, s16  }
0x8e: {  	[smem:$0x3FBA] =	sst s2  }
0x8f: {  	_ = 	snop  }
0x90: {  	(tm) =	ssettm $0x1  }
0x91: {  	s17 =	sld [smem:$0x3FFB];
	_ =	sdelay $0x3  }
0x92: {  	_ =	strace s17  }
0x93: {  	s2 =	sld [smem:$0x3FFC];
	_ =	sdelay $0x3  }
0x94: {  	_ =	strace s2  }
0x95: {  	s2 =	sld [smem:$0x3FFD];
	_ =	sdelay $0x3  }
0x96: {  	_ =	strace s2  }
0x97: {  	_ =	strace $0x8FFFFFFF  }
0x98: {  	s18 =	sld [smem:$0x3FDB];
	_ =	sdelay $0x1  }
0x99: {  	s19 =	simm.s32 $_scs_section_size  }
0x9a: {  	s4 =	simm.s32 $_size__tile_overlayer_lowered;
	s5 =	simm.s32 $_tile_overlayer_lowered  }
0x9b: {  	s22 =	simm.s32 $0x1BFF;
	s21 =	sshll.u32 s5, $0x1;
	s2 =	sadd.s32 s19, s18  }
0x9c: {  	s6 =	simm.s32 $0x0;
	s20 =	sshll.u32 s4, $0x1;
	s4 =	sadd.s32 s21, s2  }
0x9d: {  	[timem:s6], [sflag:s22] =	dma.local [hbm:s4], s20  }
0x9e: {  	_ =	swait.ge [sflag:s22], s20  }
0x9f: {  	s3 =	ssub.s32 $0x0, s20;
	[sflag:s22] =	ssyncset.done $0x0  }
0xa0: {  	[sflag:s22] =	ssyncadd.s32 s3;
	_ =	sdelay $0x1  }
0xa1: {  	s23 =	simm.s32 $0x1B8B  }
0xa2: {  	_ =	swait.ge [sflag:s23], $0x1  }
0xa3: {  	[sflag:s23] =	ssyncset.done $0x0  }
0xa4: {  	s25 =	simm.s32 $0x1B8E;
	s24 =	sld [smem:$0x3FFE];
	[sflag:s23] =	ssyncadd.s32 $0xFFFFFFFF  }
0xa5: {  	s26 =	simm.s32 $execute0_lowered;
	[smem:$0x3FD2] =	sst s25  }
0xa6: {  	s4 =	sshll.u32 s26, $0x1;
	_ =	strace $0x80000058;
	[dreg:$0x1] =	wrdreg $0xFFFFFFFF  }
0xa7: {  	s28 =	simm.s32 $_size_execute0_lowered;
	s2 =	sadd.s32 s2, s4;
	[dreg:$0x0] =	wrdreg $0x0  }
0xa8: {  	s4 =	sshll.u32 s28, $0x1;
	[dreg:$0x2] =	wrdreg s2  }
0xa9: {  	[dreg:$0x3] =	wrdreg s4  }
0xaa: {  	[dreg:$0x4] =	wrdreg $0xC0  }
0xab: {  	_ =	task [dreg:s6], $0x5FFFF  }
0xac: {  	[dreg:$0x1] =	wrdreg $0xFFFFFFFF  }
0xad: {  	[dreg:$0x0] =	wrdreg $0x60  }
0xae: {  	[dreg:$0x2] =	wrdreg s24  }
0xaf: {  	[dreg:$0x3] =	wrdreg $0x9  }
0xb0: {  	_ =	task.clear_ibuf [dreg:s6], $0x4FFFF;
	_ =	strace $0x90000058  }
0xb1: {  	s29 =	simm.s32 $0x9;
	_ =	strace $0x8000005A  }
0xb2: {  	_ =	swait.ge [sflag:s29], $0x1  }
0xb3: {  	[sflag:s29] =	ssyncadd.s32 $0xFFFFFFFF  }
0xb4: {  	_ =	strace $0x9000005A  }
0xb5: {  	_ =	sfence  }
0xb6: {  	s30 =	sld [smem:$0x0];
	_ =	sdelay $0x2  }
0xb7: {  	s31 =	sshll.u32 s1, $0xD;
	s1 =	sshrl.u32 s1, $0x2  }
0xb8: {  	s3 =	sand.u32 $0x4000, s31;
	s1 =	sadd.s32 s1, s30  }
0xb9: {  	s0 =	sor.u32 s3, s0;
	s1 =	sshll.u32 s1, $0x11  }
0xba: {  	s0 =	sor.u32 s1, s0  }
0xbb: {  	s0 =	sadd.s32 $0x8F2B, s0  }
0xbc: {  	[sflag:s0] =	ssyncadd.remote.s32 $0x1  }
0xbd: {  	_ =	sfence.sel $0xFFFF  }
0xbe: {  	[dreg:$0x0] =	wrdreg $0xFFFFFFFF;
	(pc) =	sbr.abs _section_cstart, $3  }
0xbf: {  	[dreg:$0x1] =	wrdreg $0xFFFFFFFF  }
0xc0: {  	_ =	task.clear_ibuf [dreg:s6], $0x2FFFF;
	_ =	strace $0x9FFFFFFF  }
0xc1: {  	(tm) =	ssettm $0x7FFFFFFF  }
tec
execute0_lowered:
.L_overlay_start_1:
0x0: {  	(tag) =	ssettag $0x1  }
0x1: {  	s1 =	srdreg.scid  }
0x2: {  	s0 =	stileid.u32;
	s5 =	rddreg [dreg:$0x0]  }
0x3: {  	s2 =	simm.s32 $0x0;
	s10 =	simm.s32 $0x1;
	s11 =	simm.s32 $0x0  }
0x4: {  	s4 =	sand.u32 $0x1, s1;
	s3 =	smul.u32 $0x9C, s0;
	s1 =	rddreg [dreg:$0x1]  }
0x5: {  	s6 =	sshll.u32 s0, $0x1;
	[smem:$0x7FF] =	sst s2;
	s7 =	smul.u32 $0x4E, s4  }
0x6: {  	p0 =	slt.u32 s0, $0x2;
	s6 =	sor.u32 s4, s6;
	s4 =	ssub.s32 $0x2, s4  }
0x7: {  	s6 =	smin.u32 s6, $0x4;
	s8 =	sshrl.u32 s4, $0x1;
	s3 =	sadd.s32 s7, s3  }
0x8: {  	_ =	strace $0x80000059;
	s8 =	ssub.s32 s4, s8;
	s6 =	sadd.s32 s6, s3  }
0x9: {  	s4 =	simm.s32 $0x4F;
	s3 =	sadd.s32 $0x4FAC00, s5;
	s31 =	sshll.u32 s6, $0x4  }
0xa: {  	s4 =	simm.s32 @!p0 $0x4E;
	s6 =	sshll.u32 s6, $0xB;
	s7 =	sadd.s32 s31, s5  }
0xb: {  	s9 =	sadd.s32 s6, s5;
	s5 =	smax.u32 s8, $0x1;
	s8 =	simm.s32 $0x2  }
0xc: {  	s6 =	sadd.s32 $0x4800, s7;
	s7 =	sadd.s32 $0x522400, s9;
	s9 =	simm.s32 $0x80  }
.LBB2_1:
0xd: {  	[tilespmem:s2], [sflag:$0x2] =	stream.linear.gather [hbm4b:s6+s2], $0x80, $0x38;
	[tilespmem:$0x4080] =	vst v63  }
0xe: {  	_ =	swait.ge [sflag:s8], $0x80  }
0xf: {  	[sflag:s8] =	ssyncset.done $0x0  }
0x10: {  	[sflag:s8] =	ssyncadd.s32 $0xFFFFFF80  }
0x11: {  	[tilespmem:s9], [sflag:$0x1] =	stream.indirect.gather [hbm4b:s3+s9], $0x80, s2, s9, $0xb8;
	[tilespmem:$0x4080] =	vst v63  }
0x12: {  	p0 =	sne.s32 s4, $0x1;
	_ =	swait.ge [sflag:s10], $0x4000  }
.Ltmp0:
0x13: {  	[sflag:s10] =	ssyncset.done $0x0;
	(pc) =	sbr.rel @!p0 .LBB2_3-.Ltmp0, $4  }
0x14: {  	[sflag:s10] =	ssyncadd.s32 $0xFFFFC000  }
0x15: {  	[hbm4b:s7+s2] =	stream.linear.scatter [tilespmem:s9], [sflag:$0x2], $0x4000, $0x38;
	[tilespmem:$0x4080] =	vst v63  }
0x16: {  	s12 =	sadd.s32 $0xFFFFFFFF, s4;
	_ =	swait.ge [sflag:s8], $0x4000  }
0x17: {  	s13 =	smov.u32 s6;
	s14 =	smov.u32 s7;
	[sflag:s8] =	ssyncset.done $0x0  }
.LBB2_2:
0x18: {  	[sflag:s8] =	ssyncadd.s32 $0xFFFFC000;
	s13 =	sadd.s32 $0x10, s13;
	s14 =	sadd.s32 $0x800, s14  }
0x19: {  	[tilespmem:s2], [sflag:$0x2] =	stream.linear.gather [hbm4b:s13+s2], $0x80, $0x38;
	[tilespmem:$0x4080] =	vst v63  }
0x1a: {  	p0 =	sne.s32 s12, $0x1;
	s12 =	sadd.s32 $0xFFFFFFFF, s12;
	_ =	swait.ge [sflag:s8], $0x80  }
0x1b: {  	[sflag:s8] =	ssyncset.done $0x0  }
0x1c: {  	[sflag:s8] =	ssyncadd.s32 $0xFFFFFF80  }
0x1d: {  	[tilespmem:s9], [sflag:$0x1] =	stream.indirect.gather [hbm4b:s3+s9], $0x80, s2, s9, $0xb8;
	[tilespmem:$0x4080] =	vst v63  }
0x1e: {  	_ =	swait.ge [sflag:s10], $0x4000  }
.Ltmp1:
0x1f: {  	[sflag:s10] =	ssyncset.done $0x0;
	(pc) =	sbr.rel @p0 .LBB2_2-.Ltmp1, $4  }
0x20: {  	[sflag:s10] =	ssyncadd.s32 $0xFFFFC000  }
0x21: {  	[hbm4b:s14+s2] =	stream.linear.scatter [tilespmem:s9], [sflag:$0x2], $0x4000, $0x38;
	[tilespmem:$0x4080] =	vst v63  }
0x22: {  	_ =	swait.ge [sflag:s8], $0x4000  }
0x23: {  	[sflag:s8] =	ssyncset.done $0x0  }
.LBB2_3:
0x24: {  	s11 =	sadd.s32 $0x1, s11  }
0x25: {  	p0 =	sne.s32 s11, s5  }
.Ltmp2:
0x26: {  	_ = 	snop;
	(pc) =	sbr.rel @p0 .LBB2_1-.Ltmp2, $2  }
0x27: {  	_ =	sdelay $0x2  }
0x28: {  	[sflag:s8] =	ssyncadd.s32 $0xFFFFC000  }
0x29: {  	_ =	sfence.sel $0x180000  }
0x2a: {  	[bflag:$0x0] =	sbarrier.arrive $0xFFFF  }
0x2b: {  	p0 =	sne.s32 s0, $0x0;
	_ =	strace $0x90000059  }
0x2c: {  	s0 =	sadd.s32 @!p0 $0x100000, s1;
	[bflag:$0x2] =	sbarrier.arrive $0xFFFF  }
0x2d: {  	[sflag:s0] =	ssyncadd.tile.s32 @!p0 $0x1;
	_ =	shalt  }
.Lfunc_end2:
_tile_overlayer_lowered:
.L_overlay_start_2:
0x2e: {  	(tag) =	ssettag $0x2  }
0x2f: {  	s0 =	rddreg [dreg:$0x0];
	s2 =	stileid.u32  }
0x30: {  	s1 =	rddreg [dreg:$0x1];
	p0 =	sne.s32 s2, $0x0  }
0x31: {  	s3 =	rddreg [dreg:$0x2];
	[bflag:$0x3] =	sbarrier.arrive $0xFFFF;
	s2 =	simm.s32 @!p0 $0x1C02  }
0x32: {  	[timem:s3], [sflag:s2] =	dma.local @!p0 [hbm:s0], s1  }
0x33: {  	s0 =	simm.s32 @!p0 $0x2  }
0x34: {  	_ =	swait.ge @!p0 [sflag:s0], s1  }
0x35: {  	s1 =	ssub.s32 @!p0 $0x0, s1;
	[sflag:s0] =	ssyncset.done @!p0 $0x0  }
0x36: {  	[sflag:s0] =	ssyncadd.s32 @!p0 s1  }
0x37: {  	[bflag:$0x3] =	sbarrier.arrive $0xFFFF  }
0x38: {  	_ =	shalt  }

// kernel: kernel.41.cloned.1.call-start
scs
__scs_entry_jumppad:
0x0: {  	(pc) =	sbr.rel $0x88, $3  }
0x1: {  	(tag) =	ssettag $0x0;
	lr =	simm.s32 $0x1  }
0x2: {  	[smem:$0x3F93] =	sst lr;
	_ =	strace $0xD0000000  }
0x3: {  	_ = 	snop  }
0x4: {  	_ = 	snop  }
0x5: {  	_ = 	snop  }
0x6: {  	_ = 	snop  }
0x7: {  	_ = 	snop  }
__scs_overlays_trampoline_lowered:
0x8: {  	[smem:$0x3FA2] =	sst s0  }
0x9: {  	[smem:$0x3FA3] =	sst s1  }
0xa: {  	[smem:$0x3FA4] =	sst s2  }
0xb: {  	[smem:$0x3FA5] =	sst s3  }
0xc: {  	[smem:$0x3FA6] =	sst s4  }
0xd: {  	[smem:$0x3FA7] =	sst s5  }
0xe: {  	[smem:$0x3FA8] =	sst s6  }
0xf: {  	[smem:$0x3FA9] =	sst s7  }
0x10: {  	[smem:$0x3FAA] =	sst s8  }
0x11: {  	[smem:$0x3FAB] =	sst s9;
	s0 =	simm.s32 @!p0 $0x0  }
0x12: {  	s1 =	sld [smem:$0x3F91];
	s0 =	simm.s32 @p0 $0x1  }
0x13: {  	[smem:$0x3FAC] =	sst s0;
	s0 =	simm.s32 @!p1 $0x0  }
0x14: {  	s2 =	sld [smem:$0x3F90];
	s0 =	simm.s32 @p1 $0x1  }
0x15: {  	[smem:$0x3FAD] =	sst s0;
	s0 =	simm.s32 @!p2 $0x0  }
0x16: {  	s3 =	sld [smem:$0x3FDB];
	s0 =	simm.s32 @p2 $0x1  }
0x17: {  	s4 =	simm.s32 $0x1BF5;
	[smem:$0x3FAF] =	sst s0  }
0x18: {  	s0 =	sld [smem:$0x3F92];
	_ =	swait.ge [sflag:s4], $0x0  }
0x19: {  	s7 =	sld [smem:$0x3F93]  }
0x1a: {  	s8 =	sadd.s32 $0xFFFFE003, lr  }
0x1b: {  	s9 =	sadd.s32 $0xFFFFFEF7, lr;
	s5 =	simm.s32 $0xFFFFFFFF;
	p2 =	slt.u32 s8, $0xFFFFF086  }
0x1c: {  	p1 =	slt.u32 s9, $0xF7A;
	s5 =	simm.s32 @!p2 $0x0  }
0x1d: {  	s5 =	simm.s32 @p1 $0x1;
	p0 =	seq.s32 s7, s2  }
0x1e: {  	s7 =	smul.u32 @!p0 $0xF7A, s2;
	p2 =	seq.s32 @!p0 s5, $0x0  }
0x1f: {  	s9 =	smul.u32 $0xF7A, s1;
	s8 =	simm.s32 @!p0 $0x1BF5;
	p2 =	por !p2, p0  }
0x20: {  	[sflag:s8] =	ssyncset.s32 @!p0 $0xFFFFF086;
	s6 =	sadd.s32 @!p0 s3, s7;
	s7 =	simm.s32 @!p0 $0x108  }
0x21: {  	s3 =	sadd.s32 s3, s9;
	s6 =	sadd.s32 @!p0 $0x88, s6;
	s7 =	simm.s32 @p2 $0x1082  }
0x22: {  	[simem:s7], [sflag:s8] =	dma.local @!p0 [hbm:s6], $0xF7A  }
0x23: {  	s9 =	sor.u32 $0xD0000000, s2;
	s6 =	simm.s32 $0x108;
	_ =	swait.ge @!p0 [sflag:s8], $0x0  }
0x24: {  	s3 =	sadd.s32 $0x88, s3;
	s6 =	simm.s32 @!p1 $0x1082;
	[sflag:s4] =	ssyncset.s32 $0xFFFFF086  }
0x25: {  	[simem:s6], [sflag:s4] =	dma.local [hbm:s3], $0xF7A  }
0x26: {  	[smem:$0x3F93] =	sst s1;
	(tag) =	ssettag s2;
	_ =	strace s9  }
0x27: {  	s1 =	sld [smem:$0x3FA3]  }
0x28: {  	s2 =	sld [smem:$0x3FA4]  }
0x29: {  	s4 =	sld [smem:$0x3FA6]  }
0x2a: {  	p0 =	seq.s32 s5, $0x0;
	s5 =	sld [smem:$0x3FA7]  }
0x2b: {  	s6 =	sld [smem:$0x3FA8]  }
0x2c: {  	s7 =	sld [smem:$0x3FA9]  }
0x2d: {  	s3 =	simm.s32 $0x108;
	s8 =	sld [smem:$0x3FAA]  }
0x2e: {  	s3 =	simm.s32 @!p0 $0x1082;
	s9 =	sld [smem:$0x3FAB]  }
0x2f: {  	lr =	sadd.s32 s0, s3;
	s0 =	sld [smem:$0x3FA2]  }
0x30: {  	s3 =	sld [smem:$0x3FA5]  }
0x31: {  	[smem:$0x3FAE] =	sst s10  }
0x32: {  	s10 =	sld [smem:$0x3FAC];
	_ =	sdelay $0x3  }
0x33: {  	p0 =	seq.s32 s10, $0x1;
	s10 =	sld [smem:$0x3FAE];
	_ =	sdelay $0x3  }
0x34: {  	[smem:$0x3FAE] =	sst s10  }
0x35: {  	s10 =	sld [smem:$0x3FAD];
	_ =	sdelay $0x3  }
0x36: {  	p1 =	seq.s32 s10, $0x1;
	s10 =	sld [smem:$0x3FAE];
	_ =	sdelay $0x3  }
0x37: {  	[smem:$0x3FAE] =	sst s10  }
0x38: {  	s10 =	sld [smem:$0x3FAF]  }
0x39: {  	_ = 	snop;
	(pc) =	sbr.ind lr, $3  }
0x3a: {  	_ = 	snop  }
0x3b: {  	_ = 	snop  }
0x3c: {  	p2 =	seq.s32 s10, $0x1;
	s10 =	sld [smem:$0x3FAE]  }
0x3d: {  	_ =	shalt  }
0x3e: {  	_ =	shalt  }
0x3f: {  	_ =	shalt  }
0x40: {  	_ =	shalt  }
0x41: {  	_ =	shalt  }
0x42: {  	_ =	shalt  }
0x43: {  	_ =	shalt  }
0x44: {  	_ =	shalt  }
0x45: {  	_ =	shalt  }
0x46: {  	_ =	shalt  }
0x47: {  	_ =	shalt  }
0x48: {  	_ =	shalt  }
0x49: {  	_ =	shalt  }
0x4a: {  	_ =	shalt  }
0x4b: {  	_ =	shalt  }
0x4c: {  	_ =	shalt  }
0x4d: {  	_ =	shalt  }
0x4e: {  	_ =	shalt  }
0x4f: {  	_ =	shalt  }
0x50: {  	_ =	shalt  }
0x51: {  	_ =	shalt  }
0x52: {  	_ =	shalt  }
0x53: {  	_ =	shalt  }
0x54: {  	_ =	shalt  }
0x55: {  	_ =	shalt  }
0x56: {  	_ =	shalt  }
0x57: {  	_ =	shalt  }
0x58: {  	_ =	shalt  }
0x59: {  	_ =	shalt  }
0x5a: {  	_ =	shalt  }
0x5b: {  	_ =	shalt  }
0x5c: {  	_ =	shalt  }
0x5d: {  	_ =	shalt  }
0x5e: {  	_ =	shalt  }
0x5f: {  	_ =	shalt  }
0x60: {  	_ =	shalt  }
0x61: {  	_ =	shalt  }
0x62: {  	_ =	shalt  }
0x63: {  	_ =	shalt  }
0x64: {  	_ =	shalt  }
0x65: {  	_ =	shalt  }
0x66: {  	_ =	shalt  }
0x67: {  	_ =	shalt  }
0x68: {  	_ =	shalt  }
0x69: {  	_ =	shalt  }
0x6a: {  	_ =	shalt  }
0x6b: {  	_ =	shalt  }
0x6c: {  	_ =	shalt  }
0x6d: {  	_ =	shalt  }
0x6e: {  	_ =	shalt  }
0x6f: {  	_ =	shalt  }
0x70: {  	_ =	shalt  }
0x71: {  	_ =	shalt  }
0x72: {  	_ =	shalt  }
0x73: {  	_ =	shalt  }
0x74: {  	_ =	shalt  }
0x75: {  	_ =	shalt  }
0x76: {  	_ =	shalt  }
0x77: {  	_ =	shalt  }
0x78: {  	_ =	shalt  }
0x79: {  	_ =	shalt  }
0x7a: {  	_ =	shalt  }
0x7b: {  	_ =	shalt  }
0x7c: {  	_ =	shalt  }
0x7d: {  	_ =	shalt  }
0x7e: {  	_ =	shalt  }
0x7f: {  	_ =	shalt  }
0x80: {  	_ =	shalt  }
0x81: {  	_ =	shalt  }
0x82: {  	_ =	shalt  }
0x83: {  	_ =	shalt  }
0x84: {  	_ =	shalt  }
0x85: {  	_ =	shalt  }
0x86: {  	_ =	shalt  }
0x87: {  	_ =	shalt  }
.Lfunc_end0:
.L_simem_size_0:
called_computation.7_lowered:
.L_overlay_start_0:
0x88: {  	s2 =	sld [smem:$0x3FD9]  }
0x89: {  	s3 =	sld [smem:$0x3FFE];
	_ =	sdelay $0x1  }
0x8a: {  	s1 =	srdreg.scid  }
0x8b: {  	s0 =	sand.u32 $0x1, s1  }
0x8c: {  	s16 =	sshll.u32 s0, $0xA;
	s2 =	sadd.s32 s3, s2  }
0x8d: {  	s2 =	sadd.s32 s2, s16  }
0x8e: {  	[smem:$0x3FBA] =	sst s2  }
0x8f: {  	_ = 	snop  }
0x90: {  	(tm) =	ssettm $0x1  }
0x91: {  	s17 =	sld [smem:$0x3FFB];
	_ =	sdelay $0x3  }
0x92: {  	_ =	strace s17  }
0x93: {  	s2 =	sld [smem:$0x3FFC];
	_ =	sdelay $0x3  }
0x94: {  	_ =	strace s2  }
0x95: {  	s2 =	sld [smem:$0x3FFD];
	_ =	sdelay $0x3  }
0x96: {  	_ =	strace s2  }
0x97: {  	_ =	strace $0x8FFFFFFF  }
0x98: {  	s18 =	sld [smem:$0x3FDB];
	_ =	sdelay $0x1  }
0x99: {  	s19 =	simm.s32 $_scs_section_size  }
0x9a: {  	s4 =	simm.s32 $_size__tile_overlayer_lowered;
	s5 =	simm.s32 $_tile_overlayer_lowered  }
0x9b: {  	s22 =	simm.s32 $0x1BFF;
	s21 =	sshll.u32 s5, $0x1;
	s2 =	sadd.s32 s19, s18  }
0x9c: {  	s6 =	simm.s32 $0x0;
	s20 =	sshll.u32 s4, $0x1;
	s4 =	sadd.s32 s21, s2  }
0x9d: {  	[timem:s6], [sflag:s22] =	dma.local [hbm:s4], s20  }
0x9e: {  	_ =	swait.ge [sflag:s22], s20  }
0x9f: {  	s3 =	ssub.s32 $0x0, s20;
	[sflag:s22] =	ssyncset.done $0x0  }
0xa0: {  	[sflag:s22] =	ssyncadd.s32 s3;
	_ =	sdelay $0x1  }
0xa1: {  	s23 =	simm.s32 $0x1B8B  }
0xa2: {  	_ =	swait.ge [sflag:s23], $0x1  }
0xa3: {  	[sflag:s23] =	ssyncset.done $0x0  }
0xa4: {  	s25 =	simm.s32 $0x1B8E;
	s24 =	sld [smem:$0x3FFE];
	[sflag:s23] =	ssyncadd.s32 $0xFFFFFFFF  }
0xa5: {  	s26 =	simm.s32 $execute0_lowered;
	[smem:$0x3FD2] =	sst s25  }
0xa6: {  	s4 =	sshll.u32 s26, $0x1;
	_ =	strace $0x8000005B;
	[dreg:$0x1] =	wrdreg $0xFFFFFFFF  }
0xa7: {  	s28 =	simm.s32 $_size_execute0_lowered;
	s2 =	sadd.s32 s2, s4;
	[dreg:$0x0] =	wrdreg $0x0  }
0xa8: {  	s4 =	sshll.u32 s28, $0x1;
	[dreg:$0x2] =	wrdreg s2  }
0xa9: {  	[dreg:$0x3] =	wrdreg s4  }
0xaa: {  	[dreg:$0x4] =	wrdreg $0xC0  }
0xab: {  	_ =	task [dreg:s6], $0x5FFFF  }
0xac: {  	[dreg:$0x1] =	wrdreg $0xFFFFFFFF  }
0xad: {  	[dreg:$0x0] =	wrdreg $0x60  }
0xae: {  	[dreg:$0x2] =	wrdreg s24  }
0xaf: {  	[dreg:$0x3] =	wrdreg $0x0  }
0xb0: {  	[dreg:$0x4] =	wrdreg $0x9  }
0xb1: {  	_ =	task.clear_ibuf [dreg:s6], $0x5FFFF;
	_ =	strace $0x9000005B  }
0xb2: {  	s29 =	simm.s32 $0x9;
	_ =	strace $0x8000005D  }
0xb3: {  	_ =	swait.ge [sflag:s29], $0x1  }
0xb4: {  	[sflag:s29] =	ssyncadd.s32 $0xFFFFFFFF  }
0xb5: {  	_ =	strace $0x9000005D  }
0xb6: {  	_ =	sfence  }
0xb7: {  	s30 =	sld [smem:$0x0];
	_ =	sdelay $0x2  }
0xb8: {  	s31 =	sshll.u32 s1, $0xD;
	s1 =	sshrl.u32 s1, $0x2  }
0xb9: {  	s3 =	sand.u32 $0x4000, s31;
	s1 =	sadd.s32 s1, s30  }
0xba: {  	s0 =	sor.u32 s3, s0;
	s1 =	sshll.u32 s1, $0x11  }
0xbb: {  	s0 =	sor.u32 s1, s0  }
0xbc: {  	s0 =	sadd.s32 $0x8F2B, s0  }
0xbd: {  	[sflag:s0] =	ssyncadd.remote.s32 $0x1  }
0xbe: {  	_ =	sfence.sel $0xFFFF  }
0xbf: {  	[dreg:$0x0] =	wrdreg $0xFFFFFFFF;
	(pc) =	sbr.abs _section_cstart, $3  }
0xc0: {  	[dreg:$0x1] =	wrdreg $0xFFFFFFFF  }
0xc1: {  	_ =	task.clear_ibuf [dreg:s6], $0x2FFFF;
	_ =	strace $0x9FFFFFFF  }
0xc2: {  	(tm) =	ssettm $0x7FFFFFFF  }
0xc3: {  	_ =	shalt  }
tec
execute0_lowered:
.L_overlay_start_1:
0x0: {  	(tag) =	ssettag $0x1  }
0x1: {  	s1 =	srdreg.scid;
	s5 =	rddreg [dreg:$0x0]  }
0x2: {  	s0 =	stileid.u32;
	s2 =	rddreg [dreg:$0x1]  }
0x3: {  	s3 =	simm.s32 $0x0;
	s22 =	simm.s32 $0x80;
	s23 =	simm.s32 $0x0  }
0x4: {  	s7 =	sand.u32 $0x1, s1;
	s4 =	smul.u32 $0x4E, s0;
	s1 =	rddreg [dreg:$0x2]  }
0x5: {  	s8 =	smin.u32 s0, $0x2;
	[smem:$0x7FF] =	sst s3;
	s10 =	sshll.u32 s0, $0xE  }
0x6: {  	s15 =	sadd.s32 $0x18C00, s5;
	p0 =	slt.u32 s0, $0x2;
	s6 =	smul.u32 $0x4E2, s7  }
0x7: {  	_ =	strace $0x8000005C;
	s30 =	ssub.s32 $0x2, s7;
	s11 =	sor.u32 $0x40000, s10  }
0x8: {  	s13 =	sor.u32 $0x80000, s10;
	s14 =	sor.u32 $0xC0000, s10;
	s19 =	sor.u32 $0x100000, s10  }
0x9: {  	s20 =	smul.u32 $0x13C000, s7;
	s31 =	sshrl.u32 s30, $0x1;
	s7 =	sadd.s32 s13, s2  }
0xa: {  	s9 =	sadd.s32 s19, s2;
	s4 =	sadd.s32 s4, s6;
	s16 =	ssub.s32 s30, s31  }
0xb: {  	s6 =	sadd.s32 s11, s2;
	s12 =	sadd.s32 s10, s20;
	s11 =	sadd.s32 s20, s11  }
0xc: {  	s13 =	sadd.s32 s20, s13;
	s19 =	sadd.s32 s20, s19;
	s4 =	sadd.s32 s8, s4  }
0xd: {  	s8 =	sadd.s32 s14, s2;
	s12 =	sshrl.u32 s12, $0x3;
	s21 =	sshrl.u32 s11, $0x3  }
0xe: {  	s14 =	sadd.s32 s20, s14;
	s13 =	sshrl.u32 s13, $0x3;
	s19 =	sshrl.u32 s19, $0x3  }
0xf: {  	s16 =	smax.u32 s16, $0x1;
	s20 =	simm.s32 $0x1;
	s29 =	sshll.u32 s4, $0xB  }
0x10: {  	s4 =	sshll.u32 s4, $0x4;
	s11 =	sadd.s32 s15, s12;
	s12 =	sadd.s32 s15, s21  }
0x11: {  	s14 =	sshrl.u32 s14, $0x3;
	s13 =	sadd.s32 s15, s13;
	s21 =	simm.s32 $0x17C00  }
0x12: {  	s18 =	sadd.s32 s29, s5;
	s17 =	sadd.s32 s4, s5;
	s4 =	sadd.s32 $0x18400, s5  }
0x13: {  	s5 =	sadd.s32 s10, s2;
	s10 =	simm.s32 $0x4F;
	s14 =	sadd.s32 s15, s14  }
0x14: {  	s15 =	sadd.s32 s15, s19;
	s19 =	simm.s32 $0x13C00;
	s10 =	simm.s32 @!p0 $0x4E  }
0x15: {  	s17 =	sadd.s32 $0xE600, s17;
	s18 =	sadd.s32 $0xA04400, s18;
	p0 =	seq.s32 s0, $0xF  }
.LBB2_1:
0x16: {  	[tilespmem:s19], [sflag:$0x1] =	stream.linear.gather [hbm4b:s4+s3], $0x4000, $0x38;
	[tilespmem:$0x17C80] =	vst v63  }
0x17: {  	_ =	swait.ge [sflag:s20], $0x4000  }
0x18: {  	[sflag:s20] =	ssyncset.done $0x0  }
0x19: {  	[sflag:s20] =	ssyncadd.s32 $0xFFFFC000  }
0x1a: {  	[spmem:s5] =	stream.linear.scatter [tilespmem:s19], [sflag:$0x1], $0x4000, $0x38;
	[tilespmem:$0x17C80] =	vst v63  }
0x1b: {  	_ =	swait.ge [sflag:s20], $0x4000  }
0x1c: {  	[sflag:s20] =	ssyncset.done $0x0  }
0x1d: {  	[sflag:s20] =	ssyncadd.s32 $0xFFFFC000  }
0x1e: {  	[spmem:s6] =	stream.linear.scatter [tilespmem:s19], [sflag:$0x1], $0x4000, $0x38;
	[tilespmem:$0x17C80] =	vst v63  }
0x1f: {  	_ =	swait.ge [sflag:s20], $0x4000  }
0x20: {  	[sflag:s20] =	ssyncset.done $0x0  }
0x21: {  	[sflag:s20] =	ssyncadd.s32 $0xFFFFC000  }
0x22: {  	[spmem:s7] =	stream.linear.scatter [tilespmem:s19], [sflag:$0x1], $0x4000, $0x38;
	[tilespmem:$0x17C80] =	vst v63  }
0x23: {  	_ =	swait.ge [sflag:s20], $0x4000  }
0x24: {  	[sflag:s20] =	ssyncset.done $0x0  }
0x25: {  	[sflag:s20] =	ssyncadd.s32 $0xFFFFC000  }
0x26: {  	[spmem:s8] =	stream.linear.scatter [tilespmem:s19], [sflag:$0x1], $0x4000, $0x38;
	[tilespmem:$0x17C80] =	vst v63  }
0x27: {  	_ =	swait.ge [sflag:s20], $0x4000  }
0x28: {  	[sflag:s20] =	ssyncset.done $0x0  }
0x29: {  	s24 =	simm.s32 @!p0 $0x13C00;
	[sflag:s20] =	ssyncadd.s32 $0xFFFFC000  }
0x2a: {  	[spmem:s9] =	stream.linear.scatter @!p0 [tilespmem:s24], [sflag:$0x1], $0x4000, $0x38;
	[tilespmem:$0x17C80] =	vst v63  }
0x2b: {  	s24 =	simm.s32 @!p0 $0x1  }
0x2c: {  	_ =	swait.ge @!p0 [sflag:s24], $0x4000  }
0x2d: {  	[sflag:s24] =	ssyncset.done @!p0 $0x0  }
0x2e: {  	[sflag:s24] =	ssyncadd.s32 @!p0 $0xFFFFC000  }
0x2f: {  	[bflag:$0x0] =	sbarrier.arrive $0xFFFF  }
0x30: {  	[tilespmem:s21], [sflag:$0x1] =	stream.linear.gather [hbm4b:s17+s3], $0x80, $0x38;
	[tilespmem:$0x17C80] =	vst v63  }
0x31: {  	_ =	swait.ge [sflag:s20], $0x80  }
0x32: {  	[sflag:s20] =	ssyncset.done $0x0  }
0x33: {  	[sflag:s20] =	ssyncadd.s32 $0xFFFFFF80  }
0x34: {  	[tilespmem:s19], [sflag:$0x1] =	stream.linear.gather [hbm4b:s18+s3], $0x4000, $0x38;
	[tilespmem:$0x17C80] =	vst v63  }
0x35: {  	p1 =	sne.s32 s10, $0x1;
	_ =	swait.ge [sflag:s20], $0x4000  }
.Ltmp0:
0x36: {  	[sflag:s20] =	ssyncset.done $0x0;
	(pc) =	sbr.rel @!p1 .LBB2_3-.Ltmp0, $4  }
0x37: {  	[sflag:s20] =	ssyncadd.s32 $0xFFFFC000  }
0x38: {  	[spmem:s2] =	stream.indirect.scatter.add.f32 [tilespmem:s19], [sflag:$0x1], $0x80, s21, s22, $0xb8;
	[tilespmem:$0x17C80] =	vst v63  }
0x39: {  	s25 =	sadd.s32 $0xFFFFFFFF, s10;
	_ =	swait.ge [sflag:s20], $0x4000  }
0x3a: {  	s26 =	smov.u32 s17;
	s28 =	smov.u32 s18;
	[sflag:s20] =	ssyncset.done $0x0  }
.LBB2_2:
0x3b: {  	[sflag:s20] =	ssyncadd.s32 $0xFFFFC000;
	s26 =	sadd.s32 $0x10, s26;
	s28 =	sadd.s32 $0x800, s28  }
0x3c: {  	[tilespmem:s21], [sflag:$0x1] =	stream.linear.gather [hbm4b:s26+s3], $0x80, $0x38;
	[tilespmem:$0x17C80] =	vst v63  }
0x3d: {  	p1 =	sne.s32 s25, $0x1;
	s25 =	sadd.s32 $0xFFFFFFFF, s25;
	_ =	swait.ge [sflag:s20], $0x80  }
0x3e: {  	[sflag:s20] =	ssyncset.done $0x0  }
0x3f: {  	[sflag:s20] =	ssyncadd.s32 $0xFFFFFF80  }
0x40: {  	[tilespmem:s19], [sflag:$0x1] =	stream.linear.gather [hbm4b:s28+s3], $0x4000, $0x38;
	[tilespmem:$0x17C80] =	vst v63  }
0x41: {  	_ =	swait.ge [sflag:s20], $0x4000  }
.Ltmp1:
0x42: {  	[sflag:s20] =	ssyncset.done $0x0;
	(pc) =	sbr.rel @p1 .LBB2_2-.Ltmp1, $4  }
0x43: {  	[sflag:s20] =	ssyncadd.s32 $0xFFFFC000  }
0x44: {  	[spmem:s2] =	stream.indirect.scatter.add.f32 [tilespmem:s19], [sflag:$0x1], $0x80, s21, s22, $0xb8;
	[tilespmem:$0x17C80] =	vst v63  }
0x45: {  	_ =	swait.ge [sflag:s20], $0x4000  }
0x46: {  	[sflag:s20] =	ssyncset.done $0x0  }
.LBB2_3:
0x47: {  	[sflag:s20] =	ssyncadd.s32 $0xFFFFC000;
	s25 =	sshll.u32 s0, $0x6  }
0x48: {  	s26 =	sshrl.u32 s5, $0x3;
	[bflag:$0x0] =	sbarrier.arrive $0xFFFF;
	s25 =	sor.u32 $0x1C01, s25  }
0x49: {  	[hbm:s11], [sflag:s25] =	dma.local [spmem:s26], $0x800  }
0x4a: {  	_ =	swait.ge [sflag:s20], $0x800  }
0x4b: {  	[sflag:s20] =	ssyncset.done $0x0  }
0x4c: {  	s29 =	sshrl.u32 s6, $0x3;
	[sflag:s20] =	ssyncadd.s32 $0xFFFFF800  }
0x4d: {  	[hbm:s12], [sflag:s25] =	dma.local [spmem:s29], $0x800  }
0x4e: {  	_ =	swait.ge [sflag:s20], $0x800  }
0x4f: {  	[sflag:s20] =	ssyncset.done $0x0  }
0x50: {  	s30 =	sshrl.u32 s7, $0x3;
	[sflag:s20] =	ssyncadd.s32 $0xFFFFF800  }
0x51: {  	[hbm:s13], [sflag:s25] =	dma.local [spmem:s30], $0x800  }
0x52: {  	_ =	swait.ge [sflag:s20], $0x800  }
0x53: {  	[sflag:s20] =	ssyncset.done $0x0  }
0x54: {  	s31 =	sshrl.u32 s8, $0x3;
	[sflag:s20] =	ssyncadd.s32 $0xFFFFF800  }
0x55: {  	[hbm:s14], [sflag:s25] =	dma.local [spmem:s31], $0x800  }
0x56: {  	s23 =	sadd.s32 $0x1, s23;
	_ =	swait.ge [sflag:s20], $0x800  }
0x57: {  	p1 =	sne.s32 s23, s16;
	[sflag:s20] =	ssyncset.done $0x0  }
.Ltmp2:
0x58: {  	s26 =	sshrl.u32 @!p0 s9, $0x3;
	[sflag:s20] =	ssyncadd.s32 $0xFFFFF800;
	(pc) =	sbr.rel @p1 .LBB2_1-.Ltmp2, $4  }
0x59: {  	[hbm:s15], [sflag:s25] =	dma.local @!p0 [spmem:s26], $0x800  }
0x5a: {  	_ =	swait.ge @!p0 [sflag:s24], $0x800  }
0x5b: {  	[sflag:s24] =	ssyncset.done @!p0 $0x0  }
0x5c: {  	[sflag:s24] =	ssyncadd.s32 @!p0 $0xFFFFF800  }
0x5d: {  	_ =	sfence.sel $0x180000  }
0x5e: {  	[bflag:$0x0] =	sbarrier.arrive $0xFFFF  }
0x5f: {  	p0 =	sne.s32 s0, $0x0;
	_ =	strace $0x9000005C  }
0x60: {  	s0 =	sadd.s32 @!p0 $0x100000, s1;
	[bflag:$0x2] =	sbarrier.arrive $0xFFFF  }
0x61: {  	[sflag:s0] =	ssyncadd.tile.s32 @!p0 $0x1;
	_ =	shalt  }
.Lfunc_end2:
_tile_overlayer_lowered:
.L_overlay_start_2:
0x62: {  	(tag) =	ssettag $0x2  }
0x63: {  	s0 =	rddreg [dreg:$0x0];
	s2 =	stileid.u32  }
0x64: {  	s1 =	rddreg [dreg:$0x1];
	p0 =	sne.s32 s2, $0x0  }
0x65: {  	s3 =	rddreg [dreg:$0x2];
	[bflag:$0x3] =	sbarrier.arrive $0xFFFF;
	s2 =	simm.s32 @!p0 $0x1C01  }
0x66: {  	[timem:s3], [sflag:s2] =	dma.local @!p0 [hbm:s0], s1  }
0x67: {  	s0 =	simm.s32 @!p0 $0x1  }
0x68: {  	_ =	swait.ge @!p0 [sflag:s0], s1  }
0x69: {  	s1 =	ssub.s32 @!p0 $0x0, s1;
	[sflag:s0] =	ssyncset.done @!p0 $0x0  }
0x6a: {  	[sflag:s0] =	ssyncadd.s32 @!p0 s1  }
0x6b: {  	[bflag:$0x3] =	sbarrier.arrive $0xFFFF  }
0x6c: {  	_ =	shalt  }

</sc_bundles>
